<compile_context>
chip_gen: v7x
topology: tpu7x:2x2x1
jax: 0.10.2.dev20260603
libtpu: 0.0.44.dev20260713+nightly
codegen_flags: <defaults>
</compile_context>

<pallas_src>
import jax
import jax.numpy as jnp
from jax import lax
from jax.experimental import pallas as pl
from jax.experimental.pallas import tpu as pltpu
from jax.experimental.pallas import tpu_sc as plsc

B = 4096
L = 50
PQ_M = 8
VALS_PER_DIM = 256
SUB_DIM = 16

N_TOKENS = B * L
NC = 2
NS = 16
NW = NC * NS
TOK_PER_W = N_TOKENS // NW
CHUNK = 128
ITERS = TOK_PER_W // CHUNK
PAIRS = ITERS // 2
ROWS = CHUNK * PQ_M


def _body(ids_hbm, codes_hbm, ctable_hbm, out_hbm,
          ids_v, codes_v, fidx0, fidx1, out0, out1,
          sc0, sg0, sg1, ss0, ss1):
    wid = lax.axis_index("s") * NC + lax.axis_index("c")
    tok0 = wid * TOK_PER_W
    pltpu.sync_copy(ids_hbm.at[wid], ids_v)

    fidx = (fidx0, fidx1)
    out = (out0, out1)
    sg = (sg0, sg1)
    ss = (ss0, ss1)

    lanes = lax.iota(jnp.int32, 16)
    row_half = lanes // 8
    col = lanes - row_half * 8
    col_off = col * VALS_PER_DIM

    copies = [
        pltpu.make_async_copy(
            codes_hbm.at[ids_v.at[g]],
            codes_v.at[pl.ds(g * CHUNK, CHUNK)], sc0)
        for g in range(ITERS)
    ]
    for cp in copies:
        cp.start()
    for cp in copies:
        cp.wait()

    def pair_body(p, carry):
        for b in range(2):
            g = 2 * p + b
            for i in range(ROWS // 16):
                v = plsc.load_gather(
                    codes_v, [g * CHUNK + row_half + 2 * i, col])
                fidx[b][pl.ds(i * 16, 16)] = v + col_off
            @pl.when(p >= 1)
            def _():
                pltpu.make_async_copy(
                    out[b],
                    out_hbm.at[pl.ds((tok0 + (g - 2) * CHUNK) * PQ_M, ROWS)],
                    ss[b]).wait()
            pltpu.async_copy(ctable_hbm.at[fidx[b]], out[b], sg[b]).wait()
            pltpu.async_copy(
                out[b],
                out_hbm.at[pl.ds((tok0 + g * CHUNK) * PQ_M, ROWS)],
                ss[b])
        return carry

    lax.fori_loop(0, PAIRS, pair_body, 0)

    for b in range(2):
        g = ITERS - 2 + b
        pltpu.make_async_copy(
            out[b],
            out_hbm.at[pl.ds((tok0 + g * CHUNK) * PQ_M, ROWS)],
            ss[b]).wait()


@jax.jit
def kernel(input_ids, item_codes, centroids):
    ids_blocked = input_ids.reshape(NW, ITERS, CHUNK)
    ctable = centroids.reshape(PQ_M * VALS_PER_DIM, SUB_DIM)
    mesh = plsc.VectorSubcoreMesh(core_axis_name="c", subcore_axis_name="s")
    out = pl.kernel(
        _body,
        out_type=jax.ShapeDtypeStruct((N_TOKENS * PQ_M, SUB_DIM), jnp.float32),
        mesh=mesh,
        compiler_params=pltpu.CompilerParams(
            use_tc_tiling_on_sc=False, needs_layout_passes=False),
        scratch_types=[
            pltpu.VMEM((ITERS, CHUNK), jnp.int32),
            pltpu.VMEM((TOK_PER_W, PQ_M), jnp.int32),
            pltpu.VMEM((ROWS,), jnp.int32),
            pltpu.VMEM((ROWS,), jnp.int32),
            pltpu.VMEM((ROWS, SUB_DIM), jnp.float32),
            pltpu.VMEM((ROWS, SUB_DIM), jnp.float32),
            pltpu.SemaphoreType.DMA,
            pltpu.SemaphoreType.DMA,
            pltpu.SemaphoreType.DMA,
            pltpu.SemaphoreType.DMA,
            pltpu.SemaphoreType.DMA,
        ],
    )(ids_blocked, item_codes, ctable)
    return out.reshape(B, L, PQ_M * SUB_DIM)

# --- scband reference (transcript-rebuilt; emitter-appended) ---
"""Pipeline reference for scband-item-code-layer-3221225472119 (READ-ONLY COPY).

The authoritative reference and input builder live on the scoring server;
editing this copy changes nothing except your own understanding.
"""

import jax, jax.numpy as jnp
import numpy as np

B = 4096
L = 50
PQ_M = 8
VALS_PER_DIM = 256
SUB_DIM = 16
NUM_ITEMS = 1000000


def setup_inputs(seed: int = 0) -> dict:
    key = jax.random.key(seed)
    k1, k2, k3 = jax.random.split(key, 3)
    input_ids = jax.random.randint(k1, (B, L), 0, NUM_ITEMS, dtype=jnp.int32)
    # item_codes buffer: uint8 codes per item (num_items + 2 rows, like torch module)
    item_codes = jax.random.randint(k2, (NUM_ITEMS + 2, PQ_M), 0, VALS_PER_DIM, dtype=jnp.int32)
    # centroids parameter: uniform(-0.05, 0.05), shape (pq_m, vals_per_dim, sub_dim)
    centroids = jax.random.uniform(k3, (PQ_M, VALS_PER_DIM, SUB_DIM), minval=-0.05, maxval=0.05, dtype=jnp.float32)
    return {"input_ids": input_ids, "item_codes": item_codes, "centroids": centroids}


def reference(input_ids, item_codes, centroids):
    # input_codes = self.item_codes[input_ids.long()].long().detach()
    input_codes = jnp.take(item_codes, input_ids, axis=0)  # [B, L, PQ_M]
    # per-byte embedding lookup into centroids[i], then concat on last dim
    sub_embeddings = []
    for i in range(PQ_M):
        sub_emb = jnp.take(centroids[i], input_codes[..., i], axis=0)  # [B, L, SUB_DIM]
        sub_embeddings.append(sub_emb)
    seq_emb = jnp.concatenate(sub_embeddings, axis=-1)  # [B, L, PQ_M*SUB_DIM]
    return seq_emb

if __name__ == "__main__":
    import jax
    _d = setup_inputs()
    print(jax.jit(kernel)(*tuple(_d.values())))

</pallas_src>

<mosaic_0001>
#map = affine_map<(d0, d1) -> (0, 0, 0)>
#map1 = affine_map<(d0, d1) -> (0, 0)>
module attributes {stable_mosaic.version = 14 : i64} {
  func.func @_body(%arg0: i32, %arg1: i32, %arg2: memref<32x50x128xi32, #tpu.memory_space<hbm>>, %arg3: memref<1000002x8xi32, #tpu.memory_space<hbm>>, %arg4: memref<2048x16xf32, #tpu.memory_space<hbm>>, %arg5: memref<1638400x16xf32, #tpu.memory_space<hbm>>, %arg6: memref<50x128xi32, #tpu.memory_space<vmem>>, %arg7: memref<6400x8xi32, #tpu.memory_space<vmem>>, %arg8: memref<1024xi32, #tpu.memory_space<vmem>>, %arg9: memref<1024xi32, #tpu.memory_space<vmem>>, %arg10: memref<1024x16xf32, #tpu.memory_space<vmem>>, %arg11: memref<1024x16xf32, #tpu.memory_space<vmem>>, %arg12: memref<!tpu.dma_semaphore, #tpu.memory_space<semaphore_mem>>, %arg13: memref<!tpu.dma_semaphore, #tpu.memory_space<semaphore_mem>>, %arg14: memref<!tpu.dma_semaphore, #tpu.memory_space<semaphore_mem>>, %arg15: memref<!tpu.dma_semaphore, #tpu.memory_space<semaphore_mem>>, %arg16: memref<!tpu.dma_semaphore, #tpu.memory_space<semaphore_mem>>) attributes {dimension_semantics = [#tpu.dimension_semantics<core_parallel>, #tpu.dimension_semantics<subcore_parallel>], iteration_bounds = array<i64: 2, 16>, scalar_prefetch = 0 : i64, scratch_operands = 11 : i64, tpu.core_type = #tpu.core_type<sc_vector_subcore>, window_params = [{transform_indices = #map}, {transform_indices = #map1}, {transform_indices = #map1}, {transform_indices = #map1}]} {
    %mul3A = arith.constant 2 : i32
    %mul3A_0 = arith.muli %arg1, %mul3A : i32
    %add3A = arith.addi %mul3A_0, %arg0 : i32
    %mul3A_1 = arith.constant 6400 : i32
    %mul3A_2 = arith.muli %add3A, %mul3A_1 : i32
    "tpu.region"() ({
      %run_scoped3A = tpu.sem_alloc : memref<!tpu.dma_semaphore, #tpu.memory_space<semaphore_mem>>
      %dma_start3A_1052 = arith.constant 0 : i32
      %dma_start3A_1053 = arith.constant 0 : i32
      %dma_start3A_1054 = tpu.memref_slice %arg2[%add3A, %dma_start3A_1052, %dma_start3A_1053] : memref<32x50x128xi32, #tpu.memory_space<hbm>> -> memref<1x50x128xi32, #tpu.memory_space<hbm>>
      %dma_start3A_1055 = tpu.memref_squeeze %dma_start3A_1054 : memref<1x50x128xi32, #tpu.memory_space<hbm>> -> memref<50x128xi32, #tpu.memory_space<hbm>>
      %dma_start3A_1056 = arith.constant 0 : i32
      %dma_start3A_1057 = arith.constant 0 : i32
      %dma_start3A_1058 = tpu.memref_slice %arg2[%add3A, %dma_start3A_1056, %dma_start3A_1057] : memref<32x50x128xi32, #tpu.memory_space<hbm>> -> memref<1x50x128xi32, #tpu.memory_space<hbm>>
      %dma_start3A_1059 = tpu.memref_squeeze %dma_start3A_1058 : memref<1x50x128xi32, #tpu.memory_space<hbm>> -> memref<50x128xi32, #tpu.memory_space<hbm>>
      tpu.enqueue_dma source(%dma_start3A_1059 : memref<50x128xi32, #tpu.memory_space<hbm>>) target(%arg6 : memref<50x128xi32, #tpu.memory_space<vmem>>) target_semaphore(%run_scoped3A : memref<!tpu.dma_semaphore, #tpu.memory_space<semaphore_mem>>)
      %dma_wait3A_1060 = arith.constant 0 : i32
      %dma_wait3A_1061 = arith.constant 0 : i32
      %dma_wait3A_1062 = tpu.memref_slice %arg2[%add3A, %dma_wait3A_1060, %dma_wait3A_1061] : memref<32x50x128xi32, #tpu.memory_space<hbm>> -> memref<1x50x128xi32, #tpu.memory_space<hbm>>
      %dma_wait3A_1063 = tpu.memref_squeeze %dma_wait3A_1062 : memref<1x50x128xi32, #tpu.memory_space<hbm>> -> memref<50x128xi32, #tpu.memory_space<hbm>>
      %dma_wait3A_1064 = arith.constant 0 : i32
      %dma_wait3A_1065 = arith.constant 0 : i32
      %dma_wait3A_1066 = tpu.memref_slice %arg2[%add3A, %dma_wait3A_1064, %dma_wait3A_1065] : memref<32x50x128xi32, #tpu.memory_space<hbm>> -> memref<1x50x128xi32, #tpu.memory_space<hbm>>
      %dma_wait3A_1067 = tpu.memref_squeeze %dma_wait3A_1066 : memref<1x50x128xi32, #tpu.memory_space<hbm>> -> memref<50x128xi32, #tpu.memory_space<hbm>>
      tpu.wait_dma2 semaphore(%run_scoped3A : memref<!tpu.dma_semaphore, #tpu.memory_space<semaphore_mem>>) src(%dma_wait3A_1067 : memref<50x128xi32, #tpu.memory_space<hbm>>) dst(%arg6 : memref<50x128xi32, #tpu.memory_space<vmem>>)
      tpu.yield
    }) : () -> ()
    %iota3A = tpu.iota {dimensions = array<i32: 0>} : vector<16xi32>
    %jit3A = arith.constant 8 : i32
    %div3A = vector.broadcast %jit3A : i32 to vector<16xi32>
    %div3A_3 = arith.divsi %iota3A, %div3A : vector<16xi32>
    %sign3A = arith.constant 0 : i32
    %sign3A_4 = vector.broadcast %sign3A : i32 to vector<16xi32>
    %sign3A_5 = arith.cmpi sgt, %iota3A, %sign3A_4 : vector<16xi32>
    %sign3A_6 = arith.extui %sign3A_5 : vector<16xi1> to vector<16xi32>
    %sign3A_7 = arith.constant 0 : i32
    %sign3A_8 = vector.broadcast %sign3A_7 : i32 to vector<16xi32>
    %sign3A_9 = arith.cmpi slt, %iota3A, %sign3A_8 : vector<16xi32>
    %sign3A_10 = arith.extui %sign3A_9 : vector<16xi1> to vector<16xi32>
    %sign3A_11 = arith.subi %sign3A_6, %sign3A_10 : vector<16xi32>
    %sign3A_12 = arith.constant 0 : i32
    %sign3A_13 = arith.cmpi sgt, %jit3A, %sign3A_12 : i32
    %sign3A_14 = arith.extui %sign3A_13 : i1 to i32
    %sign3A_15 = arith.constant 0 : i32
    %sign3A_16 = arith.cmpi slt, %jit3A, %sign3A_15 : i32
    %sign3A_17 = arith.extui %sign3A_16 : i1 to i32
    %sign3A_18 = arith.subi %sign3A_14, %sign3A_17 : i32
    %ne3A = vector.broadcast %sign3A_18 : i32 to vector<16xi32>
    %ne3A_19 = arith.cmpi ne, %sign3A_11, %ne3A : vector<16xi32>
    %rem3A = vector.broadcast %jit3A : i32 to vector<16xi32>
    %rem3A_20 = arith.remsi %iota3A, %rem3A : vector<16xi32>
    %ne3A_21 = arith.constant 0 : i32
    %ne3A_22 = vector.broadcast %ne3A_21 : i32 to vector<16xi32>
    %ne3A_23 = arith.cmpi ne, %rem3A_20, %ne3A_22 : vector<16xi32>
    %and3A = arith.andi %ne3A_19, %ne3A_23 : vector<16xi1>
    %sub3A = arith.constant 1 : i32
    %sub3A_24 = vector.broadcast %sub3A : i32 to vector<16xi32>
    %sub3A_25 = arith.subi %div3A_3, %sub3A_24 : vector<16xi32>
    %select_n3A = arith.select %and3A, %sub3A_25, %div3A_3 : vector<16xi1>, vector<16xi32>
    %mul3A_26 = arith.constant 8 : i32
    %mul3A_27 = vector.broadcast %mul3A_26 : i32 to vector<16xi32>
    %mul3A_28 = arith.muli %select_n3A, %mul3A_27 : vector<16xi32>
    %sub3A_29 = arith.subi %iota3A, %mul3A_28 : vector<16xi32>
    %mul3A_30 = arith.constant 256 : i32
    %mul3A_31 = vector.broadcast %mul3A_30 : i32 to vector<16xi32>
    %mul3A_32 = arith.muli %sub3A_29, %mul3A_31 : vector<16xi32>
    %dma_start3A = arith.constant 0 : i32
    %dma_start3A_33 = arith.constant 0 : i32
    %dma_start3A_34 = arith.constant 0 : i32
    %dma_start3A_35 = tpu.memref_slice %arg7[%dma_start3A_33, %dma_start3A_34] : memref<6400x8xi32, #tpu.memory_space<vmem>> -> memref<128x8xi32, #tpu.memory_space<vmem>>
    %dma_start3A_36 = arith.constant 0 : i32
    %dma_start3A_37 = tpu.memref_slice %arg6[%dma_start3A, %dma_start3A_36] : memref<50x128xi32, #tpu.memory_space<vmem>> -> memref<1x128xi32, #tpu.memory_space<vmem>>
    %dma_start3A_38 = tpu.memref_squeeze %dma_start3A_37 : memref<1x128xi32, #tpu.memory_space<vmem>> -> memref<128xi32, #tpu.memory_space<vmem>>
    %dma_start3A_39 = arith.constant 0 : i32
    %dma_start3A_40 = arith.constant 0 : i32
    %dma_start3A_41 = tpu.memref_slice %arg3[%dma_start3A_39, %dma_start3A_40] : memref<1000002x8xi32, #tpu.memory_space<hbm>> -> memref<1000002x8xi32, #tpu.memory_space<hbm>>
    tpu.enqueue_indirect_dma source(%dma_start3A_41 : memref<1000002x8xi32, #tpu.memory_space<hbm>>) target(%dma_start3A_35 : memref<128x8xi32, #tpu.memory_space<vmem>>) offsets(%dma_start3A_38 : memref<128xi32, #tpu.memory_space<vmem>>) semaphore(%arg12 : memref<!tpu.dma_semaphore, #tpu.memory_space<semaphore_mem>>)
    %dma_start3A_42 = arith.constant 1 : i32
    %dma_start3A_43 = arith.constant 128 : i32
    %dma_start3A_44 = arith.constant 0 : i32
    %dma_start3A_45 = tpu.memref_slice %arg7[%dma_start3A_43, %dma_start3A_44] : memref<6400x8xi32, #tpu.memory_space<vmem>> -> memref<128x8xi32, #tpu.memory_space<vmem>>
    %dma_start3A_46 = arith.constant 0 : i32
    %dma_start3A_47 = tpu.memref_slice %arg6[%dma_start3A_42, %dma_start3A_46] : memref<50x128xi32, #tpu.memory_space<vmem>> -> memref<1x128xi32, #tpu.memory_space<vmem>>
    %dma_start3A_48 = tpu.memref_squeeze %dma_start3A_47 : memref<1x128xi32, #tpu.memory_space<vmem>> -> memref<128xi32, #tpu.memory_space<vmem>>
    %dma_start3A_49 = arith.constant 0 : i32
    %dma_start3A_50 = arith.constant 0 : i32
    %dma_start3A_51 = tpu.memref_slice %arg3[%dma_start3A_49, %dma_start3A_50] : memref<1000002x8xi32, #tpu.memory_space<hbm>> -> memref<1000002x8xi32, #tpu.memory_space<hbm>>
    tpu.enqueue_indirect_dma source(%dma_start3A_51 : memref<1000002x8xi32, #tpu.memory_space<hbm>>) target(%dma_start3A_45 : memref<128x8xi32, #tpu.memory_space<vmem>>) offsets(%dma_start3A_48 : memref<128xi32, #tpu.memory_space<vmem>>) semaphore(%arg12 : memref<!tpu.dma_semaphore, #tpu.memory_space<semaphore_mem>>)
    %dma_start3A_52 = arith.constant 2 : i32
    %dma_start3A_53 = arith.constant 256 : i32
    %dma_start3A_54 = arith.constant 0 : i32
    %dma_start3A_55 = tpu.memref_slice %arg7[%dma_start3A_53, %dma_start3A_54] : memref<6400x8xi32, #tpu.memory_space<vmem>> -> memref<128x8xi32, #tpu.memory_space<vmem>>
    %dma_start3A_56 = arith.constant 0 : i32
    %dma_start3A_57 = tpu.memref_slice %arg6[%dma_start3A_52, %dma_start3A_56] : memref<50x128xi32, #tpu.memory_space<vmem>> -> memref<1x128xi32, #tpu.memory_space<vmem>>
    %dma_start3A_58 = tpu.memref_squeeze %dma_start3A_57 : memref<1x128xi32, #tpu.memory_space<vmem>> -> memref<128xi32, #tpu.memory_space<vmem>>
    %dma_start3A_59 = arith.constant 0 : i32
    %dma_start3A_60 = arith.constant 0 : i32
    %dma_start3A_61 = tpu.memref_slice %arg3[%dma_start3A_59, %dma_start3A_60] : memref<1000002x8xi32, #tpu.memory_space<hbm>> -> memref<1000002x8xi32, #tpu.memory_space<hbm>>
    tpu.enqueue_indirect_dma source(%dma_start3A_61 : memref<1000002x8xi32, #tpu.memory_space<hbm>>) target(%dma_start3A_55 : memref<128x8xi32, #tpu.memory_space<vmem>>) offsets(%dma_start3A_58 : memref<128xi32, #tpu.memory_space<vmem>>) semaphore(%arg12 : memref<!tpu.dma_semaphore, #tpu.memory_space<semaphore_mem>>)
    %dma_start3A_62 = arith.constant 3 : i32
    %dma_start3A_63 = arith.constant 384 : i32
    %dma_start3A_64 = arith.constant 0 : i32
    %dma_start3A_65 = tpu.memref_slice %arg7[%dma_start3A_63, %dma_start3A_64] : memref<6400x8xi32, #tpu.memory_space<vmem>> -> memref<128x8xi32, #tpu.memory_space<vmem>>
    %dma_start3A_66 = arith.constant 0 : i32
    %dma_start3A_67 = tpu.memref_slice %arg6[%dma_start3A_62, %dma_start3A_66] : memref<50x128xi32, #tpu.memory_space<vmem>> -> memref<1x128xi32, #tpu.memory_space<vmem>>
    %dma_start3A_68 = tpu.memref_squeeze %dma_start3A_67 : memref<1x128xi32, #tpu.memory_space<vmem>> -> memref<128xi32, #tpu.memory_space<vmem>>
    %dma_start3A_69 = arith.constant 0 : i32
    %dma_start3A_70 = arith.constant 0 : i32
    %dma_start3A_71 = tpu.memref_slice %arg3[%dma_start3A_69, %dma_start3A_70] : memref<1000002x8xi32, #tpu.memory_space<hbm>> -> memref<1000002x8xi32, #tpu.memory_space<hbm>>
    tpu.enqueue_indirect_dma source(%dma_start3A_71 : memref<1000002x8xi32, #tpu.memory_space<hbm>>) target(%dma_start3A_65 : memref<128x8xi32, #tpu.memory_space<vmem>>) offsets(%dma_start3A_68 : memref<128xi32, #tpu.memory_space<vmem>>) semaphore(%arg12 : memref<!tpu.dma_semaphore, #tpu.memory_space<semaphore_mem>>)
    %dma_start3A_72 = arith.constant 4 : i32
    %dma_start3A_73 = arith.constant 512 : i32
    %dma_start3A_74 = arith.constant 0 : i32
    %dma_start3A_75 = tpu.memref_slice %arg7[%dma_start3A_73, %dma_start3A_74] : memref<6400x8xi32, #tpu.memory_space<vmem>> -> memref<128x8xi32, #tpu.memory_space<vmem>>
    %dma_start3A_76 = arith.constant 0 : i32
    %dma_start3A_77 = tpu.memref_slice %arg6[%dma_start3A_72, %dma_start3A_76] : memref<50x128xi32, #tpu.memory_space<vmem>> -> memref<1x128xi32, #tpu.memory_space<vmem>>
    %dma_start3A_78 = tpu.memref_squeeze %dma_start3A_77 : memref<1x128xi32, #tpu.memory_space<vmem>> -> memref<128xi32, #tpu.memory_space<vmem>>
    %dma_start3A_79 = arith.constant 0 : i32
    %dma_start3A_80 = arith.constant 0 : i32
    %dma_start3A_81 = tpu.memref_slice %arg3[%dma_start3A_79, %dma_start3A_80] : memref<1000002x8xi32, #tpu.memory_space<hbm>> -> memref<1000002x8xi32, #tpu.memory_space<hbm>>
    tpu.enqueue_indirect_dma source(%dma_start3A_81 : memref<1000002x8xi32, #tpu.memory_space<hbm>>) target(%dma_start3A_75 : memref<128x8xi32, #tpu.memory_space<vmem>>) offsets(%dma_start3A_78 : memref<128xi32, #tpu.memory_space<vmem>>) semaphore(%arg12 : memref<!tpu.dma_semaphore, #tpu.memory_space<semaphore_mem>>)
    %dma_start3A_82 = arith.constant 5 : i32
    %dma_start3A_83 = arith.constant 640 : i32
    %dma_start3A_84 = arith.constant 0 : i32
    %dma_start3A_85 = tpu.memref_slice %arg7[%dma_start3A_83, %dma_start3A_84] : memref<6400x8xi32, #tpu.memory_space<vmem>> -> memref<128x8xi32, #tpu.memory_space<vmem>>
    %dma_start3A_86 = arith.constant 0 : i32
    %dma_start3A_87 = tpu.memref_slice %arg6[%dma_start3A_82, %dma_start3A_86] : memref<50x128xi32, #tpu.memory_space<vmem>> -> memref<1x128xi32, #tpu.memory_space<vmem>>
    %dma_start3A_88 = tpu.memref_squeeze %dma_start3A_87 : memref<1x128xi32, #tpu.memory_space<vmem>> -> memref<128xi32, #tpu.memory_space<vmem>>
    %dma_start3A_89 = arith.constant 0 : i32
    %dma_start3A_90 = arith.constant 0 : i32
    %dma_start3A_91 = tpu.memref_slice %arg3[%dma_start3A_89, %dma_start3A_90] : memref<1000002x8xi32, #tpu.memory_space<hbm>> -> memref<1000002x8xi32, #tpu.memory_space<hbm>>
    tpu.enqueue_indirect_dma source(%dma_start3A_91 : memref<1000002x8xi32, #tpu.memory_space<hbm>>) target(%dma_start3A_85 : memref<128x8xi32, #tpu.memory_space<vmem>>) offsets(%dma_start3A_88 : memref<128xi32, #tpu.memory_space<vmem>>) semaphore(%arg12 : memref<!tpu.dma_semaphore, #tpu.memory_space<semaphore_mem>>)
    %dma_start3A_92 = arith.constant 6 : i32
    %dma_start3A_93 = arith.constant 768 : i32
    %dma_start3A_94 = arith.constant 0 : i32
    %dma_start3A_95 = tpu.memref_slice %arg7[%dma_start3A_93, %dma_start3A_94] : memref<6400x8xi32, #tpu.memory_space<vmem>> -> memref<128x8xi32, #tpu.memory_space<vmem>>
    %dma_start3A_96 = arith.constant 0 : i32
    %dma_start3A_97 = tpu.memref_slice %arg6[%dma_start3A_92, %dma_start3A_96] : memref<50x128xi32, #tpu.memory_space<vmem>> -> memref<1x128xi32, #tpu.memory_space<vmem>>
    %dma_start3A_98 = tpu.memref_squeeze %dma_start3A_97 : memref<1x128xi32, #tpu.memory_space<vmem>> -> memref<128xi32, #tpu.memory_space<vmem>>
    %dma_start3A_99 = arith.constant 0 : i32
    %dma_start3A_100 = arith.constant 0 : i32
    %dma_start3A_101 = tpu.memref_slice %arg3[%dma_start3A_99, %dma_start3A_100] : memref<1000002x8xi32, #tpu.memory_space<hbm>> -> memref<1000002x8xi32, #tpu.memory_space<hbm>>
    tpu.enqueue_indirect_dma source(%dma_start3A_101 : memref<1000002x8xi32, #tpu.memory_space<hbm>>) target(%dma_start3A_95 : memref<128x8xi32, #tpu.memory_space<vmem>>) offsets(%dma_start3A_98 : memref<128xi32, #tpu.memory_space<vmem>>) semaphore(%arg12 : memref<!tpu.dma_semaphore, #tpu.memory_space<semaphore_mem>>)
    %dma_start3A_102 = arith.constant 7 : i32
    %dma_start3A_103 = arith.constant 896 : i32
    %dma_start3A_104 = arith.constant 0 : i32
    %dma_start3A_105 = tpu.memref_slice %arg7[%dma_start3A_103, %dma_start3A_104] : memref<6400x8xi32, #tpu.memory_space<vmem>> -> memref<128x8xi32, #tpu.memory_space<vmem>>
    %dma_start3A_106 = arith.constant 0 : i32
    %dma_start3A_107 = tpu.memref_slice %arg6[%dma_start3A_102, %dma_start3A_106] : memref<50x128xi32, #tpu.memory_space<vmem>> -> memref<1x128xi32, #tpu.memory_space<vmem>>
    %dma_start3A_108 = tpu.memref_squeeze %dma_start3A_107 : memref<1x128xi32, #tpu.memory_space<vmem>> -> memref<128xi32, #tpu.memory_space<vmem>>
    %dma_start3A_109 = arith.constant 0 : i32
    %dma_start3A_110 = arith.constant 0 : i32
    %dma_start3A_111 = tpu.memref_slice %arg3[%dma_start3A_109, %dma_start3A_110] : memref<1000002x8xi32, #tpu.memory_space<hbm>> -> memref<1000002x8xi32, #tpu.memory_space<hbm>>
    tpu.enqueue_indirect_dma source(%dma_start3A_111 : memref<1000002x8xi32, #tpu.memory_space<hbm>>) target(%dma_start3A_105 : memref<128x8xi32, #tpu.memory_space<vmem>>) offsets(%dma_start3A_108 : memref<128xi32, #tpu.memory_space<vmem>>) semaphore(%arg12 : memref<!tpu.dma_semaphore, #tpu.memory_space<semaphore_mem>>)
    %dma_start3A_112 = arith.constant 8 : i32
    %dma_start3A_113 = arith.constant 1024 : i32
    %dma_start3A_114 = arith.constant 0 : i32
    %dma_start3A_115 = tpu.memref_slice %arg7[%dma_start3A_113, %dma_start3A_114] : memref<6400x8xi32, #tpu.memory_space<vmem>> -> memref<128x8xi32, #tpu.memory_space<vmem>>
    %dma_start3A_116 = arith.constant 0 : i32
    %dma_start3A_117 = tpu.memref_slice %arg6[%dma_start3A_112, %dma_start3A_116] : memref<50x128xi32, #tpu.memory_space<vmem>> -> memref<1x128xi32, #tpu.memory_space<vmem>>
    %dma_start3A_118 = tpu.memref_squeeze %dma_start3A_117 : memref<1x128xi32, #tpu.memory_space<vmem>> -> memref<128xi32, #tpu.memory_space<vmem>>
    %dma_start3A_119 = arith.constant 0 : i32
    %dma_start3A_120 = arith.constant 0 : i32
    %dma_start3A_121 = tpu.memref_slice %arg3[%dma_start3A_119, %dma_start3A_120] : memref<1000002x8xi32, #tpu.memory_space<hbm>> -> memref<1000002x8xi32, #tpu.memory_space<hbm>>
    tpu.enqueue_indirect_dma source(%dma_start3A_121 : memref<1000002x8xi32, #tpu.memory_space<hbm>>) target(%dma_start3A_115 : memref<128x8xi32, #tpu.memory_space<vmem>>) offsets(%dma_start3A_118 : memref<128xi32, #tpu.memory_space<vmem>>) semaphore(%arg12 : memref<!tpu.dma_semaphore, #tpu.memory_space<semaphore_mem>>)
    %dma_start3A_122 = arith.constant 9 : i32
    %dma_start3A_123 = arith.constant 1152 : i32
    %dma_start3A_124 = arith.constant 0 : i32
    %dma_start3A_125 = tpu.memref_slice %arg7[%dma_start3A_123, %dma_start3A_124] : memref<6400x8xi32, #tpu.memory_space<vmem>> -> memref<128x8xi32, #tpu.memory_space<vmem>>
    %dma_start3A_126 = arith.constant 0 : i32
    %dma_start3A_127 = tpu.memref_slice %arg6[%dma_start3A_122, %dma_start3A_126] : memref<50x128xi32, #tpu.memory_space<vmem>> -> memref<1x128xi32, #tpu.memory_space<vmem>>
    %dma_start3A_128 = tpu.memref_squeeze %dma_start3A_127 : memref<1x128xi32, #tpu.memory_space<vmem>> -> memref<128xi32, #tpu.memory_space<vmem>>
    %dma_start3A_129 = arith.constant 0 : i32
    %dma_start3A_130 = arith.constant 0 : i32
    %dma_start3A_131 = tpu.memref_slice %arg3[%dma_start3A_129, %dma_start3A_130] : memref<1000002x8xi32, #tpu.memory_space<hbm>> -> memref<1000002x8xi32, #tpu.memory_space<hbm>>
    tpu.enqueue_indirect_dma source(%dma_start3A_131 : memref<1000002x8xi32, #tpu.memory_space<hbm>>) target(%dma_start3A_125 : memref<128x8xi32, #tpu.memory_space<vmem>>) offsets(%dma_start3A_128 : memref<128xi32, #tpu.memory_space<vmem>>) semaphore(%arg12 : memref<!tpu.dma_semaphore, #tpu.memory_space<semaphore_mem>>)
    %dma_start3A_132 = arith.constant 10 : i32
    %dma_start3A_133 = arith.constant 1280 : i32
    %dma_start3A_134 = arith.constant 0 : i32
    %dma_start3A_135 = tpu.memref_slice %arg7[%dma_start3A_133, %dma_start3A_134] : memref<6400x8xi32, #tpu.memory_space<vmem>> -> memref<128x8xi32, #tpu.memory_space<vmem>>
    %dma_start3A_136 = arith.constant 0 : i32
    %dma_start3A_137 = tpu.memref_slice %arg6[%dma_start3A_132, %dma_start3A_136] : memref<50x128xi32, #tpu.memory_space<vmem>> -> memref<1x128xi32, #tpu.memory_space<vmem>>
    %dma_start3A_138 = tpu.memref_squeeze %dma_start3A_137 : memref<1x128xi32, #tpu.memory_space<vmem>> -> memref<128xi32, #tpu.memory_space<vmem>>
    %dma_start3A_139 = arith.constant 0 : i32
    %dma_start3A_140 = arith.constant 0 : i32
    %dma_start3A_141 = tpu.memref_slice %arg3[%dma_start3A_139, %dma_start3A_140] : memref<1000002x8xi32, #tpu.memory_space<hbm>> -> memref<1000002x8xi32, #tpu.memory_space<hbm>>
    tpu.enqueue_indirect_dma source(%dma_start3A_141 : memref<1000002x8xi32, #tpu.memory_space<hbm>>) target(%dma_start3A_135 : memref<128x8xi32, #tpu.memory_space<vmem>>) offsets(%dma_start3A_138 : memref<128xi32, #tpu.memory_space<vmem>>) semaphore(%arg12 : memref<!tpu.dma_semaphore, #tpu.memory_space<semaphore_mem>>)
    %dma_start3A_142 = arith.constant 11 : i32
    %dma_start3A_143 = arith.constant 1408 : i32
    %dma_start3A_144 = arith.constant 0 : i32
    %dma_start3A_145 = tpu.memref_slice %arg7[%dma_start3A_143, %dma_start3A_144] : memref<6400x8xi32, #tpu.memory_space<vmem>> -> memref<128x8xi32, #tpu.memory_space<vmem>>
    %dma_start3A_146 = arith.constant 0 : i32
    %dma_start3A_147 = tpu.memref_slice %arg6[%dma_start3A_142, %dma_start3A_146] : memref<50x128xi32, #tpu.memory_space<vmem>> -> memref<1x128xi32, #tpu.memory_space<vmem>>
    %dma_start3A_148 = tpu.memref_squeeze %dma_start3A_147 : memref<1x128xi32, #tpu.memory_space<vmem>> -> memref<128xi32, #tpu.memory_space<vmem>>
    %dma_start3A_149 = arith.constant 0 : i32
    %dma_start3A_150 = arith.constant 0 : i32
    %dma_start3A_151 = tpu.memref_slice %arg3[%dma_start3A_149, %dma_start3A_150] : memref<1000002x8xi32, #tpu.memory_space<hbm>> -> memref<1000002x8xi32, #tpu.memory_space<hbm>>
    tpu.enqueue_indirect_dma source(%dma_start3A_151 : memref<1000002x8xi32, #tpu.memory_space<hbm>>) target(%dma_start3A_145 : memref<128x8xi32, #tpu.memory_space<vmem>>) offsets(%dma_start3A_148 : memref<128xi32, #tpu.memory_space<vmem>>) semaphore(%arg12 : memref<!tpu.dma_semaphore, #tpu.memory_space<semaphore_mem>>)
    %dma_start3A_152 = arith.constant 12 : i32
    %dma_start3A_153 = arith.constant 1536 : i32
    %dma_start3A_154 = arith.constant 0 : i32
    %dma_start3A_155 = tpu.memref_slice %arg7[%dma_start3A_153, %dma_start3A_154] : memref<6400x8xi32, #tpu.memory_space<vmem>> -> memref<128x8xi32, #tpu.memory_space<vmem>>
    %dma_start3A_156 = arith.constant 0 : i32
    %dma_start3A_157 = tpu.memref_slice %arg6[%dma_start3A_152, %dma_start3A_156] : memref<50x128xi32, #tpu.memory_space<vmem>> -> memref<1x128xi32, #tpu.memory_space<vmem>>
    %dma_start3A_158 = tpu.memref_squeeze %dma_start3A_157 : memref<1x128xi32, #tpu.memory_space<vmem>> -> memref<128xi32, #tpu.memory_space<vmem>>
    %dma_start3A_159 = arith.constant 0 : i32
    %dma_start3A_160 = arith.constant 0 : i32
    %dma_start3A_161 = tpu.memref_slice %arg3[%dma_start3A_159, %dma_start3A_160] : memref<1000002x8xi32, #tpu.memory_space<hbm>> -> memref<1000002x8xi32, #tpu.memory_space<hbm>>
    tpu.enqueue_indirect_dma source(%dma_start3A_161 : memref<1000002x8xi32, #tpu.memory_space<hbm>>) target(%dma_start3A_155 : memref<128x8xi32, #tpu.memory_space<vmem>>) offsets(%dma_start3A_158 : memref<128xi32, #tpu.memory_space<vmem>>) semaphore(%arg12 : memref<!tpu.dma_semaphore, #tpu.memory_space<semaphore_mem>>)
    %dma_start3A_162 = arith.constant 13 : i32
    %dma_start3A_163 = arith.constant 1664 : i32
    %dma_start3A_164 = arith.constant 0 : i32
    %dma_start3A_165 = tpu.memref_slice %arg7[%dma_start3A_163, %dma_start3A_164] : memref<6400x8xi32, #tpu.memory_space<vmem>> -> memref<128x8xi32, #tpu.memory_space<vmem>>
    %dma_start3A_166 = arith.constant 0 : i32
    %dma_start3A_167 = tpu.memref_slice %arg6[%dma_start3A_162, %dma_start3A_166] : memref<50x128xi32, #tpu.memory_space<vmem>> -> memref<1x128xi32, #tpu.memory_space<vmem>>
    %dma_start3A_168 = tpu.memref_squeeze %dma_start3A_167 : memref<1x128xi32, #tpu.memory_space<vmem>> -> memref<128xi32, #tpu.memory_space<vmem>>
    %dma_start3A_169 = arith.constant 0 : i32
    %dma_start3A_170 = arith.constant 0 : i32
    %dma_start3A_171 = tpu.memref_slice %arg3[%dma_start3A_169, %dma_start3A_170] : memref<1000002x8xi32, #tpu.memory_space<hbm>> -> memref<1000002x8xi32, #tpu.memory_space<hbm>>
    tpu.enqueue_indirect_dma source(%dma_start3A_171 : memref<1000002x8xi32, #tpu.memory_space<hbm>>) target(%dma_start3A_165 : memref<128x8xi32, #tpu.memory_space<vmem>>) offsets(%dma_start3A_168 : memref<128xi32, #tpu.memory_space<vmem>>) semaphore(%arg12 : memref<!tpu.dma_semaphore, #tpu.memory_space<semaphore_mem>>)
    %dma_start3A_172 = arith.constant 14 : i32
    %dma_start3A_173 = arith.constant 1792 : i32
    %dma_start3A_174 = arith.constant 0 : i32
    %dma_start3A_175 = tpu.memref_slice %arg7[%dma_start3A_173, %dma_start3A_174] : memref<6400x8xi32, #tpu.memory_space<vmem>> -> memref<128x8xi32, #tpu.memory_space<vmem>>
    %dma_start3A_176 = arith.constant 0 : i32
    %dma_start3A_177 = tpu.memref_slice %arg6[%dma_start3A_172, %dma_start3A_176] : memref<50x128xi32, #tpu.memory_space<vmem>> -> memref<1x128xi32, #tpu.memory_space<vmem>>
    %dma_start3A_178 = tpu.memref_squeeze %dma_start3A_177 : memref<1x128xi32, #tpu.memory_space<vmem>> -> memref<128xi32, #tpu.memory_space<vmem>>
    %dma_start3A_179 = arith.constant 0 : i32
    %dma_start3A_180 = arith.constant 0 : i32
    %dma_start3A_181 = tpu.memref_slice %arg3[%dma_start3A_179, %dma_start3A_180] : memref<1000002x8xi32, #tpu.memory_space<hbm>> -> memref<1000002x8xi32, #tpu.memory_space<hbm>>
    tpu.enqueue_indirect_dma source(%dma_start3A_181 : memref<1000002x8xi32, #tpu.memory_space<hbm>>) target(%dma_start3A_175 : memref<128x8xi32, #tpu.memory_space<vmem>>) offsets(%dma_start3A_178 : memref<128xi32, #tpu.memory_space<vmem>>) semaphore(%arg12 : memref<!tpu.dma_semaphore, #tpu.memory_space<semaphore_mem>>)
    %dma_start3A_182 = arith.constant 15 : i32
    %dma_start3A_183 = arith.constant 1920 : i32
    %dma_start3A_184 = arith.constant 0 : i32
    %dma_start3A_185 = tpu.memref_slice %arg7[%dma_start3A_183, %dma_start3A_184] : memref<6400x8xi32, #tpu.memory_space<vmem>> -> memref<128x8xi32, #tpu.memory_space<vmem>>
    %dma_start3A_186 = arith.constant 0 : i32
    %dma_start3A_187 = tpu.memref_slice %arg6[%dma_start3A_182, %dma_start3A_186] : memref<50x128xi32, #tpu.memory_space<vmem>> -> memref<1x128xi32, #tpu.memory_space<vmem>>
    %dma_start3A_188 = tpu.memref_squeeze %dma_start3A_187 : memref<1x128xi32, #tpu.memory_space<vmem>> -> memref<128xi32, #tpu.memory_space<vmem>>
    %dma_start3A_189 = arith.constant 0 : i32
    %dma_start3A_190 = arith.constant 0 : i32
    %dma_start3A_191 = tpu.memref_slice %arg3[%dma_start3A_189, %dma_start3A_190] : memref<1000002x8xi32, #tpu.memory_space<hbm>> -> memref<1000002x8xi32, #tpu.memory_space<hbm>>
    tpu.enqueue_indirect_dma source(%dma_start3A_191 : memref<1000002x8xi32, #tpu.memory_space<hbm>>) target(%dma_start3A_185 : memref<128x8xi32, #tpu.memory_space<vmem>>) offsets(%dma_start3A_188 : memref<128xi32, #tpu.memory_space<vmem>>) semaphore(%arg12 : memref<!tpu.dma_semaphore, #tpu.memory_space<semaphore_mem>>)
    %dma_start3A_192 = arith.constant 16 : i32
    %dma_start3A_193 = arith.constant 2048 : i32
    %dma_start3A_194 = arith.constant 0 : i32
    %dma_start3A_195 = tpu.memref_slice %arg7[%dma_start3A_193, %dma_start3A_194] : memref<6400x8xi32, #tpu.memory_space<vmem>> -> memref<128x8xi32, #tpu.memory_space<vmem>>
    %dma_start3A_196 = arith.constant 0 : i32
    %dma_start3A_197 = tpu.memref_slice %arg6[%dma_start3A_192, %dma_start3A_196] : memref<50x128xi32, #tpu.memory_space<vmem>> -> memref<1x128xi32, #tpu.memory_space<vmem>>
    %dma_start3A_198 = tpu.memref_squeeze %dma_start3A_197 : memref<1x128xi32, #tpu.memory_space<vmem>> -> memref<128xi32, #tpu.memory_space<vmem>>
    %dma_start3A_199 = arith.constant 0 : i32
    %dma_start3A_200 = arith.constant 0 : i32
    %dma_start3A_201 = tpu.memref_slice %arg3[%dma_start3A_199, %dma_start3A_200] : memref<1000002x8xi32, #tpu.memory_space<hbm>> -> memref<1000002x8xi32, #tpu.memory_space<hbm>>
    tpu.enqueue_indirect_dma source(%dma_start3A_201 : memref<1000002x8xi32, #tpu.memory_space<hbm>>) target(%dma_start3A_195 : memref<128x8xi32, #tpu.memory_space<vmem>>) offsets(%dma_start3A_198 : memref<128xi32, #tpu.memory_space<vmem>>) semaphore(%arg12 : memref<!tpu.dma_semaphore, #tpu.memory_space<semaphore_mem>>)
    %dma_start3A_202 = arith.constant 17 : i32
    %dma_start3A_203 = arith.constant 2176 : i32
    %dma_start3A_204 = arith.constant 0 : i32
    %dma_start3A_205 = tpu.memref_slice %arg7[%dma_start3A_203, %dma_start3A_204] : memref<6400x8xi32, #tpu.memory_space<vmem>> -> memref<128x8xi32, #tpu.memory_space<vmem>>
    %dma_start3A_206 = arith.constant 0 : i32
    %dma_start3A_207 = tpu.memref_slice %arg6[%dma_start3A_202, %dma_start3A_206] : memref<50x128xi32, #tpu.memory_space<vmem>> -> memref<1x128xi32, #tpu.memory_space<vmem>>
    %dma_start3A_208 = tpu.memref_squeeze %dma_start3A_207 : memref<1x128xi32, #tpu.memory_space<vmem>> -> memref<128xi32, #tpu.memory_space<vmem>>
    %dma_start3A_209 = arith.constant 0 : i32
    %dma_start3A_210 = arith.constant 0 : i32
    %dma_start3A_211 = tpu.memref_slice %arg3[%dma_start3A_209, %dma_start3A_210] : memref<1000002x8xi32, #tpu.memory_space<hbm>> -> memref<1000002x8xi32, #tpu.memory_space<hbm>>
    tpu.enqueue_indirect_dma source(%dma_start3A_211 : memref<1000002x8xi32, #tpu.memory_space<hbm>>) target(%dma_start3A_205 : memref<128x8xi32, #tpu.memory_space<vmem>>) offsets(%dma_start3A_208 : memref<128xi32, #tpu.memory_space<vmem>>) semaphore(%arg12 : memref<!tpu.dma_semaphore, #tpu.memory_space<semaphore_mem>>)
    %dma_start3A_212 = arith.constant 18 : i32
    %dma_start3A_213 = arith.constant 2304 : i32
    %dma_start3A_214 = arith.constant 0 : i32
    %dma_start3A_215 = tpu.memref_slice %arg7[%dma_start3A_213, %dma_start3A_214] : memref<6400x8xi32, #tpu.memory_space<vmem>> -> memref<128x8xi32, #tpu.memory_space<vmem>>
    %dma_start3A_216 = arith.constant 0 : i32
    %dma_start3A_217 = tpu.memref_slice %arg6[%dma_start3A_212, %dma_start3A_216] : memref<50x128xi32, #tpu.memory_space<vmem>> -> memref<1x128xi32, #tpu.memory_space<vmem>>
    %dma_start3A_218 = tpu.memref_squeeze %dma_start3A_217 : memref<1x128xi32, #tpu.memory_space<vmem>> -> memref<128xi32, #tpu.memory_space<vmem>>
    %dma_start3A_219 = arith.constant 0 : i32
    %dma_start3A_220 = arith.constant 0 : i32
    %dma_start3A_221 = tpu.memref_slice %arg3[%dma_start3A_219, %dma_start3A_220] : memref<1000002x8xi32, #tpu.memory_space<hbm>> -> memref<1000002x8xi32, #tpu.memory_space<hbm>>
    tpu.enqueue_indirect_dma source(%dma_start3A_221 : memref<1000002x8xi32, #tpu.memory_space<hbm>>) target(%dma_start3A_215 : memref<128x8xi32, #tpu.memory_space<vmem>>) offsets(%dma_start3A_218 : memref<128xi32, #tpu.memory_space<vmem>>) semaphore(%arg12 : memref<!tpu.dma_semaphore, #tpu.memory_space<semaphore_mem>>)
    %dma_start3A_222 = arith.constant 19 : i32
    %dma_start3A_223 = arith.constant 2432 : i32
    %dma_start3A_224 = arith.constant 0 : i32
    %dma_start3A_225 = tpu.memref_slice %arg7[%dma_start3A_223, %dma_start3A_224] : memref<6400x8xi32, #tpu.memory_space<vmem>> -> memref<128x8xi32, #tpu.memory_space<vmem>>
    %dma_start3A_226 = arith.constant 0 : i32
    %dma_start3A_227 = tpu.memref_slice %arg6[%dma_start3A_222, %dma_start3A_226] : memref<50x128xi32, #tpu.memory_space<vmem>> -> memref<1x128xi32, #tpu.memory_space<vmem>>
    %dma_start3A_228 = tpu.memref_squeeze %dma_start3A_227 : memref<1x128xi32, #tpu.memory_space<vmem>> -> memref<128xi32, #tpu.memory_space<vmem>>
    %dma_start3A_229 = arith.constant 0 : i32
    %dma_start3A_230 = arith.constant 0 : i32
    %dma_start3A_231 = tpu.memref_slice %arg3[%dma_start3A_229, %dma_start3A_230] : memref<1000002x8xi32, #tpu.memory_space<hbm>> -> memref<1000002x8xi32, #tpu.memory_space<hbm>>
    tpu.enqueue_indirect_dma source(%dma_start3A_231 : memref<1000002x8xi32, #tpu.memory_space<hbm>>) target(%dma_start3A_225 : memref<128x8xi32, #tpu.memory_space<vmem>>) offsets(%dma_start3A_228 : memref<128xi32, #tpu.memory_space<vmem>>) semaphore(%arg12 : memref<!tpu.dma_semaphore, #tpu.memory_space<semaphore_mem>>)
    %dma_start3A_232 = arith.constant 20 : i32
    %dma_start3A_233 = arith.constant 2560 : i32
    %dma_start3A_234 = arith.constant 0 : i32
    %dma_start3A_235 = tpu.memref_slice %arg7[%dma_start3A_233, %dma_start3A_234] : memref<6400x8xi32, #tpu.memory_space<vmem>> -> memref<128x8xi32, #tpu.memory_space<vmem>>
    %dma_start3A_236 = arith.constant 0 : i32
    %dma_start3A_237 = tpu.memref_slice %arg6[%dma_start3A_232, %dma_start3A_236] : memref<50x128xi32, #tpu.memory_space<vmem>> -> memref<1x128xi32, #tpu.memory_space<vmem>>
    %dma_start3A_238 = tpu.memref_squeeze %dma_start3A_237 : memref<1x128xi32, #tpu.memory_space<vmem>> -> memref<128xi32, #tpu.memory_space<vmem>>
    %dma_start3A_239 = arith.constant 0 : i32
    %dma_start3A_240 = arith.constant 0 : i32
    %dma_start3A_241 = tpu.memref_slice %arg3[%dma_start3A_239, %dma_start3A_240] : memref<1000002x8xi32, #tpu.memory_space<hbm>> -> memref<1000002x8xi32, #tpu.memory_space<hbm>>
    tpu.enqueue_indirect_dma source(%dma_start3A_241 : memref<1000002x8xi32, #tpu.memory_space<hbm>>) target(%dma_start3A_235 : memref<128x8xi32, #tpu.memory_space<vmem>>) offsets(%dma_start3A_238 : memref<128xi32, #tpu.memory_space<vmem>>) semaphore(%arg12 : memref<!tpu.dma_semaphore, #tpu.memory_space<semaphore_mem>>)
    %dma_start3A_242 = arith.constant 21 : i32
    %dma_start3A_243 = arith.constant 2688 : i32
    %dma_start3A_244 = arith.constant 0 : i32
    %dma_start3A_245 = tpu.memref_slice %arg7[%dma_start3A_243, %dma_start3A_244] : memref<6400x8xi32, #tpu.memory_space<vmem>> -> memref<128x8xi32, #tpu.memory_space<vmem>>
    %dma_start3A_246 = arith.constant 0 : i32
    %dma_start3A_247 = tpu.memref_slice %arg6[%dma_start3A_242, %dma_start3A_246] : memref<50x128xi32, #tpu.memory_space<vmem>> -> memref<1x128xi32, #tpu.memory_space<vmem>>
    %dma_start3A_248 = tpu.memref_squeeze %dma_start3A_247 : memref<1x128xi32, #tpu.memory_space<vmem>> -> memref<128xi32, #tpu.memory_space<vmem>>
    %dma_start3A_249 = arith.constant 0 : i32
    %dma_start3A_250 = arith.constant 0 : i32
    %dma_start3A_251 = tpu.memref_slice %arg3[%dma_start3A_249, %dma_start3A_250] : memref<1000002x8xi32, #tpu.memory_space<hbm>> -> memref<1000002x8xi32, #tpu.memory_space<hbm>>
    tpu.enqueue_indirect_dma source(%dma_start3A_251 : memref<1000002x8xi32, #tpu.memory_space<hbm>>) target(%dma_start3A_245 : memref<128x8xi32, #tpu.memory_space<vmem>>) offsets(%dma_start3A_248 : memref<128xi32, #tpu.memory_space<vmem>>) semaphore(%arg12 : memref<!tpu.dma_semaphore, #tpu.memory_space<semaphore_mem>>)
    %dma_start3A_252 = arith.constant 22 : i32
    %dma_start3A_253 = arith.constant 2816 : i32
    %dma_start3A_254 = arith.constant 0 : i32
    %dma_start3A_255 = tpu.memref_slice %arg7[%dma_start3A_253, %dma_start3A_254] : memref<6400x8xi32, #tpu.memory_space<vmem>> -> memref<128x8xi32, #tpu.memory_space<vmem>>
    %dma_start3A_256 = arith.constant 0 : i32
    %dma_start3A_257 = tpu.memref_slice %arg6[%dma_start3A_252, %dma_start3A_256] : memref<50x128xi32, #tpu.memory_space<vmem>> -> memref<1x128xi32, #tpu.memory_space<vmem>>
    %dma_start3A_258 = tpu.memref_squeeze %dma_start3A_257 : memref<1x128xi32, #tpu.memory_space<vmem>> -> memref<128xi32, #tpu.memory_space<vmem>>
    %dma_start3A_259 = arith.constant 0 : i32
    %dma_start3A_260 = arith.constant 0 : i32
    %dma_start3A_261 = tpu.memref_slice %arg3[%dma_start3A_259, %dma_start3A_260] : memref<1000002x8xi32, #tpu.memory_space<hbm>> -> memref<1000002x8xi32, #tpu.memory_space<hbm>>
    tpu.enqueue_indirect_dma source(%dma_start3A_261 : memref<1000002x8xi32, #tpu.memory_space<hbm>>) target(%dma_start3A_255 : memref<128x8xi32, #tpu.memory_space<vmem>>) offsets(%dma_start3A_258 : memref<128xi32, #tpu.memory_space<vmem>>) semaphore(%arg12 : memref<!tpu.dma_semaphore, #tpu.memory_space<semaphore_mem>>)
    %dma_start3A_262 = arith.constant 23 : i32
    %dma_start3A_263 = arith.constant 2944 : i32
    %dma_start3A_264 = arith.constant 0 : i32
    %dma_start3A_265 = tpu.memref_slice %arg7[%dma_start3A_263, %dma_start3A_264] : memref<6400x8xi32, #tpu.memory_space<vmem>> -> memref<128x8xi32, #tpu.memory_space<vmem>>
    %dma_start3A_266 = arith.constant 0 : i32
    %dma_start3A_267 = tpu.memref_slice %arg6[%dma_start3A_262, %dma_start3A_266] : memref<50x128xi32, #tpu.memory_space<vmem>> -> memref<1x128xi32, #tpu.memory_space<vmem>>
    %dma_start3A_268 = tpu.memref_squeeze %dma_start3A_267 : memref<1x128xi32, #tpu.memory_space<vmem>> -> memref<128xi32, #tpu.memory_space<vmem>>
    %dma_start3A_269 = arith.constant 0 : i32
    %dma_start3A_270 = arith.constant 0 : i32
    %dma_start3A_271 = tpu.memref_slice %arg3[%dma_start3A_269, %dma_start3A_270] : memref<1000002x8xi32, #tpu.memory_space<hbm>> -> memref<1000002x8xi32, #tpu.memory_space<hbm>>
    tpu.enqueue_indirect_dma source(%dma_start3A_271 : memref<1000002x8xi32, #tpu.memory_space<hbm>>) target(%dma_start3A_265 : memref<128x8xi32, #tpu.memory_space<vmem>>) offsets(%dma_start3A_268 : memref<128xi32, #tpu.memory_space<vmem>>) semaphore(%arg12 : memref<!tpu.dma_semaphore, #tpu.memory_space<semaphore_mem>>)
    %dma_start3A_272 = arith.constant 24 : i32
    %dma_start3A_273 = arith.constant 3072 : i32
    %dma_start3A_274 = arith.constant 0 : i32
    %dma_start3A_275 = tpu.memref_slice %arg7[%dma_start3A_273, %dma_start3A_274] : memref<6400x8xi32, #tpu.memory_space<vmem>> -> memref<128x8xi32, #tpu.memory_space<vmem>>
    %dma_start3A_276 = arith.constant 0 : i32
    %dma_start3A_277 = tpu.memref_slice %arg6[%dma_start3A_272, %dma_start3A_276] : memref<50x128xi32, #tpu.memory_space<vmem>> -> memref<1x128xi32, #tpu.memory_space<vmem>>
    %dma_start3A_278 = tpu.memref_squeeze %dma_start3A_277 : memref<1x128xi32, #tpu.memory_space<vmem>> -> memref<128xi32, #tpu.memory_space<vmem>>
    %dma_start3A_279 = arith.constant 0 : i32
    %dma_start3A_280 = arith.constant 0 : i32
    %dma_start3A_281 = tpu.memref_slice %arg3[%dma_start3A_279, %dma_start3A_280] : memref<1000002x8xi32, #tpu.memory_space<hbm>> -> memref<1000002x8xi32, #tpu.memory_space<hbm>>
    tpu.enqueue_indirect_dma source(%dma_start3A_281 : memref<1000002x8xi32, #tpu.memory_space<hbm>>) target(%dma_start3A_275 : memref<128x8xi32, #tpu.memory_space<vmem>>) offsets(%dma_start3A_278 : memref<128xi32, #tpu.memory_space<vmem>>) semaphore(%arg12 : memref<!tpu.dma_semaphore, #tpu.memory_space<semaphore_mem>>)
    %dma_start3A_282 = arith.constant 25 : i32
    %dma_start3A_283 = arith.constant 3200 : i32
    %dma_start3A_284 = arith.constant 0 : i32
    %dma_start3A_285 = tpu.memref_slice %arg7[%dma_start3A_283, %dma_start3A_284] : memref<6400x8xi32, #tpu.memory_space<vmem>> -> memref<128x8xi32, #tpu.memory_space<vmem>>
    %dma_start3A_286 = arith.constant 0 : i32
    %dma_start3A_287 = tpu.memref_slice %arg6[%dma_start3A_282, %dma_start3A_286] : memref<50x128xi32, #tpu.memory_space<vmem>> -> memref<1x128xi32, #tpu.memory_space<vmem>>
    %dma_start3A_288 = tpu.memref_squeeze %dma_start3A_287 : memref<1x128xi32, #tpu.memory_space<vmem>> -> memref<128xi32, #tpu.memory_space<vmem>>
    %dma_start3A_289 = arith.constant 0 : i32
    %dma_start3A_290 = arith.constant 0 : i32
    %dma_start3A_291 = tpu.memref_slice %arg3[%dma_start3A_289, %dma_start3A_290] : memref<1000002x8xi32, #tpu.memory_space<hbm>> -> memref<1000002x8xi32, #tpu.memory_space<hbm>>
    tpu.enqueue_indirect_dma source(%dma_start3A_291 : memref<1000002x8xi32, #tpu.memory_space<hbm>>) target(%dma_start3A_285 : memref<128x8xi32, #tpu.memory_space<vmem>>) offsets(%dma_start3A_288 : memref<128xi32, #tpu.memory_space<vmem>>) semaphore(%arg12 : memref<!tpu.dma_semaphore, #tpu.memory_space<semaphore_mem>>)
    %dma_start3A_292 = arith.constant 26 : i32
    %dma_start3A_293 = arith.constant 3328 : i32
    %dma_start3A_294 = arith.constant 0 : i32
    %dma_start3A_295 = tpu.memref_slice %arg7[%dma_start3A_293, %dma_start3A_294] : memref<6400x8xi32, #tpu.memory_space<vmem>> -> memref<128x8xi32, #tpu.memory_space<vmem>>
    %dma_start3A_296 = arith.constant 0 : i32
    %dma_start3A_297 = tpu.memref_slice %arg6[%dma_start3A_292, %dma_start3A_296] : memref<50x128xi32, #tpu.memory_space<vmem>> -> memref<1x128xi32, #tpu.memory_space<vmem>>
    %dma_start3A_298 = tpu.memref_squeeze %dma_start3A_297 : memref<1x128xi32, #tpu.memory_space<vmem>> -> memref<128xi32, #tpu.memory_space<vmem>>
    %dma_start3A_299 = arith.constant 0 : i32
    %dma_start3A_300 = arith.constant 0 : i32
    %dma_start3A_301 = tpu.memref_slice %arg3[%dma_start3A_299, %dma_start3A_300] : memref<1000002x8xi32, #tpu.memory_space<hbm>> -> memref<1000002x8xi32, #tpu.memory_space<hbm>>
    tpu.enqueue_indirect_dma source(%dma_start3A_301 : memref<1000002x8xi32, #tpu.memory_space<hbm>>) target(%dma_start3A_295 : memref<128x8xi32, #tpu.memory_space<vmem>>) offsets(%dma_start3A_298 : memref<128xi32, #tpu.memory_space<vmem>>) semaphore(%arg12 : memref<!tpu.dma_semaphore, #tpu.memory_space<semaphore_mem>>)
    %dma_start3A_302 = arith.constant 27 : i32
    %dma_start3A_303 = arith.constant 3456 : i32
    %dma_start3A_304 = arith.constant 0 : i32
    %dma_start3A_305 = tpu.memref_slice %arg7[%dma_start3A_303, %dma_start3A_304] : memref<6400x8xi32, #tpu.memory_space<vmem>> -> memref<128x8xi32, #tpu.memory_space<vmem>>
    %dma_start3A_306 = arith.constant 0 : i32
    %dma_start3A_307 = tpu.memref_slice %arg6[%dma_start3A_302, %dma_start3A_306] : memref<50x128xi32, #tpu.memory_space<vmem>> -> memref<1x128xi32, #tpu.memory_space<vmem>>
    %dma_start3A_308 = tpu.memref_squeeze %dma_start3A_307 : memref<1x128xi32, #tpu.memory_space<vmem>> -> memref<128xi32, #tpu.memory_space<vmem>>
    %dma_start3A_309 = arith.constant 0 : i32
    %dma_start3A_310 = arith.constant 0 : i32
    %dma_start3A_311 = tpu.memref_slice %arg3[%dma_start3A_309, %dma_start3A_310] : memref<1000002x8xi32, #tpu.memory_space<hbm>> -> memref<1000002x8xi32, #tpu.memory_space<hbm>>
    tpu.enqueue_indirect_dma source(%dma_start3A_311 : memref<1000002x8xi32, #tpu.memory_space<hbm>>) target(%dma_start3A_305 : memref<128x8xi32, #tpu.memory_space<vmem>>) offsets(%dma_start3A_308 : memref<128xi32, #tpu.memory_space<vmem>>) semaphore(%arg12 : memref<!tpu.dma_semaphore, #tpu.memory_space<semaphore_mem>>)
    %dma_start3A_312 = arith.constant 28 : i32
    %dma_start3A_313 = arith.constant 3584 : i32
    %dma_start3A_314 = arith.constant 0 : i32
    %dma_start3A_315 = tpu.memref_slice %arg7[%dma_start3A_313, %dma_start3A_314] : memref<6400x8xi32, #tpu.memory_space<vmem>> -> memref<128x8xi32, #tpu.memory_space<vmem>>
    %dma_start3A_316 = arith.constant 0 : i32
    %dma_start3A_317 = tpu.memref_slice %arg6[%dma_start3A_312, %dma_start3A_316] : memref<50x128xi32, #tpu.memory_space<vmem>> -> memref<1x128xi32, #tpu.memory_space<vmem>>
    %dma_start3A_318 = tpu.memref_squeeze %dma_start3A_317 : memref<1x128xi32, #tpu.memory_space<vmem>> -> memref<128xi32, #tpu.memory_space<vmem>>
    %dma_start3A_319 = arith.constant 0 : i32
    %dma_start3A_320 = arith.constant 0 : i32
    %dma_start3A_321 = tpu.memref_slice %arg3[%dma_start3A_319, %dma_start3A_320] : memref<1000002x8xi32, #tpu.memory_space<hbm>> -> memref<1000002x8xi32, #tpu.memory_space<hbm>>
    tpu.enqueue_indirect_dma source(%dma_start3A_321 : memref<1000002x8xi32, #tpu.memory_space<hbm>>) target(%dma_start3A_315 : memref<128x8xi32, #tpu.memory_space<vmem>>) offsets(%dma_start3A_318 : memref<128xi32, #tpu.memory_space<vmem>>) semaphore(%arg12 : memref<!tpu.dma_semaphore, #tpu.memory_space<semaphore_mem>>)
    %dma_start3A_322 = arith.constant 29 : i32
    %dma_start3A_323 = arith.constant 3712 : i32
    %dma_start3A_324 = arith.constant 0 : i32
    %dma_start3A_325 = tpu.memref_slice %arg7[%dma_start3A_323, %dma_start3A_324] : memref<6400x8xi32, #tpu.memory_space<vmem>> -> memref<128x8xi32, #tpu.memory_space<vmem>>
    %dma_start3A_326 = arith.constant 0 : i32
    %dma_start3A_327 = tpu.memref_slice %arg6[%dma_start3A_322, %dma_start3A_326] : memref<50x128xi32, #tpu.memory_space<vmem>> -> memref<1x128xi32, #tpu.memory_space<vmem>>
    %dma_start3A_328 = tpu.memref_squeeze %dma_start3A_327 : memref<1x128xi32, #tpu.memory_space<vmem>> -> memref<128xi32, #tpu.memory_space<vmem>>
    %dma_start3A_329 = arith.constant 0 : i32
    %dma_start3A_330 = arith.constant 0 : i32
    %dma_start3A_331 = tpu.memref_slice %arg3[%dma_start3A_329, %dma_start3A_330] : memref<1000002x8xi32, #tpu.memory_space<hbm>> -> memref<1000002x8xi32, #tpu.memory_space<hbm>>
    tpu.enqueue_indirect_dma source(%dma_start3A_331 : memref<1000002x8xi32, #tpu.memory_space<hbm>>) target(%dma_start3A_325 : memref<128x8xi32, #tpu.memory_space<vmem>>) offsets(%dma_start3A_328 : memref<128xi32, #tpu.memory_space<vmem>>) semaphore(%arg12 : memref<!tpu.dma_semaphore, #tpu.memory_space<semaphore_mem>>)
    %dma_start3A_332 = arith.constant 30 : i32
    %dma_start3A_333 = arith.constant 3840 : i32
    %dma_start3A_334 = arith.constant 0 : i32
    %dma_start3A_335 = tpu.memref_slice %arg7[%dma_start3A_333, %dma_start3A_334] : memref<6400x8xi32, #tpu.memory_space<vmem>> -> memref<128x8xi32, #tpu.memory_space<vmem>>
    %dma_start3A_336 = arith.constant 0 : i32
    %dma_start3A_337 = tpu.memref_slice %arg6[%dma_start3A_332, %dma_start3A_336] : memref<50x128xi32, #tpu.memory_space<vmem>> -> memref<1x128xi32, #tpu.memory_space<vmem>>
    %dma_start3A_338 = tpu.memref_squeeze %dma_start3A_337 : memref<1x128xi32, #tpu.memory_space<vmem>> -> memref<128xi32, #tpu.memory_space<vmem>>
    %dma_start3A_339 = arith.constant 0 : i32
    %dma_start3A_340 = arith.constant 0 : i32
    %dma_start3A_341 = tpu.memref_slice %arg3[%dma_start3A_339, %dma_start3A_340] : memref<1000002x8xi32, #tpu.memory_space<hbm>> -> memref<1000002x8xi32, #tpu.memory_space<hbm>>
    tpu.enqueue_indirect_dma source(%dma_start3A_341 : memref<1000002x8xi32, #tpu.memory_space<hbm>>) target(%dma_start3A_335 : memref<128x8xi32, #tpu.memory_space<vmem>>) offsets(%dma_start3A_338 : memref<128xi32, #tpu.memory_space<vmem>>) semaphore(%arg12 : memref<!tpu.dma_semaphore, #tpu.memory_space<semaphore_mem>>)
    %dma_start3A_342 = arith.constant 31 : i32
    %dma_start3A_343 = arith.constant 3968 : i32
    %dma_start3A_344 = arith.constant 0 : i32
    %dma_start3A_345 = tpu.memref_slice %arg7[%dma_start3A_343, %dma_start3A_344] : memref<6400x8xi32, #tpu.memory_space<vmem>> -> memref<128x8xi32, #tpu.memory_space<vmem>>
    %dma_start3A_346 = arith.constant 0 : i32
    %dma_start3A_347 = tpu.memref_slice %arg6[%dma_start3A_342, %dma_start3A_346] : memref<50x128xi32, #tpu.memory_space<vmem>> -> memref<1x128xi32, #tpu.memory_space<vmem>>
    %dma_start3A_348 = tpu.memref_squeeze %dma_start3A_347 : memref<1x128xi32, #tpu.memory_space<vmem>> -> memref<128xi32, #tpu.memory_space<vmem>>
    %dma_start3A_349 = arith.constant 0 : i32
    %dma_start3A_350 = arith.constant 0 : i32
    %dma_start3A_351 = tpu.memref_slice %arg3[%dma_start3A_349, %dma_start3A_350] : memref<1000002x8xi32, #tpu.memory_space<hbm>> -> memref<1000002x8xi32, #tpu.memory_space<hbm>>
    tpu.enqueue_indirect_dma source(%dma_start3A_351 : memref<1000002x8xi32, #tpu.memory_space<hbm>>) target(%dma_start3A_345 : memref<128x8xi32, #tpu.memory_space<vmem>>) offsets(%dma_start3A_348 : memref<128xi32, #tpu.memory_space<vmem>>) semaphore(%arg12 : memref<!tpu.dma_semaphore, #tpu.memory_space<semaphore_mem>>)
    %dma_start3A_352 = arith.constant 32 : i32
    %dma_start3A_353 = arith.constant 4096 : i32
    %dma_start3A_354 = arith.constant 0 : i32
    %dma_start3A_355 = tpu.memref_slice %arg7[%dma_start3A_353, %dma_start3A_354] : memref<6400x8xi32, #tpu.memory_space<vmem>> -> memref<128x8xi32, #tpu.memory_space<vmem>>
    %dma_start3A_356 = arith.constant 0 : i32
    %dma_start3A_357 = tpu.memref_slice %arg6[%dma_start3A_352, %dma_start3A_356] : memref<50x128xi32, #tpu.memory_space<vmem>> -> memref<1x128xi32, #tpu.memory_space<vmem>>
    %dma_start3A_358 = tpu.memref_squeeze %dma_start3A_357 : memref<1x128xi32, #tpu.memory_space<vmem>> -> memref<128xi32, #tpu.memory_space<vmem>>
    %dma_start3A_359 = arith.constant 0 : i32
    %dma_start3A_360 = arith.constant 0 : i32
    %dma_start3A_361 = tpu.memref_slice %arg3[%dma_start3A_359, %dma_start3A_360] : memref<1000002x8xi32, #tpu.memory_space<hbm>> -> memref<1000002x8xi32, #tpu.memory_space<hbm>>
    tpu.enqueue_indirect_dma source(%dma_start3A_361 : memref<1000002x8xi32, #tpu.memory_space<hbm>>) target(%dma_start3A_355 : memref<128x8xi32, #tpu.memory_space<vmem>>) offsets(%dma_start3A_358 : memref<128xi32, #tpu.memory_space<vmem>>) semaphore(%arg12 : memref<!tpu.dma_semaphore, #tpu.memory_space<semaphore_mem>>)
    %dma_start3A_362 = arith.constant 33 : i32
    %dma_start3A_363 = arith.constant 4224 : i32
    %dma_start3A_364 = arith.constant 0 : i32
    %dma_start3A_365 = tpu.memref_slice %arg7[%dma_start3A_363, %dma_start3A_364] : memref<6400x8xi32, #tpu.memory_space<vmem>> -> memref<128x8xi32, #tpu.memory_space<vmem>>
    %dma_start3A_366 = arith.constant 0 : i32
    %dma_start3A_367 = tpu.memref_slice %arg6[%dma_start3A_362, %dma_start3A_366] : memref<50x128xi32, #tpu.memory_space<vmem>> -> memref<1x128xi32, #tpu.memory_space<vmem>>
    %dma_start3A_368 = tpu.memref_squeeze %dma_start3A_367 : memref<1x128xi32, #tpu.memory_space<vmem>> -> memref<128xi32, #tpu.memory_space<vmem>>
    %dma_start3A_369 = arith.constant 0 : i32
    %dma_start3A_370 = arith.constant 0 : i32
    %dma_start3A_371 = tpu.memref_slice %arg3[%dma_start3A_369, %dma_start3A_370] : memref<1000002x8xi32, #tpu.memory_space<hbm>> -> memref<1000002x8xi32, #tpu.memory_space<hbm>>
    tpu.enqueue_indirect_dma source(%dma_start3A_371 : memref<1000002x8xi32, #tpu.memory_space<hbm>>) target(%dma_start3A_365 : memref<128x8xi32, #tpu.memory_space<vmem>>) offsets(%dma_start3A_368 : memref<128xi32, #tpu.memory_space<vmem>>) semaphore(%arg12 : memref<!tpu.dma_semaphore, #tpu.memory_space<semaphore_mem>>)
    %dma_start3A_372 = arith.constant 34 : i32
    %dma_start3A_373 = arith.constant 4352 : i32
    %dma_start3A_374 = arith.constant 0 : i32
    %dma_start3A_375 = tpu.memref_slice %arg7[%dma_start3A_373, %dma_start3A_374] : memref<6400x8xi32, #tpu.memory_space<vmem>> -> memref<128x8xi32, #tpu.memory_space<vmem>>
    %dma_start3A_376 = arith.constant 0 : i32
    %dma_start3A_377 = tpu.memref_slice %arg6[%dma_start3A_372, %dma_start3A_376] : memref<50x128xi32, #tpu.memory_space<vmem>> -> memref<1x128xi32, #tpu.memory_space<vmem>>
    %dma_start3A_378 = tpu.memref_squeeze %dma_start3A_377 : memref<1x128xi32, #tpu.memory_space<vmem>> -> memref<128xi32, #tpu.memory_space<vmem>>
    %dma_start3A_379 = arith.constant 0 : i32
    %dma_start3A_380 = arith.constant 0 : i32
    %dma_start3A_381 = tpu.memref_slice %arg3[%dma_start3A_379, %dma_start3A_380] : memref<1000002x8xi32, #tpu.memory_space<hbm>> -> memref<1000002x8xi32, #tpu.memory_space<hbm>>
    tpu.enqueue_indirect_dma source(%dma_start3A_381 : memref<1000002x8xi32, #tpu.memory_space<hbm>>) target(%dma_start3A_375 : memref<128x8xi32, #tpu.memory_space<vmem>>) offsets(%dma_start3A_378 : memref<128xi32, #tpu.memory_space<vmem>>) semaphore(%arg12 : memref<!tpu.dma_semaphore, #tpu.memory_space<semaphore_mem>>)
    %dma_start3A_382 = arith.constant 35 : i32
    %dma_start3A_383 = arith.constant 4480 : i32
    %dma_start3A_384 = arith.constant 0 : i32
    %dma_start3A_385 = tpu.memref_slice %arg7[%dma_start3A_383, %dma_start3A_384] : memref<6400x8xi32, #tpu.memory_space<vmem>> -> memref<128x8xi32, #tpu.memory_space<vmem>>
    %dma_start3A_386 = arith.constant 0 : i32
    %dma_start3A_387 = tpu.memref_slice %arg6[%dma_start3A_382, %dma_start3A_386] : memref<50x128xi32, #tpu.memory_space<vmem>> -> memref<1x128xi32, #tpu.memory_space<vmem>>
    %dma_start3A_388 = tpu.memref_squeeze %dma_start3A_387 : memref<1x128xi32, #tpu.memory_space<vmem>> -> memref<128xi32, #tpu.memory_space<vmem>>
    %dma_start3A_389 = arith.constant 0 : i32
    %dma_start3A_390 = arith.constant 0 : i32
    %dma_start3A_391 = tpu.memref_slice %arg3[%dma_start3A_389, %dma_start3A_390] : memref<1000002x8xi32, #tpu.memory_space<hbm>> -> memref<1000002x8xi32, #tpu.memory_space<hbm>>
    tpu.enqueue_indirect_dma source(%dma_start3A_391 : memref<1000002x8xi32, #tpu.memory_space<hbm>>) target(%dma_start3A_385 : memref<128x8xi32, #tpu.memory_space<vmem>>) offsets(%dma_start3A_388 : memref<128xi32, #tpu.memory_space<vmem>>) semaphore(%arg12 : memref<!tpu.dma_semaphore, #tpu.memory_space<semaphore_mem>>)
    %dma_start3A_392 = arith.constant 36 : i32
    %dma_start3A_393 = arith.constant 4608 : i32
    %dma_start3A_394 = arith.constant 0 : i32
    %dma_start3A_395 = tpu.memref_slice %arg7[%dma_start3A_393, %dma_start3A_394] : memref<6400x8xi32, #tpu.memory_space<vmem>> -> memref<128x8xi32, #tpu.memory_space<vmem>>
    %dma_start3A_396 = arith.constant 0 : i32
    %dma_start3A_397 = tpu.memref_slice %arg6[%dma_start3A_392, %dma_start3A_396] : memref<50x128xi32, #tpu.memory_space<vmem>> -> memref<1x128xi32, #tpu.memory_space<vmem>>
    %dma_start3A_398 = tpu.memref_squeeze %dma_start3A_397 : memref<1x128xi32, #tpu.memory_space<vmem>> -> memref<128xi32, #tpu.memory_space<vmem>>
    %dma_start3A_399 = arith.constant 0 : i32
    %dma_start3A_400 = arith.constant 0 : i32
    %dma_start3A_401 = tpu.memref_slice %arg3[%dma_start3A_399, %dma_start3A_400] : memref<1000002x8xi32, #tpu.memory_space<hbm>> -> memref<1000002x8xi32, #tpu.memory_space<hbm>>
    tpu.enqueue_indirect_dma source(%dma_start3A_401 : memref<1000002x8xi32, #tpu.memory_space<hbm>>) target(%dma_start3A_395 : memref<128x8xi32, #tpu.memory_space<vmem>>) offsets(%dma_start3A_398 : memref<128xi32, #tpu.memory_space<vmem>>) semaphore(%arg12 : memref<!tpu.dma_semaphore, #tpu.memory_space<semaphore_mem>>)
    %dma_start3A_402 = arith.constant 37 : i32
    %dma_start3A_403 = arith.constant 4736 : i32
    %dma_start3A_404 = arith.constant 0 : i32
    %dma_start3A_405 = tpu.memref_slice %arg7[%dma_start3A_403, %dma_start3A_404] : memref<6400x8xi32, #tpu.memory_space<vmem>> -> memref<128x8xi32, #tpu.memory_space<vmem>>
    %dma_start3A_406 = arith.constant 0 : i32
    %dma_start3A_407 = tpu.memref_slice %arg6[%dma_start3A_402, %dma_start3A_406] : memref<50x128xi32, #tpu.memory_space<vmem>> -> memref<1x128xi32, #tpu.memory_space<vmem>>
    %dma_start3A_408 = tpu.memref_squeeze %dma_start3A_407 : memref<1x128xi32, #tpu.memory_space<vmem>> -> memref<128xi32, #tpu.memory_space<vmem>>
    %dma_start3A_409 = arith.constant 0 : i32
    %dma_start3A_410 = arith.constant 0 : i32
    %dma_start3A_411 = tpu.memref_slice %arg3[%dma_start3A_409, %dma_start3A_410] : memref<1000002x8xi32, #tpu.memory_space<hbm>> -> memref<1000002x8xi32, #tpu.memory_space<hbm>>
    tpu.enqueue_indirect_dma source(%dma_start3A_411 : memref<1000002x8xi32, #tpu.memory_space<hbm>>) target(%dma_start3A_405 : memref<128x8xi32, #tpu.memory_space<vmem>>) offsets(%dma_start3A_408 : memref<128xi32, #tpu.memory_space<vmem>>) semaphore(%arg12 : memref<!tpu.dma_semaphore, #tpu.memory_space<semaphore_mem>>)
    %dma_start3A_412 = arith.constant 38 : i32
    %dma_start3A_413 = arith.constant 4864 : i32
    %dma_start3A_414 = arith.constant 0 : i32
    %dma_start3A_415 = tpu.memref_slice %arg7[%dma_start3A_413, %dma_start3A_414] : memref<6400x8xi32, #tpu.memory_space<vmem>> -> memref<128x8xi32, #tpu.memory_space<vmem>>
    %dma_start3A_416 = arith.constant 0 : i32
    %dma_start3A_417 = tpu.memref_slice %arg6[%dma_start3A_412, %dma_start3A_416] : memref<50x128xi32, #tpu.memory_space<vmem>> -> memref<1x128xi32, #tpu.memory_space<vmem>>
    %dma_start3A_418 = tpu.memref_squeeze %dma_start3A_417 : memref<1x128xi32, #tpu.memory_space<vmem>> -> memref<128xi32, #tpu.memory_space<vmem>>
    %dma_start3A_419 = arith.constant 0 : i32
    %dma_start3A_420 = arith.constant 0 : i32
    %dma_start3A_421 = tpu.memref_slice %arg3[%dma_start3A_419, %dma_start3A_420] : memref<1000002x8xi32, #tpu.memory_space<hbm>> -> memref<1000002x8xi32, #tpu.memory_space<hbm>>
    tpu.enqueue_indirect_dma source(%dma_start3A_421 : memref<1000002x8xi32, #tpu.memory_space<hbm>>) target(%dma_start3A_415 : memref<128x8xi32, #tpu.memory_space<vmem>>) offsets(%dma_start3A_418 : memref<128xi32, #tpu.memory_space<vmem>>) semaphore(%arg12 : memref<!tpu.dma_semaphore, #tpu.memory_space<semaphore_mem>>)
    %dma_start3A_422 = arith.constant 39 : i32
    %dma_start3A_423 = arith.constant 4992 : i32
    %dma_start3A_424 = arith.constant 0 : i32
    %dma_start3A_425 = tpu.memref_slice %arg7[%dma_start3A_423, %dma_start3A_424] : memref<6400x8xi32, #tpu.memory_space<vmem>> -> memref<128x8xi32, #tpu.memory_space<vmem>>
    %dma_start3A_426 = arith.constant 0 : i32
    %dma_start3A_427 = tpu.memref_slice %arg6[%dma_start3A_422, %dma_start3A_426] : memref<50x128xi32, #tpu.memory_space<vmem>> -> memref<1x128xi32, #tpu.memory_space<vmem>>
    %dma_start3A_428 = tpu.memref_squeeze %dma_start3A_427 : memref<1x128xi32, #tpu.memory_space<vmem>> -> memref<128xi32, #tpu.memory_space<vmem>>
    %dma_start3A_429 = arith.constant 0 : i32
    %dma_start3A_430 = arith.constant 0 : i32
    %dma_start3A_431 = tpu.memref_slice %arg3[%dma_start3A_429, %dma_start3A_430] : memref<1000002x8xi32, #tpu.memory_space<hbm>> -> memref<1000002x8xi32, #tpu.memory_space<hbm>>
    tpu.enqueue_indirect_dma source(%dma_start3A_431 : memref<1000002x8xi32, #tpu.memory_space<hbm>>) target(%dma_start3A_425 : memref<128x8xi32, #tpu.memory_space<vmem>>) offsets(%dma_start3A_428 : memref<128xi32, #tpu.memory_space<vmem>>) semaphore(%arg12 : memref<!tpu.dma_semaphore, #tpu.memory_space<semaphore_mem>>)
    %dma_start3A_432 = arith.constant 40 : i32
    %dma_start3A_433 = arith.constant 5120 : i32
    %dma_start3A_434 = arith.constant 0 : i32
    %dma_start3A_435 = tpu.memref_slice %arg7[%dma_start3A_433, %dma_start3A_434] : memref<6400x8xi32, #tpu.memory_space<vmem>> -> memref<128x8xi32, #tpu.memory_space<vmem>>
    %dma_start3A_436 = arith.constant 0 : i32
    %dma_start3A_437 = tpu.memref_slice %arg6[%dma_start3A_432, %dma_start3A_436] : memref<50x128xi32, #tpu.memory_space<vmem>> -> memref<1x128xi32, #tpu.memory_space<vmem>>
    %dma_start3A_438 = tpu.memref_squeeze %dma_start3A_437 : memref<1x128xi32, #tpu.memory_space<vmem>> -> memref<128xi32, #tpu.memory_space<vmem>>
    %dma_start3A_439 = arith.constant 0 : i32
    %dma_start3A_440 = arith.constant 0 : i32
    %dma_start3A_441 = tpu.memref_slice %arg3[%dma_start3A_439, %dma_start3A_440] : memref<1000002x8xi32, #tpu.memory_space<hbm>> -> memref<1000002x8xi32, #tpu.memory_space<hbm>>
    tpu.enqueue_indirect_dma source(%dma_start3A_441 : memref<1000002x8xi32, #tpu.memory_space<hbm>>) target(%dma_start3A_435 : memref<128x8xi32, #tpu.memory_space<vmem>>) offsets(%dma_start3A_438 : memref<128xi32, #tpu.memory_space<vmem>>) semaphore(%arg12 : memref<!tpu.dma_semaphore, #tpu.memory_space<semaphore_mem>>)
    %dma_start3A_442 = arith.constant 41 : i32
    %dma_start3A_443 = arith.constant 5248 : i32
    %dma_start3A_444 = arith.constant 0 : i32
    %dma_start3A_445 = tpu.memref_slice %arg7[%dma_start3A_443, %dma_start3A_444] : memref<6400x8xi32, #tpu.memory_space<vmem>> -> memref<128x8xi32, #tpu.memory_space<vmem>>
    %dma_start3A_446 = arith.constant 0 : i32
    %dma_start3A_447 = tpu.memref_slice %arg6[%dma_start3A_442, %dma_start3A_446] : memref<50x128xi32, #tpu.memory_space<vmem>> -> memref<1x128xi32, #tpu.memory_space<vmem>>
    %dma_start3A_448 = tpu.memref_squeeze %dma_start3A_447 : memref<1x128xi32, #tpu.memory_space<vmem>> -> memref<128xi32, #tpu.memory_space<vmem>>
    %dma_start3A_449 = arith.constant 0 : i32
    %dma_start3A_450 = arith.constant 0 : i32
    %dma_start3A_451 = tpu.memref_slice %arg3[%dma_start3A_449, %dma_start3A_450] : memref<1000002x8xi32, #tpu.memory_space<hbm>> -> memref<1000002x8xi32, #tpu.memory_space<hbm>>
    tpu.enqueue_indirect_dma source(%dma_start3A_451 : memref<1000002x8xi32, #tpu.memory_space<hbm>>) target(%dma_start3A_445 : memref<128x8xi32, #tpu.memory_space<vmem>>) offsets(%dma_start3A_448 : memref<128xi32, #tpu.memory_space<vmem>>) semaphore(%arg12 : memref<!tpu.dma_semaphore, #tpu.memory_space<semaphore_mem>>)
    %dma_start3A_452 = arith.constant 42 : i32
    %dma_start3A_453 = arith.constant 5376 : i32
    %dma_start3A_454 = arith.constant 0 : i32
    %dma_start3A_455 = tpu.memref_slice %arg7[%dma_start3A_453, %dma_start3A_454] : memref<6400x8xi32, #tpu.memory_space<vmem>> -> memref<128x8xi32, #tpu.memory_space<vmem>>
    %dma_start3A_456 = arith.constant 0 : i32
    %dma_start3A_457 = tpu.memref_slice %arg6[%dma_start3A_452, %dma_start3A_456] : memref<50x128xi32, #tpu.memory_space<vmem>> -> memref<1x128xi32, #tpu.memory_space<vmem>>
    %dma_start3A_458 = tpu.memref_squeeze %dma_start3A_457 : memref<1x128xi32, #tpu.memory_space<vmem>> -> memref<128xi32, #tpu.memory_space<vmem>>
    %dma_start3A_459 = arith.constant 0 : i32
    %dma_start3A_460 = arith.constant 0 : i32
    %dma_start3A_461 = tpu.memref_slice %arg3[%dma_start3A_459, %dma_start3A_460] : memref<1000002x8xi32, #tpu.memory_space<hbm>> -> memref<1000002x8xi32, #tpu.memory_space<hbm>>
    tpu.enqueue_indirect_dma source(%dma_start3A_461 : memref<1000002x8xi32, #tpu.memory_space<hbm>>) target(%dma_start3A_455 : memref<128x8xi32, #tpu.memory_space<vmem>>) offsets(%dma_start3A_458 : memref<128xi32, #tpu.memory_space<vmem>>) semaphore(%arg12 : memref<!tpu.dma_semaphore, #tpu.memory_space<semaphore_mem>>)
    %dma_start3A_462 = arith.constant 43 : i32
    %dma_start3A_463 = arith.constant 5504 : i32
    %dma_start3A_464 = arith.constant 0 : i32
    %dma_start3A_465 = tpu.memref_slice %arg7[%dma_start3A_463, %dma_start3A_464] : memref<6400x8xi32, #tpu.memory_space<vmem>> -> memref<128x8xi32, #tpu.memory_space<vmem>>
    %dma_start3A_466 = arith.constant 0 : i32
    %dma_start3A_467 = tpu.memref_slice %arg6[%dma_start3A_462, %dma_start3A_466] : memref<50x128xi32, #tpu.memory_space<vmem>> -> memref<1x128xi32, #tpu.memory_space<vmem>>
    %dma_start3A_468 = tpu.memref_squeeze %dma_start3A_467 : memref<1x128xi32, #tpu.memory_space<vmem>> -> memref<128xi32, #tpu.memory_space<vmem>>
    %dma_start3A_469 = arith.constant 0 : i32
    %dma_start3A_470 = arith.constant 0 : i32
    %dma_start3A_471 = tpu.memref_slice %arg3[%dma_start3A_469, %dma_start3A_470] : memref<1000002x8xi32, #tpu.memory_space<hbm>> -> memref<1000002x8xi32, #tpu.memory_space<hbm>>
    tpu.enqueue_indirect_dma source(%dma_start3A_471 : memref<1000002x8xi32, #tpu.memory_space<hbm>>) target(%dma_start3A_465 : memref<128x8xi32, #tpu.memory_space<vmem>>) offsets(%dma_start3A_468 : memref<128xi32, #tpu.memory_space<vmem>>) semaphore(%arg12 : memref<!tpu.dma_semaphore, #tpu.memory_space<semaphore_mem>>)
    %dma_start3A_472 = arith.constant 44 : i32
    %dma_start3A_473 = arith.constant 5632 : i32
    %dma_start3A_474 = arith.constant 0 : i32
    %dma_start3A_475 = tpu.memref_slice %arg7[%dma_start3A_473, %dma_start3A_474] : memref<6400x8xi32, #tpu.memory_space<vmem>> -> memref<128x8xi32, #tpu.memory_space<vmem>>
    %dma_start3A_476 = arith.constant 0 : i32
    %dma_start3A_477 = tpu.memref_slice %arg6[%dma_start3A_472, %dma_start3A_476] : memref<50x128xi32, #tpu.memory_space<vmem>> -> memref<1x128xi32, #tpu.memory_space<vmem>>
    %dma_start3A_478 = tpu.memref_squeeze %dma_start3A_477 : memref<1x128xi32, #tpu.memory_space<vmem>> -> memref<128xi32, #tpu.memory_space<vmem>>
    %dma_start3A_479 = arith.constant 0 : i32
    %dma_start3A_480 = arith.constant 0 : i32
    %dma_start3A_481 = tpu.memref_slice %arg3[%dma_start3A_479, %dma_start3A_480] : memref<1000002x8xi32, #tpu.memory_space<hbm>> -> memref<1000002x8xi32, #tpu.memory_space<hbm>>
    tpu.enqueue_indirect_dma source(%dma_start3A_481 : memref<1000002x8xi32, #tpu.memory_space<hbm>>) target(%dma_start3A_475 : memref<128x8xi32, #tpu.memory_space<vmem>>) offsets(%dma_start3A_478 : memref<128xi32, #tpu.memory_space<vmem>>) semaphore(%arg12 : memref<!tpu.dma_semaphore, #tpu.memory_space<semaphore_mem>>)
    %dma_start3A_482 = arith.constant 45 : i32
    %dma_start3A_483 = arith.constant 5760 : i32
    %dma_start3A_484 = arith.constant 0 : i32
    %dma_start3A_485 = tpu.memref_slice %arg7[%dma_start3A_483, %dma_start3A_484] : memref<6400x8xi32, #tpu.memory_space<vmem>> -> memref<128x8xi32, #tpu.memory_space<vmem>>
    %dma_start3A_486 = arith.constant 0 : i32
    %dma_start3A_487 = tpu.memref_slice %arg6[%dma_start3A_482, %dma_start3A_486] : memref<50x128xi32, #tpu.memory_space<vmem>> -> memref<1x128xi32, #tpu.memory_space<vmem>>
    %dma_start3A_488 = tpu.memref_squeeze %dma_start3A_487 : memref<1x128xi32, #tpu.memory_space<vmem>> -> memref<128xi32, #tpu.memory_space<vmem>>
    %dma_start3A_489 = arith.constant 0 : i32
    %dma_start3A_490 = arith.constant 0 : i32
    %dma_start3A_491 = tpu.memref_slice %arg3[%dma_start3A_489, %dma_start3A_490] : memref<1000002x8xi32, #tpu.memory_space<hbm>> -> memref<1000002x8xi32, #tpu.memory_space<hbm>>
    tpu.enqueue_indirect_dma source(%dma_start3A_491 : memref<1000002x8xi32, #tpu.memory_space<hbm>>) target(%dma_start3A_485 : memref<128x8xi32, #tpu.memory_space<vmem>>) offsets(%dma_start3A_488 : memref<128xi32, #tpu.memory_space<vmem>>) semaphore(%arg12 : memref<!tpu.dma_semaphore, #tpu.memory_space<semaphore_mem>>)
    %dma_start3A_492 = arith.constant 46 : i32
    %dma_start3A_493 = arith.constant 5888 : i32
    %dma_start3A_494 = arith.constant 0 : i32
    %dma_start3A_495 = tpu.memref_slice %arg7[%dma_start3A_493, %dma_start3A_494] : memref<6400x8xi32, #tpu.memory_space<vmem>> -> memref<128x8xi32, #tpu.memory_space<vmem>>
    %dma_start3A_496 = arith.constant 0 : i32
    %dma_start3A_497 = tpu.memref_slice %arg6[%dma_start3A_492, %dma_start3A_496] : memref<50x128xi32, #tpu.memory_space<vmem>> -> memref<1x128xi32, #tpu.memory_space<vmem>>
    %dma_start3A_498 = tpu.memref_squeeze %dma_start3A_497 : memref<1x128xi32, #tpu.memory_space<vmem>> -> memref<128xi32, #tpu.memory_space<vmem>>
    %dma_start3A_499 = arith.constant 0 : i32
    %dma_start3A_500 = arith.constant 0 : i32
    %dma_start3A_501 = tpu.memref_slice %arg3[%dma_start3A_499, %dma_start3A_500] : memref<1000002x8xi32, #tpu.memory_space<hbm>> -> memref<1000002x8xi32, #tpu.memory_space<hbm>>
    tpu.enqueue_indirect_dma source(%dma_start3A_501 : memref<1000002x8xi32, #tpu.memory_space<hbm>>) target(%dma_start3A_495 : memref<128x8xi32, #tpu.memory_space<vmem>>) offsets(%dma_start3A_498 : memref<128xi32, #tpu.memory_space<vmem>>) semaphore(%arg12 : memref<!tpu.dma_semaphore, #tpu.memory_space<semaphore_mem>>)
    %dma_start3A_502 = arith.constant 47 : i32
    %dma_start3A_503 = arith.constant 6016 : i32
    %dma_start3A_504 = arith.constant 0 : i32
    %dma_start3A_505 = tpu.memref_slice %arg7[%dma_start3A_503, %dma_start3A_504] : memref<6400x8xi32, #tpu.memory_space<vmem>> -> memref<128x8xi32, #tpu.memory_space<vmem>>
    %dma_start3A_506 = arith.constant 0 : i32
    %dma_start3A_507 = tpu.memref_slice %arg6[%dma_start3A_502, %dma_start3A_506] : memref<50x128xi32, #tpu.memory_space<vmem>> -> memref<1x128xi32, #tpu.memory_space<vmem>>
    %dma_start3A_508 = tpu.memref_squeeze %dma_start3A_507 : memref<1x128xi32, #tpu.memory_space<vmem>> -> memref<128xi32, #tpu.memory_space<vmem>>
    %dma_start3A_509 = arith.constant 0 : i32
    %dma_start3A_510 = arith.constant 0 : i32
    %dma_start3A_511 = tpu.memref_slice %arg3[%dma_start3A_509, %dma_start3A_510] : memref<1000002x8xi32, #tpu.memory_space<hbm>> -> memref<1000002x8xi32, #tpu.memory_space<hbm>>
    tpu.enqueue_indirect_dma source(%dma_start3A_511 : memref<1000002x8xi32, #tpu.memory_space<hbm>>) target(%dma_start3A_505 : memref<128x8xi32, #tpu.memory_space<vmem>>) offsets(%dma_start3A_508 : memref<128xi32, #tpu.memory_space<vmem>>) semaphore(%arg12 : memref<!tpu.dma_semaphore, #tpu.memory_space<semaphore_mem>>)
    %dma_start3A_512 = arith.constant 48 : i32
    %dma_start3A_513 = arith.constant 6144 : i32
    %dma_start3A_514 = arith.constant 0 : i32
    %dma_start3A_515 = tpu.memref_slice %arg7[%dma_start3A_513, %dma_start3A_514] : memref<6400x8xi32, #tpu.memory_space<vmem>> -> memref<128x8xi32, #tpu.memory_space<vmem>>
    %dma_start3A_516 = arith.constant 0 : i32
    %dma_start3A_517 = tpu.memref_slice %arg6[%dma_start3A_512, %dma_start3A_516] : memref<50x128xi32, #tpu.memory_space<vmem>> -> memref<1x128xi32, #tpu.memory_space<vmem>>
    %dma_start3A_518 = tpu.memref_squeeze %dma_start3A_517 : memref<1x128xi32, #tpu.memory_space<vmem>> -> memref<128xi32, #tpu.memory_space<vmem>>
    %dma_start3A_519 = arith.constant 0 : i32
    %dma_start3A_520 = arith.constant 0 : i32
    %dma_start3A_521 = tpu.memref_slice %arg3[%dma_start3A_519, %dma_start3A_520] : memref<1000002x8xi32, #tpu.memory_space<hbm>> -> memref<1000002x8xi32, #tpu.memory_space<hbm>>
    tpu.enqueue_indirect_dma source(%dma_start3A_521 : memref<1000002x8xi32, #tpu.memory_space<hbm>>) target(%dma_start3A_515 : memref<128x8xi32, #tpu.memory_space<vmem>>) offsets(%dma_start3A_518 : memref<128xi32, #tpu.memory_space<vmem>>) semaphore(%arg12 : memref<!tpu.dma_semaphore, #tpu.memory_space<semaphore_mem>>)
    %dma_start3A_522 = arith.constant 49 : i32
    %dma_start3A_523 = arith.constant 6272 : i32
    %dma_start3A_524 = arith.constant 0 : i32
    %dma_start3A_525 = tpu.memref_slice %arg7[%dma_start3A_523, %dma_start3A_524] : memref<6400x8xi32, #tpu.memory_space<vmem>> -> memref<128x8xi32, #tpu.memory_space<vmem>>
    %dma_start3A_526 = arith.constant 0 : i32
    %dma_start3A_527 = tpu.memref_slice %arg6[%dma_start3A_522, %dma_start3A_526] : memref<50x128xi32, #tpu.memory_space<vmem>> -> memref<1x128xi32, #tpu.memory_space<vmem>>
    %dma_start3A_528 = tpu.memref_squeeze %dma_start3A_527 : memref<1x128xi32, #tpu.memory_space<vmem>> -> memref<128xi32, #tpu.memory_space<vmem>>
    %dma_start3A_529 = arith.constant 0 : i32
    %dma_start3A_530 = arith.constant 0 : i32
    %dma_start3A_531 = tpu.memref_slice %arg3[%dma_start3A_529, %dma_start3A_530] : memref<1000002x8xi32, #tpu.memory_space<hbm>> -> memref<1000002x8xi32, #tpu.memory_space<hbm>>
    tpu.enqueue_indirect_dma source(%dma_start3A_531 : memref<1000002x8xi32, #tpu.memory_space<hbm>>) target(%dma_start3A_525 : memref<128x8xi32, #tpu.memory_space<vmem>>) offsets(%dma_start3A_528 : memref<128xi32, #tpu.memory_space<vmem>>) semaphore(%arg12 : memref<!tpu.dma_semaphore, #tpu.memory_space<semaphore_mem>>)
    %dma_wait3A = arith.constant 0 : i32
    %dma_wait3A_532 = arith.constant 0 : i32
    %dma_wait3A_533 = arith.constant 0 : i32
    %dma_wait3A_534 = tpu.memref_slice %arg7[%dma_wait3A_532, %dma_wait3A_533] : memref<6400x8xi32, #tpu.memory_space<vmem>> -> memref<128x8xi32, #tpu.memory_space<vmem>>
    %dma_wait3A_535 = arith.constant 0 : i32
    %dma_wait3A_536 = tpu.memref_slice %arg6[%dma_wait3A, %dma_wait3A_535] : memref<50x128xi32, #tpu.memory_space<vmem>> -> memref<1x128xi32, #tpu.memory_space<vmem>>
    %dma_wait3A_537 = tpu.memref_squeeze %dma_wait3A_536 : memref<1x128xi32, #tpu.memory_space<vmem>> -> memref<128xi32, #tpu.memory_space<vmem>>
    %dma_wait3A_538 = arith.constant 0 : i32
    %dma_wait3A_539 = arith.constant 0 : i32
    %dma_wait3A_540 = tpu.memref_slice %arg3[%dma_wait3A_538, %dma_wait3A_539] : memref<1000002x8xi32, #tpu.memory_space<hbm>> -> memref<1000002x8xi32, #tpu.memory_space<hbm>>
    tpu.wait_indirect_dma semaphore(%arg12 : memref<!tpu.dma_semaphore, #tpu.memory_space<semaphore_mem>>) src(%dma_wait3A_540 : memref<1000002x8xi32, #tpu.memory_space<hbm>>) dst(%dma_wait3A_534 : memref<128x8xi32, #tpu.memory_space<vmem>>)
    %dma_wait3A_541 = arith.constant 1 : i32
    %dma_wait3A_542 = arith.constant 128 : i32
    %dma_wait3A_543 = arith.constant 0 : i32
    %dma_wait3A_544 = tpu.memref_slice %arg7[%dma_wait3A_542, %dma_wait3A_543] : memref<6400x8xi32, #tpu.memory_space<vmem>> -> memref<128x8xi32, #tpu.memory_space<vmem>>
    %dma_wait3A_545 = arith.constant 0 : i32
    %dma_wait3A_546 = tpu.memref_slice %arg6[%dma_wait3A_541, %dma_wait3A_545] : memref<50x128xi32, #tpu.memory_space<vmem>> -> memref<1x128xi32, #tpu.memory_space<vmem>>
    %dma_wait3A_547 = tpu.memref_squeeze %dma_wait3A_546 : memref<1x128xi32, #tpu.memory_space<vmem>> -> memref<128xi32, #tpu.memory_space<vmem>>
    %dma_wait3A_548 = arith.constant 0 : i32
    %dma_wait3A_549 = arith.constant 0 : i32
    %dma_wait3A_550 = tpu.memref_slice %arg3[%dma_wait3A_548, %dma_wait3A_549] : memref<1000002x8xi32, #tpu.memory_space<hbm>> -> memref<1000002x8xi32, #tpu.memory_space<hbm>>
    tpu.wait_indirect_dma semaphore(%arg12 : memref<!tpu.dma_semaphore, #tpu.memory_space<semaphore_mem>>) src(%dma_wait3A_550 : memref<1000002x8xi32, #tpu.memory_space<hbm>>) dst(%dma_wait3A_544 : memref<128x8xi32, #tpu.memory_space<vmem>>)
    %dma_wait3A_551 = arith.constant 2 : i32
    %dma_wait3A_552 = arith.constant 256 : i32
    %dma_wait3A_553 = arith.constant 0 : i32
    %dma_wait3A_554 = tpu.memref_slice %arg7[%dma_wait3A_552, %dma_wait3A_553] : memref<6400x8xi32, #tpu.memory_space<vmem>> -> memref<128x8xi32, #tpu.memory_space<vmem>>
    %dma_wait3A_555 = arith.constant 0 : i32
    %dma_wait3A_556 = tpu.memref_slice %arg6[%dma_wait3A_551, %dma_wait3A_555] : memref<50x128xi32, #tpu.memory_space<vmem>> -> memref<1x128xi32, #tpu.memory_space<vmem>>
    %dma_wait3A_557 = tpu.memref_squeeze %dma_wait3A_556 : memref<1x128xi32, #tpu.memory_space<vmem>> -> memref<128xi32, #tpu.memory_space<vmem>>
    %dma_wait3A_558 = arith.constant 0 : i32
    %dma_wait3A_559 = arith.constant 0 : i32
    %dma_wait3A_560 = tpu.memref_slice %arg3[%dma_wait3A_558, %dma_wait3A_559] : memref<1000002x8xi32, #tpu.memory_space<hbm>> -> memref<1000002x8xi32, #tpu.memory_space<hbm>>
    tpu.wait_indirect_dma semaphore(%arg12 : memref<!tpu.dma_semaphore, #tpu.memory_space<semaphore_mem>>) src(%dma_wait3A_560 : memref<1000002x8xi32, #tpu.memory_space<hbm>>) dst(%dma_wait3A_554 : memref<128x8xi32, #tpu.memory_space<vmem>>)
    %dma_wait3A_561 = arith.constant 3 : i32
    %dma_wait3A_562 = arith.constant 384 : i32
    %dma_wait3A_563 = arith.constant 0 : i32
    %dma_wait3A_564 = tpu.memref_slice %arg7[%dma_wait3A_562, %dma_wait3A_563] : memref<6400x8xi32, #tpu.memory_space<vmem>> -> memref<128x8xi32, #tpu.memory_space<vmem>>
    %dma_wait3A_565 = arith.constant 0 : i32
    %dma_wait3A_566 = tpu.memref_slice %arg6[%dma_wait3A_561, %dma_wait3A_565] : memref<50x128xi32, #tpu.memory_space<vmem>> -> memref<1x128xi32, #tpu.memory_space<vmem>>
    %dma_wait3A_567 = tpu.memref_squeeze %dma_wait3A_566 : memref<1x128xi32, #tpu.memory_space<vmem>> -> memref<128xi32, #tpu.memory_space<vmem>>
    %dma_wait3A_568 = arith.constant 0 : i32
    %dma_wait3A_569 = arith.constant 0 : i32
    %dma_wait3A_570 = tpu.memref_slice %arg3[%dma_wait3A_568, %dma_wait3A_569] : memref<1000002x8xi32, #tpu.memory_space<hbm>> -> memref<1000002x8xi32, #tpu.memory_space<hbm>>
    tpu.wait_indirect_dma semaphore(%arg12 : memref<!tpu.dma_semaphore, #tpu.memory_space<semaphore_mem>>) src(%dma_wait3A_570 : memref<1000002x8xi32, #tpu.memory_space<hbm>>) dst(%dma_wait3A_564 : memref<128x8xi32, #tpu.memory_space<vmem>>)
    %dma_wait3A_571 = arith.constant 4 : i32
    %dma_wait3A_572 = arith.constant 512 : i32
    %dma_wait3A_573 = arith.constant 0 : i32
    %dma_wait3A_574 = tpu.memref_slice %arg7[%dma_wait3A_572, %dma_wait3A_573] : memref<6400x8xi32, #tpu.memory_space<vmem>> -> memref<128x8xi32, #tpu.memory_space<vmem>>
    %dma_wait3A_575 = arith.constant 0 : i32
    %dma_wait3A_576 = tpu.memref_slice %arg6[%dma_wait3A_571, %dma_wait3A_575] : memref<50x128xi32, #tpu.memory_space<vmem>> -> memref<1x128xi32, #tpu.memory_space<vmem>>
    %dma_wait3A_577 = tpu.memref_squeeze %dma_wait3A_576 : memref<1x128xi32, #tpu.memory_space<vmem>> -> memref<128xi32, #tpu.memory_space<vmem>>
    %dma_wait3A_578 = arith.constant 0 : i32
    %dma_wait3A_579 = arith.constant 0 : i32
    %dma_wait3A_580 = tpu.memref_slice %arg3[%dma_wait3A_578, %dma_wait3A_579] : memref<1000002x8xi32, #tpu.memory_space<hbm>> -> memref<1000002x8xi32, #tpu.memory_space<hbm>>
    tpu.wait_indirect_dma semaphore(%arg12 : memref<!tpu.dma_semaphore, #tpu.memory_space<semaphore_mem>>) src(%dma_wait3A_580 : memref<1000002x8xi32, #tpu.memory_space<hbm>>) dst(%dma_wait3A_574 : memref<128x8xi32, #tpu.memory_space<vmem>>)
    %dma_wait3A_581 = arith.constant 5 : i32
    %dma_wait3A_582 = arith.constant 640 : i32
    %dma_wait3A_583 = arith.constant 0 : i32
    %dma_wait3A_584 = tpu.memref_slice %arg7[%dma_wait3A_582, %dma_wait3A_583] : memref<6400x8xi32, #tpu.memory_space<vmem>> -> memref<128x8xi32, #tpu.memory_space<vmem>>
    %dma_wait3A_585 = arith.constant 0 : i32
    %dma_wait3A_586 = tpu.memref_slice %arg6[%dma_wait3A_581, %dma_wait3A_585] : memref<50x128xi32, #tpu.memory_space<vmem>> -> memref<1x128xi32, #tpu.memory_space<vmem>>
    %dma_wait3A_587 = tpu.memref_squeeze %dma_wait3A_586 : memref<1x128xi32, #tpu.memory_space<vmem>> -> memref<128xi32, #tpu.memory_space<vmem>>
    %dma_wait3A_588 = arith.constant 0 : i32
    %dma_wait3A_589 = arith.constant 0 : i32
    %dma_wait3A_590 = tpu.memref_slice %arg3[%dma_wait3A_588, %dma_wait3A_589] : memref<1000002x8xi32, #tpu.memory_space<hbm>> -> memref<1000002x8xi32, #tpu.memory_space<hbm>>
    tpu.wait_indirect_dma semaphore(%arg12 : memref<!tpu.dma_semaphore, #tpu.memory_space<semaphore_mem>>) src(%dma_wait3A_590 : memref<1000002x8xi32, #tpu.memory_space<hbm>>) dst(%dma_wait3A_584 : memref<128x8xi32, #tpu.memory_space<vmem>>)
    %dma_wait3A_591 = arith.constant 6 : i32
    %dma_wait3A_592 = arith.constant 768 : i32
    %dma_wait3A_593 = arith.constant 0 : i32
    %dma_wait3A_594 = tpu.memref_slice %arg7[%dma_wait3A_592, %dma_wait3A_593] : memref<6400x8xi32, #tpu.memory_space<vmem>> -> memref<128x8xi32, #tpu.memory_space<vmem>>
    %dma_wait3A_595 = arith.constant 0 : i32
    %dma_wait3A_596 = tpu.memref_slice %arg6[%dma_wait3A_591, %dma_wait3A_595] : memref<50x128xi32, #tpu.memory_space<vmem>> -> memref<1x128xi32, #tpu.memory_space<vmem>>
    %dma_wait3A_597 = tpu.memref_squeeze %dma_wait3A_596 : memref<1x128xi32, #tpu.memory_space<vmem>> -> memref<128xi32, #tpu.memory_space<vmem>>
    %dma_wait3A_598 = arith.constant 0 : i32
    %dma_wait3A_599 = arith.constant 0 : i32
    %dma_wait3A_600 = tpu.memref_slice %arg3[%dma_wait3A_598, %dma_wait3A_599] : memref<1000002x8xi32, #tpu.memory_space<hbm>> -> memref<1000002x8xi32, #tpu.memory_space<hbm>>
    tpu.wait_indirect_dma semaphore(%arg12 : memref<!tpu.dma_semaphore, #tpu.memory_space<semaphore_mem>>) src(%dma_wait3A_600 : memref<1000002x8xi32, #tpu.memory_space<hbm>>) dst(%dma_wait3A_594 : memref<128x8xi32, #tpu.memory_space<vmem>>)
    %dma_wait3A_601 = arith.constant 7 : i32
    %dma_wait3A_602 = arith.constant 896 : i32
    %dma_wait3A_603 = arith.constant 0 : i32
    %dma_wait3A_604 = tpu.memref_slice %arg7[%dma_wait3A_602, %dma_wait3A_603] : memref<6400x8xi32, #tpu.memory_space<vmem>> -> memref<128x8xi32, #tpu.memory_space<vmem>>
    %dma_wait3A_605 = arith.constant 0 : i32
    %dma_wait3A_606 = tpu.memref_slice %arg6[%dma_wait3A_601, %dma_wait3A_605] : memref<50x128xi32, #tpu.memory_space<vmem>> -> memref<1x128xi32, #tpu.memory_space<vmem>>
    %dma_wait3A_607 = tpu.memref_squeeze %dma_wait3A_606 : memref<1x128xi32, #tpu.memory_space<vmem>> -> memref<128xi32, #tpu.memory_space<vmem>>
    %dma_wait3A_608 = arith.constant 0 : i32
    %dma_wait3A_609 = arith.constant 0 : i32
    %dma_wait3A_610 = tpu.memref_slice %arg3[%dma_wait3A_608, %dma_wait3A_609] : memref<1000002x8xi32, #tpu.memory_space<hbm>> -> memref<1000002x8xi32, #tpu.memory_space<hbm>>
    tpu.wait_indirect_dma semaphore(%arg12 : memref<!tpu.dma_semaphore, #tpu.memory_space<semaphore_mem>>) src(%dma_wait3A_610 : memref<1000002x8xi32, #tpu.memory_space<hbm>>) dst(%dma_wait3A_604 : memref<128x8xi32, #tpu.memory_space<vmem>>)
    %dma_wait3A_611 = arith.constant 8 : i32
    %dma_wait3A_612 = arith.constant 1024 : i32
    %dma_wait3A_613 = arith.constant 0 : i32
    %dma_wait3A_614 = tpu.memref_slice %arg7[%dma_wait3A_612, %dma_wait3A_613] : memref<6400x8xi32, #tpu.memory_space<vmem>> -> memref<128x8xi32, #tpu.memory_space<vmem>>
    %dma_wait3A_615 = arith.constant 0 : i32
    %dma_wait3A_616 = tpu.memref_slice %arg6[%dma_wait3A_611, %dma_wait3A_615] : memref<50x128xi32, #tpu.memory_space<vmem>> -> memref<1x128xi32, #tpu.memory_space<vmem>>
    %dma_wait3A_617 = tpu.memref_squeeze %dma_wait3A_616 : memref<1x128xi32, #tpu.memory_space<vmem>> -> memref<128xi32, #tpu.memory_space<vmem>>
    %dma_wait3A_618 = arith.constant 0 : i32
    %dma_wait3A_619 = arith.constant 0 : i32
    %dma_wait3A_620 = tpu.memref_slice %arg3[%dma_wait3A_618, %dma_wait3A_619] : memref<1000002x8xi32, #tpu.memory_space<hbm>> -> memref<1000002x8xi32, #tpu.memory_space<hbm>>
    tpu.wait_indirect_dma semaphore(%arg12 : memref<!tpu.dma_semaphore, #tpu.memory_space<semaphore_mem>>) src(%dma_wait3A_620 : memref<1000002x8xi32, #tpu.memory_space<hbm>>) dst(%dma_wait3A_614 : memref<128x8xi32, #tpu.memory_space<vmem>>)
    %dma_wait3A_621 = arith.constant 9 : i32
    %dma_wait3A_622 = arith.constant 1152 : i32
    %dma_wait3A_623 = arith.constant 0 : i32
    %dma_wait3A_624 = tpu.memref_slice %arg7[%dma_wait3A_622, %dma_wait3A_623] : memref<6400x8xi32, #tpu.memory_space<vmem>> -> memref<128x8xi32, #tpu.memory_space<vmem>>
    %dma_wait3A_625 = arith.constant 0 : i32
    %dma_wait3A_626 = tpu.memref_slice %arg6[%dma_wait3A_621, %dma_wait3A_625] : memref<50x128xi32, #tpu.memory_space<vmem>> -> memref<1x128xi32, #tpu.memory_space<vmem>>
    %dma_wait3A_627 = tpu.memref_squeeze %dma_wait3A_626 : memref<1x128xi32, #tpu.memory_space<vmem>> -> memref<128xi32, #tpu.memory_space<vmem>>
    %dma_wait3A_628 = arith.constant 0 : i32
    %dma_wait3A_629 = arith.constant 0 : i32
    %dma_wait3A_630 = tpu.memref_slice %arg3[%dma_wait3A_628, %dma_wait3A_629] : memref<1000002x8xi32, #tpu.memory_space<hbm>> -> memref<1000002x8xi32, #tpu.memory_space<hbm>>
    tpu.wait_indirect_dma semaphore(%arg12 : memref<!tpu.dma_semaphore, #tpu.memory_space<semaphore_mem>>) src(%dma_wait3A_630 : memref<1000002x8xi32, #tpu.memory_space<hbm>>) dst(%dma_wait3A_624 : memref<128x8xi32, #tpu.memory_space<vmem>>)
    %dma_wait3A_631 = arith.constant 10 : i32
    %dma_wait3A_632 = arith.constant 1280 : i32
    %dma_wait3A_633 = arith.constant 0 : i32
    %dma_wait3A_634 = tpu.memref_slice %arg7[%dma_wait3A_632, %dma_wait3A_633] : memref<6400x8xi32, #tpu.memory_space<vmem>> -> memref<128x8xi32, #tpu.memory_space<vmem>>
    %dma_wait3A_635 = arith.constant 0 : i32
    %dma_wait3A_636 = tpu.memref_slice %arg6[%dma_wait3A_631, %dma_wait3A_635] : memref<50x128xi32, #tpu.memory_space<vmem>> -> memref<1x128xi32, #tpu.memory_space<vmem>>
    %dma_wait3A_637 = tpu.memref_squeeze %dma_wait3A_636 : memref<1x128xi32, #tpu.memory_space<vmem>> -> memref<128xi32, #tpu.memory_space<vmem>>
    %dma_wait3A_638 = arith.constant 0 : i32
    %dma_wait3A_639 = arith.constant 0 : i32
    %dma_wait3A_640 = tpu.memref_slice %arg3[%dma_wait3A_638, %dma_wait3A_639] : memref<1000002x8xi32, #tpu.memory_space<hbm>> -> memref<1000002x8xi32, #tpu.memory_space<hbm>>
    tpu.wait_indirect_dma semaphore(%arg12 : memref<!tpu.dma_semaphore, #tpu.memory_space<semaphore_mem>>) src(%dma_wait3A_640 : memref<1000002x8xi32, #tpu.memory_space<hbm>>) dst(%dma_wait3A_634 : memref<128x8xi32, #tpu.memory_space<vmem>>)
    %dma_wait3A_641 = arith.constant 11 : i32
    %dma_wait3A_642 = arith.constant 1408 : i32
    %dma_wait3A_643 = arith.constant 0 : i32
    %dma_wait3A_644 = tpu.memref_slice %arg7[%dma_wait3A_642, %dma_wait3A_643] : memref<6400x8xi32, #tpu.memory_space<vmem>> -> memref<128x8xi32, #tpu.memory_space<vmem>>
    %dma_wait3A_645 = arith.constant 0 : i32
    %dma_wait3A_646 = tpu.memref_slice %arg6[%dma_wait3A_641, %dma_wait3A_645] : memref<50x128xi32, #tpu.memory_space<vmem>> -> memref<1x128xi32, #tpu.memory_space<vmem>>
    %dma_wait3A_647 = tpu.memref_squeeze %dma_wait3A_646 : memref<1x128xi32, #tpu.memory_space<vmem>> -> memref<128xi32, #tpu.memory_space<vmem>>
    %dma_wait3A_648 = arith.constant 0 : i32
    %dma_wait3A_649 = arith.constant 0 : i32
    %dma_wait3A_650 = tpu.memref_slice %arg3[%dma_wait3A_648, %dma_wait3A_649] : memref<1000002x8xi32, #tpu.memory_space<hbm>> -> memref<1000002x8xi32, #tpu.memory_space<hbm>>
    tpu.wait_indirect_dma semaphore(%arg12 : memref<!tpu.dma_semaphore, #tpu.memory_space<semaphore_mem>>) src(%dma_wait3A_650 : memref<1000002x8xi32, #tpu.memory_space<hbm>>) dst(%dma_wait3A_644 : memref<128x8xi32, #tpu.memory_space<vmem>>)
    %dma_wait3A_651 = arith.constant 12 : i32
    %dma_wait3A_652 = arith.constant 1536 : i32
    %dma_wait3A_653 = arith.constant 0 : i32
    %dma_wait3A_654 = tpu.memref_slice %arg7[%dma_wait3A_652, %dma_wait3A_653] : memref<6400x8xi32, #tpu.memory_space<vmem>> -> memref<128x8xi32, #tpu.memory_space<vmem>>
    %dma_wait3A_655 = arith.constant 0 : i32
    %dma_wait3A_656 = tpu.memref_slice %arg6[%dma_wait3A_651, %dma_wait3A_655] : memref<50x128xi32, #tpu.memory_space<vmem>> -> memref<1x128xi32, #tpu.memory_space<vmem>>
    %dma_wait3A_657 = tpu.memref_squeeze %dma_wait3A_656 : memref<1x128xi32, #tpu.memory_space<vmem>> -> memref<128xi32, #tpu.memory_space<vmem>>
    %dma_wait3A_658 = arith.constant 0 : i32
    %dma_wait3A_659 = arith.constant 0 : i32
    %dma_wait3A_660 = tpu.memref_slice %arg3[%dma_wait3A_658, %dma_wait3A_659] : memref<1000002x8xi32, #tpu.memory_space<hbm>> -> memref<1000002x8xi32, #tpu.memory_space<hbm>>
    tpu.wait_indirect_dma semaphore(%arg12 : memref<!tpu.dma_semaphore, #tpu.memory_space<semaphore_mem>>) src(%dma_wait3A_660 : memref<1000002x8xi32, #tpu.memory_space<hbm>>) dst(%dma_wait3A_654 : memref<128x8xi32, #tpu.memory_space<vmem>>)
    %dma_wait3A_661 = arith.constant 13 : i32
    %dma_wait3A_662 = arith.constant 1664 : i32
    %dma_wait3A_663 = arith.constant 0 : i32
    %dma_wait3A_664 = tpu.memref_slice %arg7[%dma_wait3A_662, %dma_wait3A_663] : memref<6400x8xi32, #tpu.memory_space<vmem>> -> memref<128x8xi32, #tpu.memory_space<vmem>>
    %dma_wait3A_665 = arith.constant 0 : i32
    %dma_wait3A_666 = tpu.memref_slice %arg6[%dma_wait3A_661, %dma_wait3A_665] : memref<50x128xi32, #tpu.memory_space<vmem>> -> memref<1x128xi32, #tpu.memory_space<vmem>>
    %dma_wait3A_667 = tpu.memref_squeeze %dma_wait3A_666 : memref<1x128xi32, #tpu.memory_space<vmem>> -> memref<128xi32, #tpu.memory_space<vmem>>
    %dma_wait3A_668 = arith.constant 0 : i32
    %dma_wait3A_669 = arith.constant 0 : i32
    %dma_wait3A_670 = tpu.memref_slice %arg3[%dma_wait3A_668, %dma_wait3A_669] : memref<1000002x8xi32, #tpu.memory_space<hbm>> -> memref<1000002x8xi32, #tpu.memory_space<hbm>>
    tpu.wait_indirect_dma semaphore(%arg12 : memref<!tpu.dma_semaphore, #tpu.memory_space<semaphore_mem>>) src(%dma_wait3A_670 : memref<1000002x8xi32, #tpu.memory_space<hbm>>) dst(%dma_wait3A_664 : memref<128x8xi32, #tpu.memory_space<vmem>>)
    %dma_wait3A_671 = arith.constant 14 : i32
    %dma_wait3A_672 = arith.constant 1792 : i32
    %dma_wait3A_673 = arith.constant 0 : i32
    %dma_wait3A_674 = tpu.memref_slice %arg7[%dma_wait3A_672, %dma_wait3A_673] : memref<6400x8xi32, #tpu.memory_space<vmem>> -> memref<128x8xi32, #tpu.memory_space<vmem>>
    %dma_wait3A_675 = arith.constant 0 : i32
    %dma_wait3A_676 = tpu.memref_slice %arg6[%dma_wait3A_671, %dma_wait3A_675] : memref<50x128xi32, #tpu.memory_space<vmem>> -> memref<1x128xi32, #tpu.memory_space<vmem>>
    %dma_wait3A_677 = tpu.memref_squeeze %dma_wait3A_676 : memref<1x128xi32, #tpu.memory_space<vmem>> -> memref<128xi32, #tpu.memory_space<vmem>>
    %dma_wait3A_678 = arith.constant 0 : i32
    %dma_wait3A_679 = arith.constant 0 : i32
    %dma_wait3A_680 = tpu.memref_slice %arg3[%dma_wait3A_678, %dma_wait3A_679] : memref<1000002x8xi32, #tpu.memory_space<hbm>> -> memref<1000002x8xi32, #tpu.memory_space<hbm>>
    tpu.wait_indirect_dma semaphore(%arg12 : memref<!tpu.dma_semaphore, #tpu.memory_space<semaphore_mem>>) src(%dma_wait3A_680 : memref<1000002x8xi32, #tpu.memory_space<hbm>>) dst(%dma_wait3A_674 : memref<128x8xi32, #tpu.memory_space<vmem>>)
    %dma_wait3A_681 = arith.constant 15 : i32
    %dma_wait3A_682 = arith.constant 1920 : i32
    %dma_wait3A_683 = arith.constant 0 : i32
    %dma_wait3A_684 = tpu.memref_slice %arg7[%dma_wait3A_682, %dma_wait3A_683] : memref<6400x8xi32, #tpu.memory_space<vmem>> -> memref<128x8xi32, #tpu.memory_space<vmem>>
    %dma_wait3A_685 = arith.constant 0 : i32
    %dma_wait3A_686 = tpu.memref_slice %arg6[%dma_wait3A_681, %dma_wait3A_685] : memref<50x128xi32, #tpu.memory_space<vmem>> -> memref<1x128xi32, #tpu.memory_space<vmem>>
    %dma_wait3A_687 = tpu.memref_squeeze %dma_wait3A_686 : memref<1x128xi32, #tpu.memory_space<vmem>> -> memref<128xi32, #tpu.memory_space<vmem>>
    %dma_wait3A_688 = arith.constant 0 : i32
    %dma_wait3A_689 = arith.constant 0 : i32
    %dma_wait3A_690 = tpu.memref_slice %arg3[%dma_wait3A_688, %dma_wait3A_689] : memref<1000002x8xi32, #tpu.memory_space<hbm>> -> memref<1000002x8xi32, #tpu.memory_space<hbm>>
    tpu.wait_indirect_dma semaphore(%arg12 : memref<!tpu.dma_semaphore, #tpu.memory_space<semaphore_mem>>) src(%dma_wait3A_690 : memref<1000002x8xi32, #tpu.memory_space<hbm>>) dst(%dma_wait3A_684 : memref<128x8xi32, #tpu.memory_space<vmem>>)
    %dma_wait3A_691 = arith.constant 16 : i32
    %dma_wait3A_692 = arith.constant 2048 : i32
    %dma_wait3A_693 = arith.constant 0 : i32
    %dma_wait3A_694 = tpu.memref_slice %arg7[%dma_wait3A_692, %dma_wait3A_693] : memref<6400x8xi32, #tpu.memory_space<vmem>> -> memref<128x8xi32, #tpu.memory_space<vmem>>
    %dma_wait3A_695 = arith.constant 0 : i32
    %dma_wait3A_696 = tpu.memref_slice %arg6[%dma_wait3A_691, %dma_wait3A_695] : memref<50x128xi32, #tpu.memory_space<vmem>> -> memref<1x128xi32, #tpu.memory_space<vmem>>
    %dma_wait3A_697 = tpu.memref_squeeze %dma_wait3A_696 : memref<1x128xi32, #tpu.memory_space<vmem>> -> memref<128xi32, #tpu.memory_space<vmem>>
    %dma_wait3A_698 = arith.constant 0 : i32
    %dma_wait3A_699 = arith.constant 0 : i32
    %dma_wait3A_700 = tpu.memref_slice %arg3[%dma_wait3A_698, %dma_wait3A_699] : memref<1000002x8xi32, #tpu.memory_space<hbm>> -> memref<1000002x8xi32, #tpu.memory_space<hbm>>
    tpu.wait_indirect_dma semaphore(%arg12 : memref<!tpu.dma_semaphore, #tpu.memory_space<semaphore_mem>>) src(%dma_wait3A_700 : memref<1000002x8xi32, #tpu.memory_space<hbm>>) dst(%dma_wait3A_694 : memref<128x8xi32, #tpu.memory_space<vmem>>)
    %dma_wait3A_701 = arith.constant 17 : i32
    %dma_wait3A_702 = arith.constant 2176 : i32
    %dma_wait3A_703 = arith.constant 0 : i32
    %dma_wait3A_704 = tpu.memref_slice %arg7[%dma_wait3A_702, %dma_wait3A_703] : memref<6400x8xi32, #tpu.memory_space<vmem>> -> memref<128x8xi32, #tpu.memory_space<vmem>>
    %dma_wait3A_705 = arith.constant 0 : i32
    %dma_wait3A_706 = tpu.memref_slice %arg6[%dma_wait3A_701, %dma_wait3A_705] : memref<50x128xi32, #tpu.memory_space<vmem>> -> memref<1x128xi32, #tpu.memory_space<vmem>>
    %dma_wait3A_707 = tpu.memref_squeeze %dma_wait3A_706 : memref<1x128xi32, #tpu.memory_space<vmem>> -> memref<128xi32, #tpu.memory_space<vmem>>
    %dma_wait3A_708 = arith.constant 0 : i32
    %dma_wait3A_709 = arith.constant 0 : i32
    %dma_wait3A_710 = tpu.memref_slice %arg3[%dma_wait3A_708, %dma_wait3A_709] : memref<1000002x8xi32, #tpu.memory_space<hbm>> -> memref<1000002x8xi32, #tpu.memory_space<hbm>>
    tpu.wait_indirect_dma semaphore(%arg12 : memref<!tpu.dma_semaphore, #tpu.memory_space<semaphore_mem>>) src(%dma_wait3A_710 : memref<1000002x8xi32, #tpu.memory_space<hbm>>) dst(%dma_wait3A_704 : memref<128x8xi32, #tpu.memory_space<vmem>>)
    %dma_wait3A_711 = arith.constant 18 : i32
    %dma_wait3A_712 = arith.constant 2304 : i32
    %dma_wait3A_713 = arith.constant 0 : i32
    %dma_wait3A_714 = tpu.memref_slice %arg7[%dma_wait3A_712, %dma_wait3A_713] : memref<6400x8xi32, #tpu.memory_space<vmem>> -> memref<128x8xi32, #tpu.memory_space<vmem>>
    %dma_wait3A_715 = arith.constant 0 : i32
    %dma_wait3A_716 = tpu.memref_slice %arg6[%dma_wait3A_711, %dma_wait3A_715] : memref<50x128xi32, #tpu.memory_space<vmem>> -> memref<1x128xi32, #tpu.memory_space<vmem>>
    %dma_wait3A_717 = tpu.memref_squeeze %dma_wait3A_716 : memref<1x128xi32, #tpu.memory_space<vmem>> -> memref<128xi32, #tpu.memory_space<vmem>>
    %dma_wait3A_718 = arith.constant 0 : i32
    %dma_wait3A_719 = arith.constant 0 : i32
    %dma_wait3A_720 = tpu.memref_slice %arg3[%dma_wait3A_718, %dma_wait3A_719] : memref<1000002x8xi32, #tpu.memory_space<hbm>> -> memref<1000002x8xi32, #tpu.memory_space<hbm>>
    tpu.wait_indirect_dma semaphore(%arg12 : memref<!tpu.dma_semaphore, #tpu.memory_space<semaphore_mem>>) src(%dma_wait3A_720 : memref<1000002x8xi32, #tpu.memory_space<hbm>>) dst(%dma_wait3A_714 : memref<128x8xi32, #tpu.memory_space<vmem>>)
    %dma_wait3A_721 = arith.constant 19 : i32
    %dma_wait3A_722 = arith.constant 2432 : i32
    %dma_wait3A_723 = arith.constant 0 : i32
    %dma_wait3A_724 = tpu.memref_slice %arg7[%dma_wait3A_722, %dma_wait3A_723] : memref<6400x8xi32, #tpu.memory_space<vmem>> -> memref<128x8xi32, #tpu.memory_space<vmem>>
    %dma_wait3A_725 = arith.constant 0 : i32
    %dma_wait3A_726 = tpu.memref_slice %arg6[%dma_wait3A_721, %dma_wait3A_725] : memref<50x128xi32, #tpu.memory_space<vmem>> -> memref<1x128xi32, #tpu.memory_space<vmem>>
    %dma_wait3A_727 = tpu.memref_squeeze %dma_wait3A_726 : memref<1x128xi32, #tpu.memory_space<vmem>> -> memref<128xi32, #tpu.memory_space<vmem>>
    %dma_wait3A_728 = arith.constant 0 : i32
    %dma_wait3A_729 = arith.constant 0 : i32
    %dma_wait3A_730 = tpu.memref_slice %arg3[%dma_wait3A_728, %dma_wait3A_729] : memref<1000002x8xi32, #tpu.memory_space<hbm>> -> memref<1000002x8xi32, #tpu.memory_space<hbm>>
    tpu.wait_indirect_dma semaphore(%arg12 : memref<!tpu.dma_semaphore, #tpu.memory_space<semaphore_mem>>) src(%dma_wait3A_730 : memref<1000002x8xi32, #tpu.memory_space<hbm>>) dst(%dma_wait3A_724 : memref<128x8xi32, #tpu.memory_space<vmem>>)
    %dma_wait3A_731 = arith.constant 20 : i32
    %dma_wait3A_732 = arith.constant 2560 : i32
    %dma_wait3A_733 = arith.constant 0 : i32
    %dma_wait3A_734 = tpu.memref_slice %arg7[%dma_wait3A_732, %dma_wait3A_733] : memref<6400x8xi32, #tpu.memory_space<vmem>> -> memref<128x8xi32, #tpu.memory_space<vmem>>
    %dma_wait3A_735 = arith.constant 0 : i32
    %dma_wait3A_736 = tpu.memref_slice %arg6[%dma_wait3A_731, %dma_wait3A_735] : memref<50x128xi32, #tpu.memory_space<vmem>> -> memref<1x128xi32, #tpu.memory_space<vmem>>
    %dma_wait3A_737 = tpu.memref_squeeze %dma_wait3A_736 : memref<1x128xi32, #tpu.memory_space<vmem>> -> memref<128xi32, #tpu.memory_space<vmem>>
    %dma_wait3A_738 = arith.constant 0 : i32
    %dma_wait3A_739 = arith.constant 0 : i32
    %dma_wait3A_740 = tpu.memref_slice %arg3[%dma_wait3A_738, %dma_wait3A_739] : memref<1000002x8xi32, #tpu.memory_space<hbm>> -> memref<1000002x8xi32, #tpu.memory_space<hbm>>
    tpu.wait_indirect_dma semaphore(%arg12 : memref<!tpu.dma_semaphore, #tpu.memory_space<semaphore_mem>>) src(%dma_wait3A_740 : memref<1000002x8xi32, #tpu.memory_space<hbm>>) dst(%dma_wait3A_734 : memref<128x8xi32, #tpu.memory_space<vmem>>)
    %dma_wait3A_741 = arith.constant 21 : i32
    %dma_wait3A_742 = arith.constant 2688 : i32
    %dma_wait3A_743 = arith.constant 0 : i32
    %dma_wait3A_744 = tpu.memref_slice %arg7[%dma_wait3A_742, %dma_wait3A_743] : memref<6400x8xi32, #tpu.memory_space<vmem>> -> memref<128x8xi32, #tpu.memory_space<vmem>>
    %dma_wait3A_745 = arith.constant 0 : i32
    %dma_wait3A_746 = tpu.memref_slice %arg6[%dma_wait3A_741, %dma_wait3A_745] : memref<50x128xi32, #tpu.memory_space<vmem>> -> memref<1x128xi32, #tpu.memory_space<vmem>>
    %dma_wait3A_747 = tpu.memref_squeeze %dma_wait3A_746 : memref<1x128xi32, #tpu.memory_space<vmem>> -> memref<128xi32, #tpu.memory_space<vmem>>
    %dma_wait3A_748 = arith.constant 0 : i32
    %dma_wait3A_749 = arith.constant 0 : i32
    %dma_wait3A_750 = tpu.memref_slice %arg3[%dma_wait3A_748, %dma_wait3A_749] : memref<1000002x8xi32, #tpu.memory_space<hbm>> -> memref<1000002x8xi32, #tpu.memory_space<hbm>>
    tpu.wait_indirect_dma semaphore(%arg12 : memref<!tpu.dma_semaphore, #tpu.memory_space<semaphore_mem>>) src(%dma_wait3A_750 : memref<1000002x8xi32, #tpu.memory_space<hbm>>) dst(%dma_wait3A_744 : memref<128x8xi32, #tpu.memory_space<vmem>>)
    %dma_wait3A_751 = arith.constant 22 : i32
    %dma_wait3A_752 = arith.constant 2816 : i32
    %dma_wait3A_753 = arith.constant 0 : i32
    %dma_wait3A_754 = tpu.memref_slice %arg7[%dma_wait3A_752, %dma_wait3A_753] : memref<6400x8xi32, #tpu.memory_space<vmem>> -> memref<128x8xi32, #tpu.memory_space<vmem>>
    %dma_wait3A_755 = arith.constant 0 : i32
    %dma_wait3A_756 = tpu.memref_slice %arg6[%dma_wait3A_751, %dma_wait3A_755] : memref<50x128xi32, #tpu.memory_space<vmem>> -> memref<1x128xi32, #tpu.memory_space<vmem>>
    %dma_wait3A_757 = tpu.memref_squeeze %dma_wait3A_756 : memref<1x128xi32, #tpu.memory_space<vmem>> -> memref<128xi32, #tpu.memory_space<vmem>>
    %dma_wait3A_758 = arith.constant 0 : i32
    %dma_wait3A_759 = arith.constant 0 : i32
    %dma_wait3A_760 = tpu.memref_slice %arg3[%dma_wait3A_758, %dma_wait3A_759] : memref<1000002x8xi32, #tpu.memory_space<hbm>> -> memref<1000002x8xi32, #tpu.memory_space<hbm>>
    tpu.wait_indirect_dma semaphore(%arg12 : memref<!tpu.dma_semaphore, #tpu.memory_space<semaphore_mem>>) src(%dma_wait3A_760 : memref<1000002x8xi32, #tpu.memory_space<hbm>>) dst(%dma_wait3A_754 : memref<128x8xi32, #tpu.memory_space<vmem>>)
    %dma_wait3A_761 = arith.constant 23 : i32
    %dma_wait3A_762 = arith.constant 2944 : i32
    %dma_wait3A_763 = arith.constant 0 : i32
    %dma_wait3A_764 = tpu.memref_slice %arg7[%dma_wait3A_762, %dma_wait3A_763] : memref<6400x8xi32, #tpu.memory_space<vmem>> -> memref<128x8xi32, #tpu.memory_space<vmem>>
    %dma_wait3A_765 = arith.constant 0 : i32
    %dma_wait3A_766 = tpu.memref_slice %arg6[%dma_wait3A_761, %dma_wait3A_765] : memref<50x128xi32, #tpu.memory_space<vmem>> -> memref<1x128xi32, #tpu.memory_space<vmem>>
    %dma_wait3A_767 = tpu.memref_squeeze %dma_wait3A_766 : memref<1x128xi32, #tpu.memory_space<vmem>> -> memref<128xi32, #tpu.memory_space<vmem>>
    %dma_wait3A_768 = arith.constant 0 : i32
    %dma_wait3A_769 = arith.constant 0 : i32
    %dma_wait3A_770 = tpu.memref_slice %arg3[%dma_wait3A_768, %dma_wait3A_769] : memref<1000002x8xi32, #tpu.memory_space<hbm>> -> memref<1000002x8xi32, #tpu.memory_space<hbm>>
    tpu.wait_indirect_dma semaphore(%arg12 : memref<!tpu.dma_semaphore, #tpu.memory_space<semaphore_mem>>) src(%dma_wait3A_770 : memref<1000002x8xi32, #tpu.memory_space<hbm>>) dst(%dma_wait3A_764 : memref<128x8xi32, #tpu.memory_space<vmem>>)
    %dma_wait3A_771 = arith.constant 24 : i32
    %dma_wait3A_772 = arith.constant 3072 : i32
    %dma_wait3A_773 = arith.constant 0 : i32
    %dma_wait3A_774 = tpu.memref_slice %arg7[%dma_wait3A_772, %dma_wait3A_773] : memref<6400x8xi32, #tpu.memory_space<vmem>> -> memref<128x8xi32, #tpu.memory_space<vmem>>
    %dma_wait3A_775 = arith.constant 0 : i32
    %dma_wait3A_776 = tpu.memref_slice %arg6[%dma_wait3A_771, %dma_wait3A_775] : memref<50x128xi32, #tpu.memory_space<vmem>> -> memref<1x128xi32, #tpu.memory_space<vmem>>
    %dma_wait3A_777 = tpu.memref_squeeze %dma_wait3A_776 : memref<1x128xi32, #tpu.memory_space<vmem>> -> memref<128xi32, #tpu.memory_space<vmem>>
    %dma_wait3A_778 = arith.constant 0 : i32
    %dma_wait3A_779 = arith.constant 0 : i32
    %dma_wait3A_780 = tpu.memref_slice %arg3[%dma_wait3A_778, %dma_wait3A_779] : memref<1000002x8xi32, #tpu.memory_space<hbm>> -> memref<1000002x8xi32, #tpu.memory_space<hbm>>
    tpu.wait_indirect_dma semaphore(%arg12 : memref<!tpu.dma_semaphore, #tpu.memory_space<semaphore_mem>>) src(%dma_wait3A_780 : memref<1000002x8xi32, #tpu.memory_space<hbm>>) dst(%dma_wait3A_774 : memref<128x8xi32, #tpu.memory_space<vmem>>)
    %dma_wait3A_781 = arith.constant 25 : i32
    %dma_wait3A_782 = arith.constant 3200 : i32
    %dma_wait3A_783 = arith.constant 0 : i32
    %dma_wait3A_784 = tpu.memref_slice %arg7[%dma_wait3A_782, %dma_wait3A_783] : memref<6400x8xi32, #tpu.memory_space<vmem>> -> memref<128x8xi32, #tpu.memory_space<vmem>>
    %dma_wait3A_785 = arith.constant 0 : i32
    %dma_wait3A_786 = tpu.memref_slice %arg6[%dma_wait3A_781, %dma_wait3A_785] : memref<50x128xi32, #tpu.memory_space<vmem>> -> memref<1x128xi32, #tpu.memory_space<vmem>>
    %dma_wait3A_787 = tpu.memref_squeeze %dma_wait3A_786 : memref<1x128xi32, #tpu.memory_space<vmem>> -> memref<128xi32, #tpu.memory_space<vmem>>
    %dma_wait3A_788 = arith.constant 0 : i32
    %dma_wait3A_789 = arith.constant 0 : i32
    %dma_wait3A_790 = tpu.memref_slice %arg3[%dma_wait3A_788, %dma_wait3A_789] : memref<1000002x8xi32, #tpu.memory_space<hbm>> -> memref<1000002x8xi32, #tpu.memory_space<hbm>>
    tpu.wait_indirect_dma semaphore(%arg12 : memref<!tpu.dma_semaphore, #tpu.memory_space<semaphore_mem>>) src(%dma_wait3A_790 : memref<1000002x8xi32, #tpu.memory_space<hbm>>) dst(%dma_wait3A_784 : memref<128x8xi32, #tpu.memory_space<vmem>>)
    %dma_wait3A_791 = arith.constant 26 : i32
    %dma_wait3A_792 = arith.constant 3328 : i32
    %dma_wait3A_793 = arith.constant 0 : i32
    %dma_wait3A_794 = tpu.memref_slice %arg7[%dma_wait3A_792, %dma_wait3A_793] : memref<6400x8xi32, #tpu.memory_space<vmem>> -> memref<128x8xi32, #tpu.memory_space<vmem>>
    %dma_wait3A_795 = arith.constant 0 : i32
    %dma_wait3A_796 = tpu.memref_slice %arg6[%dma_wait3A_791, %dma_wait3A_795] : memref<50x128xi32, #tpu.memory_space<vmem>> -> memref<1x128xi32, #tpu.memory_space<vmem>>
    %dma_wait3A_797 = tpu.memref_squeeze %dma_wait3A_796 : memref<1x128xi32, #tpu.memory_space<vmem>> -> memref<128xi32, #tpu.memory_space<vmem>>
    %dma_wait3A_798 = arith.constant 0 : i32
    %dma_wait3A_799 = arith.constant 0 : i32
    %dma_wait3A_800 = tpu.memref_slice %arg3[%dma_wait3A_798, %dma_wait3A_799] : memref<1000002x8xi32, #tpu.memory_space<hbm>> -> memref<1000002x8xi32, #tpu.memory_space<hbm>>
    tpu.wait_indirect_dma semaphore(%arg12 : memref<!tpu.dma_semaphore, #tpu.memory_space<semaphore_mem>>) src(%dma_wait3A_800 : memref<1000002x8xi32, #tpu.memory_space<hbm>>) dst(%dma_wait3A_794 : memref<128x8xi32, #tpu.memory_space<vmem>>)
    %dma_wait3A_801 = arith.constant 27 : i32
    %dma_wait3A_802 = arith.constant 3456 : i32
    %dma_wait3A_803 = arith.constant 0 : i32
    %dma_wait3A_804 = tpu.memref_slice %arg7[%dma_wait3A_802, %dma_wait3A_803] : memref<6400x8xi32, #tpu.memory_space<vmem>> -> memref<128x8xi32, #tpu.memory_space<vmem>>
    %dma_wait3A_805 = arith.constant 0 : i32
    %dma_wait3A_806 = tpu.memref_slice %arg6[%dma_wait3A_801, %dma_wait3A_805] : memref<50x128xi32, #tpu.memory_space<vmem>> -> memref<1x128xi32, #tpu.memory_space<vmem>>
    %dma_wait3A_807 = tpu.memref_squeeze %dma_wait3A_806 : memref<1x128xi32, #tpu.memory_space<vmem>> -> memref<128xi32, #tpu.memory_space<vmem>>
    %dma_wait3A_808 = arith.constant 0 : i32
    %dma_wait3A_809 = arith.constant 0 : i32
    %dma_wait3A_810 = tpu.memref_slice %arg3[%dma_wait3A_808, %dma_wait3A_809] : memref<1000002x8xi32, #tpu.memory_space<hbm>> -> memref<1000002x8xi32, #tpu.memory_space<hbm>>
    tpu.wait_indirect_dma semaphore(%arg12 : memref<!tpu.dma_semaphore, #tpu.memory_space<semaphore_mem>>) src(%dma_wait3A_810 : memref<1000002x8xi32, #tpu.memory_space<hbm>>) dst(%dma_wait3A_804 : memref<128x8xi32, #tpu.memory_space<vmem>>)
    %dma_wait3A_811 = arith.constant 28 : i32
    %dma_wait3A_812 = arith.constant 3584 : i32
    %dma_wait3A_813 = arith.constant 0 : i32
    %dma_wait3A_814 = tpu.memref_slice %arg7[%dma_wait3A_812, %dma_wait3A_813] : memref<6400x8xi32, #tpu.memory_space<vmem>> -> memref<128x8xi32, #tpu.memory_space<vmem>>
    %dma_wait3A_815 = arith.constant 0 : i32
    %dma_wait3A_816 = tpu.memref_slice %arg6[%dma_wait3A_811, %dma_wait3A_815] : memref<50x128xi32, #tpu.memory_space<vmem>> -> memref<1x128xi32, #tpu.memory_space<vmem>>
    %dma_wait3A_817 = tpu.memref_squeeze %dma_wait3A_816 : memref<1x128xi32, #tpu.memory_space<vmem>> -> memref<128xi32, #tpu.memory_space<vmem>>
    %dma_wait3A_818 = arith.constant 0 : i32
    %dma_wait3A_819 = arith.constant 0 : i32
    %dma_wait3A_820 = tpu.memref_slice %arg3[%dma_wait3A_818, %dma_wait3A_819] : memref<1000002x8xi32, #tpu.memory_space<hbm>> -> memref<1000002x8xi32, #tpu.memory_space<hbm>>
    tpu.wait_indirect_dma semaphore(%arg12 : memref<!tpu.dma_semaphore, #tpu.memory_space<semaphore_mem>>) src(%dma_wait3A_820 : memref<1000002x8xi32, #tpu.memory_space<hbm>>) dst(%dma_wait3A_814 : memref<128x8xi32, #tpu.memory_space<vmem>>)
    %dma_wait3A_821 = arith.constant 29 : i32
    %dma_wait3A_822 = arith.constant 3712 : i32
    %dma_wait3A_823 = arith.constant 0 : i32
    %dma_wait3A_824 = tpu.memref_slice %arg7[%dma_wait3A_822, %dma_wait3A_823] : memref<6400x8xi32, #tpu.memory_space<vmem>> -> memref<128x8xi32, #tpu.memory_space<vmem>>
    %dma_wait3A_825 = arith.constant 0 : i32
    %dma_wait3A_826 = tpu.memref_slice %arg6[%dma_wait3A_821, %dma_wait3A_825] : memref<50x128xi32, #tpu.memory_space<vmem>> -> memref<1x128xi32, #tpu.memory_space<vmem>>
    %dma_wait3A_827 = tpu.memref_squeeze %dma_wait3A_826 : memref<1x128xi32, #tpu.memory_space<vmem>> -> memref<128xi32, #tpu.memory_space<vmem>>
    %dma_wait3A_828 = arith.constant 0 : i32
    %dma_wait3A_829 = arith.constant 0 : i32
    %dma_wait3A_830 = tpu.memref_slice %arg3[%dma_wait3A_828, %dma_wait3A_829] : memref<1000002x8xi32, #tpu.memory_space<hbm>> -> memref<1000002x8xi32, #tpu.memory_space<hbm>>
    tpu.wait_indirect_dma semaphore(%arg12 : memref<!tpu.dma_semaphore, #tpu.memory_space<semaphore_mem>>) src(%dma_wait3A_830 : memref<1000002x8xi32, #tpu.memory_space<hbm>>) dst(%dma_wait3A_824 : memref<128x8xi32, #tpu.memory_space<vmem>>)
    %dma_wait3A_831 = arith.constant 30 : i32
    %dma_wait3A_832 = arith.constant 3840 : i32
    %dma_wait3A_833 = arith.constant 0 : i32
    %dma_wait3A_834 = tpu.memref_slice %arg7[%dma_wait3A_832, %dma_wait3A_833] : memref<6400x8xi32, #tpu.memory_space<vmem>> -> memref<128x8xi32, #tpu.memory_space<vmem>>
    %dma_wait3A_835 = arith.constant 0 : i32
    %dma_wait3A_836 = tpu.memref_slice %arg6[%dma_wait3A_831, %dma_wait3A_835] : memref<50x128xi32, #tpu.memory_space<vmem>> -> memref<1x128xi32, #tpu.memory_space<vmem>>
    %dma_wait3A_837 = tpu.memref_squeeze %dma_wait3A_836 : memref<1x128xi32, #tpu.memory_space<vmem>> -> memref<128xi32, #tpu.memory_space<vmem>>
    %dma_wait3A_838 = arith.constant 0 : i32
    %dma_wait3A_839 = arith.constant 0 : i32
    %dma_wait3A_840 = tpu.memref_slice %arg3[%dma_wait3A_838, %dma_wait3A_839] : memref<1000002x8xi32, #tpu.memory_space<hbm>> -> memref<1000002x8xi32, #tpu.memory_space<hbm>>
    tpu.wait_indirect_dma semaphore(%arg12 : memref<!tpu.dma_semaphore, #tpu.memory_space<semaphore_mem>>) src(%dma_wait3A_840 : memref<1000002x8xi32, #tpu.memory_space<hbm>>) dst(%dma_wait3A_834 : memref<128x8xi32, #tpu.memory_space<vmem>>)
    %dma_wait3A_841 = arith.constant 31 : i32
    %dma_wait3A_842 = arith.constant 3968 : i32
    %dma_wait3A_843 = arith.constant 0 : i32
    %dma_wait3A_844 = tpu.memref_slice %arg7[%dma_wait3A_842, %dma_wait3A_843] : memref<6400x8xi32, #tpu.memory_space<vmem>> -> memref<128x8xi32, #tpu.memory_space<vmem>>
    %dma_wait3A_845 = arith.constant 0 : i32
    %dma_wait3A_846 = tpu.memref_slice %arg6[%dma_wait3A_841, %dma_wait3A_845] : memref<50x128xi32, #tpu.memory_space<vmem>> -> memref<1x128xi32, #tpu.memory_space<vmem>>
    %dma_wait3A_847 = tpu.memref_squeeze %dma_wait3A_846 : memref<1x128xi32, #tpu.memory_space<vmem>> -> memref<128xi32, #tpu.memory_space<vmem>>
    %dma_wait3A_848 = arith.constant 0 : i32
    %dma_wait3A_849 = arith.constant 0 : i32
    %dma_wait3A_850 = tpu.memref_slice %arg3[%dma_wait3A_848, %dma_wait3A_849] : memref<1000002x8xi32, #tpu.memory_space<hbm>> -> memref<1000002x8xi32, #tpu.memory_space<hbm>>
    tpu.wait_indirect_dma semaphore(%arg12 : memref<!tpu.dma_semaphore, #tpu.memory_space<semaphore_mem>>) src(%dma_wait3A_850 : memref<1000002x8xi32, #tpu.memory_space<hbm>>) dst(%dma_wait3A_844 : memref<128x8xi32, #tpu.memory_space<vmem>>)
    %dma_wait3A_851 = arith.constant 32 : i32
    %dma_wait3A_852 = arith.constant 4096 : i32
    %dma_wait3A_853 = arith.constant 0 : i32
    %dma_wait3A_854 = tpu.memref_slice %arg7[%dma_wait3A_852, %dma_wait3A_853] : memref<6400x8xi32, #tpu.memory_space<vmem>> -> memref<128x8xi32, #tpu.memory_space<vmem>>
    %dma_wait3A_855 = arith.constant 0 : i32
    %dma_wait3A_856 = tpu.memref_slice %arg6[%dma_wait3A_851, %dma_wait3A_855] : memref<50x128xi32, #tpu.memory_space<vmem>> -> memref<1x128xi32, #tpu.memory_space<vmem>>
    %dma_wait3A_857 = tpu.memref_squeeze %dma_wait3A_856 : memref<1x128xi32, #tpu.memory_space<vmem>> -> memref<128xi32, #tpu.memory_space<vmem>>
    %dma_wait3A_858 = arith.constant 0 : i32
    %dma_wait3A_859 = arith.constant 0 : i32
    %dma_wait3A_860 = tpu.memref_slice %arg3[%dma_wait3A_858, %dma_wait3A_859] : memref<1000002x8xi32, #tpu.memory_space<hbm>> -> memref<1000002x8xi32, #tpu.memory_space<hbm>>
    tpu.wait_indirect_dma semaphore(%arg12 : memref<!tpu.dma_semaphore, #tpu.memory_space<semaphore_mem>>) src(%dma_wait3A_860 : memref<1000002x8xi32, #tpu.memory_space<hbm>>) dst(%dma_wait3A_854 : memref<128x8xi32, #tpu.memory_space<vmem>>)
    %dma_wait3A_861 = arith.constant 33 : i32
    %dma_wait3A_862 = arith.constant 4224 : i32
    %dma_wait3A_863 = arith.constant 0 : i32
    %dma_wait3A_864 = tpu.memref_slice %arg7[%dma_wait3A_862, %dma_wait3A_863] : memref<6400x8xi32, #tpu.memory_space<vmem>> -> memref<128x8xi32, #tpu.memory_space<vmem>>
    %dma_wait3A_865 = arith.constant 0 : i32
    %dma_wait3A_866 = tpu.memref_slice %arg6[%dma_wait3A_861, %dma_wait3A_865] : memref<50x128xi32, #tpu.memory_space<vmem>> -> memref<1x128xi32, #tpu.memory_space<vmem>>
    %dma_wait3A_867 = tpu.memref_squeeze %dma_wait3A_866 : memref<1x128xi32, #tpu.memory_space<vmem>> -> memref<128xi32, #tpu.memory_space<vmem>>
    %dma_wait3A_868 = arith.constant 0 : i32
    %dma_wait3A_869 = arith.constant 0 : i32
    %dma_wait3A_870 = tpu.memref_slice %arg3[%dma_wait3A_868, %dma_wait3A_869] : memref<1000002x8xi32, #tpu.memory_space<hbm>> -> memref<1000002x8xi32, #tpu.memory_space<hbm>>
    tpu.wait_indirect_dma semaphore(%arg12 : memref<!tpu.dma_semaphore, #tpu.memory_space<semaphore_mem>>) src(%dma_wait3A_870 : memref<1000002x8xi32, #tpu.memory_space<hbm>>) dst(%dma_wait3A_864 : memref<128x8xi32, #tpu.memory_space<vmem>>)
    %dma_wait3A_871 = arith.constant 34 : i32
    %dma_wait3A_872 = arith.constant 4352 : i32
    %dma_wait3A_873 = arith.constant 0 : i32
    %dma_wait3A_874 = tpu.memref_slice %arg7[%dma_wait3A_872, %dma_wait3A_873] : memref<6400x8xi32, #tpu.memory_space<vmem>> -> memref<128x8xi32, #tpu.memory_space<vmem>>
    %dma_wait3A_875 = arith.constant 0 : i32
    %dma_wait3A_876 = tpu.memref_slice %arg6[%dma_wait3A_871, %dma_wait3A_875] : memref<50x128xi32, #tpu.memory_space<vmem>> -> memref<1x128xi32, #tpu.memory_space<vmem>>
    %dma_wait3A_877 = tpu.memref_squeeze %dma_wait3A_876 : memref<1x128xi32, #tpu.memory_space<vmem>> -> memref<128xi32, #tpu.memory_space<vmem>>
    %dma_wait3A_878 = arith.constant 0 : i32
    %dma_wait3A_879 = arith.constant 0 : i32
    %dma_wait3A_880 = tpu.memref_slice %arg3[%dma_wait3A_878, %dma_wait3A_879] : memref<1000002x8xi32, #tpu.memory_space<hbm>> -> memref<1000002x8xi32, #tpu.memory_space<hbm>>
    tpu.wait_indirect_dma semaphore(%arg12 : memref<!tpu.dma_semaphore, #tpu.memory_space<semaphore_mem>>) src(%dma_wait3A_880 : memref<1000002x8xi32, #tpu.memory_space<hbm>>) dst(%dma_wait3A_874 : memref<128x8xi32, #tpu.memory_space<vmem>>)
    %dma_wait3A_881 = arith.constant 35 : i32
    %dma_wait3A_882 = arith.constant 4480 : i32
    %dma_wait3A_883 = arith.constant 0 : i32
    %dma_wait3A_884 = tpu.memref_slice %arg7[%dma_wait3A_882, %dma_wait3A_883] : memref<6400x8xi32, #tpu.memory_space<vmem>> -> memref<128x8xi32, #tpu.memory_space<vmem>>
    %dma_wait3A_885 = arith.constant 0 : i32
    %dma_wait3A_886 = tpu.memref_slice %arg6[%dma_wait3A_881, %dma_wait3A_885] : memref<50x128xi32, #tpu.memory_space<vmem>> -> memref<1x128xi32, #tpu.memory_space<vmem>>
    %dma_wait3A_887 = tpu.memref_squeeze %dma_wait3A_886 : memref<1x128xi32, #tpu.memory_space<vmem>> -> memref<128xi32, #tpu.memory_space<vmem>>
    %dma_wait3A_888 = arith.constant 0 : i32
    %dma_wait3A_889 = arith.constant 0 : i32
    %dma_wait3A_890 = tpu.memref_slice %arg3[%dma_wait3A_888, %dma_wait3A_889] : memref<1000002x8xi32, #tpu.memory_space<hbm>> -> memref<1000002x8xi32, #tpu.memory_space<hbm>>
    tpu.wait_indirect_dma semaphore(%arg12 : memref<!tpu.dma_semaphore, #tpu.memory_space<semaphore_mem>>) src(%dma_wait3A_890 : memref<1000002x8xi32, #tpu.memory_space<hbm>>) dst(%dma_wait3A_884 : memref<128x8xi32, #tpu.memory_space<vmem>>)
    %dma_wait3A_891 = arith.constant 36 : i32
    %dma_wait3A_892 = arith.constant 4608 : i32
    %dma_wait3A_893 = arith.constant 0 : i32
    %dma_wait3A_894 = tpu.memref_slice %arg7[%dma_wait3A_892, %dma_wait3A_893] : memref<6400x8xi32, #tpu.memory_space<vmem>> -> memref<128x8xi32, #tpu.memory_space<vmem>>
    %dma_wait3A_895 = arith.constant 0 : i32
    %dma_wait3A_896 = tpu.memref_slice %arg6[%dma_wait3A_891, %dma_wait3A_895] : memref<50x128xi32, #tpu.memory_space<vmem>> -> memref<1x128xi32, #tpu.memory_space<vmem>>
    %dma_wait3A_897 = tpu.memref_squeeze %dma_wait3A_896 : memref<1x128xi32, #tpu.memory_space<vmem>> -> memref<128xi32, #tpu.memory_space<vmem>>
    %dma_wait3A_898 = arith.constant 0 : i32
    %dma_wait3A_899 = arith.constant 0 : i32
    %dma_wait3A_900 = tpu.memref_slice %arg3[%dma_wait3A_898, %dma_wait3A_899] : memref<1000002x8xi32, #tpu.memory_space<hbm>> -> memref<1000002x8xi32, #tpu.memory_space<hbm>>
    tpu.wait_indirect_dma semaphore(%arg12 : memref<!tpu.dma_semaphore, #tpu.memory_space<semaphore_mem>>) src(%dma_wait3A_900 : memref<1000002x8xi32, #tpu.memory_space<hbm>>) dst(%dma_wait3A_894 : memref<128x8xi32, #tpu.memory_space<vmem>>)
    %dma_wait3A_901 = arith.constant 37 : i32
    %dma_wait3A_902 = arith.constant 4736 : i32
    %dma_wait3A_903 = arith.constant 0 : i32
    %dma_wait3A_904 = tpu.memref_slice %arg7[%dma_wait3A_902, %dma_wait3A_903] : memref<6400x8xi32, #tpu.memory_space<vmem>> -> memref<128x8xi32, #tpu.memory_space<vmem>>
    %dma_wait3A_905 = arith.constant 0 : i32
    %dma_wait3A_906 = tpu.memref_slice %arg6[%dma_wait3A_901, %dma_wait3A_905] : memref<50x128xi32, #tpu.memory_space<vmem>> -> memref<1x128xi32, #tpu.memory_space<vmem>>
    %dma_wait3A_907 = tpu.memref_squeeze %dma_wait3A_906 : memref<1x128xi32, #tpu.memory_space<vmem>> -> memref<128xi32, #tpu.memory_space<vmem>>
    %dma_wait3A_908 = arith.constant 0 : i32
    %dma_wait3A_909 = arith.constant 0 : i32
    %dma_wait3A_910 = tpu.memref_slice %arg3[%dma_wait3A_908, %dma_wait3A_909] : memref<1000002x8xi32, #tpu.memory_space<hbm>> -> memref<1000002x8xi32, #tpu.memory_space<hbm>>
    tpu.wait_indirect_dma semaphore(%arg12 : memref<!tpu.dma_semaphore, #tpu.memory_space<semaphore_mem>>) src(%dma_wait3A_910 : memref<1000002x8xi32, #tpu.memory_space<hbm>>) dst(%dma_wait3A_904 : memref<128x8xi32, #tpu.memory_space<vmem>>)
    %dma_wait3A_911 = arith.constant 38 : i32
    %dma_wait3A_912 = arith.constant 4864 : i32
    %dma_wait3A_913 = arith.constant 0 : i32
    %dma_wait3A_914 = tpu.memref_slice %arg7[%dma_wait3A_912, %dma_wait3A_913] : memref<6400x8xi32, #tpu.memory_space<vmem>> -> memref<128x8xi32, #tpu.memory_space<vmem>>
    %dma_wait3A_915 = arith.constant 0 : i32
    %dma_wait3A_916 = tpu.memref_slice %arg6[%dma_wait3A_911, %dma_wait3A_915] : memref<50x128xi32, #tpu.memory_space<vmem>> -> memref<1x128xi32, #tpu.memory_space<vmem>>
    %dma_wait3A_917 = tpu.memref_squeeze %dma_wait3A_916 : memref<1x128xi32, #tpu.memory_space<vmem>> -> memref<128xi32, #tpu.memory_space<vmem>>
    %dma_wait3A_918 = arith.constant 0 : i32
    %dma_wait3A_919 = arith.constant 0 : i32
    %dma_wait3A_920 = tpu.memref_slice %arg3[%dma_wait3A_918, %dma_wait3A_919] : memref<1000002x8xi32, #tpu.memory_space<hbm>> -> memref<1000002x8xi32, #tpu.memory_space<hbm>>
    tpu.wait_indirect_dma semaphore(%arg12 : memref<!tpu.dma_semaphore, #tpu.memory_space<semaphore_mem>>) src(%dma_wait3A_920 : memref<1000002x8xi32, #tpu.memory_space<hbm>>) dst(%dma_wait3A_914 : memref<128x8xi32, #tpu.memory_space<vmem>>)
    %dma_wait3A_921 = arith.constant 39 : i32
    %dma_wait3A_922 = arith.constant 4992 : i32
    %dma_wait3A_923 = arith.constant 0 : i32
    %dma_wait3A_924 = tpu.memref_slice %arg7[%dma_wait3A_922, %dma_wait3A_923] : memref<6400x8xi32, #tpu.memory_space<vmem>> -> memref<128x8xi32, #tpu.memory_space<vmem>>
    %dma_wait3A_925 = arith.constant 0 : i32
    %dma_wait3A_926 = tpu.memref_slice %arg6[%dma_wait3A_921, %dma_wait3A_925] : memref<50x128xi32, #tpu.memory_space<vmem>> -> memref<1x128xi32, #tpu.memory_space<vmem>>
    %dma_wait3A_927 = tpu.memref_squeeze %dma_wait3A_926 : memref<1x128xi32, #tpu.memory_space<vmem>> -> memref<128xi32, #tpu.memory_space<vmem>>
    %dma_wait3A_928 = arith.constant 0 : i32
    %dma_wait3A_929 = arith.constant 0 : i32
    %dma_wait3A_930 = tpu.memref_slice %arg3[%dma_wait3A_928, %dma_wait3A_929] : memref<1000002x8xi32, #tpu.memory_space<hbm>> -> memref<1000002x8xi32, #tpu.memory_space<hbm>>
    tpu.wait_indirect_dma semaphore(%arg12 : memref<!tpu.dma_semaphore, #tpu.memory_space<semaphore_mem>>) src(%dma_wait3A_930 : memref<1000002x8xi32, #tpu.memory_space<hbm>>) dst(%dma_wait3A_924 : memref<128x8xi32, #tpu.memory_space<vmem>>)
    %dma_wait3A_931 = arith.constant 40 : i32
    %dma_wait3A_932 = arith.constant 5120 : i32
    %dma_wait3A_933 = arith.constant 0 : i32
    %dma_wait3A_934 = tpu.memref_slice %arg7[%dma_wait3A_932, %dma_wait3A_933] : memref<6400x8xi32, #tpu.memory_space<vmem>> -> memref<128x8xi32, #tpu.memory_space<vmem>>
    %dma_wait3A_935 = arith.constant 0 : i32
    %dma_wait3A_936 = tpu.memref_slice %arg6[%dma_wait3A_931, %dma_wait3A_935] : memref<50x128xi32, #tpu.memory_space<vmem>> -> memref<1x128xi32, #tpu.memory_space<vmem>>
    %dma_wait3A_937 = tpu.memref_squeeze %dma_wait3A_936 : memref<1x128xi32, #tpu.memory_space<vmem>> -> memref<128xi32, #tpu.memory_space<vmem>>
    %dma_wait3A_938 = arith.constant 0 : i32
    %dma_wait3A_939 = arith.constant 0 : i32
    %dma_wait3A_940 = tpu.memref_slice %arg3[%dma_wait3A_938, %dma_wait3A_939] : memref<1000002x8xi32, #tpu.memory_space<hbm>> -> memref<1000002x8xi32, #tpu.memory_space<hbm>>
    tpu.wait_indirect_dma semaphore(%arg12 : memref<!tpu.dma_semaphore, #tpu.memory_space<semaphore_mem>>) src(%dma_wait3A_940 : memref<1000002x8xi32, #tpu.memory_space<hbm>>) dst(%dma_wait3A_934 : memref<128x8xi32, #tpu.memory_space<vmem>>)
    %dma_wait3A_941 = arith.constant 41 : i32
    %dma_wait3A_942 = arith.constant 5248 : i32
    %dma_wait3A_943 = arith.constant 0 : i32
    %dma_wait3A_944 = tpu.memref_slice %arg7[%dma_wait3A_942, %dma_wait3A_943] : memref<6400x8xi32, #tpu.memory_space<vmem>> -> memref<128x8xi32, #tpu.memory_space<vmem>>
    %dma_wait3A_945 = arith.constant 0 : i32
    %dma_wait3A_946 = tpu.memref_slice %arg6[%dma_wait3A_941, %dma_wait3A_945] : memref<50x128xi32, #tpu.memory_space<vmem>> -> memref<1x128xi32, #tpu.memory_space<vmem>>
    %dma_wait3A_947 = tpu.memref_squeeze %dma_wait3A_946 : memref<1x128xi32, #tpu.memory_space<vmem>> -> memref<128xi32, #tpu.memory_space<vmem>>
    %dma_wait3A_948 = arith.constant 0 : i32
    %dma_wait3A_949 = arith.constant 0 : i32
    %dma_wait3A_950 = tpu.memref_slice %arg3[%dma_wait3A_948, %dma_wait3A_949] : memref<1000002x8xi32, #tpu.memory_space<hbm>> -> memref<1000002x8xi32, #tpu.memory_space<hbm>>
    tpu.wait_indirect_dma semaphore(%arg12 : memref<!tpu.dma_semaphore, #tpu.memory_space<semaphore_mem>>) src(%dma_wait3A_950 : memref<1000002x8xi32, #tpu.memory_space<hbm>>) dst(%dma_wait3A_944 : memref<128x8xi32, #tpu.memory_space<vmem>>)
    %dma_wait3A_951 = arith.constant 42 : i32
    %dma_wait3A_952 = arith.constant 5376 : i32
    %dma_wait3A_953 = arith.constant 0 : i32
    %dma_wait3A_954 = tpu.memref_slice %arg7[%dma_wait3A_952, %dma_wait3A_953] : memref<6400x8xi32, #tpu.memory_space<vmem>> -> memref<128x8xi32, #tpu.memory_space<vmem>>
    %dma_wait3A_955 = arith.constant 0 : i32
    %dma_wait3A_956 = tpu.memref_slice %arg6[%dma_wait3A_951, %dma_wait3A_955] : memref<50x128xi32, #tpu.memory_space<vmem>> -> memref<1x128xi32, #tpu.memory_space<vmem>>
    %dma_wait3A_957 = tpu.memref_squeeze %dma_wait3A_956 : memref<1x128xi32, #tpu.memory_space<vmem>> -> memref<128xi32, #tpu.memory_space<vmem>>
    %dma_wait3A_958 = arith.constant 0 : i32
    %dma_wait3A_959 = arith.constant 0 : i32
    %dma_wait3A_960 = tpu.memref_slice %arg3[%dma_wait3A_958, %dma_wait3A_959] : memref<1000002x8xi32, #tpu.memory_space<hbm>> -> memref<1000002x8xi32, #tpu.memory_space<hbm>>
    tpu.wait_indirect_dma semaphore(%arg12 : memref<!tpu.dma_semaphore, #tpu.memory_space<semaphore_mem>>) src(%dma_wait3A_960 : memref<1000002x8xi32, #tpu.memory_space<hbm>>) dst(%dma_wait3A_954 : memref<128x8xi32, #tpu.memory_space<vmem>>)
    %dma_wait3A_961 = arith.constant 43 : i32
    %dma_wait3A_962 = arith.constant 5504 : i32
    %dma_wait3A_963 = arith.constant 0 : i32
    %dma_wait3A_964 = tpu.memref_slice %arg7[%dma_wait3A_962, %dma_wait3A_963] : memref<6400x8xi32, #tpu.memory_space<vmem>> -> memref<128x8xi32, #tpu.memory_space<vmem>>
    %dma_wait3A_965 = arith.constant 0 : i32
    %dma_wait3A_966 = tpu.memref_slice %arg6[%dma_wait3A_961, %dma_wait3A_965] : memref<50x128xi32, #tpu.memory_space<vmem>> -> memref<1x128xi32, #tpu.memory_space<vmem>>
    %dma_wait3A_967 = tpu.memref_squeeze %dma_wait3A_966 : memref<1x128xi32, #tpu.memory_space<vmem>> -> memref<128xi32, #tpu.memory_space<vmem>>
    %dma_wait3A_968 = arith.constant 0 : i32
    %dma_wait3A_969 = arith.constant 0 : i32
    %dma_wait3A_970 = tpu.memref_slice %arg3[%dma_wait3A_968, %dma_wait3A_969] : memref<1000002x8xi32, #tpu.memory_space<hbm>> -> memref<1000002x8xi32, #tpu.memory_space<hbm>>
    tpu.wait_indirect_dma semaphore(%arg12 : memref<!tpu.dma_semaphore, #tpu.memory_space<semaphore_mem>>) src(%dma_wait3A_970 : memref<1000002x8xi32, #tpu.memory_space<hbm>>) dst(%dma_wait3A_964 : memref<128x8xi32, #tpu.memory_space<vmem>>)
    %dma_wait3A_971 = arith.constant 44 : i32
    %dma_wait3A_972 = arith.constant 5632 : i32
    %dma_wait3A_973 = arith.constant 0 : i32
    %dma_wait3A_974 = tpu.memref_slice %arg7[%dma_wait3A_972, %dma_wait3A_973] : memref<6400x8xi32, #tpu.memory_space<vmem>> -> memref<128x8xi32, #tpu.memory_space<vmem>>
    %dma_wait3A_975 = arith.constant 0 : i32
    %dma_wait3A_976 = tpu.memref_slice %arg6[%dma_wait3A_971, %dma_wait3A_975] : memref<50x128xi32, #tpu.memory_space<vmem>> -> memref<1x128xi32, #tpu.memory_space<vmem>>
    %dma_wait3A_977 = tpu.memref_squeeze %dma_wait3A_976 : memref<1x128xi32, #tpu.memory_space<vmem>> -> memref<128xi32, #tpu.memory_space<vmem>>
    %dma_wait3A_978 = arith.constant 0 : i32
    %dma_wait3A_979 = arith.constant 0 : i32
    %dma_wait3A_980 = tpu.memref_slice %arg3[%dma_wait3A_978, %dma_wait3A_979] : memref<1000002x8xi32, #tpu.memory_space<hbm>> -> memref<1000002x8xi32, #tpu.memory_space<hbm>>
    tpu.wait_indirect_dma semaphore(%arg12 : memref<!tpu.dma_semaphore, #tpu.memory_space<semaphore_mem>>) src(%dma_wait3A_980 : memref<1000002x8xi32, #tpu.memory_space<hbm>>) dst(%dma_wait3A_974 : memref<128x8xi32, #tpu.memory_space<vmem>>)
    %dma_wait3A_981 = arith.constant 45 : i32
    %dma_wait3A_982 = arith.constant 5760 : i32
    %dma_wait3A_983 = arith.constant 0 : i32
    %dma_wait3A_984 = tpu.memref_slice %arg7[%dma_wait3A_982, %dma_wait3A_983] : memref<6400x8xi32, #tpu.memory_space<vmem>> -> memref<128x8xi32, #tpu.memory_space<vmem>>
    %dma_wait3A_985 = arith.constant 0 : i32
    %dma_wait3A_986 = tpu.memref_slice %arg6[%dma_wait3A_981, %dma_wait3A_985] : memref<50x128xi32, #tpu.memory_space<vmem>> -> memref<1x128xi32, #tpu.memory_space<vmem>>
    %dma_wait3A_987 = tpu.memref_squeeze %dma_wait3A_986 : memref<1x128xi32, #tpu.memory_space<vmem>> -> memref<128xi32, #tpu.memory_space<vmem>>
    %dma_wait3A_988 = arith.constant 0 : i32
    %dma_wait3A_989 = arith.constant 0 : i32
    %dma_wait3A_990 = tpu.memref_slice %arg3[%dma_wait3A_988, %dma_wait3A_989] : memref<1000002x8xi32, #tpu.memory_space<hbm>> -> memref<1000002x8xi32, #tpu.memory_space<hbm>>
    tpu.wait_indirect_dma semaphore(%arg12 : memref<!tpu.dma_semaphore, #tpu.memory_space<semaphore_mem>>) src(%dma_wait3A_990 : memref<1000002x8xi32, #tpu.memory_space<hbm>>) dst(%dma_wait3A_984 : memref<128x8xi32, #tpu.memory_space<vmem>>)
    %dma_wait3A_991 = arith.constant 46 : i32
    %dma_wait3A_992 = arith.constant 5888 : i32
    %dma_wait3A_993 = arith.constant 0 : i32
    %dma_wait3A_994 = tpu.memref_slice %arg7[%dma_wait3A_992, %dma_wait3A_993] : memref<6400x8xi32, #tpu.memory_space<vmem>> -> memref<128x8xi32, #tpu.memory_space<vmem>>
    %dma_wait3A_995 = arith.constant 0 : i32
    %dma_wait3A_996 = tpu.memref_slice %arg6[%dma_wait3A_991, %dma_wait3A_995] : memref<50x128xi32, #tpu.memory_space<vmem>> -> memref<1x128xi32, #tpu.memory_space<vmem>>
    %dma_wait3A_997 = tpu.memref_squeeze %dma_wait3A_996 : memref<1x128xi32, #tpu.memory_space<vmem>> -> memref<128xi32, #tpu.memory_space<vmem>>
    %dma_wait3A_998 = arith.constant 0 : i32
    %dma_wait3A_999 = arith.constant 0 : i32
    %dma_wait3A_1000 = tpu.memref_slice %arg3[%dma_wait3A_998, %dma_wait3A_999] : memref<1000002x8xi32, #tpu.memory_space<hbm>> -> memref<1000002x8xi32, #tpu.memory_space<hbm>>
    tpu.wait_indirect_dma semaphore(%arg12 : memref<!tpu.dma_semaphore, #tpu.memory_space<semaphore_mem>>) src(%dma_wait3A_1000 : memref<1000002x8xi32, #tpu.memory_space<hbm>>) dst(%dma_wait3A_994 : memref<128x8xi32, #tpu.memory_space<vmem>>)
    %dma_wait3A_1001 = arith.constant 47 : i32
    %dma_wait3A_1002 = arith.constant 6016 : i32
    %dma_wait3A_1003 = arith.constant 0 : i32
    %dma_wait3A_1004 = tpu.memref_slice %arg7[%dma_wait3A_1002, %dma_wait3A_1003] : memref<6400x8xi32, #tpu.memory_space<vmem>> -> memref<128x8xi32, #tpu.memory_space<vmem>>
    %dma_wait3A_1005 = arith.constant 0 : i32
    %dma_wait3A_1006 = tpu.memref_slice %arg6[%dma_wait3A_1001, %dma_wait3A_1005] : memref<50x128xi32, #tpu.memory_space<vmem>> -> memref<1x128xi32, #tpu.memory_space<vmem>>
    %dma_wait3A_1007 = tpu.memref_squeeze %dma_wait3A_1006 : memref<1x128xi32, #tpu.memory_space<vmem>> -> memref<128xi32, #tpu.memory_space<vmem>>
    %dma_wait3A_1008 = arith.constant 0 : i32
    %dma_wait3A_1009 = arith.constant 0 : i32
    %dma_wait3A_1010 = tpu.memref_slice %arg3[%dma_wait3A_1008, %dma_wait3A_1009] : memref<1000002x8xi32, #tpu.memory_space<hbm>> -> memref<1000002x8xi32, #tpu.memory_space<hbm>>
    tpu.wait_indirect_dma semaphore(%arg12 : memref<!tpu.dma_semaphore, #tpu.memory_space<semaphore_mem>>) src(%dma_wait3A_1010 : memref<1000002x8xi32, #tpu.memory_space<hbm>>) dst(%dma_wait3A_1004 : memref<128x8xi32, #tpu.memory_space<vmem>>)
    %dma_wait3A_1011 = arith.constant 48 : i32
    %dma_wait3A_1012 = arith.constant 6144 : i32
    %dma_wait3A_1013 = arith.constant 0 : i32
    %dma_wait3A_1014 = tpu.memref_slice %arg7[%dma_wait3A_1012, %dma_wait3A_1013] : memref<6400x8xi32, #tpu.memory_space<vmem>> -> memref<128x8xi32, #tpu.memory_space<vmem>>
    %dma_wait3A_1015 = arith.constant 0 : i32
    %dma_wait3A_1016 = tpu.memref_slice %arg6[%dma_wait3A_1011, %dma_wait3A_1015] : memref<50x128xi32, #tpu.memory_space<vmem>> -> memref<1x128xi32, #tpu.memory_space<vmem>>
    %dma_wait3A_1017 = tpu.memref_squeeze %dma_wait3A_1016 : memref<1x128xi32, #tpu.memory_space<vmem>> -> memref<128xi32, #tpu.memory_space<vmem>>
    %dma_wait3A_1018 = arith.constant 0 : i32
    %dma_wait3A_1019 = arith.constant 0 : i32
    %dma_wait3A_1020 = tpu.memref_slice %arg3[%dma_wait3A_1018, %dma_wait3A_1019] : memref<1000002x8xi32, #tpu.memory_space<hbm>> -> memref<1000002x8xi32, #tpu.memory_space<hbm>>
    tpu.wait_indirect_dma semaphore(%arg12 : memref<!tpu.dma_semaphore, #tpu.memory_space<semaphore_mem>>) src(%dma_wait3A_1020 : memref<1000002x8xi32, #tpu.memory_space<hbm>>) dst(%dma_wait3A_1014 : memref<128x8xi32, #tpu.memory_space<vmem>>)
    %dma_wait3A_1021 = arith.constant 49 : i32
    %dma_wait3A_1022 = arith.constant 6272 : i32
    %dma_wait3A_1023 = arith.constant 0 : i32
    %dma_wait3A_1024 = tpu.memref_slice %arg7[%dma_wait3A_1022, %dma_wait3A_1023] : memref<6400x8xi32, #tpu.memory_space<vmem>> -> memref<128x8xi32, #tpu.memory_space<vmem>>
    %dma_wait3A_1025 = arith.constant 0 : i32
    %dma_wait3A_1026 = tpu.memref_slice %arg6[%dma_wait3A_1021, %dma_wait3A_1025] : memref<50x128xi32, #tpu.memory_space<vmem>> -> memref<1x128xi32, #tpu.memory_space<vmem>>
    %dma_wait3A_1027 = tpu.memref_squeeze %dma_wait3A_1026 : memref<1x128xi32, #tpu.memory_space<vmem>> -> memref<128xi32, #tpu.memory_space<vmem>>
    %dma_wait3A_1028 = arith.constant 0 : i32
    %dma_wait3A_1029 = arith.constant 0 : i32
    %dma_wait3A_1030 = tpu.memref_slice %arg3[%dma_wait3A_1028, %dma_wait3A_1029] : memref<1000002x8xi32, #tpu.memory_space<hbm>> -> memref<1000002x8xi32, #tpu.memory_space<hbm>>
    tpu.wait_indirect_dma semaphore(%arg12 : memref<!tpu.dma_semaphore, #tpu.memory_space<semaphore_mem>>) src(%dma_wait3A_1030 : memref<1000002x8xi32, #tpu.memory_space<hbm>>) dst(%dma_wait3A_1024 : memref<128x8xi32, #tpu.memory_space<vmem>>)
    %scan3A = arith.constant 0 : i32
    %scan3A_1031 = arith.constant 0 : i32
    %scan3A_1032 = arith.constant 25 : i32
    %scan3A_1033 = arith.addi %scan3A_1031, %scan3A_1032 : i32
    %scan3A_1034 = arith.constant 1 : i32
    scf.for %scan3A_1052 = %scan3A_1031 to %scan3A_1033 step %scan3A_1034  : i32 {
      %mul3A_1053 = arith.constant 2 : i32
      %mul3A_1054 = arith.muli %mul3A_1053, %scan3A_1052 : i32
      %add3A_1055 = arith.constant 0 : i32
      %add3A_1056 = arith.addi %mul3A_1054, %add3A_1055 : i32
      %mul3A_1057 = arith.constant 128 : i32
      %mul3A_1058 = arith.muli %add3A_1056, %mul3A_1057 : i32
      %add3A_1059 = vector.broadcast %mul3A_1058 : i32 to vector<16xi32>
      %add3A_1060 = arith.addi %add3A_1059, %select_n3A : vector<16xi32>
      %add3A_1061 = arith.constant 0 : i32
      %add3A_1062 = vector.broadcast %add3A_1061 : i32 to vector<16xi32>
      %add3A_1063 = arith.addi %add3A_1060, %add3A_1062 : vector<16xi32>
      %gather3A = tpu.vector_load_idx %arg7[%add3A_1063, %sub3A_29] : memref<6400x8xi32, #tpu.memory_space<vmem>>[vector<16xi32>, vector<16xi32>], vector<16xi32>,
      %add3A_1064 = arith.addi %gather3A, %mul3A_32 : vector<16xi32>
      %swap3A = arith.constant 0 : index
      %swap3A_1065 = tpu.vector_load %arg8[%swap3A] {strides = array<i32>} : memref<1024xi32, #tpu.memory_space<vmem>>, vector<16xi32>,
      tpu.vector_store %arg8[%swap3A], %add3A_1064 {strides = array<i32>} : memref<1024xi32, #tpu.memory_space<vmem>>, vector<16xi32>,
      %mul3A_1066 = arith.constant 128 : i32
      %mul3A_1067 = arith.muli %add3A_1056, %mul3A_1066 : i32
      %add3A_1068 = vector.broadcast %mul3A_1067 : i32 to vector<16xi32>
      %add3A_1069 = arith.addi %add3A_1068, %select_n3A : vector<16xi32>
      %add3A_1070 = arith.constant 2 : i32
      %add3A_1071 = vector.broadcast %add3A_1070 : i32 to vector<16xi32>
      %add3A_1072 = arith.addi %add3A_1069, %add3A_1071 : vector<16xi32>
      %gather3A_1073 = tpu.vector_load_idx %arg7[%add3A_1072, %sub3A_29] : memref<6400x8xi32, #tpu.memory_space<vmem>>[vector<16xi32>, vector<16xi32>], vector<16xi32>,
      %add3A_1074 = arith.addi %gather3A_1073, %mul3A_32 : vector<16xi32>
      %swap3A_1075 = arith.constant 16 : index
      %swap3A_1076 = tpu.vector_load %arg8[%swap3A_1075] {strides = array<i32>} : memref<1024xi32, #tpu.memory_space<vmem>>, vector<16xi32>,
      tpu.vector_store %arg8[%swap3A_1075], %add3A_1074 {strides = array<i32>} : memref<1024xi32, #tpu.memory_space<vmem>>, vector<16xi32>,
      %mul3A_1077 = arith.constant 128 : i32
      %mul3A_1078 = arith.muli %add3A_1056, %mul3A_1077 : i32
      %add3A_1079 = vector.broadcast %mul3A_1078 : i32 to vector<16xi32>
      %add3A_1080 = arith.addi %add3A_1079, %select_n3A : vector<16xi32>
      %add3A_1081 = arith.constant 4 : i32
      %add3A_1082 = vector.broadcast %add3A_1081 : i32 to vector<16xi32>
      %add3A_1083 = arith.addi %add3A_1080, %add3A_1082 : vector<16xi32>
      %gather3A_1084 = tpu.vector_load_idx %arg7[%add3A_1083, %sub3A_29] : memref<6400x8xi32, #tpu.memory_space<vmem>>[vector<16xi32>, vector<16xi32>], vector<16xi32>,
      %add3A_1085 = arith.addi %gather3A_1084, %mul3A_32 : vector<16xi32>
      %swap3A_1086 = arith.constant 32 : index
      %swap3A_1087 = tpu.vector_load %arg8[%swap3A_1086] {strides = array<i32>} : memref<1024xi32, #tpu.memory_space<vmem>>, vector<16xi32>,
      tpu.vector_store %arg8[%swap3A_1086], %add3A_1085 {strides = array<i32>} : memref<1024xi32, #tpu.memory_space<vmem>>, vector<16xi32>,
      %mul3A_1088 = arith.constant 128 : i32
      %mul3A_1089 = arith.muli %add3A_1056, %mul3A_1088 : i32
      %add3A_1090 = vector.broadcast %mul3A_1089 : i32 to vector<16xi32>
      %add3A_1091 = arith.addi %add3A_1090, %select_n3A : vector<16xi32>
      %add3A_1092 = arith.constant 6 : i32
      %add3A_1093 = vector.broadcast %add3A_1092 : i32 to vector<16xi32>
      %add3A_1094 = arith.addi %add3A_1091, %add3A_1093 : vector<16xi32>
      %gather3A_1095 = tpu.vector_load_idx %arg7[%add3A_1094, %sub3A_29] : memref<6400x8xi32, #tpu.memory_space<vmem>>[vector<16xi32>, vector<16xi32>], vector<16xi32>,
      %add3A_1096 = arith.addi %gather3A_1095, %mul3A_32 : vector<16xi32>
      %swap3A_1097 = arith.constant 48 : index
      %swap3A_1098 = tpu.vector_load %arg8[%swap3A_1097] {strides = array<i32>} : memref<1024xi32, #tpu.memory_space<vmem>>, vector<16xi32>,
      tpu.vector_store %arg8[%swap3A_1097], %add3A_1096 {strides = array<i32>} : memref<1024xi32, #tpu.memory_space<vmem>>, vector<16xi32>,
      %mul3A_1099 = arith.constant 128 : i32
      %mul3A_1100 = arith.muli %add3A_1056, %mul3A_1099 : i32
      %add3A_1101 = vector.broadcast %mul3A_1100 : i32 to vector<16xi32>
      %add3A_1102 = arith.addi %add3A_1101, %select_n3A : vector<16xi32>
      %add3A_1103 = arith.constant 8 : i32
      %add3A_1104 = vector.broadcast %add3A_1103 : i32 to vector<16xi32>
      %add3A_1105 = arith.addi %add3A_1102, %add3A_1104 : vector<16xi32>
      %gather3A_1106 = tpu.vector_load_idx %arg7[%add3A_1105, %sub3A_29] : memref<6400x8xi32, #tpu.memory_space<vmem>>[vector<16xi32>, vector<16xi32>], vector<16xi32>,
      %add3A_1107 = arith.addi %gather3A_1106, %mul3A_32 : vector<16xi32>
      %swap3A_1108 = arith.constant 64 : index
      %swap3A_1109 = tpu.vector_load %arg8[%swap3A_1108] {strides = array<i32>} : memref<1024xi32, #tpu.memory_space<vmem>>, vector<16xi32>,
      tpu.vector_store %arg8[%swap3A_1108], %add3A_1107 {strides = array<i32>} : memref<1024xi32, #tpu.memory_space<vmem>>, vector<16xi32>,
      %mul3A_1110 = arith.constant 128 : i32
      %mul3A_1111 = arith.muli %add3A_1056, %mul3A_1110 : i32
      %add3A_1112 = vector.broadcast %mul3A_1111 : i32 to vector<16xi32>
      %add3A_1113 = arith.addi %add3A_1112, %select_n3A : vector<16xi32>
      %add3A_1114 = arith.constant 10 : i32
      %add3A_1115 = vector.broadcast %add3A_1114 : i32 to vector<16xi32>
      %add3A_1116 = arith.addi %add3A_1113, %add3A_1115 : vector<16xi32>
      %gather3A_1117 = tpu.vector_load_idx %arg7[%add3A_1116, %sub3A_29] : memref<6400x8xi32, #tpu.memory_space<vmem>>[vector<16xi32>, vector<16xi32>], vector<16xi32>,
      %add3A_1118 = arith.addi %gather3A_1117, %mul3A_32 : vector<16xi32>
      %swap3A_1119 = arith.constant 80 : index
      %swap3A_1120 = tpu.vector_load %arg8[%swap3A_1119] {strides = array<i32>} : memref<1024xi32, #tpu.memory_space<vmem>>, vector<16xi32>,
      tpu.vector_store %arg8[%swap3A_1119], %add3A_1118 {strides = array<i32>} : memref<1024xi32, #tpu.memory_space<vmem>>, vector<16xi32>,
      %mul3A_1121 = arith.constant 128 : i32
      %mul3A_1122 = arith.muli %add3A_1056, %mul3A_1121 : i32
      %add3A_1123 = vector.broadcast %mul3A_1122 : i32 to vector<16xi32>
      %add3A_1124 = arith.addi %add3A_1123, %select_n3A : vector<16xi32>
      %add3A_1125 = arith.constant 12 : i32
      %add3A_1126 = vector.broadcast %add3A_1125 : i32 to vector<16xi32>
      %add3A_1127 = arith.addi %add3A_1124, %add3A_1126 : vector<16xi32>
      %gather3A_1128 = tpu.vector_load_idx %arg7[%add3A_1127, %sub3A_29] : memref<6400x8xi32, #tpu.memory_space<vmem>>[vector<16xi32>, vector<16xi32>], vector<16xi32>,
      %add3A_1129 = arith.addi %gather3A_1128, %mul3A_32 : vector<16xi32>
      %swap3A_1130 = arith.constant 96 : index
      %swap3A_1131 = tpu.vector_load %arg8[%swap3A_1130] {strides = array<i32>} : memref<1024xi32, #tpu.memory_space<vmem>>, vector<16xi32>,
      tpu.vector_store %arg8[%swap3A_1130], %add3A_1129 {strides = array<i32>} : memref<1024xi32, #tpu.memory_space<vmem>>, vector<16xi32>,
      %mul3A_1132 = arith.constant 128 : i32
      %mul3A_1133 = arith.muli %add3A_1056, %mul3A_1132 : i32
      %add3A_1134 = vector.broadcast %mul3A_1133 : i32 to vector<16xi32>
      %add3A_1135 = arith.addi %add3A_1134, %select_n3A : vector<16xi32>
      %add3A_1136 = arith.constant 14 : i32
      %add3A_1137 = vector.broadcast %add3A_1136 : i32 to vector<16xi32>
      %add3A_1138 = arith.addi %add3A_1135, %add3A_1137 : vector<16xi32>
      %gather3A_1139 = tpu.vector_load_idx %arg7[%add3A_1138, %sub3A_29] : memref<6400x8xi32, #tpu.memory_space<vmem>>[vector<16xi32>, vector<16xi32>], vector<16xi32>,
      %add3A_1140 = arith.addi %gather3A_1139, %mul3A_32 : vector<16xi32>
      %swap3A_1141 = arith.constant 112 : index
      %swap3A_1142 = tpu.vector_load %arg8[%swap3A_1141] {strides = array<i32>} : memref<1024xi32, #tpu.memory_space<vmem>>, vector<16xi32>,
      tpu.vector_store %arg8[%swap3A_1141], %add3A_1140 {strides = array<i32>} : memref<1024xi32, #tpu.memory_space<vmem>>, vector<16xi32>,
      %mul3A_1143 = arith.constant 128 : i32
      %mul3A_1144 = arith.muli %add3A_1056, %mul3A_1143 : i32
      %add3A_1145 = vector.broadcast %mul3A_1144 : i32 to vector<16xi32>
      %add3A_1146 = arith.addi %add3A_1145, %select_n3A : vector<16xi32>
      %add3A_1147 = arith.constant 16 : i32
      %add3A_1148 = vector.broadcast %add3A_1147 : i32 to vector<16xi32>
      %add3A_1149 = arith.addi %add3A_1146, %add3A_1148 : vector<16xi32>
      %gather3A_1150 = tpu.vector_load_idx %arg7[%add3A_1149, %sub3A_29] : memref<6400x8xi32, #tpu.memory_space<vmem>>[vector<16xi32>, vector<16xi32>], vector<16xi32>,
      %add3A_1151 = arith.addi %gather3A_1150, %mul3A_32 : vector<16xi32>
      %swap3A_1152 = arith.constant 128 : index
      %swap3A_1153 = tpu.vector_load %arg8[%swap3A_1152] {strides = array<i32>} : memref<1024xi32, #tpu.memory_space<vmem>>, vector<16xi32>,
      tpu.vector_store %arg8[%swap3A_1152], %add3A_1151 {strides = array<i32>} : memref<1024xi32, #tpu.memory_space<vmem>>, vector<16xi32>,
      %mul3A_1154 = arith.constant 128 : i32
      %mul3A_1155 = arith.muli %add3A_1056, %mul3A_1154 : i32
      %add3A_1156 = vector.broadcast %mul3A_1155 : i32 to vector<16xi32>
      %add3A_1157 = arith.addi %add3A_1156, %select_n3A : vector<16xi32>
      %add3A_1158 = arith.constant 18 : i32
      %add3A_1159 = vector.broadcast %add3A_1158 : i32 to vector<16xi32>
      %add3A_1160 = arith.addi %add3A_1157, %add3A_1159 : vector<16xi32>
      %gather3A_1161 = tpu.vector_load_idx %arg7[%add3A_1160, %sub3A_29] : memref<6400x8xi32, #tpu.memory_space<vmem>>[vector<16xi32>, vector<16xi32>], vector<16xi32>,
      %add3A_1162 = arith.addi %gather3A_1161, %mul3A_32 : vector<16xi32>
      %swap3A_1163 = arith.constant 144 : index
      %swap3A_1164 = tpu.vector_load %arg8[%swap3A_1163] {strides = array<i32>} : memref<1024xi32, #tpu.memory_space<vmem>>, vector<16xi32>,
      tpu.vector_store %arg8[%swap3A_1163], %add3A_1162 {strides = array<i32>} : memref<1024xi32, #tpu.memory_space<vmem>>, vector<16xi32>,
      %mul3A_1165 = arith.constant 128 : i32
      %mul3A_1166 = arith.muli %add3A_1056, %mul3A_1165 : i32
      %add3A_1167 = vector.broadcast %mul3A_1166 : i32 to vector<16xi32>
      %add3A_1168 = arith.addi %add3A_1167, %select_n3A : vector<16xi32>
      %add3A_1169 = arith.constant 20 : i32
      %add3A_1170 = vector.broadcast %add3A_1169 : i32 to vector<16xi32>
      %add3A_1171 = arith.addi %add3A_1168, %add3A_1170 : vector<16xi32>
      %gather3A_1172 = tpu.vector_load_idx %arg7[%add3A_1171, %sub3A_29] : memref<6400x8xi32, #tpu.memory_space<vmem>>[vector<16xi32>, vector<16xi32>], vector<16xi32>,
      %add3A_1173 = arith.addi %gather3A_1172, %mul3A_32 : vector<16xi32>
      %swap3A_1174 = arith.constant 160 : index
      %swap3A_1175 = tpu.vector_load %arg8[%swap3A_1174] {strides = array<i32>} : memref<1024xi32, #tpu.memory_space<vmem>>, vector<16xi32>,
      tpu.vector_store %arg8[%swap3A_1174], %add3A_1173 {strides = array<i32>} : memref<1024xi32, #tpu.memory_space<vmem>>, vector<16xi32>,
      %mul3A_1176 = arith.constant 128 : i32
      %mul3A_1177 = arith.muli %add3A_1056, %mul3A_1176 : i32
      %add3A_1178 = vector.broadcast %mul3A_1177 : i32 to vector<16xi32>
      %add3A_1179 = arith.addi %add3A_1178, %select_n3A : vector<16xi32>
      %add3A_1180 = arith.constant 22 : i32
      %add3A_1181 = vector.broadcast %add3A_1180 : i32 to vector<16xi32>
      %add3A_1182 = arith.addi %add3A_1179, %add3A_1181 : vector<16xi32>
      %gather3A_1183 = tpu.vector_load_idx %arg7[%add3A_1182, %sub3A_29] : memref<6400x8xi32, #tpu.memory_space<vmem>>[vector<16xi32>, vector<16xi32>], vector<16xi32>,
      %add3A_1184 = arith.addi %gather3A_1183, %mul3A_32 : vector<16xi32>
      %swap3A_1185 = arith.constant 176 : index
      %swap3A_1186 = tpu.vector_load %arg8[%swap3A_1185] {strides = array<i32>} : memref<1024xi32, #tpu.memory_space<vmem>>, vector<16xi32>,
      tpu.vector_store %arg8[%swap3A_1185], %add3A_1184 {strides = array<i32>} : memref<1024xi32, #tpu.memory_space<vmem>>, vector<16xi32>,
      %mul3A_1187 = arith.constant 128 : i32
      %mul3A_1188 = arith.muli %add3A_1056, %mul3A_1187 : i32
      %add3A_1189 = vector.broadcast %mul3A_1188 : i32 to vector<16xi32>
      %add3A_1190 = arith.addi %add3A_1189, %select_n3A : vector<16xi32>
      %add3A_1191 = arith.constant 24 : i32
      %add3A_1192 = vector.broadcast %add3A_1191 : i32 to vector<16xi32>
      %add3A_1193 = arith.addi %add3A_1190, %add3A_1192 : vector<16xi32>
      %gather3A_1194 = tpu.vector_load_idx %arg7[%add3A_1193, %sub3A_29] : memref<6400x8xi32, #tpu.memory_space<vmem>>[vector<16xi32>, vector<16xi32>], vector<16xi32>,
      %add3A_1195 = arith.addi %gather3A_1194, %mul3A_32 : vector<16xi32>
      %swap3A_1196 = arith.constant 192 : index
      %swap3A_1197 = tpu.vector_load %arg8[%swap3A_1196] {strides = array<i32>} : memref<1024xi32, #tpu.memory_space<vmem>>, vector<16xi32>,
      tpu.vector_store %arg8[%swap3A_1196], %add3A_1195 {strides = array<i32>} : memref<1024xi32, #tpu.memory_space<vmem>>, vector<16xi32>,
      %mul3A_1198 = arith.constant 128 : i32
      %mul3A_1199 = arith.muli %add3A_1056, %mul3A_1198 : i32
      %add3A_1200 = vector.broadcast %mul3A_1199 : i32 to vector<16xi32>
      %add3A_1201 = arith.addi %add3A_1200, %select_n3A : vector<16xi32>
      %add3A_1202 = arith.constant 26 : i32
      %add3A_1203 = vector.broadcast %add3A_1202 : i32 to vector<16xi32>
      %add3A_1204 = arith.addi %add3A_1201, %add3A_1203 : vector<16xi32>
      %gather3A_1205 = tpu.vector_load_idx %arg7[%add3A_1204, %sub3A_29] : memref<6400x8xi32, #tpu.memory_space<vmem>>[vector<16xi32>, vector<16xi32>], vector<16xi32>,
      %add3A_1206 = arith.addi %gather3A_1205, %mul3A_32 : vector<16xi32>
      %swap3A_1207 = arith.constant 208 : index
      %swap3A_1208 = tpu.vector_load %arg8[%swap3A_1207] {strides = array<i32>} : memref<1024xi32, #tpu.memory_space<vmem>>, vector<16xi32>,
      tpu.vector_store %arg8[%swap3A_1207], %add3A_1206 {strides = array<i32>} : memref<1024xi32, #tpu.memory_space<vmem>>, vector<16xi32>,
      %mul3A_1209 = arith.constant 128 : i32
      %mul3A_1210 = arith.muli %add3A_1056, %mul3A_1209 : i32
      %add3A_1211 = vector.broadcast %mul3A_1210 : i32 to vector<16xi32>
      %add3A_1212 = arith.addi %add3A_1211, %select_n3A : vector<16xi32>
      %add3A_1213 = arith.constant 28 : i32
      %add3A_1214 = vector.broadcast %add3A_1213 : i32 to vector<16xi32>
      %add3A_1215 = arith.addi %add3A_1212, %add3A_1214 : vector<16xi32>
      %gather3A_1216 = tpu.vector_load_idx %arg7[%add3A_1215, %sub3A_29] : memref<6400x8xi32, #tpu.memory_space<vmem>>[vector<16xi32>, vector<16xi32>], vector<16xi32>,
      %add3A_1217 = arith.addi %gather3A_1216, %mul3A_32 : vector<16xi32>
      %swap3A_1218 = arith.constant 224 : index
      %swap3A_1219 = tpu.vector_load %arg8[%swap3A_1218] {strides = array<i32>} : memref<1024xi32, #tpu.memory_space<vmem>>, vector<16xi32>,
      tpu.vector_store %arg8[%swap3A_1218], %add3A_1217 {strides = array<i32>} : memref<1024xi32, #tpu.memory_space<vmem>>, vector<16xi32>,
      %mul3A_1220 = arith.constant 128 : i32
      %mul3A_1221 = arith.muli %add3A_1056, %mul3A_1220 : i32
      %add3A_1222 = vector.broadcast %mul3A_1221 : i32 to vector<16xi32>
      %add3A_1223 = arith.addi %add3A_1222, %select_n3A : vector<16xi32>
      %add3A_1224 = arith.constant 30 : i32
      %add3A_1225 = vector.broadcast %add3A_1224 : i32 to vector<16xi32>
      %add3A_1226 = arith.addi %add3A_1223, %add3A_1225 : vector<16xi32>
      %gather3A_1227 = tpu.vector_load_idx %arg7[%add3A_1226, %sub3A_29] : memref<6400x8xi32, #tpu.memory_space<vmem>>[vector<16xi32>, vector<16xi32>], vector<16xi32>,
      %add3A_1228 = arith.addi %gather3A_1227, %mul3A_32 : vector<16xi32>
      %swap3A_1229 = arith.constant 240 : index
      %swap3A_1230 = tpu.vector_load %arg8[%swap3A_1229] {strides = array<i32>} : memref<1024xi32, #tpu.memory_space<vmem>>, vector<16xi32>,
      tpu.vector_store %arg8[%swap3A_1229], %add3A_1228 {strides = array<i32>} : memref<1024xi32, #tpu.memory_space<vmem>>, vector<16xi32>,
      %mul3A_1231 = arith.constant 128 : i32
      %mul3A_1232 = arith.muli %add3A_1056, %mul3A_1231 : i32
      %add3A_1233 = vector.broadcast %mul3A_1232 : i32 to vector<16xi32>
      %add3A_1234 = arith.addi %add3A_1233, %select_n3A : vector<16xi32>
      %add3A_1235 = arith.constant 32 : i32
      %add3A_1236 = vector.broadcast %add3A_1235 : i32 to vector<16xi32>
      %add3A_1237 = arith.addi %add3A_1234, %add3A_1236 : vector<16xi32>
      %gather3A_1238 = tpu.vector_load_idx %arg7[%add3A_1237, %sub3A_29] : memref<6400x8xi32, #tpu.memory_space<vmem>>[vector<16xi32>, vector<16xi32>], vector<16xi32>,
      %add3A_1239 = arith.addi %gather3A_1238, %mul3A_32 : vector<16xi32>
      %swap3A_1240 = arith.constant 256 : index
      %swap3A_1241 = tpu.vector_load %arg8[%swap3A_1240] {strides = array<i32>} : memref<1024xi32, #tpu.memory_space<vmem>>, vector<16xi32>,
      tpu.vector_store %arg8[%swap3A_1240], %add3A_1239 {strides = array<i32>} : memref<1024xi32, #tpu.memory_space<vmem>>, vector<16xi32>,
      %mul3A_1242 = arith.constant 128 : i32
      %mul3A_1243 = arith.muli %add3A_1056, %mul3A_1242 : i32
      %add3A_1244 = vector.broadcast %mul3A_1243 : i32 to vector<16xi32>
      %add3A_1245 = arith.addi %add3A_1244, %select_n3A : vector<16xi32>
      %add3A_1246 = arith.constant 34 : i32
      %add3A_1247 = vector.broadcast %add3A_1246 : i32 to vector<16xi32>
      %add3A_1248 = arith.addi %add3A_1245, %add3A_1247 : vector<16xi32>
      %gather3A_1249 = tpu.vector_load_idx %arg7[%add3A_1248, %sub3A_29] : memref<6400x8xi32, #tpu.memory_space<vmem>>[vector<16xi32>, vector<16xi32>], vector<16xi32>,
      %add3A_1250 = arith.addi %gather3A_1249, %mul3A_32 : vector<16xi32>
      %swap3A_1251 = arith.constant 272 : index
      %swap3A_1252 = tpu.vector_load %arg8[%swap3A_1251] {strides = array<i32>} : memref<1024xi32, #tpu.memory_space<vmem>>, vector<16xi32>,
      tpu.vector_store %arg8[%swap3A_1251], %add3A_1250 {strides = array<i32>} : memref<1024xi32, #tpu.memory_space<vmem>>, vector<16xi32>,
      %mul3A_1253 = arith.constant 128 : i32
      %mul3A_1254 = arith.muli %add3A_1056, %mul3A_1253 : i32
      %add3A_1255 = vector.broadcast %mul3A_1254 : i32 to vector<16xi32>
      %add3A_1256 = arith.addi %add3A_1255, %select_n3A : vector<16xi32>
      %add3A_1257 = arith.constant 36 : i32
      %add3A_1258 = vector.broadcast %add3A_1257 : i32 to vector<16xi32>
      %add3A_1259 = arith.addi %add3A_1256, %add3A_1258 : vector<16xi32>
      %gather3A_1260 = tpu.vector_load_idx %arg7[%add3A_1259, %sub3A_29] : memref<6400x8xi32, #tpu.memory_space<vmem>>[vector<16xi32>, vector<16xi32>], vector<16xi32>,
      %add3A_1261 = arith.addi %gather3A_1260, %mul3A_32 : vector<16xi32>
      %swap3A_1262 = arith.constant 288 : index
      %swap3A_1263 = tpu.vector_load %arg8[%swap3A_1262] {strides = array<i32>} : memref<1024xi32, #tpu.memory_space<vmem>>, vector<16xi32>,
      tpu.vector_store %arg8[%swap3A_1262], %add3A_1261 {strides = array<i32>} : memref<1024xi32, #tpu.memory_space<vmem>>, vector<16xi32>,
      %mul3A_1264 = arith.constant 128 : i32
      %mul3A_1265 = arith.muli %add3A_1056, %mul3A_1264 : i32
      %add3A_1266 = vector.broadcast %mul3A_1265 : i32 to vector<16xi32>
      %add3A_1267 = arith.addi %add3A_1266, %select_n3A : vector<16xi32>
      %add3A_1268 = arith.constant 38 : i32
      %add3A_1269 = vector.broadcast %add3A_1268 : i32 to vector<16xi32>
      %add3A_1270 = arith.addi %add3A_1267, %add3A_1269 : vector<16xi32>
      %gather3A_1271 = tpu.vector_load_idx %arg7[%add3A_1270, %sub3A_29] : memref<6400x8xi32, #tpu.memory_space<vmem>>[vector<16xi32>, vector<16xi32>], vector<16xi32>,
      %add3A_1272 = arith.addi %gather3A_1271, %mul3A_32 : vector<16xi32>
      %swap3A_1273 = arith.constant 304 : index
      %swap3A_1274 = tpu.vector_load %arg8[%swap3A_1273] {strides = array<i32>} : memref<1024xi32, #tpu.memory_space<vmem>>, vector<16xi32>,
      tpu.vector_store %arg8[%swap3A_1273], %add3A_1272 {strides = array<i32>} : memref<1024xi32, #tpu.memory_space<vmem>>, vector<16xi32>,
      %mul3A_1275 = arith.constant 128 : i32
      %mul3A_1276 = arith.muli %add3A_1056, %mul3A_1275 : i32
      %add3A_1277 = vector.broadcast %mul3A_1276 : i32 to vector<16xi32>
      %add3A_1278 = arith.addi %add3A_1277, %select_n3A : vector<16xi32>
      %add3A_1279 = arith.constant 40 : i32
      %add3A_1280 = vector.broadcast %add3A_1279 : i32 to vector<16xi32>
      %add3A_1281 = arith.addi %add3A_1278, %add3A_1280 : vector<16xi32>
      %gather3A_1282 = tpu.vector_load_idx %arg7[%add3A_1281, %sub3A_29] : memref<6400x8xi32, #tpu.memory_space<vmem>>[vector<16xi32>, vector<16xi32>], vector<16xi32>,
      %add3A_1283 = arith.addi %gather3A_1282, %mul3A_32 : vector<16xi32>
      %swap3A_1284 = arith.constant 320 : index
      %swap3A_1285 = tpu.vector_load %arg8[%swap3A_1284] {strides = array<i32>} : memref<1024xi32, #tpu.memory_space<vmem>>, vector<16xi32>,
      tpu.vector_store %arg8[%swap3A_1284], %add3A_1283 {strides = array<i32>} : memref<1024xi32, #tpu.memory_space<vmem>>, vector<16xi32>,
      %mul3A_1286 = arith.constant 128 : i32
      %mul3A_1287 = arith.muli %add3A_1056, %mul3A_1286 : i32
      %add3A_1288 = vector.broadcast %mul3A_1287 : i32 to vector<16xi32>
      %add3A_1289 = arith.addi %add3A_1288, %select_n3A : vector<16xi32>
      %add3A_1290 = arith.constant 42 : i32
      %add3A_1291 = vector.broadcast %add3A_1290 : i32 to vector<16xi32>
      %add3A_1292 = arith.addi %add3A_1289, %add3A_1291 : vector<16xi32>
      %gather3A_1293 = tpu.vector_load_idx %arg7[%add3A_1292, %sub3A_29] : memref<6400x8xi32, #tpu.memory_space<vmem>>[vector<16xi32>, vector<16xi32>], vector<16xi32>,
      %add3A_1294 = arith.addi %gather3A_1293, %mul3A_32 : vector<16xi32>
      %swap3A_1295 = arith.constant 336 : index
      %swap3A_1296 = tpu.vector_load %arg8[%swap3A_1295] {strides = array<i32>} : memref<1024xi32, #tpu.memory_space<vmem>>, vector<16xi32>,
      tpu.vector_store %arg8[%swap3A_1295], %add3A_1294 {strides = array<i32>} : memref<1024xi32, #tpu.memory_space<vmem>>, vector<16xi32>,
      %mul3A_1297 = arith.constant 128 : i32
      %mul3A_1298 = arith.muli %add3A_1056, %mul3A_1297 : i32
      %add3A_1299 = vector.broadcast %mul3A_1298 : i32 to vector<16xi32>
      %add3A_1300 = arith.addi %add3A_1299, %select_n3A : vector<16xi32>
      %add3A_1301 = arith.constant 44 : i32
      %add3A_1302 = vector.broadcast %add3A_1301 : i32 to vector<16xi32>
      %add3A_1303 = arith.addi %add3A_1300, %add3A_1302 : vector<16xi32>
      %gather3A_1304 = tpu.vector_load_idx %arg7[%add3A_1303, %sub3A_29] : memref<6400x8xi32, #tpu.memory_space<vmem>>[vector<16xi32>, vector<16xi32>], vector<16xi32>,
      %add3A_1305 = arith.addi %gather3A_1304, %mul3A_32 : vector<16xi32>
      %swap3A_1306 = arith.constant 352 : index
      %swap3A_1307 = tpu.vector_load %arg8[%swap3A_1306] {strides = array<i32>} : memref<1024xi32, #tpu.memory_space<vmem>>, vector<16xi32>,
      tpu.vector_store %arg8[%swap3A_1306], %add3A_1305 {strides = array<i32>} : memref<1024xi32, #tpu.memory_space<vmem>>, vector<16xi32>,
      %mul3A_1308 = arith.constant 128 : i32
      %mul3A_1309 = arith.muli %add3A_1056, %mul3A_1308 : i32
      %add3A_1310 = vector.broadcast %mul3A_1309 : i32 to vector<16xi32>
      %add3A_1311 = arith.addi %add3A_1310, %select_n3A : vector<16xi32>
      %add3A_1312 = arith.constant 46 : i32
      %add3A_1313 = vector.broadcast %add3A_1312 : i32 to vector<16xi32>
      %add3A_1314 = arith.addi %add3A_1311, %add3A_1313 : vector<16xi32>
      %gather3A_1315 = tpu.vector_load_idx %arg7[%add3A_1314, %sub3A_29] : memref<6400x8xi32, #tpu.memory_space<vmem>>[vector<16xi32>, vector<16xi32>], vector<16xi32>,
      %add3A_1316 = arith.addi %gather3A_1315, %mul3A_32 : vector<16xi32>
      %swap3A_1317 = arith.constant 368 : index
      %swap3A_1318 = tpu.vector_load %arg8[%swap3A_1317] {strides = array<i32>} : memref<1024xi32, #tpu.memory_space<vmem>>, vector<16xi32>,
      tpu.vector_store %arg8[%swap3A_1317], %add3A_1316 {strides = array<i32>} : memref<1024xi32, #tpu.memory_space<vmem>>, vector<16xi32>,
      %mul3A_1319 = arith.constant 128 : i32
      %mul3A_1320 = arith.muli %add3A_1056, %mul3A_1319 : i32
      %add3A_1321 = vector.broadcast %mul3A_1320 : i32 to vector<16xi32>
      %add3A_1322 = arith.addi %add3A_1321, %select_n3A : vector<16xi32>
      %add3A_1323 = arith.constant 48 : i32
      %add3A_1324 = vector.broadcast %add3A_1323 : i32 to vector<16xi32>
      %add3A_1325 = arith.addi %add3A_1322, %add3A_1324 : vector<16xi32>
      %gather3A_1326 = tpu.vector_load_idx %arg7[%add3A_1325, %sub3A_29] : memref<6400x8xi32, #tpu.memory_space<vmem>>[vector<16xi32>, vector<16xi32>], vector<16xi32>,
      %add3A_1327 = arith.addi %gather3A_1326, %mul3A_32 : vector<16xi32>
      %swap3A_1328 = arith.constant 384 : index
      %swap3A_1329 = tpu.vector_load %arg8[%swap3A_1328] {strides = array<i32>} : memref<1024xi32, #tpu.memory_space<vmem>>, vector<16xi32>,
      tpu.vector_store %arg8[%swap3A_1328], %add3A_1327 {strides = array<i32>} : memref<1024xi32, #tpu.memory_space<vmem>>, vector<16xi32>,
      %mul3A_1330 = arith.constant 128 : i32
      %mul3A_1331 = arith.muli %add3A_1056, %mul3A_1330 : i32
      %add3A_1332 = vector.broadcast %mul3A_1331 : i32 to vector<16xi32>
      %add3A_1333 = arith.addi %add3A_1332, %select_n3A : vector<16xi32>
      %add3A_1334 = arith.constant 50 : i32
      %add3A_1335 = vector.broadcast %add3A_1334 : i32 to vector<16xi32>
      %add3A_1336 = arith.addi %add3A_1333, %add3A_1335 : vector<16xi32>
      %gather3A_1337 = tpu.vector_load_idx %arg7[%add3A_1336, %sub3A_29] : memref<6400x8xi32, #tpu.memory_space<vmem>>[vector<16xi32>, vector<16xi32>], vector<16xi32>,
      %add3A_1338 = arith.addi %gather3A_1337, %mul3A_32 : vector<16xi32>
      %swap3A_1339 = arith.constant 400 : index
      %swap3A_1340 = tpu.vector_load %arg8[%swap3A_1339] {strides = array<i32>} : memref<1024xi32, #tpu.memory_space<vmem>>, vector<16xi32>,
      tpu.vector_store %arg8[%swap3A_1339], %add3A_1338 {strides = array<i32>} : memref<1024xi32, #tpu.memory_space<vmem>>, vector<16xi32>,
      %mul3A_1341 = arith.constant 128 : i32
      %mul3A_1342 = arith.muli %add3A_1056, %mul3A_1341 : i32
      %add3A_1343 = vector.broadcast %mul3A_1342 : i32 to vector<16xi32>
      %add3A_1344 = arith.addi %add3A_1343, %select_n3A : vector<16xi32>
      %add3A_1345 = arith.constant 52 : i32
      %add3A_1346 = vector.broadcast %add3A_1345 : i32 to vector<16xi32>
      %add3A_1347 = arith.addi %add3A_1344, %add3A_1346 : vector<16xi32>
      %gather3A_1348 = tpu.vector_load_idx %arg7[%add3A_1347, %sub3A_29] : memref<6400x8xi32, #tpu.memory_space<vmem>>[vector<16xi32>, vector<16xi32>], vector<16xi32>,
      %add3A_1349 = arith.addi %gather3A_1348, %mul3A_32 : vector<16xi32>
      %swap3A_1350 = arith.constant 416 : index
      %swap3A_1351 = tpu.vector_load %arg8[%swap3A_1350] {strides = array<i32>} : memref<1024xi32, #tpu.memory_space<vmem>>, vector<16xi32>,
      tpu.vector_store %arg8[%swap3A_1350], %add3A_1349 {strides = array<i32>} : memref<1024xi32, #tpu.memory_space<vmem>>, vector<16xi32>,
      %mul3A_1352 = arith.constant 128 : i32
      %mul3A_1353 = arith.muli %add3A_1056, %mul3A_1352 : i32
      %add3A_1354 = vector.broadcast %mul3A_1353 : i32 to vector<16xi32>
      %add3A_1355 = arith.addi %add3A_1354, %select_n3A : vector<16xi32>
      %add3A_1356 = arith.constant 54 : i32
      %add3A_1357 = vector.broadcast %add3A_1356 : i32 to vector<16xi32>
      %add3A_1358 = arith.addi %add3A_1355, %add3A_1357 : vector<16xi32>
      %gather3A_1359 = tpu.vector_load_idx %arg7[%add3A_1358, %sub3A_29] : memref<6400x8xi32, #tpu.memory_space<vmem>>[vector<16xi32>, vector<16xi32>], vector<16xi32>,
      %add3A_1360 = arith.addi %gather3A_1359, %mul3A_32 : vector<16xi32>
      %swap3A_1361 = arith.constant 432 : index
      %swap3A_1362 = tpu.vector_load %arg8[%swap3A_1361] {strides = array<i32>} : memref<1024xi32, #tpu.memory_space<vmem>>, vector<16xi32>,
      tpu.vector_store %arg8[%swap3A_1361], %add3A_1360 {strides = array<i32>} : memref<1024xi32, #tpu.memory_space<vmem>>, vector<16xi32>,
      %mul3A_1363 = arith.constant 128 : i32
      %mul3A_1364 = arith.muli %add3A_1056, %mul3A_1363 : i32
      %add3A_1365 = vector.broadcast %mul3A_1364 : i32 to vector<16xi32>
      %add3A_1366 = arith.addi %add3A_1365, %select_n3A : vector<16xi32>
      %add3A_1367 = arith.constant 56 : i32
      %add3A_1368 = vector.broadcast %add3A_1367 : i32 to vector<16xi32>
      %add3A_1369 = arith.addi %add3A_1366, %add3A_1368 : vector<16xi32>
      %gather3A_1370 = tpu.vector_load_idx %arg7[%add3A_1369, %sub3A_29] : memref<6400x8xi32, #tpu.memory_space<vmem>>[vector<16xi32>, vector<16xi32>], vector<16xi32>,
      %add3A_1371 = arith.addi %gather3A_1370, %mul3A_32 : vector<16xi32>
      %swap3A_1372 = arith.constant 448 : index
      %swap3A_1373 = tpu.vector_load %arg8[%swap3A_1372] {strides = array<i32>} : memref<1024xi32, #tpu.memory_space<vmem>>, vector<16xi32>,
      tpu.vector_store %arg8[%swap3A_1372], %add3A_1371 {strides = array<i32>} : memref<1024xi32, #tpu.memory_space<vmem>>, vector<16xi32>,
      %mul3A_1374 = arith.constant 128 : i32
      %mul3A_1375 = arith.muli %add3A_1056, %mul3A_1374 : i32
      %add3A_1376 = vector.broadcast %mul3A_1375 : i32 to vector<16xi32>
      %add3A_1377 = arith.addi %add3A_1376, %select_n3A : vector<16xi32>
      %add3A_1378 = arith.constant 58 : i32
      %add3A_1379 = vector.broadcast %add3A_1378 : i32 to vector<16xi32>
      %add3A_1380 = arith.addi %add3A_1377, %add3A_1379 : vector<16xi32>
      %gather3A_1381 = tpu.vector_load_idx %arg7[%add3A_1380, %sub3A_29] : memref<6400x8xi32, #tpu.memory_space<vmem>>[vector<16xi32>, vector<16xi32>], vector<16xi32>,
      %add3A_1382 = arith.addi %gather3A_1381, %mul3A_32 : vector<16xi32>
      %swap3A_1383 = arith.constant 464 : index
      %swap3A_1384 = tpu.vector_load %arg8[%swap3A_1383] {strides = array<i32>} : memref<1024xi32, #tpu.memory_space<vmem>>, vector<16xi32>,
      tpu.vector_store %arg8[%swap3A_1383], %add3A_1382 {strides = array<i32>} : memref<1024xi32, #tpu.memory_space<vmem>>, vector<16xi32>,
      %mul3A_1385 = arith.constant 128 : i32
      %mul3A_1386 = arith.muli %add3A_1056, %mul3A_1385 : i32
      %add3A_1387 = vector.broadcast %mul3A_1386 : i32 to vector<16xi32>
      %add3A_1388 = arith.addi %add3A_1387, %select_n3A : vector<16xi32>
      %add3A_1389 = arith.constant 60 : i32
      %add3A_1390 = vector.broadcast %add3A_1389 : i32 to vector<16xi32>
      %add3A_1391 = arith.addi %add3A_1388, %add3A_1390 : vector<16xi32>
      %gather3A_1392 = tpu.vector_load_idx %arg7[%add3A_1391, %sub3A_29] : memref<6400x8xi32, #tpu.memory_space<vmem>>[vector<16xi32>, vector<16xi32>], vector<16xi32>,
      %add3A_1393 = arith.addi %gather3A_1392, %mul3A_32 : vector<16xi32>
      %swap3A_1394 = arith.constant 480 : index
      %swap3A_1395 = tpu.vector_load %arg8[%swap3A_1394] {strides = array<i32>} : memref<1024xi32, #tpu.memory_space<vmem>>, vector<16xi32>,
      tpu.vector_store %arg8[%swap3A_1394], %add3A_1393 {strides = array<i32>} : memref<1024xi32, #tpu.memory_space<vmem>>, vector<16xi32>,
      %mul3A_1396 = arith.constant 128 : i32
      %mul3A_1397 = arith.muli %add3A_1056, %mul3A_1396 : i32
      %add3A_1398 = vector.broadcast %mul3A_1397 : i32 to vector<16xi32>
      %add3A_1399 = arith.addi %add3A_1398, %select_n3A : vector<16xi32>
      %add3A_1400 = arith.constant 62 : i32
      %add3A_1401 = vector.broadcast %add3A_1400 : i32 to vector<16xi32>
      %add3A_1402 = arith.addi %add3A_1399, %add3A_1401 : vector<16xi32>
      %gather3A_1403 = tpu.vector_load_idx %arg7[%add3A_1402, %sub3A_29] : memref<6400x8xi32, #tpu.memory_space<vmem>>[vector<16xi32>, vector<16xi32>], vector<16xi32>,
      %add3A_1404 = arith.addi %gather3A_1403, %mul3A_32 : vector<16xi32>
      %swap3A_1405 = arith.constant 496 : index
      %swap3A_1406 = tpu.vector_load %arg8[%swap3A_1405] {strides = array<i32>} : memref<1024xi32, #tpu.memory_space<vmem>>, vector<16xi32>,
      tpu.vector_store %arg8[%swap3A_1405], %add3A_1404 {strides = array<i32>} : memref<1024xi32, #tpu.memory_space<vmem>>, vector<16xi32>,
      %mul3A_1407 = arith.constant 128 : i32
      %mul3A_1408 = arith.muli %add3A_1056, %mul3A_1407 : i32
      %add3A_1409 = vector.broadcast %mul3A_1408 : i32 to vector<16xi32>
      %add3A_1410 = arith.addi %add3A_1409, %select_n3A : vector<16xi32>
      %add3A_1411 = arith.constant 64 : i32
      %add3A_1412 = vector.broadcast %add3A_1411 : i32 to vector<16xi32>
      %add3A_1413 = arith.addi %add3A_1410, %add3A_1412 : vector<16xi32>
      %gather3A_1414 = tpu.vector_load_idx %arg7[%add3A_1413, %sub3A_29] : memref<6400x8xi32, #tpu.memory_space<vmem>>[vector<16xi32>, vector<16xi32>], vector<16xi32>,
      %add3A_1415 = arith.addi %gather3A_1414, %mul3A_32 : vector<16xi32>
      %swap3A_1416 = arith.constant 512 : index
      %swap3A_1417 = tpu.vector_load %arg8[%swap3A_1416] {strides = array<i32>} : memref<1024xi32, #tpu.memory_space<vmem>>, vector<16xi32>,
      tpu.vector_store %arg8[%swap3A_1416], %add3A_1415 {strides = array<i32>} : memref<1024xi32, #tpu.memory_space<vmem>>, vector<16xi32>,
      %mul3A_1418 = arith.constant 128 : i32
      %mul3A_1419 = arith.muli %add3A_1056, %mul3A_1418 : i32
      %add3A_1420 = vector.broadcast %mul3A_1419 : i32 to vector<16xi32>
      %add3A_1421 = arith.addi %add3A_1420, %select_n3A : vector<16xi32>
      %add3A_1422 = arith.constant 66 : i32
      %add3A_1423 = vector.broadcast %add3A_1422 : i32 to vector<16xi32>
      %add3A_1424 = arith.addi %add3A_1421, %add3A_1423 : vector<16xi32>
      %gather3A_1425 = tpu.vector_load_idx %arg7[%add3A_1424, %sub3A_29] : memref<6400x8xi32, #tpu.memory_space<vmem>>[vector<16xi32>, vector<16xi32>], vector<16xi32>,
      %add3A_1426 = arith.addi %gather3A_1425, %mul3A_32 : vector<16xi32>
      %swap3A_1427 = arith.constant 528 : index
      %swap3A_1428 = tpu.vector_load %arg8[%swap3A_1427] {strides = array<i32>} : memref<1024xi32, #tpu.memory_space<vmem>>, vector<16xi32>,
      tpu.vector_store %arg8[%swap3A_1427], %add3A_1426 {strides = array<i32>} : memref<1024xi32, #tpu.memory_space<vmem>>, vector<16xi32>,
      %mul3A_1429 = arith.constant 128 : i32
      %mul3A_1430 = arith.muli %add3A_1056, %mul3A_1429 : i32
      %add3A_1431 = vector.broadcast %mul3A_1430 : i32 to vector<16xi32>
      %add3A_1432 = arith.addi %add3A_1431, %select_n3A : vector<16xi32>
      %add3A_1433 = arith.constant 68 : i32
      %add3A_1434 = vector.broadcast %add3A_1433 : i32 to vector<16xi32>
      %add3A_1435 = arith.addi %add3A_1432, %add3A_1434 : vector<16xi32>
      %gather3A_1436 = tpu.vector_load_idx %arg7[%add3A_1435, %sub3A_29] : memref<6400x8xi32, #tpu.memory_space<vmem>>[vector<16xi32>, vector<16xi32>], vector<16xi32>,
      %add3A_1437 = arith.addi %gather3A_1436, %mul3A_32 : vector<16xi32>
      %swap3A_1438 = arith.constant 544 : index
      %swap3A_1439 = tpu.vector_load %arg8[%swap3A_1438] {strides = array<i32>} : memref<1024xi32, #tpu.memory_space<vmem>>, vector<16xi32>,
      tpu.vector_store %arg8[%swap3A_1438], %add3A_1437 {strides = array<i32>} : memref<1024xi32, #tpu.memory_space<vmem>>, vector<16xi32>,
      %mul3A_1440 = arith.constant 128 : i32
      %mul3A_1441 = arith.muli %add3A_1056, %mul3A_1440 : i32
      %add3A_1442 = vector.broadcast %mul3A_1441 : i32 to vector<16xi32>
      %add3A_1443 = arith.addi %add3A_1442, %select_n3A : vector<16xi32>
      %add3A_1444 = arith.constant 70 : i32
      %add3A_1445 = vector.broadcast %add3A_1444 : i32 to vector<16xi32>
      %add3A_1446 = arith.addi %add3A_1443, %add3A_1445 : vector<16xi32>
      %gather3A_1447 = tpu.vector_load_idx %arg7[%add3A_1446, %sub3A_29] : memref<6400x8xi32, #tpu.memory_space<vmem>>[vector<16xi32>, vector<16xi32>], vector<16xi32>,
      %add3A_1448 = arith.addi %gather3A_1447, %mul3A_32 : vector<16xi32>
      %swap3A_1449 = arith.constant 560 : index
      %swap3A_1450 = tpu.vector_load %arg8[%swap3A_1449] {strides = array<i32>} : memref<1024xi32, #tpu.memory_space<vmem>>, vector<16xi32>,
      tpu.vector_store %arg8[%swap3A_1449], %add3A_1448 {strides = array<i32>} : memref<1024xi32, #tpu.memory_space<vmem>>, vector<16xi32>,
      %mul3A_1451 = arith.constant 128 : i32
      %mul3A_1452 = arith.muli %add3A_1056, %mul3A_1451 : i32
      %add3A_1453 = vector.broadcast %mul3A_1452 : i32 to vector<16xi32>
      %add3A_1454 = arith.addi %add3A_1453, %select_n3A : vector<16xi32>
      %add3A_1455 = arith.constant 72 : i32
      %add3A_1456 = vector.broadcast %add3A_1455 : i32 to vector<16xi32>
      %add3A_1457 = arith.addi %add3A_1454, %add3A_1456 : vector<16xi32>
      %gather3A_1458 = tpu.vector_load_idx %arg7[%add3A_1457, %sub3A_29] : memref<6400x8xi32, #tpu.memory_space<vmem>>[vector<16xi32>, vector<16xi32>], vector<16xi32>,
      %add3A_1459 = arith.addi %gather3A_1458, %mul3A_32 : vector<16xi32>
      %swap3A_1460 = arith.constant 576 : index
      %swap3A_1461 = tpu.vector_load %arg8[%swap3A_1460] {strides = array<i32>} : memref<1024xi32, #tpu.memory_space<vmem>>, vector<16xi32>,
      tpu.vector_store %arg8[%swap3A_1460], %add3A_1459 {strides = array<i32>} : memref<1024xi32, #tpu.memory_space<vmem>>, vector<16xi32>,
      %mul3A_1462 = arith.constant 128 : i32
      %mul3A_1463 = arith.muli %add3A_1056, %mul3A_1462 : i32
      %add3A_1464 = vector.broadcast %mul3A_1463 : i32 to vector<16xi32>
      %add3A_1465 = arith.addi %add3A_1464, %select_n3A : vector<16xi32>
      %add3A_1466 = arith.constant 74 : i32
      %add3A_1467 = vector.broadcast %add3A_1466 : i32 to vector<16xi32>
      %add3A_1468 = arith.addi %add3A_1465, %add3A_1467 : vector<16xi32>
      %gather3A_1469 = tpu.vector_load_idx %arg7[%add3A_1468, %sub3A_29] : memref<6400x8xi32, #tpu.memory_space<vmem>>[vector<16xi32>, vector<16xi32>], vector<16xi32>,
      %add3A_1470 = arith.addi %gather3A_1469, %mul3A_32 : vector<16xi32>
      %swap3A_1471 = arith.constant 592 : index
      %swap3A_1472 = tpu.vector_load %arg8[%swap3A_1471] {strides = array<i32>} : memref<1024xi32, #tpu.memory_space<vmem>>, vector<16xi32>,
      tpu.vector_store %arg8[%swap3A_1471], %add3A_1470 {strides = array<i32>} : memref<1024xi32, #tpu.memory_space<vmem>>, vector<16xi32>,
      %mul3A_1473 = arith.constant 128 : i32
      %mul3A_1474 = arith.muli %add3A_1056, %mul3A_1473 : i32
      %add3A_1475 = vector.broadcast %mul3A_1474 : i32 to vector<16xi32>
      %add3A_1476 = arith.addi %add3A_1475, %select_n3A : vector<16xi32>
      %add3A_1477 = arith.constant 76 : i32
      %add3A_1478 = vector.broadcast %add3A_1477 : i32 to vector<16xi32>
      %add3A_1479 = arith.addi %add3A_1476, %add3A_1478 : vector<16xi32>
      %gather3A_1480 = tpu.vector_load_idx %arg7[%add3A_1479, %sub3A_29] : memref<6400x8xi32, #tpu.memory_space<vmem>>[vector<16xi32>, vector<16xi32>], vector<16xi32>,
      %add3A_1481 = arith.addi %gather3A_1480, %mul3A_32 : vector<16xi32>
      %swap3A_1482 = arith.constant 608 : index
      %swap3A_1483 = tpu.vector_load %arg8[%swap3A_1482] {strides = array<i32>} : memref<1024xi32, #tpu.memory_space<vmem>>, vector<16xi32>,
      tpu.vector_store %arg8[%swap3A_1482], %add3A_1481 {strides = array<i32>} : memref<1024xi32, #tpu.memory_space<vmem>>, vector<16xi32>,
      %mul3A_1484 = arith.constant 128 : i32
      %mul3A_1485 = arith.muli %add3A_1056, %mul3A_1484 : i32
      %add3A_1486 = vector.broadcast %mul3A_1485 : i32 to vector<16xi32>
      %add3A_1487 = arith.addi %add3A_1486, %select_n3A : vector<16xi32>
      %add3A_1488 = arith.constant 78 : i32
      %add3A_1489 = vector.broadcast %add3A_1488 : i32 to vector<16xi32>
      %add3A_1490 = arith.addi %add3A_1487, %add3A_1489 : vector<16xi32>
      %gather3A_1491 = tpu.vector_load_idx %arg7[%add3A_1490, %sub3A_29] : memref<6400x8xi32, #tpu.memory_space<vmem>>[vector<16xi32>, vector<16xi32>], vector<16xi32>,
      %add3A_1492 = arith.addi %gather3A_1491, %mul3A_32 : vector<16xi32>
      %swap3A_1493 = arith.constant 624 : index
      %swap3A_1494 = tpu.vector_load %arg8[%swap3A_1493] {strides = array<i32>} : memref<1024xi32, #tpu.memory_space<vmem>>, vector<16xi32>,
      tpu.vector_store %arg8[%swap3A_1493], %add3A_1492 {strides = array<i32>} : memref<1024xi32, #tpu.memory_space<vmem>>, vector<16xi32>,
      %mul3A_1495 = arith.constant 128 : i32
      %mul3A_1496 = arith.muli %add3A_1056, %mul3A_1495 : i32
      %add3A_1497 = vector.broadcast %mul3A_1496 : i32 to vector<16xi32>
      %add3A_1498 = arith.addi %add3A_1497, %select_n3A : vector<16xi32>
      %add3A_1499 = arith.constant 80 : i32
      %add3A_1500 = vector.broadcast %add3A_1499 : i32 to vector<16xi32>
      %add3A_1501 = arith.addi %add3A_1498, %add3A_1500 : vector<16xi32>
      %gather3A_1502 = tpu.vector_load_idx %arg7[%add3A_1501, %sub3A_29] : memref<6400x8xi32, #tpu.memory_space<vmem>>[vector<16xi32>, vector<16xi32>], vector<16xi32>,
      %add3A_1503 = arith.addi %gather3A_1502, %mul3A_32 : vector<16xi32>
      %swap3A_1504 = arith.constant 640 : index
      %swap3A_1505 = tpu.vector_load %arg8[%swap3A_1504] {strides = array<i32>} : memref<1024xi32, #tpu.memory_space<vmem>>, vector<16xi32>,
      tpu.vector_store %arg8[%swap3A_1504], %add3A_1503 {strides = array<i32>} : memref<1024xi32, #tpu.memory_space<vmem>>, vector<16xi32>,
      %mul3A_1506 = arith.constant 128 : i32
      %mul3A_1507 = arith.muli %add3A_1056, %mul3A_1506 : i32
      %add3A_1508 = vector.broadcast %mul3A_1507 : i32 to vector<16xi32>
      %add3A_1509 = arith.addi %add3A_1508, %select_n3A : vector<16xi32>
      %add3A_1510 = arith.constant 82 : i32
      %add3A_1511 = vector.broadcast %add3A_1510 : i32 to vector<16xi32>
      %add3A_1512 = arith.addi %add3A_1509, %add3A_1511 : vector<16xi32>
      %gather3A_1513 = tpu.vector_load_idx %arg7[%add3A_1512, %sub3A_29] : memref<6400x8xi32, #tpu.memory_space<vmem>>[vector<16xi32>, vector<16xi32>], vector<16xi32>,
      %add3A_1514 = arith.addi %gather3A_1513, %mul3A_32 : vector<16xi32>
      %swap3A_1515 = arith.constant 656 : index
      %swap3A_1516 = tpu.vector_load %arg8[%swap3A_1515] {strides = array<i32>} : memref<1024xi32, #tpu.memory_space<vmem>>, vector<16xi32>,
      tpu.vector_store %arg8[%swap3A_1515], %add3A_1514 {strides = array<i32>} : memref<1024xi32, #tpu.memory_space<vmem>>, vector<16xi32>,
      %mul3A_1517 = arith.constant 128 : i32
      %mul3A_1518 = arith.muli %add3A_1056, %mul3A_1517 : i32
      %add3A_1519 = vector.broadcast %mul3A_1518 : i32 to vector<16xi32>
      %add3A_1520 = arith.addi %add3A_1519, %select_n3A : vector<16xi32>
      %add3A_1521 = arith.constant 84 : i32
      %add3A_1522 = vector.broadcast %add3A_1521 : i32 to vector<16xi32>
      %add3A_1523 = arith.addi %add3A_1520, %add3A_1522 : vector<16xi32>
      %gather3A_1524 = tpu.vector_load_idx %arg7[%add3A_1523, %sub3A_29] : memref<6400x8xi32, #tpu.memory_space<vmem>>[vector<16xi32>, vector<16xi32>], vector<16xi32>,
      %add3A_1525 = arith.addi %gather3A_1524, %mul3A_32 : vector<16xi32>
      %swap3A_1526 = arith.constant 672 : index
      %swap3A_1527 = tpu.vector_load %arg8[%swap3A_1526] {strides = array<i32>} : memref<1024xi32, #tpu.memory_space<vmem>>, vector<16xi32>,
      tpu.vector_store %arg8[%swap3A_1526], %add3A_1525 {strides = array<i32>} : memref<1024xi32, #tpu.memory_space<vmem>>, vector<16xi32>,
      %mul3A_1528 = arith.constant 128 : i32
      %mul3A_1529 = arith.muli %add3A_1056, %mul3A_1528 : i32
      %add3A_1530 = vector.broadcast %mul3A_1529 : i32 to vector<16xi32>
      %add3A_1531 = arith.addi %add3A_1530, %select_n3A : vector<16xi32>
      %add3A_1532 = arith.constant 86 : i32
      %add3A_1533 = vector.broadcast %add3A_1532 : i32 to vector<16xi32>
      %add3A_1534 = arith.addi %add3A_1531, %add3A_1533 : vector<16xi32>
      %gather3A_1535 = tpu.vector_load_idx %arg7[%add3A_1534, %sub3A_29] : memref<6400x8xi32, #tpu.memory_space<vmem>>[vector<16xi32>, vector<16xi32>], vector<16xi32>,
      %add3A_1536 = arith.addi %gather3A_1535, %mul3A_32 : vector<16xi32>
      %swap3A_1537 = arith.constant 688 : index
      %swap3A_1538 = tpu.vector_load %arg8[%swap3A_1537] {strides = array<i32>} : memref<1024xi32, #tpu.memory_space<vmem>>, vector<16xi32>,
      tpu.vector_store %arg8[%swap3A_1537], %add3A_1536 {strides = array<i32>} : memref<1024xi32, #tpu.memory_space<vmem>>, vector<16xi32>,
      %mul3A_1539 = arith.constant 128 : i32
      %mul3A_1540 = arith.muli %add3A_1056, %mul3A_1539 : i32
      %add3A_1541 = vector.broadcast %mul3A_1540 : i32 to vector<16xi32>
      %add3A_1542 = arith.addi %add3A_1541, %select_n3A : vector<16xi32>
      %add3A_1543 = arith.constant 88 : i32
      %add3A_1544 = vector.broadcast %add3A_1543 : i32 to vector<16xi32>
      %add3A_1545 = arith.addi %add3A_1542, %add3A_1544 : vector<16xi32>
      %gather3A_1546 = tpu.vector_load_idx %arg7[%add3A_1545, %sub3A_29] : memref<6400x8xi32, #tpu.memory_space<vmem>>[vector<16xi32>, vector<16xi32>], vector<16xi32>,
      %add3A_1547 = arith.addi %gather3A_1546, %mul3A_32 : vector<16xi32>
      %swap3A_1548 = arith.constant 704 : index
      %swap3A_1549 = tpu.vector_load %arg8[%swap3A_1548] {strides = array<i32>} : memref<1024xi32, #tpu.memory_space<vmem>>, vector<16xi32>,
      tpu.vector_store %arg8[%swap3A_1548], %add3A_1547 {strides = array<i32>} : memref<1024xi32, #tpu.memory_space<vmem>>, vector<16xi32>,
      %mul3A_1550 = arith.constant 128 : i32
      %mul3A_1551 = arith.muli %add3A_1056, %mul3A_1550 : i32
      %add3A_1552 = vector.broadcast %mul3A_1551 : i32 to vector<16xi32>
      %add3A_1553 = arith.addi %add3A_1552, %select_n3A : vector<16xi32>
      %add3A_1554 = arith.constant 90 : i32
      %add3A_1555 = vector.broadcast %add3A_1554 : i32 to vector<16xi32>
      %add3A_1556 = arith.addi %add3A_1553, %add3A_1555 : vector<16xi32>
      %gather3A_1557 = tpu.vector_load_idx %arg7[%add3A_1556, %sub3A_29] : memref<6400x8xi32, #tpu.memory_space<vmem>>[vector<16xi32>, vector<16xi32>], vector<16xi32>,
      %add3A_1558 = arith.addi %gather3A_1557, %mul3A_32 : vector<16xi32>
      %swap3A_1559 = arith.constant 720 : index
      %swap3A_1560 = tpu.vector_load %arg8[%swap3A_1559] {strides = array<i32>} : memref<1024xi32, #tpu.memory_space<vmem>>, vector<16xi32>,
      tpu.vector_store %arg8[%swap3A_1559], %add3A_1558 {strides = array<i32>} : memref<1024xi32, #tpu.memory_space<vmem>>, vector<16xi32>,
      %mul3A_1561 = arith.constant 128 : i32
      %mul3A_1562 = arith.muli %add3A_1056, %mul3A_1561 : i32
      %add3A_1563 = vector.broadcast %mul3A_1562 : i32 to vector<16xi32>
      %add3A_1564 = arith.addi %add3A_1563, %select_n3A : vector<16xi32>
      %add3A_1565 = arith.constant 92 : i32
      %add3A_1566 = vector.broadcast %add3A_1565 : i32 to vector<16xi32>
      %add3A_1567 = arith.addi %add3A_1564, %add3A_1566 : vector<16xi32>
      %gather3A_1568 = tpu.vector_load_idx %arg7[%add3A_1567, %sub3A_29] : memref<6400x8xi32, #tpu.memory_space<vmem>>[vector<16xi32>, vector<16xi32>], vector<16xi32>,
      %add3A_1569 = arith.addi %gather3A_1568, %mul3A_32 : vector<16xi32>
      %swap3A_1570 = arith.constant 736 : index
      %swap3A_1571 = tpu.vector_load %arg8[%swap3A_1570] {strides = array<i32>} : memref<1024xi32, #tpu.memory_space<vmem>>, vector<16xi32>,
      tpu.vector_store %arg8[%swap3A_1570], %add3A_1569 {strides = array<i32>} : memref<1024xi32, #tpu.memory_space<vmem>>, vector<16xi32>,
      %mul3A_1572 = arith.constant 128 : i32
      %mul3A_1573 = arith.muli %add3A_1056, %mul3A_1572 : i32
      %add3A_1574 = vector.broadcast %mul3A_1573 : i32 to vector<16xi32>
      %add3A_1575 = arith.addi %add3A_1574, %select_n3A : vector<16xi32>
      %add3A_1576 = arith.constant 94 : i32
      %add3A_1577 = vector.broadcast %add3A_1576 : i32 to vector<16xi32>
      %add3A_1578 = arith.addi %add3A_1575, %add3A_1577 : vector<16xi32>
      %gather3A_1579 = tpu.vector_load_idx %arg7[%add3A_1578, %sub3A_29] : memref<6400x8xi32, #tpu.memory_space<vmem>>[vector<16xi32>, vector<16xi32>], vector<16xi32>,
      %add3A_1580 = arith.addi %gather3A_1579, %mul3A_32 : vector<16xi32>
      %swap3A_1581 = arith.constant 752 : index
      %swap3A_1582 = tpu.vector_load %arg8[%swap3A_1581] {strides = array<i32>} : memref<1024xi32, #tpu.memory_space<vmem>>, vector<16xi32>,
      tpu.vector_store %arg8[%swap3A_1581], %add3A_1580 {strides = array<i32>} : memref<1024xi32, #tpu.memory_space<vmem>>, vector<16xi32>,
      %mul3A_1583 = arith.constant 128 : i32
      %mul3A_1584 = arith.muli %add3A_1056, %mul3A_1583 : i32
      %add3A_1585 = vector.broadcast %mul3A_1584 : i32 to vector<16xi32>
      %add3A_1586 = arith.addi %add3A_1585, %select_n3A : vector<16xi32>
      %add3A_1587 = arith.constant 96 : i32
      %add3A_1588 = vector.broadcast %add3A_1587 : i32 to vector<16xi32>
      %add3A_1589 = arith.addi %add3A_1586, %add3A_1588 : vector<16xi32>
      %gather3A_1590 = tpu.vector_load_idx %arg7[%add3A_1589, %sub3A_29] : memref<6400x8xi32, #tpu.memory_space<vmem>>[vector<16xi32>, vector<16xi32>], vector<16xi32>,
      %add3A_1591 = arith.addi %gather3A_1590, %mul3A_32 : vector<16xi32>
      %swap3A_1592 = arith.constant 768 : index
      %swap3A_1593 = tpu.vector_load %arg8[%swap3A_1592] {strides = array<i32>} : memref<1024xi32, #tpu.memory_space<vmem>>, vector<16xi32>,
      tpu.vector_store %arg8[%swap3A_1592], %add3A_1591 {strides = array<i32>} : memref<1024xi32, #tpu.memory_space<vmem>>, vector<16xi32>,
      %mul3A_1594 = arith.constant 128 : i32
      %mul3A_1595 = arith.muli %add3A_1056, %mul3A_1594 : i32
      %add3A_1596 = vector.broadcast %mul3A_1595 : i32 to vector<16xi32>
      %add3A_1597 = arith.addi %add3A_1596, %select_n3A : vector<16xi32>
      %add3A_1598 = arith.constant 98 : i32
      %add3A_1599 = vector.broadcast %add3A_1598 : i32 to vector<16xi32>
      %add3A_1600 = arith.addi %add3A_1597, %add3A_1599 : vector<16xi32>
      %gather3A_1601 = tpu.vector_load_idx %arg7[%add3A_1600, %sub3A_29] : memref<6400x8xi32, #tpu.memory_space<vmem>>[vector<16xi32>, vector<16xi32>], vector<16xi32>,
      %add3A_1602 = arith.addi %gather3A_1601, %mul3A_32 : vector<16xi32>
      %swap3A_1603 = arith.constant 784 : index
      %swap3A_1604 = tpu.vector_load %arg8[%swap3A_1603] {strides = array<i32>} : memref<1024xi32, #tpu.memory_space<vmem>>, vector<16xi32>,
      tpu.vector_store %arg8[%swap3A_1603], %add3A_1602 {strides = array<i32>} : memref<1024xi32, #tpu.memory_space<vmem>>, vector<16xi32>,
      %mul3A_1605 = arith.constant 128 : i32
      %mul3A_1606 = arith.muli %add3A_1056, %mul3A_1605 : i32
      %add3A_1607 = vector.broadcast %mul3A_1606 : i32 to vector<16xi32>
      %add3A_1608 = arith.addi %add3A_1607, %select_n3A : vector<16xi32>
      %add3A_1609 = arith.constant 100 : i32
      %add3A_1610 = vector.broadcast %add3A_1609 : i32 to vector<16xi32>
      %add3A_1611 = arith.addi %add3A_1608, %add3A_1610 : vector<16xi32>
      %gather3A_1612 = tpu.vector_load_idx %arg7[%add3A_1611, %sub3A_29] : memref<6400x8xi32, #tpu.memory_space<vmem>>[vector<16xi32>, vector<16xi32>], vector<16xi32>,
      %add3A_1613 = arith.addi %gather3A_1612, %mul3A_32 : vector<16xi32>
      %swap3A_1614 = arith.constant 800 : index
      %swap3A_1615 = tpu.vector_load %arg8[%swap3A_1614] {strides = array<i32>} : memref<1024xi32, #tpu.memory_space<vmem>>, vector<16xi32>,
      tpu.vector_store %arg8[%swap3A_1614], %add3A_1613 {strides = array<i32>} : memref<1024xi32, #tpu.memory_space<vmem>>, vector<16xi32>,
      %mul3A_1616 = arith.constant 128 : i32
      %mul3A_1617 = arith.muli %add3A_1056, %mul3A_1616 : i32
      %add3A_1618 = vector.broadcast %mul3A_1617 : i32 to vector<16xi32>
      %add3A_1619 = arith.addi %add3A_1618, %select_n3A : vector<16xi32>
      %add3A_1620 = arith.constant 102 : i32
      %add3A_1621 = vector.broadcast %add3A_1620 : i32 to vector<16xi32>
      %add3A_1622 = arith.addi %add3A_1619, %add3A_1621 : vector<16xi32>
      %gather3A_1623 = tpu.vector_load_idx %arg7[%add3A_1622, %sub3A_29] : memref<6400x8xi32, #tpu.memory_space<vmem>>[vector<16xi32>, vector<16xi32>], vector<16xi32>,
      %add3A_1624 = arith.addi %gather3A_1623, %mul3A_32 : vector<16xi32>
      %swap3A_1625 = arith.constant 816 : index
      %swap3A_1626 = tpu.vector_load %arg8[%swap3A_1625] {strides = array<i32>} : memref<1024xi32, #tpu.memory_space<vmem>>, vector<16xi32>,
      tpu.vector_store %arg8[%swap3A_1625], %add3A_1624 {strides = array<i32>} : memref<1024xi32, #tpu.memory_space<vmem>>, vector<16xi32>,
      %mul3A_1627 = arith.constant 128 : i32
      %mul3A_1628 = arith.muli %add3A_1056, %mul3A_1627 : i32
      %add3A_1629 = vector.broadcast %mul3A_1628 : i32 to vector<16xi32>
      %add3A_1630 = arith.addi %add3A_1629, %select_n3A : vector<16xi32>
      %add3A_1631 = arith.constant 104 : i32
      %add3A_1632 = vector.broadcast %add3A_1631 : i32 to vector<16xi32>
      %add3A_1633 = arith.addi %add3A_1630, %add3A_1632 : vector<16xi32>
      %gather3A_1634 = tpu.vector_load_idx %arg7[%add3A_1633, %sub3A_29] : memref<6400x8xi32, #tpu.memory_space<vmem>>[vector<16xi32>, vector<16xi32>], vector<16xi32>,
      %add3A_1635 = arith.addi %gather3A_1634, %mul3A_32 : vector<16xi32>
      %swap3A_1636 = arith.constant 832 : index
      %swap3A_1637 = tpu.vector_load %arg8[%swap3A_1636] {strides = array<i32>} : memref<1024xi32, #tpu.memory_space<vmem>>, vector<16xi32>,
      tpu.vector_store %arg8[%swap3A_1636], %add3A_1635 {strides = array<i32>} : memref<1024xi32, #tpu.memory_space<vmem>>, vector<16xi32>,
      %mul3A_1638 = arith.constant 128 : i32
      %mul3A_1639 = arith.muli %add3A_1056, %mul3A_1638 : i32
      %add3A_1640 = vector.broadcast %mul3A_1639 : i32 to vector<16xi32>
      %add3A_1641 = arith.addi %add3A_1640, %select_n3A : vector<16xi32>
      %add3A_1642 = arith.constant 106 : i32
      %add3A_1643 = vector.broadcast %add3A_1642 : i32 to vector<16xi32>
      %add3A_1644 = arith.addi %add3A_1641, %add3A_1643 : vector<16xi32>
      %gather3A_1645 = tpu.vector_load_idx %arg7[%add3A_1644, %sub3A_29] : memref<6400x8xi32, #tpu.memory_space<vmem>>[vector<16xi32>, vector<16xi32>], vector<16xi32>,
      %add3A_1646 = arith.addi %gather3A_1645, %mul3A_32 : vector<16xi32>
      %swap3A_1647 = arith.constant 848 : index
      %swap3A_1648 = tpu.vector_load %arg8[%swap3A_1647] {strides = array<i32>} : memref<1024xi32, #tpu.memory_space<vmem>>, vector<16xi32>,
      tpu.vector_store %arg8[%swap3A_1647], %add3A_1646 {strides = array<i32>} : memref<1024xi32, #tpu.memory_space<vmem>>, vector<16xi32>,
      %mul3A_1649 = arith.constant 128 : i32
      %mul3A_1650 = arith.muli %add3A_1056, %mul3A_1649 : i32
      %add3A_1651 = vector.broadcast %mul3A_1650 : i32 to vector<16xi32>
      %add3A_1652 = arith.addi %add3A_1651, %select_n3A : vector<16xi32>
      %add3A_1653 = arith.constant 108 : i32
      %add3A_1654 = vector.broadcast %add3A_1653 : i32 to vector<16xi32>
      %add3A_1655 = arith.addi %add3A_1652, %add3A_1654 : vector<16xi32>
      %gather3A_1656 = tpu.vector_load_idx %arg7[%add3A_1655, %sub3A_29] : memref<6400x8xi32, #tpu.memory_space<vmem>>[vector<16xi32>, vector<16xi32>], vector<16xi32>,
      %add3A_1657 = arith.addi %gather3A_1656, %mul3A_32 : vector<16xi32>
      %swap3A_1658 = arith.constant 864 : index
      %swap3A_1659 = tpu.vector_load %arg8[%swap3A_1658] {strides = array<i32>} : memref<1024xi32, #tpu.memory_space<vmem>>, vector<16xi32>,
      tpu.vector_store %arg8[%swap3A_1658], %add3A_1657 {strides = array<i32>} : memref<1024xi32, #tpu.memory_space<vmem>>, vector<16xi32>,
      %mul3A_1660 = arith.constant 128 : i32
      %mul3A_1661 = arith.muli %add3A_1056, %mul3A_1660 : i32
      %add3A_1662 = vector.broadcast %mul3A_1661 : i32 to vector<16xi32>
      %add3A_1663 = arith.addi %add3A_1662, %select_n3A : vector<16xi32>
      %add3A_1664 = arith.constant 110 : i32
      %add3A_1665 = vector.broadcast %add3A_1664 : i32 to vector<16xi32>
      %add3A_1666 = arith.addi %add3A_1663, %add3A_1665 : vector<16xi32>
      %gather3A_1667 = tpu.vector_load_idx %arg7[%add3A_1666, %sub3A_29] : memref<6400x8xi32, #tpu.memory_space<vmem>>[vector<16xi32>, vector<16xi32>], vector<16xi32>,
      %add3A_1668 = arith.addi %gather3A_1667, %mul3A_32 : vector<16xi32>
      %swap3A_1669 = arith.constant 880 : index
      %swap3A_1670 = tpu.vector_load %arg8[%swap3A_1669] {strides = array<i32>} : memref<1024xi32, #tpu.memory_space<vmem>>, vector<16xi32>,
      tpu.vector_store %arg8[%swap3A_1669], %add3A_1668 {strides = array<i32>} : memref<1024xi32, #tpu.memory_space<vmem>>, vector<16xi32>,
      %mul3A_1671 = arith.constant 128 : i32
      %mul3A_1672 = arith.muli %add3A_1056, %mul3A_1671 : i32
      %add3A_1673 = vector.broadcast %mul3A_1672 : i32 to vector<16xi32>
      %add3A_1674 = arith.addi %add3A_1673, %select_n3A : vector<16xi32>
      %add3A_1675 = arith.constant 112 : i32
      %add3A_1676 = vector.broadcast %add3A_1675 : i32 to vector<16xi32>
      %add3A_1677 = arith.addi %add3A_1674, %add3A_1676 : vector<16xi32>
      %gather3A_1678 = tpu.vector_load_idx %arg7[%add3A_1677, %sub3A_29] : memref<6400x8xi32, #tpu.memory_space<vmem>>[vector<16xi32>, vector<16xi32>], vector<16xi32>,
      %add3A_1679 = arith.addi %gather3A_1678, %mul3A_32 : vector<16xi32>
      %swap3A_1680 = arith.constant 896 : index
      %swap3A_1681 = tpu.vector_load %arg8[%swap3A_1680] {strides = array<i32>} : memref<1024xi32, #tpu.memory_space<vmem>>, vector<16xi32>,
      tpu.vector_store %arg8[%swap3A_1680], %add3A_1679 {strides = array<i32>} : memref<1024xi32, #tpu.memory_space<vmem>>, vector<16xi32>,
      %mul3A_1682 = arith.constant 128 : i32
      %mul3A_1683 = arith.muli %add3A_1056, %mul3A_1682 : i32
      %add3A_1684 = vector.broadcast %mul3A_1683 : i32 to vector<16xi32>
      %add3A_1685 = arith.addi %add3A_1684, %select_n3A : vector<16xi32>
      %add3A_1686 = arith.constant 114 : i32
      %add3A_1687 = vector.broadcast %add3A_1686 : i32 to vector<16xi32>
      %add3A_1688 = arith.addi %add3A_1685, %add3A_1687 : vector<16xi32>
      %gather3A_1689 = tpu.vector_load_idx %arg7[%add3A_1688, %sub3A_29] : memref<6400x8xi32, #tpu.memory_space<vmem>>[vector<16xi32>, vector<16xi32>], vector<16xi32>,
      %add3A_1690 = arith.addi %gather3A_1689, %mul3A_32 : vector<16xi32>
      %swap3A_1691 = arith.constant 912 : index
      %swap3A_1692 = tpu.vector_load %arg8[%swap3A_1691] {strides = array<i32>} : memref<1024xi32, #tpu.memory_space<vmem>>, vector<16xi32>,
      tpu.vector_store %arg8[%swap3A_1691], %add3A_1690 {strides = array<i32>} : memref<1024xi32, #tpu.memory_space<vmem>>, vector<16xi32>,
      %mul3A_1693 = arith.constant 128 : i32
      %mul3A_1694 = arith.muli %add3A_1056, %mul3A_1693 : i32
      %add3A_1695 = vector.broadcast %mul3A_1694 : i32 to vector<16xi32>
      %add3A_1696 = arith.addi %add3A_1695, %select_n3A : vector<16xi32>
      %add3A_1697 = arith.constant 116 : i32
      %add3A_1698 = vector.broadcast %add3A_1697 : i32 to vector<16xi32>
      %add3A_1699 = arith.addi %add3A_1696, %add3A_1698 : vector<16xi32>
      %gather3A_1700 = tpu.vector_load_idx %arg7[%add3A_1699, %sub3A_29] : memref<6400x8xi32, #tpu.memory_space<vmem>>[vector<16xi32>, vector<16xi32>], vector<16xi32>,
      %add3A_1701 = arith.addi %gather3A_1700, %mul3A_32 : vector<16xi32>
      %swap3A_1702 = arith.constant 928 : index
      %swap3A_1703 = tpu.vector_load %arg8[%swap3A_1702] {strides = array<i32>} : memref<1024xi32, #tpu.memory_space<vmem>>, vector<16xi32>,
      tpu.vector_store %arg8[%swap3A_1702], %add3A_1701 {strides = array<i32>} : memref<1024xi32, #tpu.memory_space<vmem>>, vector<16xi32>,
      %mul3A_1704 = arith.constant 128 : i32
      %mul3A_1705 = arith.muli %add3A_1056, %mul3A_1704 : i32
      %add3A_1706 = vector.broadcast %mul3A_1705 : i32 to vector<16xi32>
      %add3A_1707 = arith.addi %add3A_1706, %select_n3A : vector<16xi32>
      %add3A_1708 = arith.constant 118 : i32
      %add3A_1709 = vector.broadcast %add3A_1708 : i32 to vector<16xi32>
      %add3A_1710 = arith.addi %add3A_1707, %add3A_1709 : vector<16xi32>
      %gather3A_1711 = tpu.vector_load_idx %arg7[%add3A_1710, %sub3A_29] : memref<6400x8xi32, #tpu.memory_space<vmem>>[vector<16xi32>, vector<16xi32>], vector<16xi32>,
      %add3A_1712 = arith.addi %gather3A_1711, %mul3A_32 : vector<16xi32>
      %swap3A_1713 = arith.constant 944 : index
      %swap3A_1714 = tpu.vector_load %arg8[%swap3A_1713] {strides = array<i32>} : memref<1024xi32, #tpu.memory_space<vmem>>, vector<16xi32>,
      tpu.vector_store %arg8[%swap3A_1713], %add3A_1712 {strides = array<i32>} : memref<1024xi32, #tpu.memory_space<vmem>>, vector<16xi32>,
      %mul3A_1715 = arith.constant 128 : i32
      %mul3A_1716 = arith.muli %add3A_1056, %mul3A_1715 : i32
      %add3A_1717 = vector.broadcast %mul3A_1716 : i32 to vector<16xi32>
      %add3A_1718 = arith.addi %add3A_1717, %select_n3A : vector<16xi32>
      %add3A_1719 = arith.constant 120 : i32
      %add3A_1720 = vector.broadcast %add3A_1719 : i32 to vector<16xi32>
      %add3A_1721 = arith.addi %add3A_1718, %add3A_1720 : vector<16xi32>
      %gather3A_1722 = tpu.vector_load_idx %arg7[%add3A_1721, %sub3A_29] : memref<6400x8xi32, #tpu.memory_space<vmem>>[vector<16xi32>, vector<16xi32>], vector<16xi32>,
      %add3A_1723 = arith.addi %gather3A_1722, %mul3A_32 : vector<16xi32>
      %swap3A_1724 = arith.constant 960 : index
      %swap3A_1725 = tpu.vector_load %arg8[%swap3A_1724] {strides = array<i32>} : memref<1024xi32, #tpu.memory_space<vmem>>, vector<16xi32>,
      tpu.vector_store %arg8[%swap3A_1724], %add3A_1723 {strides = array<i32>} : memref<1024xi32, #tpu.memory_space<vmem>>, vector<16xi32>,
      %mul3A_1726 = arith.constant 128 : i32
      %mul3A_1727 = arith.muli %add3A_1056, %mul3A_1726 : i32
      %add3A_1728 = vector.broadcast %mul3A_1727 : i32 to vector<16xi32>
      %add3A_1729 = arith.addi %add3A_1728, %select_n3A : vector<16xi32>
      %add3A_1730 = arith.constant 122 : i32
      %add3A_1731 = vector.broadcast %add3A_1730 : i32 to vector<16xi32>
      %add3A_1732 = arith.addi %add3A_1729, %add3A_1731 : vector<16xi32>
      %gather3A_1733 = tpu.vector_load_idx %arg7[%add3A_1732, %sub3A_29] : memref<6400x8xi32, #tpu.memory_space<vmem>>[vector<16xi32>, vector<16xi32>], vector<16xi32>,
      %add3A_1734 = arith.addi %gather3A_1733, %mul3A_32 : vector<16xi32>
      %swap3A_1735 = arith.constant 976 : index
      %swap3A_1736 = tpu.vector_load %arg8[%swap3A_1735] {strides = array<i32>} : memref<1024xi32, #tpu.memory_space<vmem>>, vector<16xi32>,
      tpu.vector_store %arg8[%swap3A_1735], %add3A_1734 {strides = array<i32>} : memref<1024xi32, #tpu.memory_space<vmem>>, vector<16xi32>,
      %mul3A_1737 = arith.constant 128 : i32
      %mul3A_1738 = arith.muli %add3A_1056, %mul3A_1737 : i32
      %add3A_1739 = vector.broadcast %mul3A_1738 : i32 to vector<16xi32>
      %add3A_1740 = arith.addi %add3A_1739, %select_n3A : vector<16xi32>
      %add3A_1741 = arith.constant 124 : i32
      %add3A_1742 = vector.broadcast %add3A_1741 : i32 to vector<16xi32>
      %add3A_1743 = arith.addi %add3A_1740, %add3A_1742 : vector<16xi32>
      %gather3A_1744 = tpu.vector_load_idx %arg7[%add3A_1743, %sub3A_29] : memref<6400x8xi32, #tpu.memory_space<vmem>>[vector<16xi32>, vector<16xi32>], vector<16xi32>,
      %add3A_1745 = arith.addi %gather3A_1744, %mul3A_32 : vector<16xi32>
      %swap3A_1746 = arith.constant 992 : index
      %swap3A_1747 = tpu.vector_load %arg8[%swap3A_1746] {strides = array<i32>} : memref<1024xi32, #tpu.memory_space<vmem>>, vector<16xi32>,
      tpu.vector_store %arg8[%swap3A_1746], %add3A_1745 {strides = array<i32>} : memref<1024xi32, #tpu.memory_space<vmem>>, vector<16xi32>,
      %mul3A_1748 = arith.constant 128 : i32
      %mul3A_1749 = arith.muli %add3A_1056, %mul3A_1748 : i32
      %add3A_1750 = vector.broadcast %mul3A_1749 : i32 to vector<16xi32>
      %add3A_1751 = arith.addi %add3A_1750, %select_n3A : vector<16xi32>
      %add3A_1752 = arith.constant 126 : i32
      %add3A_1753 = vector.broadcast %add3A_1752 : i32 to vector<16xi32>
      %add3A_1754 = arith.addi %add3A_1751, %add3A_1753 : vector<16xi32>
      %gather3A_1755 = tpu.vector_load_idx %arg7[%add3A_1754, %sub3A_29] : memref<6400x8xi32, #tpu.memory_space<vmem>>[vector<16xi32>, vector<16xi32>], vector<16xi32>,
      %add3A_1756 = arith.addi %gather3A_1755, %mul3A_32 : vector<16xi32>
      %swap3A_1757 = arith.constant 1008 : index
      %swap3A_1758 = tpu.vector_load %arg8[%swap3A_1757] {strides = array<i32>} : memref<1024xi32, #tpu.memory_space<vmem>>, vector<16xi32>,
      tpu.vector_store %arg8[%swap3A_1757], %add3A_1756 {strides = array<i32>} : memref<1024xi32, #tpu.memory_space<vmem>>, vector<16xi32>,
      %ge3A = arith.constant 1 : i32
      %ge3A_1759 = arith.cmpi sge, %scan3A_1052, %ge3A : i32
      %convert_element_type3A = arith.extui %ge3A_1759 : i1 to i32
      %cond3A = arith.constant 0 : i32
      %cond3A_1760 = arith.cmpi ne, %convert_element_type3A, %cond3A : i32
      scf.if %cond3A_1760 {
        %sub3A_2504 = arith.constant 2 : i32
        %sub3A_2505 = arith.subi %add3A_1056, %sub3A_2504 : i32
        %mul3A_2506 = arith.constant 128 : i32
        %mul3A_2507 = arith.muli %sub3A_2505, %mul3A_2506 : i32
        %add3A_2508 = arith.addi %mul3A_2, %mul3A_2507 : i32
        %mul3A_2509 = arith.constant 8 : i32
        %mul3A_2510 = arith.muli %add3A_2508, %mul3A_2509 : i32
        %dma_wait3A_2511 = arith.constant 0 : i32
        %dma_wait3A_2512 = tpu.memref_slice %arg5[%mul3A_2510, %dma_wait3A_2511] : memref<1638400x16xf32, #tpu.memory_space<hbm>> -> memref<1024x16xf32, #tpu.memory_space<hbm>>
        %dma_wait3A_2513 = arith.constant 0 : i32
        %dma_wait3A_2514 = tpu.memref_slice %arg5[%mul3A_2510, %dma_wait3A_2513] : memref<1638400x16xf32, #tpu.memory_space<hbm>> -> memref<1024x16xf32, #tpu.memory_space<hbm>>
        tpu.wait_dma2 semaphore(%arg15 : memref<!tpu.dma_semaphore, #tpu.memory_space<semaphore_mem>>) src(%arg10 : memref<1024x16xf32, #tpu.memory_space<vmem>>) dst(%dma_wait3A_2514 : memref<1024x16xf32, #tpu.memory_space<hbm>>)
      } else {
      }
      %dma_start3A_1761 = arith.constant 0 : i32
      %dma_start3A_1762 = arith.constant 0 : i32
      %dma_start3A_1763 = tpu.memref_slice %arg4[%dma_start3A_1761, %dma_start3A_1762] : memref<2048x16xf32, #tpu.memory_space<hbm>> -> memref<2048x16xf32, #tpu.memory_space<hbm>>
      tpu.enqueue_indirect_dma source(%dma_start3A_1763 : memref<2048x16xf32, #tpu.memory_space<hbm>>) target(%arg10 : memref<1024x16xf32, #tpu.memory_space<vmem>>) offsets(%arg8 : memref<1024xi32, #tpu.memory_space<vmem>>) semaphore(%arg13 : memref<!tpu.dma_semaphore, #tpu.memory_space<semaphore_mem>>)
      %dma_wait3A_1764 = arith.constant 0 : i32
      %dma_wait3A_1765 = arith.constant 0 : i32
      %dma_wait3A_1766 = tpu.memref_slice %arg4[%dma_wait3A_1764, %dma_wait3A_1765] : memref<2048x16xf32, #tpu.memory_space<hbm>> -> memref<2048x16xf32, #tpu.memory_space<hbm>>
      tpu.wait_indirect_dma semaphore(%arg13 : memref<!tpu.dma_semaphore, #tpu.memory_space<semaphore_mem>>) src(%dma_wait3A_1766 : memref<2048x16xf32, #tpu.memory_space<hbm>>) dst(%arg10 : memref<1024x16xf32, #tpu.memory_space<vmem>>)
      %mul3A_1767 = arith.constant 128 : i32
      %mul3A_1768 = arith.muli %add3A_1056, %mul3A_1767 : i32
      %add3A_1769 = arith.addi %mul3A_2, %mul3A_1768 : i32
      %mul3A_1770 = arith.constant 8 : i32
      %mul3A_1771 = arith.muli %add3A_1769, %mul3A_1770 : i32
      %dma_start3A_1772 = arith.constant 0 : i32
      %dma_start3A_1773 = tpu.memref_slice %arg5[%mul3A_1771, %dma_start3A_1772] : memref<1638400x16xf32, #tpu.memory_space<hbm>> -> memref<1024x16xf32, #tpu.memory_space<hbm>>
      %dma_start3A_1774 = arith.constant 0 : i32
      %dma_start3A_1775 = tpu.memref_slice %arg5[%mul3A_1771, %dma_start3A_1774] : memref<1638400x16xf32, #tpu.memory_space<hbm>> -> memref<1024x16xf32, #tpu.memory_space<hbm>>
      tpu.enqueue_dma source(%arg10 : memref<1024x16xf32, #tpu.memory_space<vmem>>) target(%dma_start3A_1775 : memref<1024x16xf32, #tpu.memory_space<hbm>>) target_semaphore(%arg15 : memref<!tpu.dma_semaphore, #tpu.memory_space<semaphore_mem>>)
      %mul3A_1776 = arith.constant 2 : i32
      %mul3A_1777 = arith.muli %mul3A_1776, %scan3A_1052 : i32
      %add3A_1778 = arith.constant 1 : i32
      %add3A_1779 = arith.addi %mul3A_1777, %add3A_1778 : i32
      %mul3A_1780 = arith.constant 128 : i32
      %mul3A_1781 = arith.muli %add3A_1779, %mul3A_1780 : i32
      %add3A_1782 = vector.broadcast %mul3A_1781 : i32 to vector<16xi32>
      %add3A_1783 = arith.addi %add3A_1782, %select_n3A : vector<16xi32>
      %add3A_1784 = arith.constant 0 : i32
      %add3A_1785 = vector.broadcast %add3A_1784 : i32 to vector<16xi32>
      %add3A_1786 = arith.addi %add3A_1783, %add3A_1785 : vector<16xi32>
      %gather3A_1787 = tpu.vector_load_idx %arg7[%add3A_1786, %sub3A_29] : memref<6400x8xi32, #tpu.memory_space<vmem>>[vector<16xi32>, vector<16xi32>], vector<16xi32>,
      %add3A_1788 = arith.addi %gather3A_1787, %mul3A_32 : vector<16xi32>
      %swap3A_1789 = arith.constant 0 : index
      %swap3A_1790 = tpu.vector_load %arg9[%swap3A_1789] {strides = array<i32>} : memref<1024xi32, #tpu.memory_space<vmem>>, vector<16xi32>,
      tpu.vector_store %arg9[%swap3A_1789], %add3A_1788 {strides = array<i32>} : memref<1024xi32, #tpu.memory_space<vmem>>, vector<16xi32>,
      %mul3A_1791 = arith.constant 128 : i32
      %mul3A_1792 = arith.muli %add3A_1779, %mul3A_1791 : i32
      %add3A_1793 = vector.broadcast %mul3A_1792 : i32 to vector<16xi32>
      %add3A_1794 = arith.addi %add3A_1793, %select_n3A : vector<16xi32>
      %add3A_1795 = arith.constant 2 : i32
      %add3A_1796 = vector.broadcast %add3A_1795 : i32 to vector<16xi32>
      %add3A_1797 = arith.addi %add3A_1794, %add3A_1796 : vector<16xi32>
      %gather3A_1798 = tpu.vector_load_idx %arg7[%add3A_1797, %sub3A_29] : memref<6400x8xi32, #tpu.memory_space<vmem>>[vector<16xi32>, vector<16xi32>], vector<16xi32>,
      %add3A_1799 = arith.addi %gather3A_1798, %mul3A_32 : vector<16xi32>
      %swap3A_1800 = arith.constant 16 : index
      %swap3A_1801 = tpu.vector_load %arg9[%swap3A_1800] {strides = array<i32>} : memref<1024xi32, #tpu.memory_space<vmem>>, vector<16xi32>,
      tpu.vector_store %arg9[%swap3A_1800], %add3A_1799 {strides = array<i32>} : memref<1024xi32, #tpu.memory_space<vmem>>, vector<16xi32>,
      %mul3A_1802 = arith.constant 128 : i32
      %mul3A_1803 = arith.muli %add3A_1779, %mul3A_1802 : i32
      %add3A_1804 = vector.broadcast %mul3A_1803 : i32 to vector<16xi32>
      %add3A_1805 = arith.addi %add3A_1804, %select_n3A : vector<16xi32>
      %add3A_1806 = arith.constant 4 : i32
      %add3A_1807 = vector.broadcast %add3A_1806 : i32 to vector<16xi32>
      %add3A_1808 = arith.addi %add3A_1805, %add3A_1807 : vector<16xi32>
      %gather3A_1809 = tpu.vector_load_idx %arg7[%add3A_1808, %sub3A_29] : memref<6400x8xi32, #tpu.memory_space<vmem>>[vector<16xi32>, vector<16xi32>], vector<16xi32>,
      %add3A_1810 = arith.addi %gather3A_1809, %mul3A_32 : vector<16xi32>
      %swap3A_1811 = arith.constant 32 : index
      %swap3A_1812 = tpu.vector_load %arg9[%swap3A_1811] {strides = array<i32>} : memref<1024xi32, #tpu.memory_space<vmem>>, vector<16xi32>,
      tpu.vector_store %arg9[%swap3A_1811], %add3A_1810 {strides = array<i32>} : memref<1024xi32, #tpu.memory_space<vmem>>, vector<16xi32>,
      %mul3A_1813 = arith.constant 128 : i32
      %mul3A_1814 = arith.muli %add3A_1779, %mul3A_1813 : i32
      %add3A_1815 = vector.broadcast %mul3A_1814 : i32 to vector<16xi32>
      %add3A_1816 = arith.addi %add3A_1815, %select_n3A : vector<16xi32>
      %add3A_1817 = arith.constant 6 : i32
      %add3A_1818 = vector.broadcast %add3A_1817 : i32 to vector<16xi32>
      %add3A_1819 = arith.addi %add3A_1816, %add3A_1818 : vector<16xi32>
      %gather3A_1820 = tpu.vector_load_idx %arg7[%add3A_1819, %sub3A_29] : memref<6400x8xi32, #tpu.memory_space<vmem>>[vector<16xi32>, vector<16xi32>], vector<16xi32>,
      %add3A_1821 = arith.addi %gather3A_1820, %mul3A_32 : vector<16xi32>
      %swap3A_1822 = arith.constant 48 : index
      %swap3A_1823 = tpu.vector_load %arg9[%swap3A_1822] {strides = array<i32>} : memref<1024xi32, #tpu.memory_space<vmem>>, vector<16xi32>,
      tpu.vector_store %arg9[%swap3A_1822], %add3A_1821 {strides = array<i32>} : memref<1024xi32, #tpu.memory_space<vmem>>, vector<16xi32>,
      %mul3A_1824 = arith.constant 128 : i32
      %mul3A_1825 = arith.muli %add3A_1779, %mul3A_1824 : i32
      %add3A_1826 = vector.broadcast %mul3A_1825 : i32 to vector<16xi32>
      %add3A_1827 = arith.addi %add3A_1826, %select_n3A : vector<16xi32>
      %add3A_1828 = arith.constant 8 : i32
      %add3A_1829 = vector.broadcast %add3A_1828 : i32 to vector<16xi32>
      %add3A_1830 = arith.addi %add3A_1827, %add3A_1829 : vector<16xi32>
      %gather3A_1831 = tpu.vector_load_idx %arg7[%add3A_1830, %sub3A_29] : memref<6400x8xi32, #tpu.memory_space<vmem>>[vector<16xi32>, vector<16xi32>], vector<16xi32>,
      %add3A_1832 = arith.addi %gather3A_1831, %mul3A_32 : vector<16xi32>
      %swap3A_1833 = arith.constant 64 : index
      %swap3A_1834 = tpu.vector_load %arg9[%swap3A_1833] {strides = array<i32>} : memref<1024xi32, #tpu.memory_space<vmem>>, vector<16xi32>,
      tpu.vector_store %arg9[%swap3A_1833], %add3A_1832 {strides = array<i32>} : memref<1024xi32, #tpu.memory_space<vmem>>, vector<16xi32>,
      %mul3A_1835 = arith.constant 128 : i32
      %mul3A_1836 = arith.muli %add3A_1779, %mul3A_1835 : i32
      %add3A_1837 = vector.broadcast %mul3A_1836 : i32 to vector<16xi32>
      %add3A_1838 = arith.addi %add3A_1837, %select_n3A : vector<16xi32>
      %add3A_1839 = arith.constant 10 : i32
      %add3A_1840 = vector.broadcast %add3A_1839 : i32 to vector<16xi32>
      %add3A_1841 = arith.addi %add3A_1838, %add3A_1840 : vector<16xi32>
      %gather3A_1842 = tpu.vector_load_idx %arg7[%add3A_1841, %sub3A_29] : memref<6400x8xi32, #tpu.memory_space<vmem>>[vector<16xi32>, vector<16xi32>], vector<16xi32>,
      %add3A_1843 = arith.addi %gather3A_1842, %mul3A_32 : vector<16xi32>
      %swap3A_1844 = arith.constant 80 : index
      %swap3A_1845 = tpu.vector_load %arg9[%swap3A_1844] {strides = array<i32>} : memref<1024xi32, #tpu.memory_space<vmem>>, vector<16xi32>,
      tpu.vector_store %arg9[%swap3A_1844], %add3A_1843 {strides = array<i32>} : memref<1024xi32, #tpu.memory_space<vmem>>, vector<16xi32>,
      %mul3A_1846 = arith.constant 128 : i32
      %mul3A_1847 = arith.muli %add3A_1779, %mul3A_1846 : i32
      %add3A_1848 = vector.broadcast %mul3A_1847 : i32 to vector<16xi32>
      %add3A_1849 = arith.addi %add3A_1848, %select_n3A : vector<16xi32>
      %add3A_1850 = arith.constant 12 : i32
      %add3A_1851 = vector.broadcast %add3A_1850 : i32 to vector<16xi32>
      %add3A_1852 = arith.addi %add3A_1849, %add3A_1851 : vector<16xi32>
      %gather3A_1853 = tpu.vector_load_idx %arg7[%add3A_1852, %sub3A_29] : memref<6400x8xi32, #tpu.memory_space<vmem>>[vector<16xi32>, vector<16xi32>], vector<16xi32>,
      %add3A_1854 = arith.addi %gather3A_1853, %mul3A_32 : vector<16xi32>
      %swap3A_1855 = arith.constant 96 : index
      %swap3A_1856 = tpu.vector_load %arg9[%swap3A_1855] {strides = array<i32>} : memref<1024xi32, #tpu.memory_space<vmem>>, vector<16xi32>,
      tpu.vector_store %arg9[%swap3A_1855], %add3A_1854 {strides = array<i32>} : memref<1024xi32, #tpu.memory_space<vmem>>, vector<16xi32>,
      %mul3A_1857 = arith.constant 128 : i32
      %mul3A_1858 = arith.muli %add3A_1779, %mul3A_1857 : i32
      %add3A_1859 = vector.broadcast %mul3A_1858 : i32 to vector<16xi32>
      %add3A_1860 = arith.addi %add3A_1859, %select_n3A : vector<16xi32>
      %add3A_1861 = arith.constant 14 : i32
      %add3A_1862 = vector.broadcast %add3A_1861 : i32 to vector<16xi32>
      %add3A_1863 = arith.addi %add3A_1860, %add3A_1862 : vector<16xi32>
      %gather3A_1864 = tpu.vector_load_idx %arg7[%add3A_1863, %sub3A_29] : memref<6400x8xi32, #tpu.memory_space<vmem>>[vector<16xi32>, vector<16xi32>], vector<16xi32>,
      %add3A_1865 = arith.addi %gather3A_1864, %mul3A_32 : vector<16xi32>
      %swap3A_1866 = arith.constant 112 : index
      %swap3A_1867 = tpu.vector_load %arg9[%swap3A_1866] {strides = array<i32>} : memref<1024xi32, #tpu.memory_space<vmem>>, vector<16xi32>,
      tpu.vector_store %arg9[%swap3A_1866], %add3A_1865 {strides = array<i32>} : memref<1024xi32, #tpu.memory_space<vmem>>, vector<16xi32>,
      %mul3A_1868 = arith.constant 128 : i32
      %mul3A_1869 = arith.muli %add3A_1779, %mul3A_1868 : i32
      %add3A_1870 = vector.broadcast %mul3A_1869 : i32 to vector<16xi32>
      %add3A_1871 = arith.addi %add3A_1870, %select_n3A : vector<16xi32>
      %add3A_1872 = arith.constant 16 : i32
      %add3A_1873 = vector.broadcast %add3A_1872 : i32 to vector<16xi32>
      %add3A_1874 = arith.addi %add3A_1871, %add3A_1873 : vector<16xi32>
      %gather3A_1875 = tpu.vector_load_idx %arg7[%add3A_1874, %sub3A_29] : memref<6400x8xi32, #tpu.memory_space<vmem>>[vector<16xi32>, vector<16xi32>], vector<16xi32>,
      %add3A_1876 = arith.addi %gather3A_1875, %mul3A_32 : vector<16xi32>
      %swap3A_1877 = arith.constant 128 : index
      %swap3A_1878 = tpu.vector_load %arg9[%swap3A_1877] {strides = array<i32>} : memref<1024xi32, #tpu.memory_space<vmem>>, vector<16xi32>,
      tpu.vector_store %arg9[%swap3A_1877], %add3A_1876 {strides = array<i32>} : memref<1024xi32, #tpu.memory_space<vmem>>, vector<16xi32>,
      %mul3A_1879 = arith.constant 128 : i32
      %mul3A_1880 = arith.muli %add3A_1779, %mul3A_1879 : i32
      %add3A_1881 = vector.broadcast %mul3A_1880 : i32 to vector<16xi32>
      %add3A_1882 = arith.addi %add3A_1881, %select_n3A : vector<16xi32>
      %add3A_1883 = arith.constant 18 : i32
      %add3A_1884 = vector.broadcast %add3A_1883 : i32 to vector<16xi32>
      %add3A_1885 = arith.addi %add3A_1882, %add3A_1884 : vector<16xi32>
      %gather3A_1886 = tpu.vector_load_idx %arg7[%add3A_1885, %sub3A_29] : memref<6400x8xi32, #tpu.memory_space<vmem>>[vector<16xi32>, vector<16xi32>], vector<16xi32>,
      %add3A_1887 = arith.addi %gather3A_1886, %mul3A_32 : vector<16xi32>
      %swap3A_1888 = arith.constant 144 : index
      %swap3A_1889 = tpu.vector_load %arg9[%swap3A_1888] {strides = array<i32>} : memref<1024xi32, #tpu.memory_space<vmem>>, vector<16xi32>,
      tpu.vector_store %arg9[%swap3A_1888], %add3A_1887 {strides = array<i32>} : memref<1024xi32, #tpu.memory_space<vmem>>, vector<16xi32>,
      %mul3A_1890 = arith.constant 128 : i32
      %mul3A_1891 = arith.muli %add3A_1779, %mul3A_1890 : i32
      %add3A_1892 = vector.broadcast %mul3A_1891 : i32 to vector<16xi32>
      %add3A_1893 = arith.addi %add3A_1892, %select_n3A : vector<16xi32>
      %add3A_1894 = arith.constant 20 : i32
      %add3A_1895 = vector.broadcast %add3A_1894 : i32 to vector<16xi32>
      %add3A_1896 = arith.addi %add3A_1893, %add3A_1895 : vector<16xi32>
      %gather3A_1897 = tpu.vector_load_idx %arg7[%add3A_1896, %sub3A_29] : memref<6400x8xi32, #tpu.memory_space<vmem>>[vector<16xi32>, vector<16xi32>], vector<16xi32>,
      %add3A_1898 = arith.addi %gather3A_1897, %mul3A_32 : vector<16xi32>
      %swap3A_1899 = arith.constant 160 : index
      %swap3A_1900 = tpu.vector_load %arg9[%swap3A_1899] {strides = array<i32>} : memref<1024xi32, #tpu.memory_space<vmem>>, vector<16xi32>,
      tpu.vector_store %arg9[%swap3A_1899], %add3A_1898 {strides = array<i32>} : memref<1024xi32, #tpu.memory_space<vmem>>, vector<16xi32>,
      %mul3A_1901 = arith.constant 128 : i32
      %mul3A_1902 = arith.muli %add3A_1779, %mul3A_1901 : i32
      %add3A_1903 = vector.broadcast %mul3A_1902 : i32 to vector<16xi32>
      %add3A_1904 = arith.addi %add3A_1903, %select_n3A : vector<16xi32>
      %add3A_1905 = arith.constant 22 : i32
      %add3A_1906 = vector.broadcast %add3A_1905 : i32 to vector<16xi32>
      %add3A_1907 = arith.addi %add3A_1904, %add3A_1906 : vector<16xi32>
      %gather3A_1908 = tpu.vector_load_idx %arg7[%add3A_1907, %sub3A_29] : memref<6400x8xi32, #tpu.memory_space<vmem>>[vector<16xi32>, vector<16xi32>], vector<16xi32>,
      %add3A_1909 = arith.addi %gather3A_1908, %mul3A_32 : vector<16xi32>
      %swap3A_1910 = arith.constant 176 : index
      %swap3A_1911 = tpu.vector_load %arg9[%swap3A_1910] {strides = array<i32>} : memref<1024xi32, #tpu.memory_space<vmem>>, vector<16xi32>,
      tpu.vector_store %arg9[%swap3A_1910], %add3A_1909 {strides = array<i32>} : memref<1024xi32, #tpu.memory_space<vmem>>, vector<16xi32>,
      %mul3A_1912 = arith.constant 128 : i32
      %mul3A_1913 = arith.muli %add3A_1779, %mul3A_1912 : i32
      %add3A_1914 = vector.broadcast %mul3A_1913 : i32 to vector<16xi32>
      %add3A_1915 = arith.addi %add3A_1914, %select_n3A : vector<16xi32>
      %add3A_1916 = arith.constant 24 : i32
      %add3A_1917 = vector.broadcast %add3A_1916 : i32 to vector<16xi32>
      %add3A_1918 = arith.addi %add3A_1915, %add3A_1917 : vector<16xi32>
      %gather3A_1919 = tpu.vector_load_idx %arg7[%add3A_1918, %sub3A_29] : memref<6400x8xi32, #tpu.memory_space<vmem>>[vector<16xi32>, vector<16xi32>], vector<16xi32>,
      %add3A_1920 = arith.addi %gather3A_1919, %mul3A_32 : vector<16xi32>
      %swap3A_1921 = arith.constant 192 : index
      %swap3A_1922 = tpu.vector_load %arg9[%swap3A_1921] {strides = array<i32>} : memref<1024xi32, #tpu.memory_space<vmem>>, vector<16xi32>,
      tpu.vector_store %arg9[%swap3A_1921], %add3A_1920 {strides = array<i32>} : memref<1024xi32, #tpu.memory_space<vmem>>, vector<16xi32>,
      %mul3A_1923 = arith.constant 128 : i32
      %mul3A_1924 = arith.muli %add3A_1779, %mul3A_1923 : i32
      %add3A_1925 = vector.broadcast %mul3A_1924 : i32 to vector<16xi32>
      %add3A_1926 = arith.addi %add3A_1925, %select_n3A : vector<16xi32>
      %add3A_1927 = arith.constant 26 : i32
      %add3A_1928 = vector.broadcast %add3A_1927 : i32 to vector<16xi32>
      %add3A_1929 = arith.addi %add3A_1926, %add3A_1928 : vector<16xi32>
      %gather3A_1930 = tpu.vector_load_idx %arg7[%add3A_1929, %sub3A_29] : memref<6400x8xi32, #tpu.memory_space<vmem>>[vector<16xi32>, vector<16xi32>], vector<16xi32>,
      %add3A_1931 = arith.addi %gather3A_1930, %mul3A_32 : vector<16xi32>
      %swap3A_1932 = arith.constant 208 : index
      %swap3A_1933 = tpu.vector_load %arg9[%swap3A_1932] {strides = array<i32>} : memref<1024xi32, #tpu.memory_space<vmem>>, vector<16xi32>,
      tpu.vector_store %arg9[%swap3A_1932], %add3A_1931 {strides = array<i32>} : memref<1024xi32, #tpu.memory_space<vmem>>, vector<16xi32>,
      %mul3A_1934 = arith.constant 128 : i32
      %mul3A_1935 = arith.muli %add3A_1779, %mul3A_1934 : i32
      %add3A_1936 = vector.broadcast %mul3A_1935 : i32 to vector<16xi32>
      %add3A_1937 = arith.addi %add3A_1936, %select_n3A : vector<16xi32>
      %add3A_1938 = arith.constant 28 : i32
      %add3A_1939 = vector.broadcast %add3A_1938 : i32 to vector<16xi32>
      %add3A_1940 = arith.addi %add3A_1937, %add3A_1939 : vector<16xi32>
      %gather3A_1941 = tpu.vector_load_idx %arg7[%add3A_1940, %sub3A_29] : memref<6400x8xi32, #tpu.memory_space<vmem>>[vector<16xi32>, vector<16xi32>], vector<16xi32>,
      %add3A_1942 = arith.addi %gather3A_1941, %mul3A_32 : vector<16xi32>
      %swap3A_1943 = arith.constant 224 : index
      %swap3A_1944 = tpu.vector_load %arg9[%swap3A_1943] {strides = array<i32>} : memref<1024xi32, #tpu.memory_space<vmem>>, vector<16xi32>,
      tpu.vector_store %arg9[%swap3A_1943], %add3A_1942 {strides = array<i32>} : memref<1024xi32, #tpu.memory_space<vmem>>, vector<16xi32>,
      %mul3A_1945 = arith.constant 128 : i32
      %mul3A_1946 = arith.muli %add3A_1779, %mul3A_1945 : i32
      %add3A_1947 = vector.broadcast %mul3A_1946 : i32 to vector<16xi32>
      %add3A_1948 = arith.addi %add3A_1947, %select_n3A : vector<16xi32>
      %add3A_1949 = arith.constant 30 : i32
      %add3A_1950 = vector.broadcast %add3A_1949 : i32 to vector<16xi32>
      %add3A_1951 = arith.addi %add3A_1948, %add3A_1950 : vector<16xi32>
      %gather3A_1952 = tpu.vector_load_idx %arg7[%add3A_1951, %sub3A_29] : memref<6400x8xi32, #tpu.memory_space<vmem>>[vector<16xi32>, vector<16xi32>], vector<16xi32>,
      %add3A_1953 = arith.addi %gather3A_1952, %mul3A_32 : vector<16xi32>
      %swap3A_1954 = arith.constant 240 : index
      %swap3A_1955 = tpu.vector_load %arg9[%swap3A_1954] {strides = array<i32>} : memref<1024xi32, #tpu.memory_space<vmem>>, vector<16xi32>,
      tpu.vector_store %arg9[%swap3A_1954], %add3A_1953 {strides = array<i32>} : memref<1024xi32, #tpu.memory_space<vmem>>, vector<16xi32>,
      %mul3A_1956 = arith.constant 128 : i32
      %mul3A_1957 = arith.muli %add3A_1779, %mul3A_1956 : i32
      %add3A_1958 = vector.broadcast %mul3A_1957 : i32 to vector<16xi32>
      %add3A_1959 = arith.addi %add3A_1958, %select_n3A : vector<16xi32>
      %add3A_1960 = arith.constant 32 : i32
      %add3A_1961 = vector.broadcast %add3A_1960 : i32 to vector<16xi32>
      %add3A_1962 = arith.addi %add3A_1959, %add3A_1961 : vector<16xi32>
      %gather3A_1963 = tpu.vector_load_idx %arg7[%add3A_1962, %sub3A_29] : memref<6400x8xi32, #tpu.memory_space<vmem>>[vector<16xi32>, vector<16xi32>], vector<16xi32>,
      %add3A_1964 = arith.addi %gather3A_1963, %mul3A_32 : vector<16xi32>
      %swap3A_1965 = arith.constant 256 : index
      %swap3A_1966 = tpu.vector_load %arg9[%swap3A_1965] {strides = array<i32>} : memref<1024xi32, #tpu.memory_space<vmem>>, vector<16xi32>,
      tpu.vector_store %arg9[%swap3A_1965], %add3A_1964 {strides = array<i32>} : memref<1024xi32, #tpu.memory_space<vmem>>, vector<16xi32>,
      %mul3A_1967 = arith.constant 128 : i32
      %mul3A_1968 = arith.muli %add3A_1779, %mul3A_1967 : i32
      %add3A_1969 = vector.broadcast %mul3A_1968 : i32 to vector<16xi32>
      %add3A_1970 = arith.addi %add3A_1969, %select_n3A : vector<16xi32>
      %add3A_1971 = arith.constant 34 : i32
      %add3A_1972 = vector.broadcast %add3A_1971 : i32 to vector<16xi32>
      %add3A_1973 = arith.addi %add3A_1970, %add3A_1972 : vector<16xi32>
      %gather3A_1974 = tpu.vector_load_idx %arg7[%add3A_1973, %sub3A_29] : memref<6400x8xi32, #tpu.memory_space<vmem>>[vector<16xi32>, vector<16xi32>], vector<16xi32>,
      %add3A_1975 = arith.addi %gather3A_1974, %mul3A_32 : vector<16xi32>
      %swap3A_1976 = arith.constant 272 : index
      %swap3A_1977 = tpu.vector_load %arg9[%swap3A_1976] {strides = array<i32>} : memref<1024xi32, #tpu.memory_space<vmem>>, vector<16xi32>,
      tpu.vector_store %arg9[%swap3A_1976], %add3A_1975 {strides = array<i32>} : memref<1024xi32, #tpu.memory_space<vmem>>, vector<16xi32>,
      %mul3A_1978 = arith.constant 128 : i32
      %mul3A_1979 = arith.muli %add3A_1779, %mul3A_1978 : i32
      %add3A_1980 = vector.broadcast %mul3A_1979 : i32 to vector<16xi32>
      %add3A_1981 = arith.addi %add3A_1980, %select_n3A : vector<16xi32>
      %add3A_1982 = arith.constant 36 : i32
      %add3A_1983 = vector.broadcast %add3A_1982 : i32 to vector<16xi32>
      %add3A_1984 = arith.addi %add3A_1981, %add3A_1983 : vector<16xi32>
      %gather3A_1985 = tpu.vector_load_idx %arg7[%add3A_1984, %sub3A_29] : memref<6400x8xi32, #tpu.memory_space<vmem>>[vector<16xi32>, vector<16xi32>], vector<16xi32>,
      %add3A_1986 = arith.addi %gather3A_1985, %mul3A_32 : vector<16xi32>
      %swap3A_1987 = arith.constant 288 : index
      %swap3A_1988 = tpu.vector_load %arg9[%swap3A_1987] {strides = array<i32>} : memref<1024xi32, #tpu.memory_space<vmem>>, vector<16xi32>,
      tpu.vector_store %arg9[%swap3A_1987], %add3A_1986 {strides = array<i32>} : memref<1024xi32, #tpu.memory_space<vmem>>, vector<16xi32>,
      %mul3A_1989 = arith.constant 128 : i32
      %mul3A_1990 = arith.muli %add3A_1779, %mul3A_1989 : i32
      %add3A_1991 = vector.broadcast %mul3A_1990 : i32 to vector<16xi32>
      %add3A_1992 = arith.addi %add3A_1991, %select_n3A : vector<16xi32>
      %add3A_1993 = arith.constant 38 : i32
      %add3A_1994 = vector.broadcast %add3A_1993 : i32 to vector<16xi32>
      %add3A_1995 = arith.addi %add3A_1992, %add3A_1994 : vector<16xi32>
      %gather3A_1996 = tpu.vector_load_idx %arg7[%add3A_1995, %sub3A_29] : memref<6400x8xi32, #tpu.memory_space<vmem>>[vector<16xi32>, vector<16xi32>], vector<16xi32>,
      %add3A_1997 = arith.addi %gather3A_1996, %mul3A_32 : vector<16xi32>
      %swap3A_1998 = arith.constant 304 : index
      %swap3A_1999 = tpu.vector_load %arg9[%swap3A_1998] {strides = array<i32>} : memref<1024xi32, #tpu.memory_space<vmem>>, vector<16xi32>,
      tpu.vector_store %arg9[%swap3A_1998], %add3A_1997 {strides = array<i32>} : memref<1024xi32, #tpu.memory_space<vmem>>, vector<16xi32>,
      %mul3A_2000 = arith.constant 128 : i32
      %mul3A_2001 = arith.muli %add3A_1779, %mul3A_2000 : i32
      %add3A_2002 = vector.broadcast %mul3A_2001 : i32 to vector<16xi32>
      %add3A_2003 = arith.addi %add3A_2002, %select_n3A : vector<16xi32>
      %add3A_2004 = arith.constant 40 : i32
      %add3A_2005 = vector.broadcast %add3A_2004 : i32 to vector<16xi32>
      %add3A_2006 = arith.addi %add3A_2003, %add3A_2005 : vector<16xi32>
      %gather3A_2007 = tpu.vector_load_idx %arg7[%add3A_2006, %sub3A_29] : memref<6400x8xi32, #tpu.memory_space<vmem>>[vector<16xi32>, vector<16xi32>], vector<16xi32>,
      %add3A_2008 = arith.addi %gather3A_2007, %mul3A_32 : vector<16xi32>
      %swap3A_2009 = arith.constant 320 : index
      %swap3A_2010 = tpu.vector_load %arg9[%swap3A_2009] {strides = array<i32>} : memref<1024xi32, #tpu.memory_space<vmem>>, vector<16xi32>,
      tpu.vector_store %arg9[%swap3A_2009], %add3A_2008 {strides = array<i32>} : memref<1024xi32, #tpu.memory_space<vmem>>, vector<16xi32>,
      %mul3A_2011 = arith.constant 128 : i32
      %mul3A_2012 = arith.muli %add3A_1779, %mul3A_2011 : i32
      %add3A_2013 = vector.broadcast %mul3A_2012 : i32 to vector<16xi32>
      %add3A_2014 = arith.addi %add3A_2013, %select_n3A : vector<16xi32>
      %add3A_2015 = arith.constant 42 : i32
      %add3A_2016 = vector.broadcast %add3A_2015 : i32 to vector<16xi32>
      %add3A_2017 = arith.addi %add3A_2014, %add3A_2016 : vector<16xi32>
      %gather3A_2018 = tpu.vector_load_idx %arg7[%add3A_2017, %sub3A_29] : memref<6400x8xi32, #tpu.memory_space<vmem>>[vector<16xi32>, vector<16xi32>], vector<16xi32>,
      %add3A_2019 = arith.addi %gather3A_2018, %mul3A_32 : vector<16xi32>
      %swap3A_2020 = arith.constant 336 : index
      %swap3A_2021 = tpu.vector_load %arg9[%swap3A_2020] {strides = array<i32>} : memref<1024xi32, #tpu.memory_space<vmem>>, vector<16xi32>,
      tpu.vector_store %arg9[%swap3A_2020], %add3A_2019 {strides = array<i32>} : memref<1024xi32, #tpu.memory_space<vmem>>, vector<16xi32>,
      %mul3A_2022 = arith.constant 128 : i32
      %mul3A_2023 = arith.muli %add3A_1779, %mul3A_2022 : i32
      %add3A_2024 = vector.broadcast %mul3A_2023 : i32 to vector<16xi32>
      %add3A_2025 = arith.addi %add3A_2024, %select_n3A : vector<16xi32>
      %add3A_2026 = arith.constant 44 : i32
      %add3A_2027 = vector.broadcast %add3A_2026 : i32 to vector<16xi32>
      %add3A_2028 = arith.addi %add3A_2025, %add3A_2027 : vector<16xi32>
      %gather3A_2029 = tpu.vector_load_idx %arg7[%add3A_2028, %sub3A_29] : memref<6400x8xi32, #tpu.memory_space<vmem>>[vector<16xi32>, vector<16xi32>], vector<16xi32>,
      %add3A_2030 = arith.addi %gather3A_2029, %mul3A_32 : vector<16xi32>
      %swap3A_2031 = arith.constant 352 : index
      %swap3A_2032 = tpu.vector_load %arg9[%swap3A_2031] {strides = array<i32>} : memref<1024xi32, #tpu.memory_space<vmem>>, vector<16xi32>,
      tpu.vector_store %arg9[%swap3A_2031], %add3A_2030 {strides = array<i32>} : memref<1024xi32, #tpu.memory_space<vmem>>, vector<16xi32>,
      %mul3A_2033 = arith.constant 128 : i32
      %mul3A_2034 = arith.muli %add3A_1779, %mul3A_2033 : i32
      %add3A_2035 = vector.broadcast %mul3A_2034 : i32 to vector<16xi32>
      %add3A_2036 = arith.addi %add3A_2035, %select_n3A : vector<16xi32>
      %add3A_2037 = arith.constant 46 : i32
      %add3A_2038 = vector.broadcast %add3A_2037 : i32 to vector<16xi32>
      %add3A_2039 = arith.addi %add3A_2036, %add3A_2038 : vector<16xi32>
      %gather3A_2040 = tpu.vector_load_idx %arg7[%add3A_2039, %sub3A_29] : memref<6400x8xi32, #tpu.memory_space<vmem>>[vector<16xi32>, vector<16xi32>], vector<16xi32>,
      %add3A_2041 = arith.addi %gather3A_2040, %mul3A_32 : vector<16xi32>
      %swap3A_2042 = arith.constant 368 : index
      %swap3A_2043 = tpu.vector_load %arg9[%swap3A_2042] {strides = array<i32>} : memref<1024xi32, #tpu.memory_space<vmem>>, vector<16xi32>,
      tpu.vector_store %arg9[%swap3A_2042], %add3A_2041 {strides = array<i32>} : memref<1024xi32, #tpu.memory_space<vmem>>, vector<16xi32>,
      %mul3A_2044 = arith.constant 128 : i32
      %mul3A_2045 = arith.muli %add3A_1779, %mul3A_2044 : i32
      %add3A_2046 = vector.broadcast %mul3A_2045 : i32 to vector<16xi32>
      %add3A_2047 = arith.addi %add3A_2046, %select_n3A : vector<16xi32>
      %add3A_2048 = arith.constant 48 : i32
      %add3A_2049 = vector.broadcast %add3A_2048 : i32 to vector<16xi32>
      %add3A_2050 = arith.addi %add3A_2047, %add3A_2049 : vector<16xi32>
      %gather3A_2051 = tpu.vector_load_idx %arg7[%add3A_2050, %sub3A_29] : memref<6400x8xi32, #tpu.memory_space<vmem>>[vector<16xi32>, vector<16xi32>], vector<16xi32>,
      %add3A_2052 = arith.addi %gather3A_2051, %mul3A_32 : vector<16xi32>
      %swap3A_2053 = arith.constant 384 : index
      %swap3A_2054 = tpu.vector_load %arg9[%swap3A_2053] {strides = array<i32>} : memref<1024xi32, #tpu.memory_space<vmem>>, vector<16xi32>,
      tpu.vector_store %arg9[%swap3A_2053], %add3A_2052 {strides = array<i32>} : memref<1024xi32, #tpu.memory_space<vmem>>, vector<16xi32>,
      %mul3A_2055 = arith.constant 128 : i32
      %mul3A_2056 = arith.muli %add3A_1779, %mul3A_2055 : i32
      %add3A_2057 = vector.broadcast %mul3A_2056 : i32 to vector<16xi32>
      %add3A_2058 = arith.addi %add3A_2057, %select_n3A : vector<16xi32>
      %add3A_2059 = arith.constant 50 : i32
      %add3A_2060 = vector.broadcast %add3A_2059 : i32 to vector<16xi32>
      %add3A_2061 = arith.addi %add3A_2058, %add3A_2060 : vector<16xi32>
      %gather3A_2062 = tpu.vector_load_idx %arg7[%add3A_2061, %sub3A_29] : memref<6400x8xi32, #tpu.memory_space<vmem>>[vector<16xi32>, vector<16xi32>], vector<16xi32>,
      %add3A_2063 = arith.addi %gather3A_2062, %mul3A_32 : vector<16xi32>
      %swap3A_2064 = arith.constant 400 : index
      %swap3A_2065 = tpu.vector_load %arg9[%swap3A_2064] {strides = array<i32>} : memref<1024xi32, #tpu.memory_space<vmem>>, vector<16xi32>,
      tpu.vector_store %arg9[%swap3A_2064], %add3A_2063 {strides = array<i32>} : memref<1024xi32, #tpu.memory_space<vmem>>, vector<16xi32>,
      %mul3A_2066 = arith.constant 128 : i32
      %mul3A_2067 = arith.muli %add3A_1779, %mul3A_2066 : i32
      %add3A_2068 = vector.broadcast %mul3A_2067 : i32 to vector<16xi32>
      %add3A_2069 = arith.addi %add3A_2068, %select_n3A : vector<16xi32>
      %add3A_2070 = arith.constant 52 : i32
      %add3A_2071 = vector.broadcast %add3A_2070 : i32 to vector<16xi32>
      %add3A_2072 = arith.addi %add3A_2069, %add3A_2071 : vector<16xi32>
      %gather3A_2073 = tpu.vector_load_idx %arg7[%add3A_2072, %sub3A_29] : memref<6400x8xi32, #tpu.memory_space<vmem>>[vector<16xi32>, vector<16xi32>], vector<16xi32>,
      %add3A_2074 = arith.addi %gather3A_2073, %mul3A_32 : vector<16xi32>
      %swap3A_2075 = arith.constant 416 : index
      %swap3A_2076 = tpu.vector_load %arg9[%swap3A_2075] {strides = array<i32>} : memref<1024xi32, #tpu.memory_space<vmem>>, vector<16xi32>,
      tpu.vector_store %arg9[%swap3A_2075], %add3A_2074 {strides = array<i32>} : memref<1024xi32, #tpu.memory_space<vmem>>, vector<16xi32>,
      %mul3A_2077 = arith.constant 128 : i32
      %mul3A_2078 = arith.muli %add3A_1779, %mul3A_2077 : i32
      %add3A_2079 = vector.broadcast %mul3A_2078 : i32 to vector<16xi32>
      %add3A_2080 = arith.addi %add3A_2079, %select_n3A : vector<16xi32>
      %add3A_2081 = arith.constant 54 : i32
      %add3A_2082 = vector.broadcast %add3A_2081 : i32 to vector<16xi32>
      %add3A_2083 = arith.addi %add3A_2080, %add3A_2082 : vector<16xi32>
      %gather3A_2084 = tpu.vector_load_idx %arg7[%add3A_2083, %sub3A_29] : memref<6400x8xi32, #tpu.memory_space<vmem>>[vector<16xi32>, vector<16xi32>], vector<16xi32>,
      %add3A_2085 = arith.addi %gather3A_2084, %mul3A_32 : vector<16xi32>
      %swap3A_2086 = arith.constant 432 : index
      %swap3A_2087 = tpu.vector_load %arg9[%swap3A_2086] {strides = array<i32>} : memref<1024xi32, #tpu.memory_space<vmem>>, vector<16xi32>,
      tpu.vector_store %arg9[%swap3A_2086], %add3A_2085 {strides = array<i32>} : memref<1024xi32, #tpu.memory_space<vmem>>, vector<16xi32>,
      %mul3A_2088 = arith.constant 128 : i32
      %mul3A_2089 = arith.muli %add3A_1779, %mul3A_2088 : i32
      %add3A_2090 = vector.broadcast %mul3A_2089 : i32 to vector<16xi32>
      %add3A_2091 = arith.addi %add3A_2090, %select_n3A : vector<16xi32>
      %add3A_2092 = arith.constant 56 : i32
      %add3A_2093 = vector.broadcast %add3A_2092 : i32 to vector<16xi32>
      %add3A_2094 = arith.addi %add3A_2091, %add3A_2093 : vector<16xi32>
      %gather3A_2095 = tpu.vector_load_idx %arg7[%add3A_2094, %sub3A_29] : memref<6400x8xi32, #tpu.memory_space<vmem>>[vector<16xi32>, vector<16xi32>], vector<16xi32>,
      %add3A_2096 = arith.addi %gather3A_2095, %mul3A_32 : vector<16xi32>
      %swap3A_2097 = arith.constant 448 : index
      %swap3A_2098 = tpu.vector_load %arg9[%swap3A_2097] {strides = array<i32>} : memref<1024xi32, #tpu.memory_space<vmem>>, vector<16xi32>,
      tpu.vector_store %arg9[%swap3A_2097], %add3A_2096 {strides = array<i32>} : memref<1024xi32, #tpu.memory_space<vmem>>, vector<16xi32>,
      %mul3A_2099 = arith.constant 128 : i32
      %mul3A_2100 = arith.muli %add3A_1779, %mul3A_2099 : i32
      %add3A_2101 = vector.broadcast %mul3A_2100 : i32 to vector<16xi32>
      %add3A_2102 = arith.addi %add3A_2101, %select_n3A : vector<16xi32>
      %add3A_2103 = arith.constant 58 : i32
      %add3A_2104 = vector.broadcast %add3A_2103 : i32 to vector<16xi32>
      %add3A_2105 = arith.addi %add3A_2102, %add3A_2104 : vector<16xi32>
      %gather3A_2106 = tpu.vector_load_idx %arg7[%add3A_2105, %sub3A_29] : memref<6400x8xi32, #tpu.memory_space<vmem>>[vector<16xi32>, vector<16xi32>], vector<16xi32>,
      %add3A_2107 = arith.addi %gather3A_2106, %mul3A_32 : vector<16xi32>
      %swap3A_2108 = arith.constant 464 : index
      %swap3A_2109 = tpu.vector_load %arg9[%swap3A_2108] {strides = array<i32>} : memref<1024xi32, #tpu.memory_space<vmem>>, vector<16xi32>,
      tpu.vector_store %arg9[%swap3A_2108], %add3A_2107 {strides = array<i32>} : memref<1024xi32, #tpu.memory_space<vmem>>, vector<16xi32>,
      %mul3A_2110 = arith.constant 128 : i32
      %mul3A_2111 = arith.muli %add3A_1779, %mul3A_2110 : i32
      %add3A_2112 = vector.broadcast %mul3A_2111 : i32 to vector<16xi32>
      %add3A_2113 = arith.addi %add3A_2112, %select_n3A : vector<16xi32>
      %add3A_2114 = arith.constant 60 : i32
      %add3A_2115 = vector.broadcast %add3A_2114 : i32 to vector<16xi32>
      %add3A_2116 = arith.addi %add3A_2113, %add3A_2115 : vector<16xi32>
      %gather3A_2117 = tpu.vector_load_idx %arg7[%add3A_2116, %sub3A_29] : memref<6400x8xi32, #tpu.memory_space<vmem>>[vector<16xi32>, vector<16xi32>], vector<16xi32>,
      %add3A_2118 = arith.addi %gather3A_2117, %mul3A_32 : vector<16xi32>
      %swap3A_2119 = arith.constant 480 : index
      %swap3A_2120 = tpu.vector_load %arg9[%swap3A_2119] {strides = array<i32>} : memref<1024xi32, #tpu.memory_space<vmem>>, vector<16xi32>,
      tpu.vector_store %arg9[%swap3A_2119], %add3A_2118 {strides = array<i32>} : memref<1024xi32, #tpu.memory_space<vmem>>, vector<16xi32>,
      %mul3A_2121 = arith.constant 128 : i32
      %mul3A_2122 = arith.muli %add3A_1779, %mul3A_2121 : i32
      %add3A_2123 = vector.broadcast %mul3A_2122 : i32 to vector<16xi32>
      %add3A_2124 = arith.addi %add3A_2123, %select_n3A : vector<16xi32>
      %add3A_2125 = arith.constant 62 : i32
      %add3A_2126 = vector.broadcast %add3A_2125 : i32 to vector<16xi32>
      %add3A_2127 = arith.addi %add3A_2124, %add3A_2126 : vector<16xi32>
      %gather3A_2128 = tpu.vector_load_idx %arg7[%add3A_2127, %sub3A_29] : memref<6400x8xi32, #tpu.memory_space<vmem>>[vector<16xi32>, vector<16xi32>], vector<16xi32>,
      %add3A_2129 = arith.addi %gather3A_2128, %mul3A_32 : vector<16xi32>
      %swap3A_2130 = arith.constant 496 : index
      %swap3A_2131 = tpu.vector_load %arg9[%swap3A_2130] {strides = array<i32>} : memref<1024xi32, #tpu.memory_space<vmem>>, vector<16xi32>,
      tpu.vector_store %arg9[%swap3A_2130], %add3A_2129 {strides = array<i32>} : memref<1024xi32, #tpu.memory_space<vmem>>, vector<16xi32>,
      %mul3A_2132 = arith.constant 128 : i32
      %mul3A_2133 = arith.muli %add3A_1779, %mul3A_2132 : i32
      %add3A_2134 = vector.broadcast %mul3A_2133 : i32 to vector<16xi32>
      %add3A_2135 = arith.addi %add3A_2134, %select_n3A : vector<16xi32>
      %add3A_2136 = arith.constant 64 : i32
      %add3A_2137 = vector.broadcast %add3A_2136 : i32 to vector<16xi32>
      %add3A_2138 = arith.addi %add3A_2135, %add3A_2137 : vector<16xi32>
      %gather3A_2139 = tpu.vector_load_idx %arg7[%add3A_2138, %sub3A_29] : memref<6400x8xi32, #tpu.memory_space<vmem>>[vector<16xi32>, vector<16xi32>], vector<16xi32>,
      %add3A_2140 = arith.addi %gather3A_2139, %mul3A_32 : vector<16xi32>
      %swap3A_2141 = arith.constant 512 : index
      %swap3A_2142 = tpu.vector_load %arg9[%swap3A_2141] {strides = array<i32>} : memref<1024xi32, #tpu.memory_space<vmem>>, vector<16xi32>,
      tpu.vector_store %arg9[%swap3A_2141], %add3A_2140 {strides = array<i32>} : memref<1024xi32, #tpu.memory_space<vmem>>, vector<16xi32>,
      %mul3A_2143 = arith.constant 128 : i32
      %mul3A_2144 = arith.muli %add3A_1779, %mul3A_2143 : i32
      %add3A_2145 = vector.broadcast %mul3A_2144 : i32 to vector<16xi32>
      %add3A_2146 = arith.addi %add3A_2145, %select_n3A : vector<16xi32>
      %add3A_2147 = arith.constant 66 : i32
      %add3A_2148 = vector.broadcast %add3A_2147 : i32 to vector<16xi32>
      %add3A_2149 = arith.addi %add3A_2146, %add3A_2148 : vector<16xi32>
      %gather3A_2150 = tpu.vector_load_idx %arg7[%add3A_2149, %sub3A_29] : memref<6400x8xi32, #tpu.memory_space<vmem>>[vector<16xi32>, vector<16xi32>], vector<16xi32>,
      %add3A_2151 = arith.addi %gather3A_2150, %mul3A_32 : vector<16xi32>
      %swap3A_2152 = arith.constant 528 : index
      %swap3A_2153 = tpu.vector_load %arg9[%swap3A_2152] {strides = array<i32>} : memref<1024xi32, #tpu.memory_space<vmem>>, vector<16xi32>,
      tpu.vector_store %arg9[%swap3A_2152], %add3A_2151 {strides = array<i32>} : memref<1024xi32, #tpu.memory_space<vmem>>, vector<16xi32>,
      %mul3A_2154 = arith.constant 128 : i32
      %mul3A_2155 = arith.muli %add3A_1779, %mul3A_2154 : i32
      %add3A_2156 = vector.broadcast %mul3A_2155 : i32 to vector<16xi32>
      %add3A_2157 = arith.addi %add3A_2156, %select_n3A : vector<16xi32>
      %add3A_2158 = arith.constant 68 : i32
      %add3A_2159 = vector.broadcast %add3A_2158 : i32 to vector<16xi32>
      %add3A_2160 = arith.addi %add3A_2157, %add3A_2159 : vector<16xi32>
      %gather3A_2161 = tpu.vector_load_idx %arg7[%add3A_2160, %sub3A_29] : memref<6400x8xi32, #tpu.memory_space<vmem>>[vector<16xi32>, vector<16xi32>], vector<16xi32>,
      %add3A_2162 = arith.addi %gather3A_2161, %mul3A_32 : vector<16xi32>
      %swap3A_2163 = arith.constant 544 : index
      %swap3A_2164 = tpu.vector_load %arg9[%swap3A_2163] {strides = array<i32>} : memref<1024xi32, #tpu.memory_space<vmem>>, vector<16xi32>,
      tpu.vector_store %arg9[%swap3A_2163], %add3A_2162 {strides = array<i32>} : memref<1024xi32, #tpu.memory_space<vmem>>, vector<16xi32>,
      %mul3A_2165 = arith.constant 128 : i32
      %mul3A_2166 = arith.muli %add3A_1779, %mul3A_2165 : i32
      %add3A_2167 = vector.broadcast %mul3A_2166 : i32 to vector<16xi32>
      %add3A_2168 = arith.addi %add3A_2167, %select_n3A : vector<16xi32>
      %add3A_2169 = arith.constant 70 : i32
      %add3A_2170 = vector.broadcast %add3A_2169 : i32 to vector<16xi32>
      %add3A_2171 = arith.addi %add3A_2168, %add3A_2170 : vector<16xi32>
      %gather3A_2172 = tpu.vector_load_idx %arg7[%add3A_2171, %sub3A_29] : memref<6400x8xi32, #tpu.memory_space<vmem>>[vector<16xi32>, vector<16xi32>], vector<16xi32>,
      %add3A_2173 = arith.addi %gather3A_2172, %mul3A_32 : vector<16xi32>
      %swap3A_2174 = arith.constant 560 : index
      %swap3A_2175 = tpu.vector_load %arg9[%swap3A_2174] {strides = array<i32>} : memref<1024xi32, #tpu.memory_space<vmem>>, vector<16xi32>,
      tpu.vector_store %arg9[%swap3A_2174], %add3A_2173 {strides = array<i32>} : memref<1024xi32, #tpu.memory_space<vmem>>, vector<16xi32>,
      %mul3A_2176 = arith.constant 128 : i32
      %mul3A_2177 = arith.muli %add3A_1779, %mul3A_2176 : i32
      %add3A_2178 = vector.broadcast %mul3A_2177 : i32 to vector<16xi32>
      %add3A_2179 = arith.addi %add3A_2178, %select_n3A : vector<16xi32>
      %add3A_2180 = arith.constant 72 : i32
      %add3A_2181 = vector.broadcast %add3A_2180 : i32 to vector<16xi32>
      %add3A_2182 = arith.addi %add3A_2179, %add3A_2181 : vector<16xi32>
      %gather3A_2183 = tpu.vector_load_idx %arg7[%add3A_2182, %sub3A_29] : memref<6400x8xi32, #tpu.memory_space<vmem>>[vector<16xi32>, vector<16xi32>], vector<16xi32>,
      %add3A_2184 = arith.addi %gather3A_2183, %mul3A_32 : vector<16xi32>
      %swap3A_2185 = arith.constant 576 : index
      %swap3A_2186 = tpu.vector_load %arg9[%swap3A_2185] {strides = array<i32>} : memref<1024xi32, #tpu.memory_space<vmem>>, vector<16xi32>,
      tpu.vector_store %arg9[%swap3A_2185], %add3A_2184 {strides = array<i32>} : memref<1024xi32, #tpu.memory_space<vmem>>, vector<16xi32>,
      %mul3A_2187 = arith.constant 128 : i32
      %mul3A_2188 = arith.muli %add3A_1779, %mul3A_2187 : i32
      %add3A_2189 = vector.broadcast %mul3A_2188 : i32 to vector<16xi32>
      %add3A_2190 = arith.addi %add3A_2189, %select_n3A : vector<16xi32>
      %add3A_2191 = arith.constant 74 : i32
      %add3A_2192 = vector.broadcast %add3A_2191 : i32 to vector<16xi32>
      %add3A_2193 = arith.addi %add3A_2190, %add3A_2192 : vector<16xi32>
      %gather3A_2194 = tpu.vector_load_idx %arg7[%add3A_2193, %sub3A_29] : memref<6400x8xi32, #tpu.memory_space<vmem>>[vector<16xi32>, vector<16xi32>], vector<16xi32>,
      %add3A_2195 = arith.addi %gather3A_2194, %mul3A_32 : vector<16xi32>
      %swap3A_2196 = arith.constant 592 : index
      %swap3A_2197 = tpu.vector_load %arg9[%swap3A_2196] {strides = array<i32>} : memref<1024xi32, #tpu.memory_space<vmem>>, vector<16xi32>,
      tpu.vector_store %arg9[%swap3A_2196], %add3A_2195 {strides = array<i32>} : memref<1024xi32, #tpu.memory_space<vmem>>, vector<16xi32>,
      %mul3A_2198 = arith.constant 128 : i32
      %mul3A_2199 = arith.muli %add3A_1779, %mul3A_2198 : i32
      %add3A_2200 = vector.broadcast %mul3A_2199 : i32 to vector<16xi32>
      %add3A_2201 = arith.addi %add3A_2200, %select_n3A : vector<16xi32>
      %add3A_2202 = arith.constant 76 : i32
      %add3A_2203 = vector.broadcast %add3A_2202 : i32 to vector<16xi32>
      %add3A_2204 = arith.addi %add3A_2201, %add3A_2203 : vector<16xi32>
      %gather3A_2205 = tpu.vector_load_idx %arg7[%add3A_2204, %sub3A_29] : memref<6400x8xi32, #tpu.memory_space<vmem>>[vector<16xi32>, vector<16xi32>], vector<16xi32>,
      %add3A_2206 = arith.addi %gather3A_2205, %mul3A_32 : vector<16xi32>
      %swap3A_2207 = arith.constant 608 : index
      %swap3A_2208 = tpu.vector_load %arg9[%swap3A_2207] {strides = array<i32>} : memref<1024xi32, #tpu.memory_space<vmem>>, vector<16xi32>,
      tpu.vector_store %arg9[%swap3A_2207], %add3A_2206 {strides = array<i32>} : memref<1024xi32, #tpu.memory_space<vmem>>, vector<16xi32>,
      %mul3A_2209 = arith.constant 128 : i32
      %mul3A_2210 = arith.muli %add3A_1779, %mul3A_2209 : i32
      %add3A_2211 = vector.broadcast %mul3A_2210 : i32 to vector<16xi32>
      %add3A_2212 = arith.addi %add3A_2211, %select_n3A : vector<16xi32>
      %add3A_2213 = arith.constant 78 : i32
      %add3A_2214 = vector.broadcast %add3A_2213 : i32 to vector<16xi32>
      %add3A_2215 = arith.addi %add3A_2212, %add3A_2214 : vector<16xi32>
      %gather3A_2216 = tpu.vector_load_idx %arg7[%add3A_2215, %sub3A_29] : memref<6400x8xi32, #tpu.memory_space<vmem>>[vector<16xi32>, vector<16xi32>], vector<16xi32>,
      %add3A_2217 = arith.addi %gather3A_2216, %mul3A_32 : vector<16xi32>
      %swap3A_2218 = arith.constant 624 : index
      %swap3A_2219 = tpu.vector_load %arg9[%swap3A_2218] {strides = array<i32>} : memref<1024xi32, #tpu.memory_space<vmem>>, vector<16xi32>,
      tpu.vector_store %arg9[%swap3A_2218], %add3A_2217 {strides = array<i32>} : memref<1024xi32, #tpu.memory_space<vmem>>, vector<16xi32>,
      %mul3A_2220 = arith.constant 128 : i32
      %mul3A_2221 = arith.muli %add3A_1779, %mul3A_2220 : i32
      %add3A_2222 = vector.broadcast %mul3A_2221 : i32 to vector<16xi32>
      %add3A_2223 = arith.addi %add3A_2222, %select_n3A : vector<16xi32>
      %add3A_2224 = arith.constant 80 : i32
      %add3A_2225 = vector.broadcast %add3A_2224 : i32 to vector<16xi32>
      %add3A_2226 = arith.addi %add3A_2223, %add3A_2225 : vector<16xi32>
      %gather3A_2227 = tpu.vector_load_idx %arg7[%add3A_2226, %sub3A_29] : memref<6400x8xi32, #tpu.memory_space<vmem>>[vector<16xi32>, vector<16xi32>], vector<16xi32>,
      %add3A_2228 = arith.addi %gather3A_2227, %mul3A_32 : vector<16xi32>
      %swap3A_2229 = arith.constant 640 : index
      %swap3A_2230 = tpu.vector_load %arg9[%swap3A_2229] {strides = array<i32>} : memref<1024xi32, #tpu.memory_space<vmem>>, vector<16xi32>,
      tpu.vector_store %arg9[%swap3A_2229], %add3A_2228 {strides = array<i32>} : memref<1024xi32, #tpu.memory_space<vmem>>, vector<16xi32>,
      %mul3A_2231 = arith.constant 128 : i32
      %mul3A_2232 = arith.muli %add3A_1779, %mul3A_2231 : i32
      %add3A_2233 = vector.broadcast %mul3A_2232 : i32 to vector<16xi32>
      %add3A_2234 = arith.addi %add3A_2233, %select_n3A : vector<16xi32>
      %add3A_2235 = arith.constant 82 : i32
      %add3A_2236 = vector.broadcast %add3A_2235 : i32 to vector<16xi32>
      %add3A_2237 = arith.addi %add3A_2234, %add3A_2236 : vector<16xi32>
      %gather3A_2238 = tpu.vector_load_idx %arg7[%add3A_2237, %sub3A_29] : memref<6400x8xi32, #tpu.memory_space<vmem>>[vector<16xi32>, vector<16xi32>], vector<16xi32>,
      %add3A_2239 = arith.addi %gather3A_2238, %mul3A_32 : vector<16xi32>
      %swap3A_2240 = arith.constant 656 : index
      %swap3A_2241 = tpu.vector_load %arg9[%swap3A_2240] {strides = array<i32>} : memref<1024xi32, #tpu.memory_space<vmem>>, vector<16xi32>,
      tpu.vector_store %arg9[%swap3A_2240], %add3A_2239 {strides = array<i32>} : memref<1024xi32, #tpu.memory_space<vmem>>, vector<16xi32>,
      %mul3A_2242 = arith.constant 128 : i32
      %mul3A_2243 = arith.muli %add3A_1779, %mul3A_2242 : i32
      %add3A_2244 = vector.broadcast %mul3A_2243 : i32 to vector<16xi32>
      %add3A_2245 = arith.addi %add3A_2244, %select_n3A : vector<16xi32>
      %add3A_2246 = arith.constant 84 : i32
      %add3A_2247 = vector.broadcast %add3A_2246 : i32 to vector<16xi32>
      %add3A_2248 = arith.addi %add3A_2245, %add3A_2247 : vector<16xi32>
      %gather3A_2249 = tpu.vector_load_idx %arg7[%add3A_2248, %sub3A_29] : memref<6400x8xi32, #tpu.memory_space<vmem>>[vector<16xi32>, vector<16xi32>], vector<16xi32>,
      %add3A_2250 = arith.addi %gather3A_2249, %mul3A_32 : vector<16xi32>
      %swap3A_2251 = arith.constant 672 : index
      %swap3A_2252 = tpu.vector_load %arg9[%swap3A_2251] {strides = array<i32>} : memref<1024xi32, #tpu.memory_space<vmem>>, vector<16xi32>,
      tpu.vector_store %arg9[%swap3A_2251], %add3A_2250 {strides = array<i32>} : memref<1024xi32, #tpu.memory_space<vmem>>, vector<16xi32>,
      %mul3A_2253 = arith.constant 128 : i32
      %mul3A_2254 = arith.muli %add3A_1779, %mul3A_2253 : i32
      %add3A_2255 = vector.broadcast %mul3A_2254 : i32 to vector<16xi32>
      %add3A_2256 = arith.addi %add3A_2255, %select_n3A : vector<16xi32>
      %add3A_2257 = arith.constant 86 : i32
      %add3A_2258 = vector.broadcast %add3A_2257 : i32 to vector<16xi32>
      %add3A_2259 = arith.addi %add3A_2256, %add3A_2258 : vector<16xi32>
      %gather3A_2260 = tpu.vector_load_idx %arg7[%add3A_2259, %sub3A_29] : memref<6400x8xi32, #tpu.memory_space<vmem>>[vector<16xi32>, vector<16xi32>], vector<16xi32>,
      %add3A_2261 = arith.addi %gather3A_2260, %mul3A_32 : vector<16xi32>
      %swap3A_2262 = arith.constant 688 : index
      %swap3A_2263 = tpu.vector_load %arg9[%swap3A_2262] {strides = array<i32>} : memref<1024xi32, #tpu.memory_space<vmem>>, vector<16xi32>,
      tpu.vector_store %arg9[%swap3A_2262], %add3A_2261 {strides = array<i32>} : memref<1024xi32, #tpu.memory_space<vmem>>, vector<16xi32>,
      %mul3A_2264 = arith.constant 128 : i32
      %mul3A_2265 = arith.muli %add3A_1779, %mul3A_2264 : i32
      %add3A_2266 = vector.broadcast %mul3A_2265 : i32 to vector<16xi32>
      %add3A_2267 = arith.addi %add3A_2266, %select_n3A : vector<16xi32>
      %add3A_2268 = arith.constant 88 : i32
      %add3A_2269 = vector.broadcast %add3A_2268 : i32 to vector<16xi32>
      %add3A_2270 = arith.addi %add3A_2267, %add3A_2269 : vector<16xi32>
      %gather3A_2271 = tpu.vector_load_idx %arg7[%add3A_2270, %sub3A_29] : memref<6400x8xi32, #tpu.memory_space<vmem>>[vector<16xi32>, vector<16xi32>], vector<16xi32>,
      %add3A_2272 = arith.addi %gather3A_2271, %mul3A_32 : vector<16xi32>
      %swap3A_2273 = arith.constant 704 : index
      %swap3A_2274 = tpu.vector_load %arg9[%swap3A_2273] {strides = array<i32>} : memref<1024xi32, #tpu.memory_space<vmem>>, vector<16xi32>,
      tpu.vector_store %arg9[%swap3A_2273], %add3A_2272 {strides = array<i32>} : memref<1024xi32, #tpu.memory_space<vmem>>, vector<16xi32>,
      %mul3A_2275 = arith.constant 128 : i32
      %mul3A_2276 = arith.muli %add3A_1779, %mul3A_2275 : i32
      %add3A_2277 = vector.broadcast %mul3A_2276 : i32 to vector<16xi32>
      %add3A_2278 = arith.addi %add3A_2277, %select_n3A : vector<16xi32>
      %add3A_2279 = arith.constant 90 : i32
      %add3A_2280 = vector.broadcast %add3A_2279 : i32 to vector<16xi32>
      %add3A_2281 = arith.addi %add3A_2278, %add3A_2280 : vector<16xi32>
      %gather3A_2282 = tpu.vector_load_idx %arg7[%add3A_2281, %sub3A_29] : memref<6400x8xi32, #tpu.memory_space<vmem>>[vector<16xi32>, vector<16xi32>], vector<16xi32>,
      %add3A_2283 = arith.addi %gather3A_2282, %mul3A_32 : vector<16xi32>
      %swap3A_2284 = arith.constant 720 : index
      %swap3A_2285 = tpu.vector_load %arg9[%swap3A_2284] {strides = array<i32>} : memref<1024xi32, #tpu.memory_space<vmem>>, vector<16xi32>,
      tpu.vector_store %arg9[%swap3A_2284], %add3A_2283 {strides = array<i32>} : memref<1024xi32, #tpu.memory_space<vmem>>, vector<16xi32>,
      %mul3A_2286 = arith.constant 128 : i32
      %mul3A_2287 = arith.muli %add3A_1779, %mul3A_2286 : i32
      %add3A_2288 = vector.broadcast %mul3A_2287 : i32 to vector<16xi32>
      %add3A_2289 = arith.addi %add3A_2288, %select_n3A : vector<16xi32>
      %add3A_2290 = arith.constant 92 : i32
      %add3A_2291 = vector.broadcast %add3A_2290 : i32 to vector<16xi32>
      %add3A_2292 = arith.addi %add3A_2289, %add3A_2291 : vector<16xi32>
      %gather3A_2293 = tpu.vector_load_idx %arg7[%add3A_2292, %sub3A_29] : memref<6400x8xi32, #tpu.memory_space<vmem>>[vector<16xi32>, vector<16xi32>], vector<16xi32>,
      %add3A_2294 = arith.addi %gather3A_2293, %mul3A_32 : vector<16xi32>
      %swap3A_2295 = arith.constant 736 : index
      %swap3A_2296 = tpu.vector_load %arg9[%swap3A_2295] {strides = array<i32>} : memref<1024xi32, #tpu.memory_space<vmem>>, vector<16xi32>,
      tpu.vector_store %arg9[%swap3A_2295], %add3A_2294 {strides = array<i32>} : memref<1024xi32, #tpu.memory_space<vmem>>, vector<16xi32>,
      %mul3A_2297 = arith.constant 128 : i32
      %mul3A_2298 = arith.muli %add3A_1779, %mul3A_2297 : i32
      %add3A_2299 = vector.broadcast %mul3A_2298 : i32 to vector<16xi32>
      %add3A_2300 = arith.addi %add3A_2299, %select_n3A : vector<16xi32>
      %add3A_2301 = arith.constant 94 : i32
      %add3A_2302 = vector.broadcast %add3A_2301 : i32 to vector<16xi32>
      %add3A_2303 = arith.addi %add3A_2300, %add3A_2302 : vector<16xi32>
      %gather3A_2304 = tpu.vector_load_idx %arg7[%add3A_2303, %sub3A_29] : memref<6400x8xi32, #tpu.memory_space<vmem>>[vector<16xi32>, vector<16xi32>], vector<16xi32>,
      %add3A_2305 = arith.addi %gather3A_2304, %mul3A_32 : vector<16xi32>
      %swap3A_2306 = arith.constant 752 : index
      %swap3A_2307 = tpu.vector_load %arg9[%swap3A_2306] {strides = array<i32>} : memref<1024xi32, #tpu.memory_space<vmem>>, vector<16xi32>,
      tpu.vector_store %arg9[%swap3A_2306], %add3A_2305 {strides = array<i32>} : memref<1024xi32, #tpu.memory_space<vmem>>, vector<16xi32>,
      %mul3A_2308 = arith.constant 128 : i32
      %mul3A_2309 = arith.muli %add3A_1779, %mul3A_2308 : i32
      %add3A_2310 = vector.broadcast %mul3A_2309 : i32 to vector<16xi32>
      %add3A_2311 = arith.addi %add3A_2310, %select_n3A : vector<16xi32>
      %add3A_2312 = arith.constant 96 : i32
      %add3A_2313 = vector.broadcast %add3A_2312 : i32 to vector<16xi32>
      %add3A_2314 = arith.addi %add3A_2311, %add3A_2313 : vector<16xi32>
      %gather3A_2315 = tpu.vector_load_idx %arg7[%add3A_2314, %sub3A_29] : memref<6400x8xi32, #tpu.memory_space<vmem>>[vector<16xi32>, vector<16xi32>], vector<16xi32>,
      %add3A_2316 = arith.addi %gather3A_2315, %mul3A_32 : vector<16xi32>
      %swap3A_2317 = arith.constant 768 : index
      %swap3A_2318 = tpu.vector_load %arg9[%swap3A_2317] {strides = array<i32>} : memref<1024xi32, #tpu.memory_space<vmem>>, vector<16xi32>,
      tpu.vector_store %arg9[%swap3A_2317], %add3A_2316 {strides = array<i32>} : memref<1024xi32, #tpu.memory_space<vmem>>, vector<16xi32>,
      %mul3A_2319 = arith.constant 128 : i32
      %mul3A_2320 = arith.muli %add3A_1779, %mul3A_2319 : i32
      %add3A_2321 = vector.broadcast %mul3A_2320 : i32 to vector<16xi32>
      %add3A_2322 = arith.addi %add3A_2321, %select_n3A : vector<16xi32>
      %add3A_2323 = arith.constant 98 : i32
      %add3A_2324 = vector.broadcast %add3A_2323 : i32 to vector<16xi32>
      %add3A_2325 = arith.addi %add3A_2322, %add3A_2324 : vector<16xi32>
      %gather3A_2326 = tpu.vector_load_idx %arg7[%add3A_2325, %sub3A_29] : memref<6400x8xi32, #tpu.memory_space<vmem>>[vector<16xi32>, vector<16xi32>], vector<16xi32>,
      %add3A_2327 = arith.addi %gather3A_2326, %mul3A_32 : vector<16xi32>
      %swap3A_2328 = arith.constant 784 : index
      %swap3A_2329 = tpu.vector_load %arg9[%swap3A_2328] {strides = array<i32>} : memref<1024xi32, #tpu.memory_space<vmem>>, vector<16xi32>,
      tpu.vector_store %arg9[%swap3A_2328], %add3A_2327 {strides = array<i32>} : memref<1024xi32, #tpu.memory_space<vmem>>, vector<16xi32>,
      %mul3A_2330 = arith.constant 128 : i32
      %mul3A_2331 = arith.muli %add3A_1779, %mul3A_2330 : i32
      %add3A_2332 = vector.broadcast %mul3A_2331 : i32 to vector<16xi32>
      %add3A_2333 = arith.addi %add3A_2332, %select_n3A : vector<16xi32>
      %add3A_2334 = arith.constant 100 : i32
      %add3A_2335 = vector.broadcast %add3A_2334 : i32 to vector<16xi32>
      %add3A_2336 = arith.addi %add3A_2333, %add3A_2335 : vector<16xi32>
      %gather3A_2337 = tpu.vector_load_idx %arg7[%add3A_2336, %sub3A_29] : memref<6400x8xi32, #tpu.memory_space<vmem>>[vector<16xi32>, vector<16xi32>], vector<16xi32>,
      %add3A_2338 = arith.addi %gather3A_2337, %mul3A_32 : vector<16xi32>
      %swap3A_2339 = arith.constant 800 : index
      %swap3A_2340 = tpu.vector_load %arg9[%swap3A_2339] {strides = array<i32>} : memref<1024xi32, #tpu.memory_space<vmem>>, vector<16xi32>,
      tpu.vector_store %arg9[%swap3A_2339], %add3A_2338 {strides = array<i32>} : memref<1024xi32, #tpu.memory_space<vmem>>, vector<16xi32>,
      %mul3A_2341 = arith.constant 128 : i32
      %mul3A_2342 = arith.muli %add3A_1779, %mul3A_2341 : i32
      %add3A_2343 = vector.broadcast %mul3A_2342 : i32 to vector<16xi32>
      %add3A_2344 = arith.addi %add3A_2343, %select_n3A : vector<16xi32>
      %add3A_2345 = arith.constant 102 : i32
      %add3A_2346 = vector.broadcast %add3A_2345 : i32 to vector<16xi32>
      %add3A_2347 = arith.addi %add3A_2344, %add3A_2346 : vector<16xi32>
      %gather3A_2348 = tpu.vector_load_idx %arg7[%add3A_2347, %sub3A_29] : memref<6400x8xi32, #tpu.memory_space<vmem>>[vector<16xi32>, vector<16xi32>], vector<16xi32>,
      %add3A_2349 = arith.addi %gather3A_2348, %mul3A_32 : vector<16xi32>
      %swap3A_2350 = arith.constant 816 : index
      %swap3A_2351 = tpu.vector_load %arg9[%swap3A_2350] {strides = array<i32>} : memref<1024xi32, #tpu.memory_space<vmem>>, vector<16xi32>,
      tpu.vector_store %arg9[%swap3A_2350], %add3A_2349 {strides = array<i32>} : memref<1024xi32, #tpu.memory_space<vmem>>, vector<16xi32>,
      %mul3A_2352 = arith.constant 128 : i32
      %mul3A_2353 = arith.muli %add3A_1779, %mul3A_2352 : i32
      %add3A_2354 = vector.broadcast %mul3A_2353 : i32 to vector<16xi32>
      %add3A_2355 = arith.addi %add3A_2354, %select_n3A : vector<16xi32>
      %add3A_2356 = arith.constant 104 : i32
      %add3A_2357 = vector.broadcast %add3A_2356 : i32 to vector<16xi32>
      %add3A_2358 = arith.addi %add3A_2355, %add3A_2357 : vector<16xi32>
      %gather3A_2359 = tpu.vector_load_idx %arg7[%add3A_2358, %sub3A_29] : memref<6400x8xi32, #tpu.memory_space<vmem>>[vector<16xi32>, vector<16xi32>], vector<16xi32>,
      %add3A_2360 = arith.addi %gather3A_2359, %mul3A_32 : vector<16xi32>
      %swap3A_2361 = arith.constant 832 : index
      %swap3A_2362 = tpu.vector_load %arg9[%swap3A_2361] {strides = array<i32>} : memref<1024xi32, #tpu.memory_space<vmem>>, vector<16xi32>,
      tpu.vector_store %arg9[%swap3A_2361], %add3A_2360 {strides = array<i32>} : memref<1024xi32, #tpu.memory_space<vmem>>, vector<16xi32>,
      %mul3A_2363 = arith.constant 128 : i32
      %mul3A_2364 = arith.muli %add3A_1779, %mul3A_2363 : i32
      %add3A_2365 = vector.broadcast %mul3A_2364 : i32 to vector<16xi32>
      %add3A_2366 = arith.addi %add3A_2365, %select_n3A : vector<16xi32>
      %add3A_2367 = arith.constant 106 : i32
      %add3A_2368 = vector.broadcast %add3A_2367 : i32 to vector<16xi32>
      %add3A_2369 = arith.addi %add3A_2366, %add3A_2368 : vector<16xi32>
      %gather3A_2370 = tpu.vector_load_idx %arg7[%add3A_2369, %sub3A_29] : memref<6400x8xi32, #tpu.memory_space<vmem>>[vector<16xi32>, vector<16xi32>], vector<16xi32>,
      %add3A_2371 = arith.addi %gather3A_2370, %mul3A_32 : vector<16xi32>
      %swap3A_2372 = arith.constant 848 : index
      %swap3A_2373 = tpu.vector_load %arg9[%swap3A_2372] {strides = array<i32>} : memref<1024xi32, #tpu.memory_space<vmem>>, vector<16xi32>,
      tpu.vector_store %arg9[%swap3A_2372], %add3A_2371 {strides = array<i32>} : memref<1024xi32, #tpu.memory_space<vmem>>, vector<16xi32>,
      %mul3A_2374 = arith.constant 128 : i32
      %mul3A_2375 = arith.muli %add3A_1779, %mul3A_2374 : i32
      %add3A_2376 = vector.broadcast %mul3A_2375 : i32 to vector<16xi32>
      %add3A_2377 = arith.addi %add3A_2376, %select_n3A : vector<16xi32>
      %add3A_2378 = arith.constant 108 : i32
      %add3A_2379 = vector.broadcast %add3A_2378 : i32 to vector<16xi32>
      %add3A_2380 = arith.addi %add3A_2377, %add3A_2379 : vector<16xi32>
      %gather3A_2381 = tpu.vector_load_idx %arg7[%add3A_2380, %sub3A_29] : memref<6400x8xi32, #tpu.memory_space<vmem>>[vector<16xi32>, vector<16xi32>], vector<16xi32>,
      %add3A_2382 = arith.addi %gather3A_2381, %mul3A_32 : vector<16xi32>
      %swap3A_2383 = arith.constant 864 : index
      %swap3A_2384 = tpu.vector_load %arg9[%swap3A_2383] {strides = array<i32>} : memref<1024xi32, #tpu.memory_space<vmem>>, vector<16xi32>,
      tpu.vector_store %arg9[%swap3A_2383], %add3A_2382 {strides = array<i32>} : memref<1024xi32, #tpu.memory_space<vmem>>, vector<16xi32>,
      %mul3A_2385 = arith.constant 128 : i32
      %mul3A_2386 = arith.muli %add3A_1779, %mul3A_2385 : i32
      %add3A_2387 = vector.broadcast %mul3A_2386 : i32 to vector<16xi32>
      %add3A_2388 = arith.addi %add3A_2387, %select_n3A : vector<16xi32>
      %add3A_2389 = arith.constant 110 : i32
      %add3A_2390 = vector.broadcast %add3A_2389 : i32 to vector<16xi32>
      %add3A_2391 = arith.addi %add3A_2388, %add3A_2390 : vector<16xi32>
      %gather3A_2392 = tpu.vector_load_idx %arg7[%add3A_2391, %sub3A_29] : memref<6400x8xi32, #tpu.memory_space<vmem>>[vector<16xi32>, vector<16xi32>], vector<16xi32>,
      %add3A_2393 = arith.addi %gather3A_2392, %mul3A_32 : vector<16xi32>
      %swap3A_2394 = arith.constant 880 : index
      %swap3A_2395 = tpu.vector_load %arg9[%swap3A_2394] {strides = array<i32>} : memref<1024xi32, #tpu.memory_space<vmem>>, vector<16xi32>,
      tpu.vector_store %arg9[%swap3A_2394], %add3A_2393 {strides = array<i32>} : memref<1024xi32, #tpu.memory_space<vmem>>, vector<16xi32>,
      %mul3A_2396 = arith.constant 128 : i32
      %mul3A_2397 = arith.muli %add3A_1779, %mul3A_2396 : i32
      %add3A_2398 = vector.broadcast %mul3A_2397 : i32 to vector<16xi32>
      %add3A_2399 = arith.addi %add3A_2398, %select_n3A : vector<16xi32>
      %add3A_2400 = arith.constant 112 : i32
      %add3A_2401 = vector.broadcast %add3A_2400 : i32 to vector<16xi32>
      %add3A_2402 = arith.addi %add3A_2399, %add3A_2401 : vector<16xi32>
      %gather3A_2403 = tpu.vector_load_idx %arg7[%add3A_2402, %sub3A_29] : memref<6400x8xi32, #tpu.memory_space<vmem>>[vector<16xi32>, vector<16xi32>], vector<16xi32>,
      %add3A_2404 = arith.addi %gather3A_2403, %mul3A_32 : vector<16xi32>
      %swap3A_2405 = arith.constant 896 : index
      %swap3A_2406 = tpu.vector_load %arg9[%swap3A_2405] {strides = array<i32>} : memref<1024xi32, #tpu.memory_space<vmem>>, vector<16xi32>,
      tpu.vector_store %arg9[%swap3A_2405], %add3A_2404 {strides = array<i32>} : memref<1024xi32, #tpu.memory_space<vmem>>, vector<16xi32>,
      %mul3A_2407 = arith.constant 128 : i32
      %mul3A_2408 = arith.muli %add3A_1779, %mul3A_2407 : i32
      %add3A_2409 = vector.broadcast %mul3A_2408 : i32 to vector<16xi32>
      %add3A_2410 = arith.addi %add3A_2409, %select_n3A : vector<16xi32>
      %add3A_2411 = arith.constant 114 : i32
      %add3A_2412 = vector.broadcast %add3A_2411 : i32 to vector<16xi32>
      %add3A_2413 = arith.addi %add3A_2410, %add3A_2412 : vector<16xi32>
      %gather3A_2414 = tpu.vector_load_idx %arg7[%add3A_2413, %sub3A_29] : memref<6400x8xi32, #tpu.memory_space<vmem>>[vector<16xi32>, vector<16xi32>], vector<16xi32>,
      %add3A_2415 = arith.addi %gather3A_2414, %mul3A_32 : vector<16xi32>
      %swap3A_2416 = arith.constant 912 : index
      %swap3A_2417 = tpu.vector_load %arg9[%swap3A_2416] {strides = array<i32>} : memref<1024xi32, #tpu.memory_space<vmem>>, vector<16xi32>,
      tpu.vector_store %arg9[%swap3A_2416], %add3A_2415 {strides = array<i32>} : memref<1024xi32, #tpu.memory_space<vmem>>, vector<16xi32>,
      %mul3A_2418 = arith.constant 128 : i32
      %mul3A_2419 = arith.muli %add3A_1779, %mul3A_2418 : i32
      %add3A_2420 = vector.broadcast %mul3A_2419 : i32 to vector<16xi32>
      %add3A_2421 = arith.addi %add3A_2420, %select_n3A : vector<16xi32>
      %add3A_2422 = arith.constant 116 : i32
      %add3A_2423 = vector.broadcast %add3A_2422 : i32 to vector<16xi32>
      %add3A_2424 = arith.addi %add3A_2421, %add3A_2423 : vector<16xi32>
      %gather3A_2425 = tpu.vector_load_idx %arg7[%add3A_2424, %sub3A_29] : memref<6400x8xi32, #tpu.memory_space<vmem>>[vector<16xi32>, vector<16xi32>], vector<16xi32>,
      %add3A_2426 = arith.addi %gather3A_2425, %mul3A_32 : vector<16xi32>
      %swap3A_2427 = arith.constant 928 : index
      %swap3A_2428 = tpu.vector_load %arg9[%swap3A_2427] {strides = array<i32>} : memref<1024xi32, #tpu.memory_space<vmem>>, vector<16xi32>,
      tpu.vector_store %arg9[%swap3A_2427], %add3A_2426 {strides = array<i32>} : memref<1024xi32, #tpu.memory_space<vmem>>, vector<16xi32>,
      %mul3A_2429 = arith.constant 128 : i32
      %mul3A_2430 = arith.muli %add3A_1779, %mul3A_2429 : i32
      %add3A_2431 = vector.broadcast %mul3A_2430 : i32 to vector<16xi32>
      %add3A_2432 = arith.addi %add3A_2431, %select_n3A : vector<16xi32>
      %add3A_2433 = arith.constant 118 : i32
      %add3A_2434 = vector.broadcast %add3A_2433 : i32 to vector<16xi32>
      %add3A_2435 = arith.addi %add3A_2432, %add3A_2434 : vector<16xi32>
      %gather3A_2436 = tpu.vector_load_idx %arg7[%add3A_2435, %sub3A_29] : memref<6400x8xi32, #tpu.memory_space<vmem>>[vector<16xi32>, vector<16xi32>], vector<16xi32>,
      %add3A_2437 = arith.addi %gather3A_2436, %mul3A_32 : vector<16xi32>
      %swap3A_2438 = arith.constant 944 : index
      %swap3A_2439 = tpu.vector_load %arg9[%swap3A_2438] {strides = array<i32>} : memref<1024xi32, #tpu.memory_space<vmem>>, vector<16xi32>,
      tpu.vector_store %arg9[%swap3A_2438], %add3A_2437 {strides = array<i32>} : memref<1024xi32, #tpu.memory_space<vmem>>, vector<16xi32>,
      %mul3A_2440 = arith.constant 128 : i32
      %mul3A_2441 = arith.muli %add3A_1779, %mul3A_2440 : i32
      %add3A_2442 = vector.broadcast %mul3A_2441 : i32 to vector<16xi32>
      %add3A_2443 = arith.addi %add3A_2442, %select_n3A : vector<16xi32>
      %add3A_2444 = arith.constant 120 : i32
      %add3A_2445 = vector.broadcast %add3A_2444 : i32 to vector<16xi32>
      %add3A_2446 = arith.addi %add3A_2443, %add3A_2445 : vector<16xi32>
      %gather3A_2447 = tpu.vector_load_idx %arg7[%add3A_2446, %sub3A_29] : memref<6400x8xi32, #tpu.memory_space<vmem>>[vector<16xi32>, vector<16xi32>], vector<16xi32>,
      %add3A_2448 = arith.addi %gather3A_2447, %mul3A_32 : vector<16xi32>
      %swap3A_2449 = arith.constant 960 : index
      %swap3A_2450 = tpu.vector_load %arg9[%swap3A_2449] {strides = array<i32>} : memref<1024xi32, #tpu.memory_space<vmem>>, vector<16xi32>,
      tpu.vector_store %arg9[%swap3A_2449], %add3A_2448 {strides = array<i32>} : memref<1024xi32, #tpu.memory_space<vmem>>, vector<16xi32>,
      %mul3A_2451 = arith.constant 128 : i32
      %mul3A_2452 = arith.muli %add3A_1779, %mul3A_2451 : i32
      %add3A_2453 = vector.broadcast %mul3A_2452 : i32 to vector<16xi32>
      %add3A_2454 = arith.addi %add3A_2453, %select_n3A : vector<16xi32>
      %add3A_2455 = arith.constant 122 : i32
      %add3A_2456 = vector.broadcast %add3A_2455 : i32 to vector<16xi32>
      %add3A_2457 = arith.addi %add3A_2454, %add3A_2456 : vector<16xi32>
      %gather3A_2458 = tpu.vector_load_idx %arg7[%add3A_2457, %sub3A_29] : memref<6400x8xi32, #tpu.memory_space<vmem>>[vector<16xi32>, vector<16xi32>], vector<16xi32>,
      %add3A_2459 = arith.addi %gather3A_2458, %mul3A_32 : vector<16xi32>
      %swap3A_2460 = arith.constant 976 : index
      %swap3A_2461 = tpu.vector_load %arg9[%swap3A_2460] {strides = array<i32>} : memref<1024xi32, #tpu.memory_space<vmem>>, vector<16xi32>,
      tpu.vector_store %arg9[%swap3A_2460], %add3A_2459 {strides = array<i32>} : memref<1024xi32, #tpu.memory_space<vmem>>, vector<16xi32>,
      %mul3A_2462 = arith.constant 128 : i32
      %mul3A_2463 = arith.muli %add3A_1779, %mul3A_2462 : i32
      %add3A_2464 = vector.broadcast %mul3A_2463 : i32 to vector<16xi32>
      %add3A_2465 = arith.addi %add3A_2464, %select_n3A : vector<16xi32>
      %add3A_2466 = arith.constant 124 : i32
      %add3A_2467 = vector.broadcast %add3A_2466 : i32 to vector<16xi32>
      %add3A_2468 = arith.addi %add3A_2465, %add3A_2467 : vector<16xi32>
      %gather3A_2469 = tpu.vector_load_idx %arg7[%add3A_2468, %sub3A_29] : memref<6400x8xi32, #tpu.memory_space<vmem>>[vector<16xi32>, vector<16xi32>], vector<16xi32>,
      %add3A_2470 = arith.addi %gather3A_2469, %mul3A_32 : vector<16xi32>
      %swap3A_2471 = arith.constant 992 : index
      %swap3A_2472 = tpu.vector_load %arg9[%swap3A_2471] {strides = array<i32>} : memref<1024xi32, #tpu.memory_space<vmem>>, vector<16xi32>,
      tpu.vector_store %arg9[%swap3A_2471], %add3A_2470 {strides = array<i32>} : memref<1024xi32, #tpu.memory_space<vmem>>, vector<16xi32>,
      %mul3A_2473 = arith.constant 128 : i32
      %mul3A_2474 = arith.muli %add3A_1779, %mul3A_2473 : i32
      %add3A_2475 = vector.broadcast %mul3A_2474 : i32 to vector<16xi32>
      %add3A_2476 = arith.addi %add3A_2475, %select_n3A : vector<16xi32>
      %add3A_2477 = arith.constant 126 : i32
      %add3A_2478 = vector.broadcast %add3A_2477 : i32 to vector<16xi32>
      %add3A_2479 = arith.addi %add3A_2476, %add3A_2478 : vector<16xi32>
      %gather3A_2480 = tpu.vector_load_idx %arg7[%add3A_2479, %sub3A_29] : memref<6400x8xi32, #tpu.memory_space<vmem>>[vector<16xi32>, vector<16xi32>], vector<16xi32>,
      %add3A_2481 = arith.addi %gather3A_2480, %mul3A_32 : vector<16xi32>
      %swap3A_2482 = arith.constant 1008 : index
      %swap3A_2483 = tpu.vector_load %arg9[%swap3A_2482] {strides = array<i32>} : memref<1024xi32, #tpu.memory_space<vmem>>, vector<16xi32>,
      tpu.vector_store %arg9[%swap3A_2482], %add3A_2481 {strides = array<i32>} : memref<1024xi32, #tpu.memory_space<vmem>>, vector<16xi32>,
      %ge3A_2484 = arith.constant 1 : i32
      %ge3A_2485 = arith.cmpi sge, %scan3A_1052, %ge3A_2484 : i32
      %convert_element_type3A_2486 = arith.extui %ge3A_2485 : i1 to i32
      %cond3A_2487 = arith.constant 0 : i32
      %cond3A_2488 = arith.cmpi ne, %convert_element_type3A_2486, %cond3A_2487 : i32
      scf.if %cond3A_2488 {
        %sub3A_2504 = arith.constant 2 : i32
        %sub3A_2505 = arith.subi %add3A_1779, %sub3A_2504 : i32
        %mul3A_2506 = arith.constant 128 : i32
        %mul3A_2507 = arith.muli %sub3A_2505, %mul3A_2506 : i32
        %add3A_2508 = arith.addi %mul3A_2, %mul3A_2507 : i32
        %mul3A_2509 = arith.constant 8 : i32
        %mul3A_2510 = arith.muli %add3A_2508, %mul3A_2509 : i32
        %dma_wait3A_2511 = arith.constant 0 : i32
        %dma_wait3A_2512 = tpu.memref_slice %arg5[%mul3A_2510, %dma_wait3A_2511] : memref<1638400x16xf32, #tpu.memory_space<hbm>> -> memref<1024x16xf32, #tpu.memory_space<hbm>>
        %dma_wait3A_2513 = arith.constant 0 : i32
        %dma_wait3A_2514 = tpu.memref_slice %arg5[%mul3A_2510, %dma_wait3A_2513] : memref<1638400x16xf32, #tpu.memory_space<hbm>> -> memref<1024x16xf32, #tpu.memory_space<hbm>>
        tpu.wait_dma2 semaphore(%arg16 : memref<!tpu.dma_semaphore, #tpu.memory_space<semaphore_mem>>) src(%arg11 : memref<1024x16xf32, #tpu.memory_space<vmem>>) dst(%dma_wait3A_2514 : memref<1024x16xf32, #tpu.memory_space<hbm>>)
      } else {
      }
      %dma_start3A_2489 = arith.constant 0 : i32
      %dma_start3A_2490 = arith.constant 0 : i32
      %dma_start3A_2491 = tpu.memref_slice %arg4[%dma_start3A_2489, %dma_start3A_2490] : memref<2048x16xf32, #tpu.memory_space<hbm>> -> memref<2048x16xf32, #tpu.memory_space<hbm>>
      tpu.enqueue_indirect_dma source(%dma_start3A_2491 : memref<2048x16xf32, #tpu.memory_space<hbm>>) target(%arg11 : memref<1024x16xf32, #tpu.memory_space<vmem>>) offsets(%arg9 : memref<1024xi32, #tpu.memory_space<vmem>>) semaphore(%arg14 : memref<!tpu.dma_semaphore, #tpu.memory_space<semaphore_mem>>)
      %dma_wait3A_2492 = arith.constant 0 : i32
      %dma_wait3A_2493 = arith.constant 0 : i32
      %dma_wait3A_2494 = tpu.memref_slice %arg4[%dma_wait3A_2492, %dma_wait3A_2493] : memref<2048x16xf32, #tpu.memory_space<hbm>> -> memref<2048x16xf32, #tpu.memory_space<hbm>>
      tpu.wait_indirect_dma semaphore(%arg14 : memref<!tpu.dma_semaphore, #tpu.memory_space<semaphore_mem>>) src(%dma_wait3A_2494 : memref<2048x16xf32, #tpu.memory_space<hbm>>) dst(%arg11 : memref<1024x16xf32, #tpu.memory_space<vmem>>)
      %mul3A_2495 = arith.constant 128 : i32
      %mul3A_2496 = arith.muli %add3A_1779, %mul3A_2495 : i32
      %add3A_2497 = arith.addi %mul3A_2, %mul3A_2496 : i32
      %mul3A_2498 = arith.constant 8 : i32
      %mul3A_2499 = arith.muli %add3A_2497, %mul3A_2498 : i32
      %dma_start3A_2500 = arith.constant 0 : i32
      %dma_start3A_2501 = tpu.memref_slice %arg5[%mul3A_2499, %dma_start3A_2500] : memref<1638400x16xf32, #tpu.memory_space<hbm>> -> memref<1024x16xf32, #tpu.memory_space<hbm>>
      %dma_start3A_2502 = arith.constant 0 : i32
      %dma_start3A_2503 = tpu.memref_slice %arg5[%mul3A_2499, %dma_start3A_2502] : memref<1638400x16xf32, #tpu.memory_space<hbm>> -> memref<1024x16xf32, #tpu.memory_space<hbm>>
      tpu.enqueue_dma source(%arg11 : memref<1024x16xf32, #tpu.memory_space<vmem>>) target(%dma_start3A_2503 : memref<1024x16xf32, #tpu.memory_space<hbm>>) target_semaphore(%arg16 : memref<!tpu.dma_semaphore, #tpu.memory_space<semaphore_mem>>)
    }
    %scan3A_1035 = arith.constant 25 : i32
    %add3A_1036 = arith.constant 6144 : i32
    %add3A_1037 = arith.addi %mul3A_2, %add3A_1036 : i32
    %mul3A_1038 = arith.constant 8 : i32
    %mul3A_1039 = arith.muli %add3A_1037, %mul3A_1038 : i32
    %dma_wait3A_1040 = arith.constant 0 : i32
    %dma_wait3A_1041 = tpu.memref_slice %arg5[%mul3A_1039, %dma_wait3A_1040] : memref<1638400x16xf32, #tpu.memory_space<hbm>> -> memref<1024x16xf32, #tpu.memory_space<hbm>>
    %dma_wait3A_1042 = arith.constant 0 : i32
    %dma_wait3A_1043 = tpu.memref_slice %arg5[%mul3A_1039, %dma_wait3A_1042] : memref<1638400x16xf32, #tpu.memory_space<hbm>> -> memref<1024x16xf32, #tpu.memory_space<hbm>>
    tpu.wait_dma2 semaphore(%arg15 : memref<!tpu.dma_semaphore, #tpu.memory_space<semaphore_mem>>) src(%arg10 : memref<1024x16xf32, #tpu.memory_space<vmem>>) dst(%dma_wait3A_1043 : memref<1024x16xf32, #tpu.memory_space<hbm>>)
    %add3A_1044 = arith.constant 6272 : i32
    %add3A_1045 = arith.addi %mul3A_2, %add3A_1044 : i32
    %mul3A_1046 = arith.constant 8 : i32
    %mul3A_1047 = arith.muli %add3A_1045, %mul3A_1046 : i32
    %dma_wait3A_1048 = arith.constant 0 : i32
    %dma_wait3A_1049 = tpu.memref_slice %arg5[%mul3A_1047, %dma_wait3A_1048] : memref<1638400x16xf32, #tpu.memory_space<hbm>> -> memref<1024x16xf32, #tpu.memory_space<hbm>>
    %dma_wait3A_1050 = arith.constant 0 : i32
    %dma_wait3A_1051 = tpu.memref_slice %arg5[%mul3A_1047, %dma_wait3A_1050] : memref<1638400x16xf32, #tpu.memory_space<hbm>> -> memref<1024x16xf32, #tpu.memory_space<hbm>>
    tpu.wait_dma2 semaphore(%arg16 : memref<!tpu.dma_semaphore, #tpu.memory_space<semaphore_mem>>) src(%arg11 : memref<1024x16xf32, #tpu.memory_space<vmem>>) dst(%dma_wait3A_1051 : memref<1024x16xf32, #tpu.memory_space<hbm>>)
    return
  }
}

</mosaic_0001>

<sc_bundles>
// kernel: kernel.3.cloned.1.call-start
scs
__scs_entry_jumppad:
0x0: {  	(pc) =	sbr.rel $0x88, $3  }
0x1: {  	(tag) =	ssettag $0x0;
	lr =	simm.s32 $0x1  }
0x2: {  	[smem:$0x3F9E] =	sst lr;
	_ =	strace $0xD0000000  }
0x3: {  	_ = 	snop  }
0x4: {  	_ = 	snop  }
0x5: {  	_ = 	snop  }
0x6: {  	_ = 	snop  }
0x7: {  	_ = 	snop  }
__scs_overlays_trampoline_lowered:
0x8: {  	[smem:$0x3FAD] =	sst s0  }
0x9: {  	[smem:$0x3FAE] =	sst s1  }
0xa: {  	[smem:$0x3FAF] =	sst s2  }
0xb: {  	[smem:$0x3FB0] =	sst s3  }
0xc: {  	[smem:$0x3FB1] =	sst s4  }
0xd: {  	[smem:$0x3FB2] =	sst s5  }
0xe: {  	[smem:$0x3FB3] =	sst s6  }
0xf: {  	[smem:$0x3FB4] =	sst s7  }
0x10: {  	[smem:$0x3FB5] =	sst s8  }
0x11: {  	[smem:$0x3FB6] =	sst s9;
	s0 =	simm.s32 @!p0 $0x0  }
0x12: {  	s1 =	sld [smem:$0x3F9C];
	s0 =	simm.s32 @p0 $0x1  }
0x13: {  	[smem:$0x3FB7] =	sst s0;
	s0 =	simm.s32 @!p1 $0x0  }
0x14: {  	s2 =	sld [smem:$0x3F9B];
	s0 =	simm.s32 @p1 $0x1  }
0x15: {  	[smem:$0x3FB8] =	sst s0;
	s0 =	simm.s32 @!p2 $0x0  }
0x16: {  	s3 =	sld [smem:$0x3FDB];
	s0 =	simm.s32 @p2 $0x1  }
0x17: {  	s4 =	simm.s32 $0x1BF5;
	[smem:$0x3FBA] =	sst s0  }
0x18: {  	s0 =	sld [smem:$0x3F9D];
	_ =	swait.ge [sflag:s4], $0x0  }
0x19: {  	s7 =	sld [smem:$0x3F9E]  }
0x1a: {  	s8 =	sadd.s32 $0xFFFFE003, lr  }
0x1b: {  	s9 =	sadd.s32 $0xFFFFFEF7, lr;
	s5 =	simm.s32 $0xFFFFFFFF;
	p2 =	slt.u32 s8, $0xFFFFF086  }
0x1c: {  	p1 =	slt.u32 s9, $0xF7A;
	s5 =	simm.s32 @!p2 $0x0  }
0x1d: {  	s5 =	simm.s32 @p1 $0x1;
	p0 =	seq.s32 s7, s2  }
0x1e: {  	s7 =	smul.u32 @!p0 $0xF7A, s2;
	p2 =	seq.s32 @!p0 s5, $0x0  }
0x1f: {  	s9 =	smul.u32 $0xF7A, s1;
	s8 =	simm.s32 @!p0 $0x1BF5;
	p2 =	por !p2, p0  }
0x20: {  	[sflag:s8] =	ssyncset.s32 @!p0 $0xFFFFF086;
	s6 =	sadd.s32 @!p0 s3, s7;
	s7 =	simm.s32 @!p0 $0x108  }
0x21: {  	s3 =	sadd.s32 s3, s9;
	s6 =	sadd.s32 @!p0 $0x88, s6;
	s7 =	simm.s32 @p2 $0x1082  }
0x22: {  	[simem:s7], [sflag:s8] =	dma.local @!p0 [hbm:s6], $0xF7A  }
0x23: {  	s9 =	sor.u32 $0xD0000000, s2;
	s6 =	simm.s32 $0x108;
	_ =	swait.ge @!p0 [sflag:s8], $0x0  }
0x24: {  	s3 =	sadd.s32 $0x88, s3;
	s6 =	simm.s32 @!p1 $0x1082;
	[sflag:s4] =	ssyncset.s32 $0xFFFFF086  }
0x25: {  	[simem:s6], [sflag:s4] =	dma.local [hbm:s3], $0xF7A  }
0x26: {  	[smem:$0x3F9E] =	sst s1;
	(tag) =	ssettag s2;
	_ =	strace s9  }
0x27: {  	s1 =	sld [smem:$0x3FAE]  }
0x28: {  	s2 =	sld [smem:$0x3FAF]  }
0x29: {  	s4 =	sld [smem:$0x3FB1]  }
0x2a: {  	p0 =	seq.s32 s5, $0x0;
	s5 =	sld [smem:$0x3FB2]  }
0x2b: {  	s6 =	sld [smem:$0x3FB3]  }
0x2c: {  	s7 =	sld [smem:$0x3FB4]  }
0x2d: {  	s3 =	simm.s32 $0x108;
	s8 =	sld [smem:$0x3FB5]  }
0x2e: {  	s3 =	simm.s32 @!p0 $0x1082;
	s9 =	sld [smem:$0x3FB6]  }
0x2f: {  	lr =	sadd.s32 s0, s3;
	s0 =	sld [smem:$0x3FAD]  }
0x30: {  	s3 =	sld [smem:$0x3FB0]  }
0x31: {  	[smem:$0x3FB9] =	sst s10  }
0x32: {  	s10 =	sld [smem:$0x3FB7];
	_ =	sdelay $0x3  }
0x33: {  	p0 =	seq.s32 s10, $0x1;
	s10 =	sld [smem:$0x3FB9];
	_ =	sdelay $0x3  }
0x34: {  	[smem:$0x3FB9] =	sst s10  }
0x35: {  	s10 =	sld [smem:$0x3FB8];
	_ =	sdelay $0x3  }
0x36: {  	p1 =	seq.s32 s10, $0x1;
	s10 =	sld [smem:$0x3FB9];
	_ =	sdelay $0x3  }
0x37: {  	[smem:$0x3FB9] =	sst s10  }
0x38: {  	s10 =	sld [smem:$0x3FBA]  }
0x39: {  	_ = 	snop;
	(pc) =	sbr.ind lr, $3  }
0x3a: {  	_ = 	snop  }
0x3b: {  	_ = 	snop  }
0x3c: {  	p2 =	seq.s32 s10, $0x1;
	s10 =	sld [smem:$0x3FB9]  }
0x3d: {  	_ =	shalt  }
0x3e: {  	_ =	shalt  }
0x3f: {  	_ =	shalt  }
0x40: {  	_ =	shalt  }
0x41: {  	_ =	shalt  }
0x42: {  	_ =	shalt  }
0x43: {  	_ =	shalt  }
0x44: {  	_ =	shalt  }
0x45: {  	_ =	shalt  }
0x46: {  	_ =	shalt  }
0x47: {  	_ =	shalt  }
0x48: {  	_ =	shalt  }
0x49: {  	_ =	shalt  }
0x4a: {  	_ =	shalt  }
0x4b: {  	_ =	shalt  }
0x4c: {  	_ =	shalt  }
0x4d: {  	_ =	shalt  }
0x4e: {  	_ =	shalt  }
0x4f: {  	_ =	shalt  }
0x50: {  	_ =	shalt  }
0x51: {  	_ =	shalt  }
0x52: {  	_ =	shalt  }
0x53: {  	_ =	shalt  }
0x54: {  	_ =	shalt  }
0x55: {  	_ =	shalt  }
0x56: {  	_ =	shalt  }
0x57: {  	_ =	shalt  }
0x58: {  	_ =	shalt  }
0x59: {  	_ =	shalt  }
0x5a: {  	_ =	shalt  }
0x5b: {  	_ =	shalt  }
0x5c: {  	_ =	shalt  }
0x5d: {  	_ =	shalt  }
0x5e: {  	_ =	shalt  }
0x5f: {  	_ =	shalt  }
0x60: {  	_ =	shalt  }
0x61: {  	_ =	shalt  }
0x62: {  	_ =	shalt  }
0x63: {  	_ =	shalt  }
0x64: {  	_ =	shalt  }
0x65: {  	_ =	shalt  }
0x66: {  	_ =	shalt  }
0x67: {  	_ =	shalt  }
0x68: {  	_ =	shalt  }
0x69: {  	_ =	shalt  }
0x6a: {  	_ =	shalt  }
0x6b: {  	_ =	shalt  }
0x6c: {  	_ =	shalt  }
0x6d: {  	_ =	shalt  }
0x6e: {  	_ =	shalt  }
0x6f: {  	_ =	shalt  }
0x70: {  	_ =	shalt  }
0x71: {  	_ =	shalt  }
0x72: {  	_ =	shalt  }
0x73: {  	_ =	shalt  }
0x74: {  	_ =	shalt  }
0x75: {  	_ =	shalt  }
0x76: {  	_ =	shalt  }
0x77: {  	_ =	shalt  }
0x78: {  	_ =	shalt  }
0x79: {  	_ =	shalt  }
0x7a: {  	_ =	shalt  }
0x7b: {  	_ =	shalt  }
0x7c: {  	_ =	shalt  }
0x7d: {  	_ =	shalt  }
0x7e: {  	_ =	shalt  }
0x7f: {  	_ =	shalt  }
0x80: {  	_ =	shalt  }
0x81: {  	_ =	shalt  }
0x82: {  	_ =	shalt  }
0x83: {  	_ =	shalt  }
0x84: {  	_ =	shalt  }
0x85: {  	_ =	shalt  }
0x86: {  	_ =	shalt  }
0x87: {  	_ =	shalt  }
.Lfunc_end0:
.L_simem_size_0:
called_computation.1_lowered:
.L_overlay_start_0:
0x88: {  	s2 =	sld [smem:$0x3FD9]  }
0x89: {  	s3 =	sld [smem:$0x3FFE];
	_ =	sdelay $0x1  }
0x8a: {  	s1 =	srdreg.scid  }
0x8b: {  	s0 =	sand.u32 $0x1, s1  }
0x8c: {  	s17 =	sshll.u32 s0, $0xA;
	s2 =	sadd.s32 s3, s2  }
0x8d: {  	s2 =	sadd.s32 s2, s17  }
0x8e: {  	[smem:$0x3FC5] =	sst s2  }
0x8f: {  	_ = 	snop  }
0x90: {  	s2 =	sld [smem:$0x3FD0];
	(tm) =	ssettm $0x1  }
0x91: {  	s18 =	sld [smem:$0x3FFB];
	_ =	sdelay $0x3  }
0x92: {  	_ =	strace s18  }
0x93: {  	s3 =	sld [smem:$0x3FFC];
	_ =	sdelay $0x3  }
0x94: {  	_ =	strace s3  }
0x95: {  	s3 =	sld [smem:$0x3FFD];
	_ =	sdelay $0x3  }
0x96: {  	_ =	strace s3  }
0x97: {  	_ =	strace $0x8FFFFFFF  }
0x98: {  	s19 =	sld [smem:$0x3FDB];
	_ =	sdelay $0x1  }
0x99: {  	s4 =	simm.s32 $_scs_section_size  }
0x9a: {  	s5 =	simm.s32 $_size__tile_overlayer_lowered;
	s6 =	simm.s32 $_tile_overlayer_lowered  }
0x9b: {  	s22 =	simm.s32 $0x1BFF;
	s21 =	sshll.u32 s6, $0x1;
	s3 =	sadd.s32 s4, s19  }
0x9c: {  	s7 =	simm.s32 $0x0;
	s20 =	sshll.u32 s5, $0x1;
	s5 =	sadd.s32 s21, s3  }
0x9d: {  	[timem:s7], [sflag:s22] =	dma.local [hbm:s5], s20  }
0x9e: {  	_ =	swait.ge [sflag:s22], s20  }
0x9f: {  	s4 =	ssub.s32 $0x0, s20;
	[sflag:s22] =	ssyncset.done $0x0  }
0xa0: {  	[sflag:s22] =	ssyncadd.s32 s4;
	_ =	sdelay $0x1  }
0xa1: {  	s23 =	simm.s32 $0x1B8B  }
0xa2: {  	_ =	swait.ge [sflag:s23], $0x1  }
0xa3: {  	[sflag:s23] =	ssyncset.done $0x0  }
0xa4: {  	s25 =	simm.s32 $0x1B8E;
	s24 =	sld [smem:$0x3FFE];
	[sflag:s23] =	ssyncadd.s32 $0xFFFFFFFF  }
0xa5: {  	s26 =	simm.s32 $execute0_lowered;
	[smem:$0x3FD2] =	sst s25  }
0xa6: {  	s5 =	sshll.u32 s26, $0x1;
	_ =	strace $0x80000046;
	[dreg:$0x1] =	wrdreg $0xFFFFFFFF  }
0xa7: {  	s28 =	simm.s32 $_size_execute0_lowered;
	s3 =	sadd.s32 s3, s5;
	[dreg:$0x0] =	wrdreg $0x0  }
0xa8: {  	s5 =	sshll.u32 s28, $0x1;
	[dreg:$0x2] =	wrdreg s3  }
0xa9: {  	[dreg:$0x3] =	wrdreg s5  }
0xaa: {  	[dreg:$0x4] =	wrdreg $0xC0  }
0xab: {  	_ =	task [dreg:s7], $0x5FFFF  }
0xac: {  	[dreg:$0x1] =	wrdreg $0xFFFFFFFF  }
0xad: {  	[dreg:$0x0] =	wrdreg $0x60  }
0xae: {  	[dreg:$0x2] =	wrdreg s24  }
0xaf: {  	[dreg:$0x3] =	wrdreg s2  }
0xb0: {  	[dreg:$0x4] =	wrdreg $0x9  }
0xb1: {  	_ =	task.clear_ibuf [dreg:s7], $0x5FFFF;
	_ =	strace $0x90000046  }
0xb2: {  	s29 =	simm.s32 $0x9;
	_ =	strace $0x80000048  }
0xb3: {  	_ =	swait.ge [sflag:s29], $0x1  }
0xb4: {  	[sflag:s29] =	ssyncadd.s32 $0xFFFFFFFF  }
0xb5: {  	_ =	strace $0x90000048  }
0xb6: {  	_ =	sfence  }
0xb7: {  	s30 =	sld [smem:$0x0];
	_ =	sdelay $0x2  }
0xb8: {  	s31 =	sshll.u32 s1, $0xD;
	s1 =	sshrl.u32 s1, $0x2  }
0xb9: {  	s3 =	sand.u32 $0x4000, s31;
	s1 =	sadd.s32 s1, s30  }
0xba: {  	s0 =	sor.u32 s3, s0;
	s1 =	sshll.u32 s1, $0x11  }
0xbb: {  	s0 =	sor.u32 s1, s0  }
0xbc: {  	s0 =	sadd.s32 $0x8F2B, s0  }
0xbd: {  	[sflag:s0] =	ssyncadd.remote.s32 $0x1  }
0xbe: {  	_ =	sfence.sel $0xFFFF  }
0xbf: {  	[dreg:$0x0] =	wrdreg $0xFFFFFFFF;
	(pc) =	sbr.abs _section_cstart, $3  }
0xc0: {  	[dreg:$0x1] =	wrdreg $0xFFFFFFFF  }
0xc1: {  	_ =	task.clear_ibuf [dreg:s7], $0x2FFFF;
	_ =	strace $0x9FFFFFFF  }
0xc2: {  	(tm) =	ssettm $0x7FFFFFFF  }
0xc3: {  	_ =	shalt  }
tec
execute0_lowered:
.L_overlay_start_1:
0x0: {  	(tag) =	ssettag $0x1  }
0x1: {  	v3 =	vlaneseq.u32  }
0x2: {  	v0 =	vshrl.u32 v3, $0x3  }
0x3: {  	v1 =	vmul.u32 $0x8, v0;
	_ =	sdelay $0x1  }
0x4: {  	v6 =	vor.u32 $0x3F0, v1;
	v7 =	vor.u32 $0x3E0, v1;
	v8 =	vor.u32 $0x3D0, v1  }
0x5: {  	v9 =	vor.u32 $0x3C0, v1;
	v10 =	vor.u32 $0x3B0, v1;
	v11 =	vor.u32 $0x3A0, v1  }
0x6: {  	v12 =	vor.u32 $0x390, v1;
	v13 =	vor.u32 $0x380, v1;
	v14 =	vor.u32 $0x370, v1  }
0x7: {  	v15 =	vor.u32 $0x360, v1;
	v16 =	vor.u32 $0x350, v1;
	v17 =	vor.u32 $0x340, v1  }
0x8: {  	s0 =	srdreg.scid;
	s4 =	rddreg [dreg:$0x0];
	v18 =	vor.u32 $0x330, v1;
	v19 =	vor.u32 $0x320, v1;
	v20 =	vor.u32 $0x310, v1  }
0x9: {  	s10 =	stileid.u32;
	s7 =	rddreg [dreg:$0x1];
	v21 =	vor.u32 $0x300, v1;
	v22 =	vor.u32 $0x2F0, v1;
	v23 =	vor.u32 $0x2E0, v1  }
0xa: {  	s2 =	simm.s32 $0x0;
	s11 =	simm.s32 $0x1900;
	s23 =	simm.s32 $0xD500;
	v24 =	vor.u32 $0x2D0, v1;
	v25 =	vor.u32 $0x2C0, v1;
	v26 =	vor.u32 $0x2B0, v1  }
0xb: {  	s24 =	simm.s32 $0x1800;
	s28 =	simm.s32 $0x1880;
	s29 =	simm.s32 $0xDD00;
	v27 =	vor.u32 $0x2A0, v1;
	v28 =	vor.u32 $0x290, v1;
	v29 =	vor.u32 $0x280, v1  }
0xc: {  	s30 =	simm.s32 $0x1;
	s31 =	simm.s32 $0xE100;
	s12 =	simm.s32 $0xE500;
	v30 =	vor.u32 $0x270, v1;
	v31 =	vor.u32 $0x260, v1;
	v32 =	vor.u32 $0x250, v1  }
0xd: {  	s13 =	simm.s32 $0x12900;
	s14 =	simm.s32 $0x3;
	s15 =	simm.s32 $0x4;
	v33 =	vor.u32 $0x240, v1;
	v34 =	vor.u32 $0x230, v1;
	v35 =	vor.u32 $0x220, v1  }
0xe: {  	s16 =	simm.s32 $0x5;
	s0 =	sand.u32 $0x1, s0;
	s5 =	smul.u32 $0x3200, s10;
	v36 =	vor.u32 $0x210, v1;
	v37 =	vor.u32 $0x200, v1;
	v38 =	vor.u32 $0x1F0, v1  }
0xf: {  	s1 =	sshll.u32 s10, $0x1;
	[smem:$0x7FF] =	sst s2;
	s10 =	smul.u32 $0x32000, s10;
	v39 =	vor.u32 $0x1E0, v1;
	v40 =	vor.u32 $0x1D0, v1;
	v41 =	vor.u32 $0x1C0, v1  }
0x10: {  	s17 =	simm.s32 $0x0;
	s3 =	sadd.s32 $0xF43200, s4;
	s8 =	smul.u32 $0x1900, s0;
	v42 =	vor.u32 $0x1B0, v1;
	v43 =	vor.u32 $0x1A0, v1;
	v44 =	vor.u32 $0x190, v1  }
0x11: {  	s1 =	sor.u32 s0, s1;
	s6 =	ssub.s32 $0x2, s0;
	s0 =	smul.u32 $0x19000, s0;
	v45 =	vor.u32 $0x180, v1;
	v46 =	vor.u32 $0x170, v1;
	v47 =	vor.u32 $0x160, v1  }
0x12: {  	_ =	strace $0x80000047;
	s1 =	smul.u32 $0x1900, s1;
	s9 =	sshrl.u32 s6, $0x1;
	v48 =	vor.u32 $0x150, v1;
	v49 =	vor.u32 $0x140, v1;
	v50 =	vor.u32 $0x130, v1  }
0x13: {  	s25 =	sadd.s32 s10, s7;
	s10 =	simm.s32 $0x80;
	s6 =	ssub.s32 s6, s9;
	v51 =	vor.u32 $0x120, v1;
	v52 =	vor.u32 $0x110, v1;
	v0 =	vor.u32 $0x50, v1;
	[tilespmem:$0x1FFF0] =	vst v1  }
0x14: {  	s8 =	sadd.s32 s8, s5;
	s19 =	sadd.s32 s0, s25;
	s9 =	simm.s32 $0x6;
	v53 =	vor.u32 $0x100, v1;
	v54 =	vor.u32 $0xF0, v1;
	v55 =	vor.u32 $0xE0, v1;
	[tilespmem:$0x1FFA0] =	vst v0  }
0x15: {  	s25 =	simm.s32 $0x400;
	v56 =	vor.u32 $0xD0, v1;
	v57 =	vor.u32 $0xC0, v1;
	s0 =	simm.s32 $0x2;
	s1 =	sshrl.u32 s1, $0x3;
	v0 =	vor.u32 $0x40, v1;
	[tilespmem:$0x1FFE0] =	vst v6  }
0x16: {  	v58 =	vor.u32 $0xB0, v1;
	v59 =	vor.u32 $0xA0, v1;
	s8 =	sshll.u32 s8, $0x4;
	s6 =	smax.u32 s6, $0x1;
	s1 =	sadd.s32 s1, s4;
	[tilespmem:$0x1FFB0] =	vst v0;
	v0 =	vor.u32 $0x30, v1  }
0x17: {  	v60 =	vor.u32 $0x90, v1;
	v61 =	vor.u32 $0x80, v1;
	s4 =	sadd.s32 $0x7000, s4;
	s26 =	sadd.s32 s8, s7;
	s5 =	sadd.s32 $0xC00, s1;
	[tilespmem:$0x1FFC0] =	vst v0;
	v0 =	vor.u32 $0x20, v1  }
0x18: {  	v62 =	vor.u32 $0x70, v1;
	v63 =	vor.u32 $0x60, v1;
	s18 =	sadd.s32 $0x800, s26;
	s26 =	simm.s32 $0xD900;
	s1 =	simm.s32 $0xE900;
	[tilespmem:$0x1FFD0] =	vst v0  }
.LBB2_1:
0x19: {  	[tilespmem:s2], [sflag:$0x6] =	stream.linear.gather [hbm4b:s5+s2], $0x1900, $0x38;
	[tilespmem:$0x16900] =	vst v63  }
0x1a: {  	_ =	swait.ge [sflag:s9], $0x1900  }
0x1b: {  	[sflag:s9] =	ssyncset.done $0x0  }
0x1c: {  	[sflag:s9] =	ssyncadd.s32 $0xFFFFE700  }
0x1d: {  	[tilespmem:s11], [sflag:$0x1] =	stream.indirect.gather [hbm4b:s3+s10], $0x8, s2, s10, $0xb8;
	[tilespmem:$0x16900] =	vst v63  }
0x1e: {  	s7 =	simm.s32 $0x1D00  }
0x1f: {  	[tilespmem:s7], [sflag:$0x1] =	stream.indirect.gather [hbm4b:s3+s10], $0x8, s10, s10, $0xb8;
	[tilespmem:$0x16900] =	vst v63  }
0x20: {  	s20 =	simm.s32 $0x100;
	s8 =	simm.s32 $0x2100  }
0x21: {  	[tilespmem:s8], [sflag:$0x1] =	stream.indirect.gather [hbm4b:s3+s10], $0x8, s20, s10, $0xb8;
	[tilespmem:$0x16900] =	vst v63  }
0x22: {  	s21 =	simm.s32 $0x180;
	s22 =	simm.s32 $0x2500  }
0x23: {  	[tilespmem:s22], [sflag:$0x1] =	stream.indirect.gather [hbm4b:s3+s10], $0x8, s21, s10, $0xb8;
	[tilespmem:$0x16900] =	vst v63  }
0x24: {  	s8 =	simm.s32 $0x200;
	s20 =	simm.s32 $0x2900  }
0x25: {  	[tilespmem:s20], [sflag:$0x1] =	stream.indirect.gather [hbm4b:s3+s10], $0x8, s8, s10, $0xb8;
	[tilespmem:$0x16900] =	vst v63  }
0x26: {  	s21 =	simm.s32 $0x280;
	s22 =	simm.s32 $0x2D00  }
0x27: {  	[tilespmem:s22], [sflag:$0x1] =	stream.indirect.gather [hbm4b:s3+s10], $0x8, s21, s10, $0xb8;
	[tilespmem:$0x16900] =	vst v63  }
0x28: {  	s8 =	simm.s32 $0x300;
	s20 =	simm.s32 $0x3100  }
0x29: {  	[tilespmem:s20], [sflag:$0x1] =	stream.indirect.gather [hbm4b:s3+s10], $0x8, s8, s10, $0xb8;
	[tilespmem:$0x16900] =	vst v63  }
0x2a: {  	s21 =	simm.s32 $0x380;
	s22 =	simm.s32 $0x3500  }
0x2b: {  	[tilespmem:s22], [sflag:$0x1] =	stream.indirect.gather [hbm4b:s3+s10], $0x8, s21, s10, $0xb8;
	[tilespmem:$0x16900] =	vst v63  }
0x2c: {  	s20 =	simm.s32 $0x3900  }
0x2d: {  	[tilespmem:s20], [sflag:$0x1] =	stream.indirect.gather [hbm4b:s3+s10], $0x8, s25, s10, $0xb8;
	[tilespmem:$0x16900] =	vst v63  }
0x2e: {  	s21 =	simm.s32 $0x480;
	s22 =	simm.s32 $0x3D00  }
0x2f: {  	[tilespmem:s22], [sflag:$0x1] =	stream.indirect.gather [hbm4b:s3+s10], $0x8, s21, s10, $0xb8;
	[tilespmem:$0x16900] =	vst v63  }
0x30: {  	s8 =	simm.s32 $0x500;
	s20 =	simm.s32 $0x4100  }
0x31: {  	[tilespmem:s20], [sflag:$0x1] =	stream.indirect.gather [hbm4b:s3+s10], $0x8, s8, s10, $0xb8;
	[tilespmem:$0x16900] =	vst v63  }
0x32: {  	s21 =	simm.s32 $0x580;
	s22 =	simm.s32 $0x4500  }
0x33: {  	[tilespmem:s22], [sflag:$0x1] =	stream.indirect.gather [hbm4b:s3+s10], $0x8, s21, s10, $0xb8;
	[tilespmem:$0x16900] =	vst v63  }
0x34: {  	s8 =	simm.s32 $0x600;
	s20 =	simm.s32 $0x4900  }
0x35: {  	[tilespmem:s20], [sflag:$0x1] =	stream.indirect.gather [hbm4b:s3+s10], $0x8, s8, s10, $0xb8;
	[tilespmem:$0x16900] =	vst v63  }
0x36: {  	s21 =	simm.s32 $0x680;
	s22 =	simm.s32 $0x4D00  }
0x37: {  	[tilespmem:s22], [sflag:$0x1] =	stream.indirect.gather [hbm4b:s3+s10], $0x8, s21, s10, $0xb8;
	[tilespmem:$0x16900] =	vst v63  }
0x38: {  	s8 =	simm.s32 $0x700;
	s20 =	simm.s32 $0x5100  }
0x39: {  	[tilespmem:s20], [sflag:$0x1] =	stream.indirect.gather [hbm4b:s3+s10], $0x8, s8, s10, $0xb8;
	[tilespmem:$0x16900] =	vst v63  }
0x3a: {  	s21 =	simm.s32 $0x780;
	s22 =	simm.s32 $0x5500  }
0x3b: {  	[tilespmem:s22], [sflag:$0x1] =	stream.indirect.gather [hbm4b:s3+s10], $0x8, s21, s10, $0xb8;
	[tilespmem:$0x16900] =	vst v63  }
0x3c: {  	s8 =	simm.s32 $0x800;
	s20 =	simm.s32 $0x5900  }
0x3d: {  	[tilespmem:s20], [sflag:$0x1] =	stream.indirect.gather [hbm4b:s3+s10], $0x8, s8, s10, $0xb8;
	[tilespmem:$0x16900] =	vst v63  }
0x3e: {  	s21 =	simm.s32 $0x880;
	s22 =	simm.s32 $0x5D00  }
0x3f: {  	[tilespmem:s22], [sflag:$0x1] =	stream.indirect.gather [hbm4b:s3+s10], $0x8, s21, s10, $0xb8;
	[tilespmem:$0x16900] =	vst v63  }
0x40: {  	s8 =	simm.s32 $0x900;
	s20 =	simm.s32 $0x6100  }
0x41: {  	[tilespmem:s20], [sflag:$0x1] =	stream.indirect.gather [hbm4b:s3+s10], $0x8, s8, s10, $0xb8;
	[tilespmem:$0x16900] =	vst v63  }
0x42: {  	s21 =	simm.s32 $0x980;
	s22 =	simm.s32 $0x6500  }
0x43: {  	[tilespmem:s22], [sflag:$0x1] =	stream.indirect.gather [hbm4b:s3+s10], $0x8, s21, s10, $0xb8;
	[tilespmem:$0x16900] =	vst v63  }
0x44: {  	s8 =	simm.s32 $0xA00;
	s20 =	simm.s32 $0x6900  }
0x45: {  	[tilespmem:s20], [sflag:$0x1] =	stream.indirect.gather [hbm4b:s3+s10], $0x8, s8, s10, $0xb8;
	[tilespmem:$0x16900] =	vst v63  }
0x46: {  	s21 =	simm.s32 $0xA80;
	s22 =	simm.s32 $0x6D00  }
0x47: {  	[tilespmem:s22], [sflag:$0x1] =	stream.indirect.gather [hbm4b:s3+s10], $0x8, s21, s10, $0xb8;
	[tilespmem:$0x16900] =	vst v63  }
0x48: {  	s8 =	simm.s32 $0xB00;
	s20 =	simm.s32 $0x7100  }
0x49: {  	[tilespmem:s20], [sflag:$0x1] =	stream.indirect.gather [hbm4b:s3+s10], $0x8, s8, s10, $0xb8;
	[tilespmem:$0x16900] =	vst v63  }
0x4a: {  	s21 =	simm.s32 $0xB80;
	s22 =	simm.s32 $0x7500  }
0x4b: {  	[tilespmem:s22], [sflag:$0x1] =	stream.indirect.gather [hbm4b:s3+s10], $0x8, s21, s10, $0xb8;
	[tilespmem:$0x16900] =	vst v63  }
0x4c: {  	s8 =	simm.s32 $0xC00;
	s20 =	simm.s32 $0x7900  }
0x4d: {  	[tilespmem:s20], [sflag:$0x1] =	stream.indirect.gather [hbm4b:s3+s10], $0x8, s8, s10, $0xb8;
	[tilespmem:$0x16900] =	vst v63  }
0x4e: {  	s21 =	simm.s32 $0xC80;
	s22 =	simm.s32 $0x7D00  }
0x4f: {  	[tilespmem:s22], [sflag:$0x1] =	stream.indirect.gather [hbm4b:s3+s10], $0x8, s21, s10, $0xb8;
	[tilespmem:$0x16900] =	vst v63  }
0x50: {  	s8 =	simm.s32 $0xD00;
	s20 =	simm.s32 $0x8100  }
0x51: {  	[tilespmem:s20], [sflag:$0x1] =	stream.indirect.gather [hbm4b:s3+s10], $0x8, s8, s10, $0xb8;
	[tilespmem:$0x16900] =	vst v63  }
0x52: {  	s21 =	simm.s32 $0xD80;
	s22 =	simm.s32 $0x8500  }
0x53: {  	[tilespmem:s22], [sflag:$0x1] =	stream.indirect.gather [hbm4b:s3+s10], $0x8, s21, s10, $0xb8;
	[tilespmem:$0x16900] =	vst v63  }
0x54: {  	s8 =	simm.s32 $0xE00;
	s20 =	simm.s32 $0x8900  }
0x55: {  	[tilespmem:s20], [sflag:$0x1] =	stream.indirect.gather [hbm4b:s3+s10], $0x8, s8, s10, $0xb8;
	[tilespmem:$0x16900] =	vst v63  }
0x56: {  	s21 =	simm.s32 $0xE80;
	s22 =	simm.s32 $0x8D00  }
0x57: {  	[tilespmem:s22], [sflag:$0x1] =	stream.indirect.gather [hbm4b:s3+s10], $0x8, s21, s10, $0xb8;
	[tilespmem:$0x16900] =	vst v63  }
0x58: {  	s8 =	simm.s32 $0xF00;
	s20 =	simm.s32 $0x9100  }
0x59: {  	[tilespmem:s20], [sflag:$0x1] =	stream.indirect.gather [hbm4b:s3+s10], $0x8, s8, s10, $0xb8;
	[tilespmem:$0x16900] =	vst v63  }
0x5a: {  	s21 =	simm.s32 $0xF80;
	s22 =	simm.s32 $0x9500  }
0x5b: {  	[tilespmem:s22], [sflag:$0x1] =	stream.indirect.gather [hbm4b:s3+s10], $0x8, s21, s10, $0xb8;
	[tilespmem:$0x16900] =	vst v63  }
0x5c: {  	s8 =	simm.s32 $0x1000;
	s20 =	simm.s32 $0x9900  }
0x5d: {  	[tilespmem:s20], [sflag:$0x1] =	stream.indirect.gather [hbm4b:s3+s10], $0x8, s8, s10, $0xb8;
	[tilespmem:$0x16900] =	vst v63  }
0x5e: {  	s21 =	simm.s32 $0x1080;
	s22 =	simm.s32 $0x9D00  }
0x5f: {  	[tilespmem:s22], [sflag:$0x1] =	stream.indirect.gather [hbm4b:s3+s10], $0x8, s21, s10, $0xb8;
	[tilespmem:$0x16900] =	vst v63  }
0x60: {  	s8 =	simm.s32 $0x1100;
	s20 =	simm.s32 $0xA100  }
0x61: {  	[tilespmem:s20], [sflag:$0x1] =	stream.indirect.gather [hbm4b:s3+s10], $0x8, s8, s10, $0xb8;
	[tilespmem:$0x16900] =	vst v63  }
0x62: {  	s21 =	simm.s32 $0x1180;
	s22 =	simm.s32 $0xA500  }
0x63: {  	[tilespmem:s22], [sflag:$0x1] =	stream.indirect.gather [hbm4b:s3+s10], $0x8, s21, s10, $0xb8;
	[tilespmem:$0x16900] =	vst v63  }
0x64: {  	s8 =	simm.s32 $0x1200;
	s20 =	simm.s32 $0xA900  }
0x65: {  	[tilespmem:s20], [sflag:$0x1] =	stream.indirect.gather [hbm4b:s3+s10], $0x8, s8, s10, $0xb8;
	[tilespmem:$0x16900] =	vst v63  }
0x66: {  	s21 =	simm.s32 $0x1280;
	s22 =	simm.s32 $0xAD00  }
0x67: {  	[tilespmem:s22], [sflag:$0x1] =	stream.indirect.gather [hbm4b:s3+s10], $0x8, s21, s10, $0xb8;
	[tilespmem:$0x16900] =	vst v63  }
0x68: {  	s8 =	simm.s32 $0x1300;
	s20 =	simm.s32 $0xB100  }
0x69: {  	[tilespmem:s20], [sflag:$0x1] =	stream.indirect.gather [hbm4b:s3+s10], $0x8, s8, s10, $0xb8;
	[tilespmem:$0x16900] =	vst v63  }
0x6a: {  	s21 =	simm.s32 $0x1380;
	s22 =	simm.s32 $0xB500  }
0x6b: {  	[tilespmem:s22], [sflag:$0x1] =	stream.indirect.gather [hbm4b:s3+s10], $0x8, s21, s10, $0xb8;
	[tilespmem:$0x16900] =	vst v63  }
0x6c: {  	s8 =	simm.s32 $0x1400;
	s20 =	simm.s32 $0xB900  }
0x6d: {  	[tilespmem:s20], [sflag:$0x1] =	stream.indirect.gather [hbm4b:s3+s10], $0x8, s8, s10, $0xb8;
	[tilespmem:$0x16900] =	vst v63  }
0x6e: {  	s21 =	simm.s32 $0x1480;
	s22 =	simm.s32 $0xBD00  }
0x6f: {  	[tilespmem:s22], [sflag:$0x1] =	stream.indirect.gather [hbm4b:s3+s10], $0x8, s21, s10, $0xb8;
	[tilespmem:$0x16900] =	vst v63  }
0x70: {  	s8 =	simm.s32 $0x1500;
	s20 =	simm.s32 $0xC100  }
0x71: {  	[tilespmem:s20], [sflag:$0x1] =	stream.indirect.gather [hbm4b:s3+s10], $0x8, s8, s10, $0xb8;
	[tilespmem:$0x16900] =	vst v63  }
0x72: {  	s21 =	simm.s32 $0x1580;
	s22 =	simm.s32 $0xC500  }
0x73: {  	[tilespmem:s22], [sflag:$0x1] =	stream.indirect.gather [hbm4b:s3+s10], $0x8, s21, s10, $0xb8;
	[tilespmem:$0x16900] =	vst v63  }
0x74: {  	s8 =	simm.s32 $0x1600;
	s20 =	simm.s32 $0xC900  }
0x75: {  	[tilespmem:s20], [sflag:$0x1] =	stream.indirect.gather [hbm4b:s3+s10], $0x8, s8, s10, $0xb8;
	[tilespmem:$0x16900] =	vst v63  }
0x76: {  	s21 =	simm.s32 $0x1680;
	s22 =	simm.s32 $0xCD00  }
0x77: {  	[tilespmem:s22], [sflag:$0x1] =	stream.indirect.gather [hbm4b:s3+s10], $0x8, s21, s10, $0xb8;
	[tilespmem:$0x16900] =	vst v63  }
0x78: {  	s20 =	simm.s32 $0x1700;
	s21 =	simm.s32 $0xD100  }
0x79: {  	[tilespmem:s21], [sflag:$0x1] =	stream.indirect.gather [hbm4b:s3+s10], $0x8, s20, s10, $0xb8;
	[tilespmem:$0x16900] =	vst v63  }
0x7a: {  	s22 =	simm.s32 $0x1780  }
0x7b: {  	[tilespmem:s23], [sflag:$0x1] =	stream.indirect.gather [hbm4b:s3+s10], $0x8, s22, s10, $0xb8;
	[tilespmem:$0x16900] =	vst v63  }
0x7c: {  	_ = 	snop  }
0x7d: {  	[tilespmem:s26], [sflag:$0x1] =	stream.indirect.gather [hbm4b:s3+s10], $0x8, s24, s10, $0xb8;
	[tilespmem:$0x16900] =	vst v63  }
0x7e: {  	_ = 	snop  }
0x7f: {  	[tilespmem:s29], [sflag:$0x1] =	stream.indirect.gather [hbm4b:s3+s10], $0x8, s28, s10, $0xb8;
	[tilespmem:$0x16900] =	vst v63  }
0x80: {  	_ =	swait.ge [sflag:s30], $0x400  }
0x81: {  	[sflag:s30] =	ssyncset.done $0x0  }
0x82: {  	[sflag:s30] =	ssyncadd.s32 $0xFFFFFC00  }
0x83: {  	_ =	swait.ge [sflag:s30], $0x400  }
0x84: {  	[sflag:s30] =	ssyncset.done $0x0  }
0x85: {  	[sflag:s30] =	ssyncadd.s32 $0xFFFFFC00  }
0x86: {  	_ =	swait.ge [sflag:s30], $0x400  }
0x87: {  	[sflag:s30] =	ssyncset.done $0x0  }
0x88: {  	[sflag:s30] =	ssyncadd.s32 $0xFFFFFC00  }
0x89: {  	_ =	swait.ge [sflag:s30], $0x400  }
0x8a: {  	[sflag:s30] =	ssyncset.done $0x0  }
0x8b: {  	[sflag:s30] =	ssyncadd.s32 $0xFFFFFC00  }
0x8c: {  	_ =	swait.ge [sflag:s30], $0x400  }
0x8d: {  	[sflag:s30] =	ssyncset.done $0x0  }
0x8e: {  	[sflag:s30] =	ssyncadd.s32 $0xFFFFFC00  }
0x8f: {  	_ =	swait.ge [sflag:s30], $0x400  }
0x90: {  	[sflag:s30] =	ssyncset.done $0x0  }
0x91: {  	[sflag:s30] =	ssyncadd.s32 $0xFFFFFC00  }
0x92: {  	_ =	swait.ge [sflag:s30], $0x400  }
0x93: {  	[sflag:s30] =	ssyncset.done $0x0  }
0x94: {  	[sflag:s30] =	ssyncadd.s32 $0xFFFFFC00  }
0x95: {  	_ =	swait.ge [sflag:s30], $0x400  }
0x96: {  	[sflag:s30] =	ssyncset.done $0x0  }
0x97: {  	[sflag:s30] =	ssyncadd.s32 $0xFFFFFC00  }
0x98: {  	_ =	swait.ge [sflag:s30], $0x400  }
0x99: {  	[sflag:s30] =	ssyncset.done $0x0  }
0x9a: {  	[sflag:s30] =	ssyncadd.s32 $0xFFFFFC00  }
0x9b: {  	_ =	swait.ge [sflag:s30], $0x400  }
0x9c: {  	[sflag:s30] =	ssyncset.done $0x0  }
0x9d: {  	[sflag:s30] =	ssyncadd.s32 $0xFFFFFC00  }
0x9e: {  	_ =	swait.ge [sflag:s30], $0x400  }
0x9f: {  	[sflag:s30] =	ssyncset.done $0x0  }
0xa0: {  	[sflag:s30] =	ssyncadd.s32 $0xFFFFFC00  }
0xa1: {  	_ =	swait.ge [sflag:s30], $0x400  }
0xa2: {  	[sflag:s30] =	ssyncset.done $0x0  }
0xa3: {  	[sflag:s30] =	ssyncadd.s32 $0xFFFFFC00  }
0xa4: {  	_ =	swait.ge [sflag:s30], $0x400  }
0xa5: {  	[sflag:s30] =	ssyncset.done $0x0  }
0xa6: {  	[sflag:s30] =	ssyncadd.s32 $0xFFFFFC00  }
0xa7: {  	_ =	swait.ge [sflag:s30], $0x400  }
0xa8: {  	[sflag:s30] =	ssyncset.done $0x0  }
0xa9: {  	[sflag:s30] =	ssyncadd.s32 $0xFFFFFC00  }
0xaa: {  	_ =	swait.ge [sflag:s30], $0x400  }
0xab: {  	[sflag:s30] =	ssyncset.done $0x0  }
0xac: {  	[sflag:s30] =	ssyncadd.s32 $0xFFFFFC00  }
0xad: {  	_ =	swait.ge [sflag:s30], $0x400  }
0xae: {  	[sflag:s30] =	ssyncset.done $0x0  }
0xaf: {  	[sflag:s30] =	ssyncadd.s32 $0xFFFFFC00  }
0xb0: {  	_ =	swait.ge [sflag:s30], $0x400  }
0xb1: {  	[sflag:s30] =	ssyncset.done $0x0  }
0xb2: {  	[sflag:s30] =	ssyncadd.s32 $0xFFFFFC00  }
0xb3: {  	_ =	swait.ge [sflag:s30], $0x400  }
0xb4: {  	[sflag:s30] =	ssyncset.done $0x0  }
0xb5: {  	[sflag:s30] =	ssyncadd.s32 $0xFFFFFC00  }
0xb6: {  	_ =	swait.ge [sflag:s30], $0x400  }
0xb7: {  	[sflag:s30] =	ssyncset.done $0x0  }
0xb8: {  	[sflag:s30] =	ssyncadd.s32 $0xFFFFFC00  }
0xb9: {  	_ =	swait.ge [sflag:s30], $0x400  }
0xba: {  	[sflag:s30] =	ssyncset.done $0x0  }
0xbb: {  	[sflag:s30] =	ssyncadd.s32 $0xFFFFFC00  }
0xbc: {  	_ =	swait.ge [sflag:s30], $0x400  }
0xbd: {  	[sflag:s30] =	ssyncset.done $0x0  }
0xbe: {  	[sflag:s30] =	ssyncadd.s32 $0xFFFFFC00  }
0xbf: {  	_ =	swait.ge [sflag:s30], $0x400  }
0xc0: {  	[sflag:s30] =	ssyncset.done $0x0  }
0xc1: {  	[sflag:s30] =	ssyncadd.s32 $0xFFFFFC00  }
0xc2: {  	_ =	swait.ge [sflag:s30], $0x400  }
0xc3: {  	[sflag:s30] =	ssyncset.done $0x0  }
0xc4: {  	[sflag:s30] =	ssyncadd.s32 $0xFFFFFC00  }
0xc5: {  	_ =	swait.ge [sflag:s30], $0x400  }
0xc6: {  	[sflag:s30] =	ssyncset.done $0x0  }
0xc7: {  	[sflag:s30] =	ssyncadd.s32 $0xFFFFFC00  }
0xc8: {  	_ =	swait.ge [sflag:s30], $0x400  }
0xc9: {  	[sflag:s30] =	ssyncset.done $0x0  }
0xca: {  	[sflag:s30] =	ssyncadd.s32 $0xFFFFFC00  }
0xcb: {  	_ =	swait.ge [sflag:s30], $0x400  }
0xcc: {  	[sflag:s30] =	ssyncset.done $0x0  }
0xcd: {  	[sflag:s30] =	ssyncadd.s32 $0xFFFFFC00  }
0xce: {  	_ =	swait.ge [sflag:s30], $0x400  }
0xcf: {  	[sflag:s30] =	ssyncset.done $0x0  }
0xd0: {  	[sflag:s30] =	ssyncadd.s32 $0xFFFFFC00  }
0xd1: {  	_ =	swait.ge [sflag:s30], $0x400  }
0xd2: {  	[sflag:s30] =	ssyncset.done $0x0  }
0xd3: {  	[sflag:s30] =	ssyncadd.s32 $0xFFFFFC00  }
0xd4: {  	_ =	swait.ge [sflag:s30], $0x400  }
0xd5: {  	[sflag:s30] =	ssyncset.done $0x0  }
0xd6: {  	[sflag:s30] =	ssyncadd.s32 $0xFFFFFC00  }
0xd7: {  	_ =	swait.ge [sflag:s30], $0x400  }
0xd8: {  	[sflag:s30] =	ssyncset.done $0x0  }
0xd9: {  	[sflag:s30] =	ssyncadd.s32 $0xFFFFFC00  }
0xda: {  	_ =	swait.ge [sflag:s30], $0x400  }
0xdb: {  	[sflag:s30] =	ssyncset.done $0x0  }
0xdc: {  	[sflag:s30] =	ssyncadd.s32 $0xFFFFFC00  }
0xdd: {  	_ =	swait.ge [sflag:s30], $0x400  }
0xde: {  	[sflag:s30] =	ssyncset.done $0x0  }
0xdf: {  	[sflag:s30] =	ssyncadd.s32 $0xFFFFFC00  }
0xe0: {  	_ =	swait.ge [sflag:s30], $0x400  }
0xe1: {  	[sflag:s30] =	ssyncset.done $0x0  }
0xe2: {  	[sflag:s30] =	ssyncadd.s32 $0xFFFFFC00  }
0xe3: {  	_ =	swait.ge [sflag:s30], $0x400  }
0xe4: {  	[sflag:s30] =	ssyncset.done $0x0  }
0xe5: {  	[sflag:s30] =	ssyncadd.s32 $0xFFFFFC00  }
0xe6: {  	_ =	swait.ge [sflag:s30], $0x400  }
0xe7: {  	[sflag:s30] =	ssyncset.done $0x0  }
0xe8: {  	[sflag:s30] =	ssyncadd.s32 $0xFFFFFC00  }
0xe9: {  	_ =	swait.ge [sflag:s30], $0x400  }
0xea: {  	[sflag:s30] =	ssyncset.done $0x0  }
0xeb: {  	[sflag:s30] =	ssyncadd.s32 $0xFFFFFC00  }
0xec: {  	_ =	swait.ge [sflag:s30], $0x400  }
0xed: {  	[sflag:s30] =	ssyncset.done $0x0  }
0xee: {  	[sflag:s30] =	ssyncadd.s32 $0xFFFFFC00  }
0xef: {  	_ =	swait.ge [sflag:s30], $0x400  }
0xf0: {  	[sflag:s30] =	ssyncset.done $0x0  }
0xf1: {  	[sflag:s30] =	ssyncadd.s32 $0xFFFFFC00  }
0xf2: {  	_ =	swait.ge [sflag:s30], $0x400  }
0xf3: {  	[sflag:s30] =	ssyncset.done $0x0  }
0xf4: {  	[sflag:s30] =	ssyncadd.s32 $0xFFFFFC00  }
0xf5: {  	_ =	swait.ge [sflag:s30], $0x400  }
0xf6: {  	[sflag:s30] =	ssyncset.done $0x0  }
0xf7: {  	[sflag:s30] =	ssyncadd.s32 $0xFFFFFC00  }
0xf8: {  	_ =	swait.ge [sflag:s30], $0x400  }
0xf9: {  	[sflag:s30] =	ssyncset.done $0x0  }
0xfa: {  	[sflag:s30] =	ssyncadd.s32 $0xFFFFFC00  }
0xfb: {  	_ =	swait.ge [sflag:s30], $0x400  }
0xfc: {  	[sflag:s30] =	ssyncset.done $0x0  }
0xfd: {  	[sflag:s30] =	ssyncadd.s32 $0xFFFFFC00  }
0xfe: {  	_ =	swait.ge [sflag:s30], $0x400  }
0xff: {  	[sflag:s30] =	ssyncset.done $0x0  }
0x100: {  	[sflag:s30] =	ssyncadd.s32 $0xFFFFFC00  }
0x101: {  	_ =	swait.ge [sflag:s30], $0x400  }
0x102: {  	[sflag:s30] =	ssyncset.done $0x0  }
0x103: {  	[sflag:s30] =	ssyncadd.s32 $0xFFFFFC00  }
0x104: {  	_ =	swait.ge [sflag:s30], $0x400  }
0x105: {  	[sflag:s30] =	ssyncset.done $0x0  }
0x106: {  	[sflag:s30] =	ssyncadd.s32 $0xFFFFFC00  }
0x107: {  	_ =	swait.ge [sflag:s30], $0x400  }
0x108: {  	[sflag:s30] =	ssyncset.done $0x0  }
0x109: {  	[sflag:s30] =	ssyncadd.s32 $0xFFFFFC00  }
0x10a: {  	_ =	swait.ge [sflag:s30], $0x400  }
0x10b: {  	[sflag:s30] =	ssyncset.done $0x0  }
0x10c: {  	[sflag:s30] =	ssyncadd.s32 $0xFFFFFC00  }
0x10d: {  	_ =	swait.ge [sflag:s30], $0x400  }
0x10e: {  	[sflag:s30] =	ssyncset.done $0x0  }
0x10f: {  	[sflag:s30] =	ssyncadd.s32 $0xFFFFFC00  }
0x110: {  	_ =	swait.ge [sflag:s30], $0x400  }
0x111: {  	[sflag:s30] =	ssyncset.done $0x0  }
0x112: {  	[sflag:s30] =	ssyncadd.s32 $0xFFFFFC00  }
0x113: {  	_ =	swait.ge [sflag:s30], $0x400  }
0x114: {  	s7 =	smov.u32 s19;
	[sflag:s30] =	ssyncset.done $0x0  }
0x115: {  	s8 =	smov.u32 s18;
	s20 =	simm.s32 $0x0;
	[sflag:s30] =	ssyncadd.s32 $0xFFFFFC00  }
.LBB2_2:
0x116: {  	v0 =	vmov s20  }
0x117: {  	v4 =	vshll.u32 v0, $0x3  }
0x118: {  	v0 =	vand.u32 $0x7, v3;
	v2 =	vor.u32 v1, v4  }
0x119: {  	v2 =	vor.u32 v0, v2;
	_ =	sdelay $0x4  }
0x11a: {  	v3 =	vor.u32 $0x10, v1;
	v5 =	vld.idx.msk [tilespmem:v2+s11+$0x0], $0xffff  }
0x11b: {  	v2 =	vor.u32 v3, v4  }
0x11c: {  	v6 =	vor.u32 v0, v2  }
0x11d: {  	v1 =	vld [tilespmem:$0x1FFD0];
	v2 =	vmul.u32 $0x100, v0;
	_ =	sdelay $0x1  }
0x11e: {  	v5 =	vadd.s32 v2, v5  }
0x11f: {  	[tilespmem:$0xE100] =	vst v5  }
0x120: {  	v5 =	vld.idx.msk [tilespmem:v6+s11+$0x0], $0xffff  }
0x121: {  	v6 =	vor.u32 v1, v4  }
0x122: {  	v6 =	vor.u32 v0, v6  }
0x123: {  	v1 =	vld [tilespmem:$0x1FFC0];
	_ =	sdelay $0x1  }
0x124: {  	v5 =	vadd.s32 v2, v5  }
0x125: {  	[tilespmem:$0xE110] =	vst v5  }
0x126: {  	v5 =	vld.idx.msk [tilespmem:v6+s11+$0x0], $0xffff  }
0x127: {  	v6 =	vor.u32 v1, v4  }
0x128: {  	v6 =	vor.u32 v0, v6  }
0x129: {  	v1 =	vld [tilespmem:$0x1FFB0];
	_ =	sdelay $0x1  }
0x12a: {  	v5 =	vadd.s32 v2, v5  }
0x12b: {  	[tilespmem:$0xE120] =	vst v5  }
0x12c: {  	v5 =	vld.idx.msk [tilespmem:v6+s11+$0x0], $0xffff  }
0x12d: {  	v6 =	vor.u32 v1, v4  }
0x12e: {  	v6 =	vor.u32 v0, v6  }
0x12f: {  	v1 =	vld [tilespmem:$0x1FFA0];
	_ =	sdelay $0x1  }
0x130: {  	v5 =	vadd.s32 v2, v5  }
0x131: {  	[tilespmem:$0xE130] =	vst v5  }
0x132: {  	v5 =	vld.idx.msk [tilespmem:v6+s11+$0x0], $0xffff  }
0x133: {  	v6 =	vor.u32 v1, v4  }
0x134: {  	v6 =	vor.u32 v0, v6;
	_ =	sdelay $0x2  }
0x135: {  	v5 =	vadd.s32 v2, v5  }
0x136: {  	[tilespmem:$0xE140] =	vst v5  }
0x137: {  	v5 =	vld.idx.msk [tilespmem:v6+s11+$0x0], $0xffff  }
0x138: {  	v6 =	vor.u32 v63, v4  }
0x139: {  	v6 =	vor.u32 v0, v6;
	_ =	sdelay $0x2  }
0x13a: {  	v5 =	vadd.s32 v2, v5  }
0x13b: {  	[tilespmem:$0xE150] =	vst v5  }
0x13c: {  	v5 =	vld.idx.msk [tilespmem:v6+s11+$0x0], $0xffff  }
0x13d: {  	v6 =	vor.u32 v62, v4  }
0x13e: {  	v6 =	vor.u32 v0, v6;
	_ =	sdelay $0x2  }
0x13f: {  	v5 =	vadd.s32 v2, v5  }
0x140: {  	[tilespmem:$0xE160] =	vst v5  }
0x141: {  	v5 =	vld.idx.msk [tilespmem:v6+s11+$0x0], $0xffff  }
0x142: {  	v6 =	vor.u32 v61, v4  }
0x143: {  	v6 =	vor.u32 v0, v6;
	_ =	sdelay $0x2  }
0x144: {  	v5 =	vadd.s32 v2, v5  }
0x145: {  	[tilespmem:$0xE170] =	vst v5  }
0x146: {  	v5 =	vld.idx.msk [tilespmem:v6+s11+$0x0], $0xffff  }
0x147: {  	v6 =	vor.u32 v60, v4  }
0x148: {  	v6 =	vor.u32 v0, v6;
	_ =	sdelay $0x2  }
0x149: {  	v5 =	vadd.s32 v2, v5  }
0x14a: {  	[tilespmem:$0xE180] =	vst v5  }
0x14b: {  	v5 =	vld.idx.msk [tilespmem:v6+s11+$0x0], $0xffff  }
0x14c: {  	v6 =	vor.u32 v59, v4  }
0x14d: {  	v6 =	vor.u32 v0, v6;
	_ =	sdelay $0x2  }
0x14e: {  	v5 =	vadd.s32 v2, v5  }
0x14f: {  	[tilespmem:$0xE190] =	vst v5  }
0x150: {  	v5 =	vld.idx.msk [tilespmem:v6+s11+$0x0], $0xffff  }
0x151: {  	v6 =	vor.u32 v58, v4  }
0x152: {  	v6 =	vor.u32 v0, v6;
	_ =	sdelay $0x2  }
0x153: {  	v5 =	vadd.s32 v2, v5  }
0x154: {  	[tilespmem:$0xE1A0] =	vst v5  }
0x155: {  	v5 =	vld.idx.msk [tilespmem:v6+s11+$0x0], $0xffff  }
0x156: {  	v6 =	vor.u32 v57, v4  }
0x157: {  	v6 =	vor.u32 v0, v6;
	_ =	sdelay $0x2  }
0x158: {  	v5 =	vadd.s32 v2, v5  }
0x159: {  	[tilespmem:$0xE1B0] =	vst v5  }
0x15a: {  	v5 =	vld.idx.msk [tilespmem:v6+s11+$0x0], $0xffff  }
0x15b: {  	v6 =	vor.u32 v56, v4  }
0x15c: {  	v6 =	vor.u32 v0, v6;
	_ =	sdelay $0x2  }
0x15d: {  	v5 =	vadd.s32 v2, v5  }
0x15e: {  	[tilespmem:$0xE1C0] =	vst v5  }
0x15f: {  	v5 =	vld.idx.msk [tilespmem:v6+s11+$0x0], $0xffff  }
0x160: {  	v6 =	vor.u32 v55, v4  }
0x161: {  	v6 =	vor.u32 v0, v6;
	_ =	sdelay $0x2  }
0x162: {  	v5 =	vadd.s32 v2, v5  }
0x163: {  	[tilespmem:$0xE1D0] =	vst v5  }
0x164: {  	v5 =	vld.idx.msk [tilespmem:v6+s11+$0x0], $0xffff  }
0x165: {  	v6 =	vor.u32 v54, v4  }
0x166: {  	v6 =	vor.u32 v0, v6;
	_ =	sdelay $0x2  }
0x167: {  	v5 =	vadd.s32 v2, v5  }
0x168: {  	[tilespmem:$0xE1E0] =	vst v5  }
0x169: {  	v5 =	vld.idx.msk [tilespmem:v6+s11+$0x0], $0xffff  }
0x16a: {  	v6 =	vor.u32 v53, v4  }
0x16b: {  	v6 =	vor.u32 v0, v6;
	_ =	sdelay $0x2  }
0x16c: {  	v5 =	vadd.s32 v2, v5  }
0x16d: {  	[tilespmem:$0xE1F0] =	vst v5  }
0x16e: {  	v5 =	vld.idx.msk [tilespmem:v6+s11+$0x0], $0xffff  }
0x16f: {  	v6 =	vor.u32 v52, v4  }
0x170: {  	v6 =	vor.u32 v0, v6;
	_ =	sdelay $0x2  }
0x171: {  	v5 =	vadd.s32 v2, v5  }
0x172: {  	[tilespmem:$0xE200] =	vst v5  }
0x173: {  	v5 =	vld.idx.msk [tilespmem:v6+s11+$0x0], $0xffff  }
0x174: {  	v6 =	vor.u32 v51, v4  }
0x175: {  	v6 =	vor.u32 v0, v6;
	_ =	sdelay $0x2  }
0x176: {  	v5 =	vadd.s32 v2, v5  }
0x177: {  	[tilespmem:$0xE210] =	vst v5  }
0x178: {  	v5 =	vld.idx.msk [tilespmem:v6+s11+$0x0], $0xffff  }
0x179: {  	v6 =	vor.u32 v50, v4  }
0x17a: {  	v6 =	vor.u32 v0, v6;
	_ =	sdelay $0x2  }
0x17b: {  	v5 =	vadd.s32 v2, v5  }
0x17c: {  	[tilespmem:$0xE220] =	vst v5  }
0x17d: {  	v5 =	vld.idx.msk [tilespmem:v6+s11+$0x0], $0xffff  }
0x17e: {  	v6 =	vor.u32 v49, v4  }
0x17f: {  	v6 =	vor.u32 v0, v6;
	_ =	sdelay $0x2  }
0x180: {  	v5 =	vadd.s32 v2, v5  }
0x181: {  	[tilespmem:$0xE230] =	vst v5  }
0x182: {  	v5 =	vld.idx.msk [tilespmem:v6+s11+$0x0], $0xffff  }
0x183: {  	v6 =	vor.u32 v48, v4  }
0x184: {  	v6 =	vor.u32 v0, v6;
	_ =	sdelay $0x2  }
0x185: {  	v5 =	vadd.s32 v2, v5  }
0x186: {  	[tilespmem:$0xE240] =	vst v5  }
0x187: {  	v5 =	vld.idx.msk [tilespmem:v6+s11+$0x0], $0xffff  }
0x188: {  	v6 =	vor.u32 v47, v4  }
0x189: {  	v6 =	vor.u32 v0, v6;
	_ =	sdelay $0x2  }
0x18a: {  	v5 =	vadd.s32 v2, v5  }
0x18b: {  	[tilespmem:$0xE250] =	vst v5  }
0x18c: {  	v5 =	vld.idx.msk [tilespmem:v6+s11+$0x0], $0xffff  }
0x18d: {  	v6 =	vor.u32 v46, v4  }
0x18e: {  	v6 =	vor.u32 v0, v6;
	_ =	sdelay $0x2  }
0x18f: {  	v5 =	vadd.s32 v2, v5  }
0x190: {  	[tilespmem:$0xE260] =	vst v5  }
0x191: {  	v5 =	vld.idx.msk [tilespmem:v6+s11+$0x0], $0xffff  }
0x192: {  	v6 =	vor.u32 v45, v4  }
0x193: {  	v6 =	vor.u32 v0, v6;
	_ =	sdelay $0x2  }
0x194: {  	v5 =	vadd.s32 v2, v5  }
0x195: {  	[tilespmem:$0xE270] =	vst v5  }
0x196: {  	v5 =	vld.idx.msk [tilespmem:v6+s11+$0x0], $0xffff  }
0x197: {  	v6 =	vor.u32 v44, v4  }
0x198: {  	v6 =	vor.u32 v0, v6;
	_ =	sdelay $0x2  }
0x199: {  	v5 =	vadd.s32 v2, v5  }
0x19a: {  	[tilespmem:$0xE280] =	vst v5  }
0x19b: {  	v5 =	vld.idx.msk [tilespmem:v6+s11+$0x0], $0xffff  }
0x19c: {  	v6 =	vor.u32 v43, v4  }
0x19d: {  	v6 =	vor.u32 v0, v6;
	_ =	sdelay $0x2  }
0x19e: {  	v5 =	vadd.s32 v2, v5  }
0x19f: {  	[tilespmem:$0xE290] =	vst v5  }
0x1a0: {  	v5 =	vld.idx.msk [tilespmem:v6+s11+$0x0], $0xffff  }
0x1a1: {  	v6 =	vor.u32 v42, v4  }
0x1a2: {  	v6 =	vor.u32 v0, v6;
	_ =	sdelay $0x2  }
0x1a3: {  	v5 =	vadd.s32 v2, v5  }
0x1a4: {  	[tilespmem:$0xE2A0] =	vst v5  }
0x1a5: {  	v5 =	vld.idx.msk [tilespmem:v6+s11+$0x0], $0xffff  }
0x1a6: {  	v6 =	vor.u32 v41, v4  }
0x1a7: {  	v6 =	vor.u32 v0, v6;
	_ =	sdelay $0x2  }
0x1a8: {  	v5 =	vadd.s32 v2, v5  }
0x1a9: {  	[tilespmem:$0xE2B0] =	vst v5  }
0x1aa: {  	v5 =	vld.idx.msk [tilespmem:v6+s11+$0x0], $0xffff  }
0x1ab: {  	v6 =	vor.u32 v40, v4  }
0x1ac: {  	v6 =	vor.u32 v0, v6;
	_ =	sdelay $0x2  }
0x1ad: {  	v5 =	vadd.s32 v2, v5  }
0x1ae: {  	[tilespmem:$0xE2C0] =	vst v5  }
0x1af: {  	v5 =	vld.idx.msk [tilespmem:v6+s11+$0x0], $0xffff  }
0x1b0: {  	v6 =	vor.u32 v39, v4  }
0x1b1: {  	v6 =	vor.u32 v0, v6;
	_ =	sdelay $0x2  }
0x1b2: {  	v5 =	vadd.s32 v2, v5  }
0x1b3: {  	[tilespmem:$0xE2D0] =	vst v5  }
0x1b4: {  	v5 =	vld.idx.msk [tilespmem:v6+s11+$0x0], $0xffff  }
0x1b5: {  	v6 =	vor.u32 v38, v4  }
0x1b6: {  	v6 =	vor.u32 v0, v6;
	_ =	sdelay $0x2  }
0x1b7: {  	v5 =	vadd.s32 v2, v5  }
0x1b8: {  	[tilespmem:$0xE2E0] =	vst v5  }
0x1b9: {  	v5 =	vld.idx.msk [tilespmem:v6+s11+$0x0], $0xffff  }
0x1ba: {  	v6 =	vor.u32 v37, v4  }
0x1bb: {  	v6 =	vor.u32 v0, v6;
	_ =	sdelay $0x2  }
0x1bc: {  	v5 =	vadd.s32 v2, v5  }
0x1bd: {  	[tilespmem:$0xE2F0] =	vst v5  }
0x1be: {  	v5 =	vld.idx.msk [tilespmem:v6+s11+$0x0], $0xffff  }
0x1bf: {  	v6 =	vor.u32 v36, v4  }
0x1c0: {  	v6 =	vor.u32 v0, v6;
	_ =	sdelay $0x2  }
0x1c1: {  	v5 =	vadd.s32 v2, v5  }
0x1c2: {  	[tilespmem:$0xE300] =	vst v5  }
0x1c3: {  	v5 =	vld.idx.msk [tilespmem:v6+s11+$0x0], $0xffff  }
0x1c4: {  	v6 =	vor.u32 v35, v4  }
0x1c5: {  	v6 =	vor.u32 v0, v6;
	_ =	sdelay $0x2  }
0x1c6: {  	v5 =	vadd.s32 v2, v5  }
0x1c7: {  	[tilespmem:$0xE310] =	vst v5  }
0x1c8: {  	v5 =	vld.idx.msk [tilespmem:v6+s11+$0x0], $0xffff  }
0x1c9: {  	v6 =	vor.u32 v34, v4  }
0x1ca: {  	v6 =	vor.u32 v0, v6;
	_ =	sdelay $0x2  }
0x1cb: {  	v5 =	vadd.s32 v2, v5  }
0x1cc: {  	[tilespmem:$0xE320] =	vst v5  }
0x1cd: {  	v5 =	vld.idx.msk [tilespmem:v6+s11+$0x0], $0xffff  }
0x1ce: {  	v6 =	vor.u32 v33, v4  }
0x1cf: {  	v6 =	vor.u32 v0, v6;
	_ =	sdelay $0x2  }
0x1d0: {  	v5 =	vadd.s32 v2, v5  }
0x1d1: {  	[tilespmem:$0xE330] =	vst v5  }
0x1d2: {  	v5 =	vld.idx.msk [tilespmem:v6+s11+$0x0], $0xffff  }
0x1d3: {  	v6 =	vor.u32 v32, v4  }
0x1d4: {  	v6 =	vor.u32 v0, v6;
	_ =	sdelay $0x2  }
0x1d5: {  	v5 =	vadd.s32 v2, v5  }
0x1d6: {  	[tilespmem:$0xE340] =	vst v5  }
0x1d7: {  	v5 =	vld.idx.msk [tilespmem:v6+s11+$0x0], $0xffff  }
0x1d8: {  	v6 =	vor.u32 v31, v4  }
0x1d9: {  	v6 =	vor.u32 v0, v6;
	_ =	sdelay $0x2  }
0x1da: {  	v5 =	vadd.s32 v2, v5  }
0x1db: {  	[tilespmem:$0xE350] =	vst v5  }
0x1dc: {  	v5 =	vld.idx.msk [tilespmem:v6+s11+$0x0], $0xffff  }
0x1dd: {  	v6 =	vor.u32 v30, v4  }
0x1de: {  	v6 =	vor.u32 v0, v6;
	_ =	sdelay $0x2  }
0x1df: {  	v5 =	vadd.s32 v2, v5  }
0x1e0: {  	[tilespmem:$0xE360] =	vst v5  }
0x1e1: {  	v5 =	vld.idx.msk [tilespmem:v6+s11+$0x0], $0xffff  }
0x1e2: {  	v6 =	vor.u32 v29, v4  }
0x1e3: {  	v6 =	vor.u32 v0, v6;
	_ =	sdelay $0x2  }
0x1e4: {  	v5 =	vadd.s32 v2, v5  }
0x1e5: {  	[tilespmem:$0xE370] =	vst v5  }
0x1e6: {  	v5 =	vld.idx.msk [tilespmem:v6+s11+$0x0], $0xffff  }
0x1e7: {  	v6 =	vor.u32 v28, v4  }
0x1e8: {  	v6 =	vor.u32 v0, v6;
	_ =	sdelay $0x2  }
0x1e9: {  	v5 =	vadd.s32 v2, v5  }
0x1ea: {  	[tilespmem:$0xE380] =	vst v5  }
0x1eb: {  	v5 =	vld.idx.msk [tilespmem:v6+s11+$0x0], $0xffff  }
0x1ec: {  	v6 =	vor.u32 v27, v4  }
0x1ed: {  	v6 =	vor.u32 v0, v6;
	_ =	sdelay $0x2  }
0x1ee: {  	v5 =	vadd.s32 v2, v5  }
0x1ef: {  	[tilespmem:$0xE390] =	vst v5  }
0x1f0: {  	v5 =	vld.idx.msk [tilespmem:v6+s11+$0x0], $0xffff  }
0x1f1: {  	v6 =	vor.u32 v26, v4  }
0x1f2: {  	v6 =	vor.u32 v0, v6;
	_ =	sdelay $0x2  }
0x1f3: {  	v5 =	vadd.s32 v2, v5  }
0x1f4: {  	[tilespmem:$0xE3A0] =	vst v5  }
0x1f5: {  	v5 =	vld.idx.msk [tilespmem:v6+s11+$0x0], $0xffff  }
0x1f6: {  	v6 =	vor.u32 v25, v4  }
0x1f7: {  	v6 =	vor.u32 v0, v6;
	_ =	sdelay $0x2  }
0x1f8: {  	v5 =	vadd.s32 v2, v5  }
0x1f9: {  	[tilespmem:$0xE3B0] =	vst v5  }
0x1fa: {  	v5 =	vld.idx.msk [tilespmem:v6+s11+$0x0], $0xffff  }
0x1fb: {  	v6 =	vor.u32 v24, v4  }
0x1fc: {  	v6 =	vor.u32 v0, v6;
	_ =	sdelay $0x2  }
0x1fd: {  	v5 =	vadd.s32 v2, v5  }
0x1fe: {  	[tilespmem:$0xE3C0] =	vst v5  }
0x1ff: {  	v5 =	vld.idx.msk [tilespmem:v6+s11+$0x0], $0xffff  }
0x200: {  	v6 =	vor.u32 v23, v4  }
0x201: {  	v6 =	vor.u32 v0, v6;
	_ =	sdelay $0x2  }
0x202: {  	v5 =	vadd.s32 v2, v5  }
0x203: {  	[tilespmem:$0xE3D0] =	vst v5  }
0x204: {  	v5 =	vld.idx.msk [tilespmem:v6+s11+$0x0], $0xffff  }
0x205: {  	v6 =	vor.u32 v22, v4  }
0x206: {  	v6 =	vor.u32 v0, v6;
	_ =	sdelay $0x2  }
0x207: {  	v5 =	vadd.s32 v2, v5  }
0x208: {  	[tilespmem:$0xE3E0] =	vst v5  }
0x209: {  	v5 =	vld.idx.msk [tilespmem:v6+s11+$0x0], $0xffff  }
0x20a: {  	v6 =	vor.u32 v21, v4  }
0x20b: {  	v6 =	vor.u32 v0, v6;
	_ =	sdelay $0x2  }
0x20c: {  	v5 =	vadd.s32 v2, v5  }
0x20d: {  	[tilespmem:$0xE3F0] =	vst v5  }
0x20e: {  	v5 =	vld.idx.msk [tilespmem:v6+s11+$0x0], $0xffff  }
0x20f: {  	v6 =	vor.u32 v20, v4  }
0x210: {  	v6 =	vor.u32 v0, v6;
	_ =	sdelay $0x2  }
0x211: {  	v5 =	vadd.s32 v2, v5  }
0x212: {  	[tilespmem:$0xE400] =	vst v5  }
0x213: {  	v5 =	vld.idx.msk [tilespmem:v6+s11+$0x0], $0xffff  }
0x214: {  	v6 =	vor.u32 v19, v4  }
0x215: {  	v6 =	vor.u32 v0, v6;
	_ =	sdelay $0x2  }
0x216: {  	v5 =	vadd.s32 v2, v5  }
0x217: {  	[tilespmem:$0xE410] =	vst v5  }
0x218: {  	v5 =	vld.idx.msk [tilespmem:v6+s11+$0x0], $0xffff  }
0x219: {  	v6 =	vor.u32 v18, v4  }
0x21a: {  	v6 =	vor.u32 v0, v6;
	_ =	sdelay $0x2  }
0x21b: {  	v5 =	vadd.s32 v2, v5  }
0x21c: {  	[tilespmem:$0xE420] =	vst v5  }
0x21d: {  	v5 =	vld.idx.msk [tilespmem:v6+s11+$0x0], $0xffff  }
0x21e: {  	v6 =	vor.u32 v17, v4  }
0x21f: {  	v6 =	vor.u32 v0, v6;
	_ =	sdelay $0x2  }
0x220: {  	v5 =	vadd.s32 v2, v5  }
0x221: {  	[tilespmem:$0xE430] =	vst v5  }
0x222: {  	v5 =	vld.idx.msk [tilespmem:v6+s11+$0x0], $0xffff  }
0x223: {  	v6 =	vor.u32 v16, v4  }
0x224: {  	v6 =	vor.u32 v0, v6;
	_ =	sdelay $0x2  }
0x225: {  	v5 =	vadd.s32 v2, v5  }
0x226: {  	[tilespmem:$0xE440] =	vst v5  }
0x227: {  	v5 =	vld.idx.msk [tilespmem:v6+s11+$0x0], $0xffff  }
0x228: {  	v6 =	vor.u32 v15, v4  }
0x229: {  	v6 =	vor.u32 v0, v6;
	_ =	sdelay $0x2  }
0x22a: {  	v5 =	vadd.s32 v2, v5  }
0x22b: {  	[tilespmem:$0xE450] =	vst v5  }
0x22c: {  	v5 =	vld.idx.msk [tilespmem:v6+s11+$0x0], $0xffff  }
0x22d: {  	v6 =	vor.u32 v14, v4  }
0x22e: {  	v6 =	vor.u32 v0, v6;
	_ =	sdelay $0x2  }
0x22f: {  	v5 =	vadd.s32 v2, v5  }
0x230: {  	[tilespmem:$0xE460] =	vst v5  }
0x231: {  	v5 =	vld.idx.msk [tilespmem:v6+s11+$0x0], $0xffff  }
0x232: {  	v6 =	vor.u32 v13, v4  }
0x233: {  	v6 =	vor.u32 v0, v6;
	_ =	sdelay $0x2  }
0x234: {  	v5 =	vadd.s32 v2, v5  }
0x235: {  	[tilespmem:$0xE470] =	vst v5  }
0x236: {  	v5 =	vld.idx.msk [tilespmem:v6+s11+$0x0], $0xffff  }
0x237: {  	v6 =	vor.u32 v12, v4  }
0x238: {  	v6 =	vor.u32 v0, v6;
	_ =	sdelay $0x2  }
0x239: {  	v5 =	vadd.s32 v2, v5  }
0x23a: {  	[tilespmem:$0xE480] =	vst v5  }
0x23b: {  	v5 =	vld.idx.msk [tilespmem:v6+s11+$0x0], $0xffff  }
0x23c: {  	v6 =	vor.u32 v11, v4  }
0x23d: {  	v6 =	vor.u32 v0, v6;
	_ =	sdelay $0x2  }
0x23e: {  	v5 =	vadd.s32 v2, v5  }
0x23f: {  	[tilespmem:$0xE490] =	vst v5  }
0x240: {  	v5 =	vld.idx.msk [tilespmem:v6+s11+$0x0], $0xffff  }
0x241: {  	v6 =	vor.u32 v10, v4  }
0x242: {  	v6 =	vor.u32 v0, v6;
	_ =	sdelay $0x2  }
0x243: {  	v5 =	vadd.s32 v2, v5  }
0x244: {  	[tilespmem:$0xE4A0] =	vst v5  }
0x245: {  	v5 =	vld.idx.msk [tilespmem:v6+s11+$0x0], $0xffff  }
0x246: {  	v6 =	vor.u32 v9, v4  }
0x247: {  	v6 =	vor.u32 v0, v6;
	_ =	sdelay $0x2  }
0x248: {  	v5 =	vadd.s32 v2, v5  }
0x249: {  	[tilespmem:$0xE4B0] =	vst v5  }
0x24a: {  	v5 =	vld.idx.msk [tilespmem:v6+s11+$0x0], $0xffff  }
0x24b: {  	v6 =	vor.u32 v8, v4  }
0x24c: {  	v6 =	vor.u32 v0, v6;
	_ =	sdelay $0x2  }
0x24d: {  	v5 =	vadd.s32 v2, v5  }
0x24e: {  	[tilespmem:$0xE4C0] =	vst v5  }
0x24f: {  	v5 =	vld.idx.msk [tilespmem:v6+s11+$0x0], $0xffff  }
0x250: {  	v6 =	vor.u32 v7, v4  }
0x251: {  	v6 =	vor.u32 v0, v6;
	_ =	sdelay $0x2  }
0x252: {  	v5 =	vadd.s32 v2, v5  }
0x253: {  	[tilespmem:$0xE4D0] =	vst v5  }
0x254: {  	v5 =	vld.idx.msk [tilespmem:v6+s11+$0x0], $0xffff  }
0x255: {  	v6 =	vld [tilespmem:$0x1FFE0];
	_ =	sdelay $0x4  }
0x256: {  	v4 =	vor.u32 v6, v4  }
0x257: {  	v4 =	vor.u32 v0, v4;
	_ =	sdelay $0x2  }
0x258: {  	v5 =	vadd.s32 v2, v5  }
0x259: {  	[tilespmem:$0xE4E0] =	vst v5  }
0x25a: {  	v4 =	vld.idx.msk [tilespmem:v4+s11+$0x0], $0xffff;
	_ =	sdelay $0x3  }
0x25b: {  	v1 =	vld [tilespmem:$0x1FFF0]  }
0x25c: {  	p0 =	seq.s32 s20, $0x0;
	v4 =	vadd.s32 v2, v4  }
0x25d: {  	s22 =	sadd.s32 $0x80, s20;
	s21 =	simm.s32 @!p0 $0x4;
	[tilespmem:$0xE4F0] =	vst v4  }
0x25e: {  	v4 =	vmov s22;
	_ =	swait.ge @!p0 [sflag:s21], $0x4000  }
0x25f: {  	v4 =	vshll.u32 v4, $0x3;
	[sflag:s21] =	ssyncset.done @!p0 $0x0  }
0x260: {  	v5 =	vor.u32 v1, v4;
	[sflag:s21] =	ssyncadd.s32 @!p0 $0xFFFFC000  }
0x261: {  	v5 =	vor.u32 v0, v5;
	[tilespmem:s1], [sflag:$0x2] =	stream.indirect.gather [hbm4b:s4+s25], $0x10, s31, s25, $0xb8;
	[tilespmem:$0x16900] =	vst v63  }
0x262: {  	_ =	swait.ge [sflag:s0], $0x4000  }
0x263: {  	[sflag:s0] =	ssyncset.done $0x0  }
0x264: {  	[sflag:s0] =	ssyncadd.s32 $0xFFFFC000  }
0x265: {  	[hbm4b:s7+s2] =	stream.linear.scatter [tilespmem:s1], [sflag:$0x4], $0x4000, $0x38;
	[tilespmem:$0x16900] =	vst v63  }
0x266: {  	v5 =	vld.idx.msk [tilespmem:v5+s11+$0x0], $0xffff;
	_ =	sdelay $0x3  }
0x267: {  	v3 =	vor.u32 v3, v4  }
0x268: {  	v3 =	vor.u32 v0, v3;
	v5 =	vadd.s32 v2, v5  }
0x269: {  	[tilespmem:$0xE500] =	vst v5;
	v5 =	vld [tilespmem:$0x1FFD0];
	_ =	sdelay $0x3  }
0x26a: {  	v3 =	vld.idx.msk [tilespmem:v3+s11+$0x0], $0xffff  }
0x26b: {  	v5 =	vor.u32 v5, v4  }
0x26c: {  	v5 =	vor.u32 v0, v5;
	_ =	sdelay $0x2  }
0x26d: {  	v3 =	vadd.s32 v2, v3  }
0x26e: {  	[tilespmem:$0xE510] =	vst v3  }
0x26f: {  	v3 =	vld.idx.msk [tilespmem:v5+s11+$0x0], $0xffff  }
0x270: {  	v5 =	vld [tilespmem:$0x1FFC0];
	_ =	sdelay $0x4  }
0x271: {  	v5 =	vor.u32 v5, v4  }
0x272: {  	v5 =	vor.u32 v0, v5;
	_ =	sdelay $0x2  }
0x273: {  	v3 =	vadd.s32 v2, v3  }
0x274: {  	[tilespmem:$0xE520] =	vst v3  }
0x275: {  	v3 =	vld.idx.msk [tilespmem:v5+s11+$0x0], $0xffff  }
0x276: {  	v5 =	vld [tilespmem:$0x1FFB0];
	_ =	sdelay $0x4  }
0x277: {  	v5 =	vor.u32 v5, v4  }
0x278: {  	v5 =	vor.u32 v0, v5;
	_ =	sdelay $0x2  }
0x279: {  	v3 =	vadd.s32 v2, v3  }
0x27a: {  	[tilespmem:$0xE530] =	vst v3  }
0x27b: {  	v3 =	vld.idx.msk [tilespmem:v5+s11+$0x0], $0xffff  }
0x27c: {  	v5 =	vld [tilespmem:$0x1FFA0];
	_ =	sdelay $0x4  }
0x27d: {  	v5 =	vor.u32 v5, v4  }
0x27e: {  	v5 =	vor.u32 v0, v5;
	_ =	sdelay $0x2  }
0x27f: {  	v3 =	vadd.s32 v2, v3  }
0x280: {  	[tilespmem:$0xE540] =	vst v3  }
0x281: {  	v3 =	vld.idx.msk [tilespmem:v5+s11+$0x0], $0xffff  }
0x282: {  	v5 =	vor.u32 v63, v4  }
0x283: {  	v5 =	vor.u32 v0, v5;
	_ =	sdelay $0x2  }
0x284: {  	v3 =	vadd.s32 v2, v3  }
0x285: {  	[tilespmem:$0xE550] =	vst v3  }
0x286: {  	v3 =	vld.idx.msk [tilespmem:v5+s11+$0x0], $0xffff  }
0x287: {  	v5 =	vor.u32 v62, v4  }
0x288: {  	v5 =	vor.u32 v0, v5;
	_ =	sdelay $0x2  }
0x289: {  	v3 =	vadd.s32 v2, v3  }
0x28a: {  	[tilespmem:$0xE560] =	vst v3  }
0x28b: {  	v3 =	vld.idx.msk [tilespmem:v5+s11+$0x0], $0xffff  }
0x28c: {  	v5 =	vor.u32 v61, v4  }
0x28d: {  	v5 =	vor.u32 v0, v5;
	_ =	sdelay $0x2  }
0x28e: {  	v3 =	vadd.s32 v2, v3  }
0x28f: {  	[tilespmem:$0xE570] =	vst v3  }
0x290: {  	v3 =	vld.idx.msk [tilespmem:v5+s11+$0x0], $0xffff  }
0x291: {  	v5 =	vor.u32 v60, v4  }
0x292: {  	v5 =	vor.u32 v0, v5;
	_ =	sdelay $0x2  }
0x293: {  	v3 =	vadd.s32 v2, v3  }
0x294: {  	[tilespmem:$0xE580] =	vst v3  }
0x295: {  	v3 =	vld.idx.msk [tilespmem:v5+s11+$0x0], $0xffff  }
0x296: {  	v5 =	vor.u32 v59, v4  }
0x297: {  	v5 =	vor.u32 v0, v5;
	_ =	sdelay $0x2  }
0x298: {  	v3 =	vadd.s32 v2, v3  }
0x299: {  	[tilespmem:$0xE590] =	vst v3  }
0x29a: {  	v3 =	vld.idx.msk [tilespmem:v5+s11+$0x0], $0xffff  }
0x29b: {  	v5 =	vor.u32 v58, v4  }
0x29c: {  	v5 =	vor.u32 v0, v5;
	_ =	sdelay $0x2  }
0x29d: {  	v3 =	vadd.s32 v2, v3  }
0x29e: {  	[tilespmem:$0xE5A0] =	vst v3  }
0x29f: {  	v3 =	vld.idx.msk [tilespmem:v5+s11+$0x0], $0xffff  }
0x2a0: {  	v5 =	vor.u32 v57, v4  }
0x2a1: {  	v5 =	vor.u32 v0, v5;
	_ =	sdelay $0x2  }
0x2a2: {  	v3 =	vadd.s32 v2, v3  }
0x2a3: {  	[tilespmem:$0xE5B0] =	vst v3  }
0x2a4: {  	v3 =	vld.idx.msk [tilespmem:v5+s11+$0x0], $0xffff  }
0x2a5: {  	v5 =	vor.u32 v56, v4  }
0x2a6: {  	v5 =	vor.u32 v0, v5;
	_ =	sdelay $0x2  }
0x2a7: {  	v3 =	vadd.s32 v2, v3  }
0x2a8: {  	[tilespmem:$0xE5C0] =	vst v3  }
0x2a9: {  	v3 =	vld.idx.msk [tilespmem:v5+s11+$0x0], $0xffff  }
0x2aa: {  	v5 =	vor.u32 v55, v4  }
0x2ab: {  	v5 =	vor.u32 v0, v5;
	_ =	sdelay $0x2  }
0x2ac: {  	v3 =	vadd.s32 v2, v3  }
0x2ad: {  	[tilespmem:$0xE5D0] =	vst v3  }
0x2ae: {  	v3 =	vld.idx.msk [tilespmem:v5+s11+$0x0], $0xffff  }
0x2af: {  	v5 =	vor.u32 v54, v4  }
0x2b0: {  	v5 =	vor.u32 v0, v5;
	_ =	sdelay $0x2  }
0x2b1: {  	v3 =	vadd.s32 v2, v3  }
0x2b2: {  	[tilespmem:$0xE5E0] =	vst v3  }
0x2b3: {  	v3 =	vld.idx.msk [tilespmem:v5+s11+$0x0], $0xffff  }
0x2b4: {  	v5 =	vor.u32 v53, v4  }
0x2b5: {  	v5 =	vor.u32 v0, v5;
	_ =	sdelay $0x2  }
0x2b6: {  	v3 =	vadd.s32 v2, v3  }
0x2b7: {  	[tilespmem:$0xE5F0] =	vst v3  }
0x2b8: {  	v3 =	vld.idx.msk [tilespmem:v5+s11+$0x0], $0xffff  }
0x2b9: {  	v5 =	vor.u32 v52, v4  }
0x2ba: {  	v5 =	vor.u32 v0, v5;
	_ =	sdelay $0x2  }
0x2bb: {  	v3 =	vadd.s32 v2, v3  }
0x2bc: {  	[tilespmem:$0xE600] =	vst v3  }
0x2bd: {  	v3 =	vld.idx.msk [tilespmem:v5+s11+$0x0], $0xffff  }
0x2be: {  	v5 =	vor.u32 v51, v4  }
0x2bf: {  	v5 =	vor.u32 v0, v5;
	_ =	sdelay $0x2  }
0x2c0: {  	v3 =	vadd.s32 v2, v3  }
0x2c1: {  	[tilespmem:$0xE610] =	vst v3  }
0x2c2: {  	v3 =	vld.idx.msk [tilespmem:v5+s11+$0x0], $0xffff  }
0x2c3: {  	v5 =	vor.u32 v50, v4  }
0x2c4: {  	v5 =	vor.u32 v0, v5;
	_ =	sdelay $0x2  }
0x2c5: {  	v3 =	vadd.s32 v2, v3  }
0x2c6: {  	[tilespmem:$0xE620] =	vst v3  }
0x2c7: {  	v3 =	vld.idx.msk [tilespmem:v5+s11+$0x0], $0xffff  }
0x2c8: {  	v5 =	vor.u32 v49, v4  }
0x2c9: {  	v5 =	vor.u32 v0, v5;
	_ =	sdelay $0x2  }
0x2ca: {  	v3 =	vadd.s32 v2, v3  }
0x2cb: {  	[tilespmem:$0xE630] =	vst v3  }
0x2cc: {  	v3 =	vld.idx.msk [tilespmem:v5+s11+$0x0], $0xffff  }
0x2cd: {  	v5 =	vor.u32 v48, v4  }
0x2ce: {  	v5 =	vor.u32 v0, v5;
	_ =	sdelay $0x2  }
0x2cf: {  	v3 =	vadd.s32 v2, v3  }
0x2d0: {  	[tilespmem:$0xE640] =	vst v3  }
0x2d1: {  	v3 =	vld.idx.msk [tilespmem:v5+s11+$0x0], $0xffff  }
0x2d2: {  	v5 =	vor.u32 v47, v4  }
0x2d3: {  	v5 =	vor.u32 v0, v5;
	_ =	sdelay $0x2  }
0x2d4: {  	v3 =	vadd.s32 v2, v3  }
0x2d5: {  	[tilespmem:$0xE650] =	vst v3  }
0x2d6: {  	v3 =	vld.idx.msk [tilespmem:v5+s11+$0x0], $0xffff  }
0x2d7: {  	v5 =	vor.u32 v46, v4  }
0x2d8: {  	v5 =	vor.u32 v0, v5;
	_ =	sdelay $0x2  }
0x2d9: {  	v3 =	vadd.s32 v2, v3  }
0x2da: {  	[tilespmem:$0xE660] =	vst v3  }
0x2db: {  	v3 =	vld.idx.msk [tilespmem:v5+s11+$0x0], $0xffff  }
0x2dc: {  	v5 =	vor.u32 v45, v4  }
0x2dd: {  	v5 =	vor.u32 v0, v5;
	_ =	sdelay $0x2  }
0x2de: {  	v3 =	vadd.s32 v2, v3  }
0x2df: {  	[tilespmem:$0xE670] =	vst v3  }
0x2e0: {  	v3 =	vld.idx.msk [tilespmem:v5+s11+$0x0], $0xffff  }
0x2e1: {  	v5 =	vor.u32 v44, v4  }
0x2e2: {  	v5 =	vor.u32 v0, v5;
	_ =	sdelay $0x2  }
0x2e3: {  	v3 =	vadd.s32 v2, v3  }
0x2e4: {  	[tilespmem:$0xE680] =	vst v3  }
0x2e5: {  	v3 =	vld.idx.msk [tilespmem:v5+s11+$0x0], $0xffff  }
0x2e6: {  	v5 =	vor.u32 v43, v4  }
0x2e7: {  	v5 =	vor.u32 v0, v5;
	_ =	sdelay $0x2  }
0x2e8: {  	v3 =	vadd.s32 v2, v3  }
0x2e9: {  	[tilespmem:$0xE690] =	vst v3  }
0x2ea: {  	v3 =	vld.idx.msk [tilespmem:v5+s11+$0x0], $0xffff  }
0x2eb: {  	v5 =	vor.u32 v42, v4  }
0x2ec: {  	v5 =	vor.u32 v0, v5;
	_ =	sdelay $0x2  }
0x2ed: {  	v3 =	vadd.s32 v2, v3  }
0x2ee: {  	[tilespmem:$0xE6A0] =	vst v3  }
0x2ef: {  	v3 =	vld.idx.msk [tilespmem:v5+s11+$0x0], $0xffff  }
0x2f0: {  	v5 =	vor.u32 v41, v4  }
0x2f1: {  	v5 =	vor.u32 v0, v5;
	_ =	sdelay $0x2  }
0x2f2: {  	v3 =	vadd.s32 v2, v3  }
0x2f3: {  	[tilespmem:$0xE6B0] =	vst v3  }
0x2f4: {  	v3 =	vld.idx.msk [tilespmem:v5+s11+$0x0], $0xffff  }
0x2f5: {  	v5 =	vor.u32 v40, v4  }
0x2f6: {  	v5 =	vor.u32 v0, v5;
	_ =	sdelay $0x2  }
0x2f7: {  	v3 =	vadd.s32 v2, v3  }
0x2f8: {  	[tilespmem:$0xE6C0] =	vst v3  }
0x2f9: {  	v3 =	vld.idx.msk [tilespmem:v5+s11+$0x0], $0xffff  }
0x2fa: {  	v5 =	vor.u32 v39, v4  }
0x2fb: {  	v5 =	vor.u32 v0, v5;
	_ =	sdelay $0x2  }
0x2fc: {  	v3 =	vadd.s32 v2, v3  }
0x2fd: {  	[tilespmem:$0xE6D0] =	vst v3  }
0x2fe: {  	v3 =	vld.idx.msk [tilespmem:v5+s11+$0x0], $0xffff  }
0x2ff: {  	v5 =	vor.u32 v38, v4  }
0x300: {  	v5 =	vor.u32 v0, v5;
	_ =	sdelay $0x2  }
0x301: {  	v3 =	vadd.s32 v2, v3  }
0x302: {  	[tilespmem:$0xE6E0] =	vst v3  }
0x303: {  	v3 =	vld.idx.msk [tilespmem:v5+s11+$0x0], $0xffff  }
0x304: {  	v5 =	vor.u32 v37, v4  }
0x305: {  	v5 =	vor.u32 v0, v5;
	_ =	sdelay $0x2  }
0x306: {  	v3 =	vadd.s32 v2, v3  }
0x307: {  	[tilespmem:$0xE6F0] =	vst v3  }
0x308: {  	v3 =	vld.idx.msk [tilespmem:v5+s11+$0x0], $0xffff  }
0x309: {  	v5 =	vor.u32 v36, v4  }
0x30a: {  	v5 =	vor.u32 v0, v5;
	_ =	sdelay $0x2  }
0x30b: {  	v3 =	vadd.s32 v2, v3  }
0x30c: {  	[tilespmem:$0xE700] =	vst v3  }
0x30d: {  	v3 =	vld.idx.msk [tilespmem:v5+s11+$0x0], $0xffff  }
0x30e: {  	v5 =	vor.u32 v35, v4  }
0x30f: {  	v5 =	vor.u32 v0, v5;
	_ =	sdelay $0x2  }
0x310: {  	v3 =	vadd.s32 v2, v3  }
0x311: {  	[tilespmem:$0xE710] =	vst v3  }
0x312: {  	v3 =	vld.idx.msk [tilespmem:v5+s11+$0x0], $0xffff  }
0x313: {  	v5 =	vor.u32 v34, v4  }
0x314: {  	v5 =	vor.u32 v0, v5;
	_ =	sdelay $0x2  }
0x315: {  	v3 =	vadd.s32 v2, v3  }
0x316: {  	[tilespmem:$0xE720] =	vst v3  }
0x317: {  	v3 =	vld.idx.msk [tilespmem:v5+s11+$0x0], $0xffff  }
0x318: {  	v5 =	vor.u32 v33, v4  }
0x319: {  	v5 =	vor.u32 v0, v5;
	_ =	sdelay $0x2  }
0x31a: {  	v3 =	vadd.s32 v2, v3  }
0x31b: {  	[tilespmem:$0xE730] =	vst v3  }
0x31c: {  	v3 =	vld.idx.msk [tilespmem:v5+s11+$0x0], $0xffff  }
0x31d: {  	v5 =	vor.u32 v32, v4  }
0x31e: {  	v5 =	vor.u32 v0, v5;
	_ =	sdelay $0x2  }
0x31f: {  	v3 =	vadd.s32 v2, v3  }
0x320: {  	[tilespmem:$0xE740] =	vst v3  }
0x321: {  	v3 =	vld.idx.msk [tilespmem:v5+s11+$0x0], $0xffff  }
0x322: {  	v5 =	vor.u32 v31, v4  }
0x323: {  	v5 =	vor.u32 v0, v5;
	_ =	sdelay $0x2  }
0x324: {  	v3 =	vadd.s32 v2, v3  }
0x325: {  	[tilespmem:$0xE750] =	vst v3  }
0x326: {  	v3 =	vld.idx.msk [tilespmem:v5+s11+$0x0], $0xffff  }
0x327: {  	v5 =	vor.u32 v30, v4  }
0x328: {  	v5 =	vor.u32 v0, v5;
	_ =	sdelay $0x2  }
0x329: {  	v3 =	vadd.s32 v2, v3  }
0x32a: {  	[tilespmem:$0xE760] =	vst v3  }
0x32b: {  	v3 =	vld.idx.msk [tilespmem:v5+s11+$0x0], $0xffff  }
0x32c: {  	v5 =	vor.u32 v29, v4  }
0x32d: {  	v5 =	vor.u32 v0, v5;
	_ =	sdelay $0x2  }
0x32e: {  	v3 =	vadd.s32 v2, v3  }
0x32f: {  	[tilespmem:$0xE770] =	vst v3  }
0x330: {  	v3 =	vld.idx.msk [tilespmem:v5+s11+$0x0], $0xffff  }
0x331: {  	v5 =	vor.u32 v28, v4  }
0x332: {  	v5 =	vor.u32 v0, v5;
	_ =	sdelay $0x2  }
0x333: {  	v3 =	vadd.s32 v2, v3  }
0x334: {  	[tilespmem:$0xE780] =	vst v3  }
0x335: {  	v3 =	vld.idx.msk [tilespmem:v5+s11+$0x0], $0xffff  }
0x336: {  	v5 =	vor.u32 v27, v4  }
0x337: {  	v5 =	vor.u32 v0, v5;
	_ =	sdelay $0x2  }
0x338: {  	v3 =	vadd.s32 v2, v3  }
0x339: {  	[tilespmem:$0xE790] =	vst v3  }
0x33a: {  	v3 =	vld.idx.msk [tilespmem:v5+s11+$0x0], $0xffff  }
0x33b: {  	v5 =	vor.u32 v26, v4  }
0x33c: {  	v5 =	vor.u32 v0, v5;
	_ =	sdelay $0x2  }
0x33d: {  	v3 =	vadd.s32 v2, v3  }
0x33e: {  	[tilespmem:$0xE7A0] =	vst v3  }
0x33f: {  	v3 =	vld.idx.msk [tilespmem:v5+s11+$0x0], $0xffff  }
0x340: {  	v5 =	vor.u32 v25, v4  }
0x341: {  	v5 =	vor.u32 v0, v5;
	_ =	sdelay $0x2  }
0x342: {  	v3 =	vadd.s32 v2, v3  }
0x343: {  	[tilespmem:$0xE7B0] =	vst v3  }
0x344: {  	v3 =	vld.idx.msk [tilespmem:v5+s11+$0x0], $0xffff  }
0x345: {  	v5 =	vor.u32 v24, v4  }
0x346: {  	v5 =	vor.u32 v0, v5;
	_ =	sdelay $0x2  }
0x347: {  	v3 =	vadd.s32 v2, v3  }
0x348: {  	[tilespmem:$0xE7C0] =	vst v3  }
0x349: {  	v3 =	vld.idx.msk [tilespmem:v5+s11+$0x0], $0xffff  }
0x34a: {  	v5 =	vor.u32 v23, v4  }
0x34b: {  	v5 =	vor.u32 v0, v5;
	_ =	sdelay $0x2  }
0x34c: {  	v3 =	vadd.s32 v2, v3  }
0x34d: {  	[tilespmem:$0xE7D0] =	vst v3  }
0x34e: {  	v3 =	vld.idx.msk [tilespmem:v5+s11+$0x0], $0xffff  }
0x34f: {  	v5 =	vor.u32 v22, v4  }
0x350: {  	v5 =	vor.u32 v0, v5;
	_ =	sdelay $0x2  }
0x351: {  	v3 =	vadd.s32 v2, v3  }
0x352: {  	[tilespmem:$0xE7E0] =	vst v3  }
0x353: {  	v3 =	vld.idx.msk [tilespmem:v5+s11+$0x0], $0xffff  }
0x354: {  	v5 =	vor.u32 v21, v4  }
0x355: {  	v5 =	vor.u32 v0, v5;
	_ =	sdelay $0x2  }
0x356: {  	v3 =	vadd.s32 v2, v3  }
0x357: {  	[tilespmem:$0xE7F0] =	vst v3  }
0x358: {  	v3 =	vld.idx.msk [tilespmem:v5+s11+$0x0], $0xffff  }
0x359: {  	v5 =	vor.u32 v20, v4  }
0x35a: {  	v5 =	vor.u32 v0, v5;
	_ =	sdelay $0x2  }
0x35b: {  	v3 =	vadd.s32 v2, v3  }
0x35c: {  	[tilespmem:$0xE800] =	vst v3  }
0x35d: {  	v3 =	vld.idx.msk [tilespmem:v5+s11+$0x0], $0xffff  }
0x35e: {  	v5 =	vor.u32 v19, v4  }
0x35f: {  	v5 =	vor.u32 v0, v5;
	_ =	sdelay $0x2  }
0x360: {  	v3 =	vadd.s32 v2, v3  }
0x361: {  	[tilespmem:$0xE810] =	vst v3  }
0x362: {  	v3 =	vld.idx.msk [tilespmem:v5+s11+$0x0], $0xffff  }
0x363: {  	v5 =	vor.u32 v18, v4  }
0x364: {  	v5 =	vor.u32 v0, v5;
	_ =	sdelay $0x2  }
0x365: {  	v3 =	vadd.s32 v2, v3  }
0x366: {  	[tilespmem:$0xE820] =	vst v3  }
0x367: {  	v3 =	vld.idx.msk [tilespmem:v5+s11+$0x0], $0xffff  }
0x368: {  	v5 =	vor.u32 v17, v4  }
0x369: {  	v5 =	vor.u32 v0, v5;
	_ =	sdelay $0x2  }
0x36a: {  	v3 =	vadd.s32 v2, v3  }
0x36b: {  	[tilespmem:$0xE830] =	vst v3  }
0x36c: {  	v3 =	vld.idx.msk [tilespmem:v5+s11+$0x0], $0xffff  }
0x36d: {  	v5 =	vor.u32 v16, v4  }
0x36e: {  	v5 =	vor.u32 v0, v5;
	_ =	sdelay $0x2  }
0x36f: {  	v3 =	vadd.s32 v2, v3  }
0x370: {  	[tilespmem:$0xE840] =	vst v3  }
0x371: {  	v3 =	vld.idx.msk [tilespmem:v5+s11+$0x0], $0xffff  }
0x372: {  	v5 =	vor.u32 v15, v4  }
0x373: {  	v5 =	vor.u32 v0, v5;
	_ =	sdelay $0x2  }
0x374: {  	v3 =	vadd.s32 v2, v3  }
0x375: {  	[tilespmem:$0xE850] =	vst v3  }
0x376: {  	v3 =	vld.idx.msk [tilespmem:v5+s11+$0x0], $0xffff  }
0x377: {  	v5 =	vor.u32 v14, v4  }
0x378: {  	v5 =	vor.u32 v0, v5;
	_ =	sdelay $0x2  }
0x379: {  	v3 =	vadd.s32 v2, v3  }
0x37a: {  	[tilespmem:$0xE860] =	vst v3  }
0x37b: {  	v3 =	vld.idx.msk [tilespmem:v5+s11+$0x0], $0xffff  }
0x37c: {  	v5 =	vor.u32 v13, v4  }
0x37d: {  	v5 =	vor.u32 v0, v5;
	_ =	sdelay $0x2  }
0x37e: {  	v3 =	vadd.s32 v2, v3  }
0x37f: {  	[tilespmem:$0xE870] =	vst v3  }
0x380: {  	v3 =	vld.idx.msk [tilespmem:v5+s11+$0x0], $0xffff  }
0x381: {  	v5 =	vor.u32 v12, v4  }
0x382: {  	v5 =	vor.u32 v0, v5;
	_ =	sdelay $0x2  }
0x383: {  	v3 =	vadd.s32 v2, v3  }
0x384: {  	[tilespmem:$0xE880] =	vst v3  }
0x385: {  	v3 =	vld.idx.msk [tilespmem:v5+s11+$0x0], $0xffff  }
0x386: {  	v5 =	vor.u32 v11, v4  }
0x387: {  	v5 =	vor.u32 v0, v5;
	_ =	sdelay $0x2  }
0x388: {  	v3 =	vadd.s32 v2, v3  }
0x389: {  	[tilespmem:$0xE890] =	vst v3  }
0x38a: {  	v3 =	vld.idx.msk [tilespmem:v5+s11+$0x0], $0xffff  }
0x38b: {  	v5 =	vor.u32 v10, v4  }
0x38c: {  	v5 =	vor.u32 v0, v5;
	_ =	sdelay $0x2  }
0x38d: {  	v3 =	vadd.s32 v2, v3  }
0x38e: {  	[tilespmem:$0xE8A0] =	vst v3  }
0x38f: {  	v3 =	vld.idx.msk [tilespmem:v5+s11+$0x0], $0xffff  }
0x390: {  	v5 =	vor.u32 v9, v4  }
0x391: {  	v5 =	vor.u32 v0, v5;
	_ =	sdelay $0x2  }
0x392: {  	v3 =	vadd.s32 v2, v3  }
0x393: {  	[tilespmem:$0xE8B0] =	vst v3  }
0x394: {  	v3 =	vld.idx.msk [tilespmem:v5+s11+$0x0], $0xffff  }
0x395: {  	v5 =	vor.u32 v8, v4  }
0x396: {  	v5 =	vor.u32 v0, v5;
	_ =	sdelay $0x2  }
0x397: {  	v3 =	vadd.s32 v2, v3  }
0x398: {  	[tilespmem:$0xE8C0] =	vst v3  }
0x399: {  	v3 =	vld.idx.msk [tilespmem:v5+s11+$0x0], $0xffff  }
0x39a: {  	v5 =	vor.u32 v7, v4  }
0x39b: {  	v5 =	vor.u32 v0, v5;
	_ =	sdelay $0x2  }
0x39c: {  	v3 =	vadd.s32 v2, v3  }
0x39d: {  	[tilespmem:$0xE8D0] =	vst v3  }
0x39e: {  	v3 =	vld.idx.msk [tilespmem:v5+s11+$0x0], $0xffff  }
0x39f: {  	v4 =	vor.u32 v6, v4  }
0x3a0: {  	v0 =	vor.u32 v0, v4;
	_ =	sdelay $0x2  }
0x3a1: {  	v3 =	vadd.s32 v2, v3  }
0x3a2: {  	[tilespmem:$0xE8E0] =	vst v3  }
0x3a3: {  	v0 =	vld.idx.msk [tilespmem:v0+s11+$0x0], $0xffff;
	_ =	sdelay $0x4  }
0x3a4: {  	v0 =	vadd.s32 v2, v0  }
0x3a5: {  	s21 =	simm.s32 @!p0 $0x5;
	[tilespmem:$0xE8F0] =	vst v0  }
0x3a6: {  	_ =	swait.ge @!p0 [sflag:s21], $0x4000  }
0x3a7: {  	s20 =	sadd.s32 $0x100, s20;
	[sflag:s21] =	ssyncset.done @!p0 $0x0  }
0x3a8: {  	[sflag:s21] =	ssyncadd.s32 @!p0 $0xFFFFC000;
	p0 =	sne.s32 s20, $0x1900  }
0x3a9: {  	[tilespmem:s13], [sflag:$0x3] =	stream.indirect.gather [hbm4b:s4+s25], $0x10, s12, s25, $0xb8;
	[tilespmem:$0x16900] =	vst v63  }
.Ltmp0:
0x3aa: {  	_ =	swait.ge [sflag:s14], $0x4000;
	(pc) =	sbr.rel @p0 .LBB2_2-.Ltmp0, $4  }
0x3ab: {  	[sflag:s14] =	ssyncset.done $0x0  }
0x3ac: {  	[sflag:s14] =	ssyncadd.s32 $0xFFFFC000  }
0x3ad: {  	[hbm4b:s8+s2] =	stream.linear.scatter [tilespmem:s13], [sflag:$0x5], $0x4000, $0x38;
	[tilespmem:$0x16900] =	vst v63  }
0x3ae: {  	s7 =	sadd.s32 $0x1000, s7;
	v3 =	vlaneseq.u32;
	s8 =	sadd.s32 $0x1000, s8  }
0x3af: {  	s17 =	sadd.s32 $0x1, s17  }
0x3b0: {  	_ =	swait.ge [sflag:s15], $0x4000;
	p0 =	sne.s32 s17, s6  }
.Ltmp1:
0x3b1: {  	[sflag:s15] =	ssyncset.done $0x0;
	(pc) =	sbr.rel @p0 .LBB2_1-.Ltmp1, $4  }
0x3b2: {  	[sflag:s15] =	ssyncadd.s32 $0xFFFFC000  }
0x3b3: {  	_ =	swait.ge [sflag:s16], $0x4000  }
0x3b4: {  	[sflag:s16] =	ssyncset.done $0x0  }
0x3b5: {  	[sflag:s16] =	ssyncadd.s32 $0xFFFFC000  }
0x3b6: {  	_ =	sfence.sel $0x180000  }
0x3b7: {  	[bflag:$0x0] =	sbarrier.arrive $0xFFFF  }
0x3b8: {  	_ =	strace $0x90000047  }
0x3b9: {  	s0 =	stileid.u32;
	[bflag:$0x2] =	sbarrier.arrive $0xFFFF  }
0x3ba: {  	p0 =	sne.s32 s0, $0x0;
	s0 =	rddreg [dreg:$0x2]  }
0x3bb: {  	s0 =	sadd.s32 @!p0 $0x100000, s0  }
0x3bc: {  	[sflag:s0] =	ssyncadd.tile.s32 @!p0 $0x1;
	_ =	shalt  }
.Lfunc_end2:
_tile_overlayer_lowered:
.L_overlay_start_2:
0x3bd: {  	(tag) =	ssettag $0x2  }
0x3be: {  	s0 =	rddreg [dreg:$0x0];
	s2 =	stileid.u32  }
0x3bf: {  	s1 =	rddreg [dreg:$0x1];
	p0 =	sne.s32 s2, $0x0  }
0x3c0: {  	s3 =	rddreg [dreg:$0x2];
	[bflag:$0x3] =	sbarrier.arrive $0xFFFF;
	s2 =	simm.s32 @!p0 $0x1C06  }
0x3c1: {  	[timem:s3], [sflag:s2] =	dma.local @!p0 [hbm:s0], s1  }
0x3c2: {  	s0 =	simm.s32 @!p0 $0x6  }
0x3c3: {  	_ =	swait.ge @!p0 [sflag:s0], s1  }
0x3c4: {  	s1 =	ssub.s32 @!p0 $0x0, s1;
	[sflag:s0] =	ssyncset.done @!p0 $0x0  }
0x3c5: {  	[sflag:s0] =	ssyncadd.s32 @!p0 s1  }
0x3c6: {  	[bflag:$0x3] =	sbarrier.arrive $0xFFFF  }
0x3c7: {  	_ =	shalt  }

// kernel: sparse-core-data-format-call.cloned.1.call-start
scs
called_computation_lowered:
.L_overlay_start_0:
0x0: {  	s2 =	sld [smem:$0x3FD9]  }
0x1: {  	s3 =	sld [smem:$0x3FFE];
	_ =	sdelay $0x1  }
0x2: {  	s1 =	srdreg.scid  }
0x3: {  	s0 =	sand.u32 $0x1, s1  }
0x4: {  	s18 =	sshll.u32 s0, $0xA;
	s2 =	sadd.s32 s3, s2  }
0x5: {  	s2 =	sadd.s32 s2, s18  }
0x6: {  	[smem:$0x3FC5] =	sst s2  }
0x7: {  	_ = 	snop  }
0x8: {  	s2 =	sld [smem:$0x3FD0];
	(tm) =	ssettm $0x1  }
0x9: {  	s19 =	sld [smem:$0x3FFB];
	_ =	sdelay $0x3  }
0xa: {  	_ =	strace s19  }
0xb: {  	s3 =	sld [smem:$0x3FFC];
	_ =	sdelay $0x3  }
0xc: {  	_ =	strace s3  }
0xd: {  	s3 =	sld [smem:$0x3FFD];
	_ =	sdelay $0x3  }
0xe: {  	_ =	strace s3  }
0xf: {  	_ =	strace $0x8FFFFFFF  }
0x10: {  	s20 =	sld [smem:$0x3FDB];
	_ =	sdelay $0x1  }
0x11: {  	s4 =	simm.s32 $_scs_section_size  }
0x12: {  	s5 =	simm.s32 $_size__tile_overlayer_lowered;
	s6 =	simm.s32 $_tile_overlayer_lowered  }
0x13: {  	s23 =	simm.s32 $0x1BFF;
	s22 =	sshll.u32 s6, $0x1;
	s3 =	sadd.s32 s4, s20  }
0x14: {  	s7 =	simm.s32 $0x0;
	s21 =	sshll.u32 s5, $0x1;
	s5 =	sadd.s32 s22, s3  }
0x15: {  	[timem:s7], [sflag:s23] =	dma.local [hbm:s5], s21  }
0x16: {  	_ =	swait.ge [sflag:s23], s21  }
0x17: {  	s4 =	ssub.s32 $0x0, s21;
	[sflag:s23] =	ssyncset.done $0x0  }
0x18: {  	[sflag:s23] =	ssyncadd.s32 s4;
	_ =	sdelay $0x1  }
0x19: {  	s24 =	simm.s32 $0x1B8B  }
0x1a: {  	_ =	swait.ge [sflag:s24], $0x1  }
0x1b: {  	[sflag:s24] =	ssyncset.done $0x0  }
0x1c: {  	s26 =	simm.s32 $0x1B8E;
	s25 =	sld [smem:$0x3FFE];
	[sflag:s24] =	ssyncadd.s32 $0xFFFFFFFF  }
0x1d: {  	s27 =	simm.s32 $execute0_lowered;
	[smem:$0x3FD2] =	sst s26  }
0x1e: {  	s5 =	sshll.u32 s27, $0x1;
	_ =	strace $0x80000049;
	[dreg:$0x1] =	wrdreg $0xFFFFFFFF  }
0x1f: {  	s28 =	simm.s32 $_size_execute0_lowered;
	s3 =	sadd.s32 s3, s5;
	[dreg:$0x0] =	wrdreg $0x0  }
0x20: {  	s5 =	sshll.u32 s28, $0x1;
	[dreg:$0x2] =	wrdreg s3  }
0x21: {  	[dreg:$0x3] =	wrdreg s5  }
0x22: {  	[dreg:$0x4] =	wrdreg $0xC0  }
0x23: {  	_ =	task [dreg:s7], $0x5FFFF  }
0x24: {  	[dreg:$0x1] =	wrdreg $0xFFFFFFFF  }
0x25: {  	[dreg:$0x0] =	wrdreg $0x60  }
0x26: {  	[dreg:$0x2] =	wrdreg s25  }
0x27: {  	[dreg:$0x3] =	wrdreg s2  }
0x28: {  	[dreg:$0x4] =	wrdreg $0x9  }
0x29: {  	_ =	task.clear_ibuf [dreg:s7], $0x5FFFF;
	_ =	strace $0x90000049  }
0x2a: {  	s29 =	simm.s32 $0x9;
	_ =	strace $0x8000004B  }
0x2b: {  	_ =	swait.ge [sflag:s29], $0x1  }
0x2c: {  	[sflag:s29] =	ssyncadd.s32 $0xFFFFFFFF  }
0x2d: {  	_ =	strace $0x9000004B  }
0x2e: {  	_ =	sfence  }
0x2f: {  	s30 =	sld [smem:$0x0];
	_ =	sdelay $0x2  }
0x30: {  	s31 =	sshll.u32 s1, $0xD;
	s1 =	sshrl.u32 s1, $0x2  }
0x31: {  	s3 =	sand.u32 $0x4000, s31;
	s1 =	sadd.s32 s1, s30  }
0x32: {  	s0 =	sor.u32 s3, s0;
	s1 =	sshll.u32 s1, $0x11  }
0x33: {  	s0 =	sor.u32 s1, s0  }
0x34: {  	s0 =	sadd.s32 $0x8F2B, s0  }
0x35: {  	[sflag:s0] =	ssyncadd.remote.s32 $0x1  }
0x36: {  	_ =	sfence.sel $0xFFFF  }
0x37: {  	[dreg:$0x0] =	wrdreg $0xFFFFFFFF;
	(pc) =	sbr.abs _section_cstart, $3  }
0x38: {  	[dreg:$0x1] =	wrdreg $0xFFFFFFFF  }
0x39: {  	_ =	task.clear_ibuf [dreg:s7], $0x2FFFF;
	_ =	strace $0x9FFFFFFF  }
0x3a: {  	(tm) =	ssettm $0x7FFFFFFF  }
0x3b: {  	_ =	shalt  }
tec
execute0_lowered:
.L_overlay_start_1:
0x0: {  	(tag) =	ssettag $0x1  }
0x1: {  	s0 =	srdreg.scid  }
0x2: {  	s1 =	sshll.u32 s0, $0x4  }
0x3: {  	s0 =	stileid.u32;
	s1 =	sand.u32 $0x10, s1  }
0x4: {  	s1 =	sor.u32 s0, s1  }
0x5: {  	s6 =	rddreg [dreg:$0x0];
	s4 =	simm.s32 $0x1;
	s2 =	sshll.u32 s1, $0x6  }
0x6: {  	s7 =	simm.s32 $0x2;
	s13 =	simm.s32 $0x0;
	s1 =	ssub.s32 $0x1000, s2  }
0x7: {  	s8 =	simm.s32 $0x2000;
	s9 =	simm.s32 $0x80000;
	s3 =	sand.u32 $0x7C0, s1  }
0x8: {  	s14 =	simm.s32 $0x0;
	s5 =	sshrl.u32 s1, $0xB;
	p0 =	sne.s32 s3, $0x0  }
.Ltmp0:
0x9: {  	s1 =	rddreg [dreg:$0x2];
	s4 =	simm.s32 @!p0 $0x0;
	(pc) =	sbr.rel .LBB1_1-.Ltmp0, $4  }
0xa: {  	s10 =	simm.s32 $0x0;
	s3 =	rddreg [dreg:$0x1];
	s5 =	sadd.s32 s4, s5  }
0xb: {  	_ =	strace $0x8000004A;
	s4 =	simm.s32 $0x1;
	s5 =	smul.u32 $0x19, s5  }
0xc: {  	s12 =	simm.s32 $0x0;
	s6 =	sadd.s32 $0xC00, s6;
	[sflag:s4] =	ssyncpa.u1 $0x0  }
0xd: {  	s11 =	smov.u32 s2;
	[sflag:s7] =	ssyncpa.u1 $0x0;
	s7 =	sadd.s32 $0x1, s5  }
.LBB1_7:
0xe: {  	s15 =	sadd.s32 $0x2, s10  }
0xf: {  	s13 =	sadd.s32 $0x800, s11;
	s17 =	smov.u32 s11;
	p1 =	sgt.s32 s15, $0x31  }
0x10: {  	s17 =	smov.u32 @p1 s13  }
0x11: {  	s15 =	simm.s32 @p1 $0x0;
	p1 =	sgt.s32 s17, $0xFFF  }
0x12: {  	s17 =	smov.u32 @p1 s2;
	p1 =	sne.s32 s12, s7  }
.Ltmp1:
0x13: {  	p0 =	slt.u32 s12, $0x2;
	(pc) =	sbr.rel @!p1 .LBB1_8-.Ltmp1, $4  }
0x14: {  	s16 =	simm.s32 @!p0 $0x2  }
0x15: {  	s14 =	smov.u32 s11;
	_ =	swait.ge @!p0 [sflag:s16], $0x4000  }
0x16: {  	s13 =	smov.u32 s10;
	[sflag:s16] =	ssyncset.done @!p0 $0x0;
	s10 =	smov.u32 s15  }
0x17: {  	s12 =	sadd.s32 $0x1, s12;
	[sflag:s16] =	ssyncadd.s32 @!p0 $0xFFFFC000;
	s11 =	smov.u32 s17  }
.LBB1_1:
0x18: {  	p0 =	sge.u32 s12, s5  }
0x19: {  	s15 =	sand.u32 @!p0 $0x1FFFFFF, s10  }
0x1a: {  	s16 =	smulhi.u32 @!p0 $0x4924925, s15;
	_ =	sdelay $0x1  }
0x1b: {  	s16 =	smul.u32 @!p0 $0x38, s16  }
0x1c: {  	s17 =	sxor.u32 @!p0 $0xFFFFFFFF, s12;
	s18 =	smul.u32 @!p0 $0x380, s11  }
0x1d: {  	s31 =	sadd.s32 $0xFFFFFFFF, s12;
	s17 =	sshll.u32 @!p0 s17, $0xE;
	s15 =	ssub.s32 @!p0 s15, s16  }
0x1e: {  	s16 =	sand.u32 @!p0 $0x4000, s17;
	s17 =	sadd.s32 @!p0 s6, s18;
	s15 =	sshll.u32 @!p0 s15, $0x4  }
0x1f: {  	s18 =	simm.s32 @!p0 $0x1C00;
	s15 =	sadd.s32 @!p0 s15, s17;
	s17 =	simm.s32 @!p0 $0x100  }
0x20: {  	[tilespmem:s16], [sflag:$0x1] =	stream.strided.gather @!p0 [hbm4b:s15+s17], $0x4000, s18, s17, $0x38;
	[tilespmem:$0x10000] =	vst v63  }
0x21: {  	p0 =	sge.u32 s31, s5  }
.Ltmp2:
0x22: {  	_ = 	snop;
	(pc) =	sbr.rel @p0 .LBB1_7-.Ltmp2, $1  }
0x23: {  	_ =	sdelay $0x3  }
0x24: {  	_ =	swait.ge [sflag:s4], $0x4000;
	s15 =	sshll.u32 s12, $0xE  }
0x25: {  	[sflag:s4] =	ssyncset.done $0x0;
	s16 =	sand.u32 $0x4000, s15  }
0x26: {  	s17 =	simm.s32 $0x0;
	[sflag:s4] =	ssyncadd.s32 $0xFFFFC000;
	s15 =	sor.u32 $0x8000, s16  }
.LBB1_3:
0x27: {  	s18 =	sshll.u32 s17, $0x8  }
0x28: {  	s18 =	sand.u32 $0x3FFFFF00, s18  }
0x29: {  	s19 =	sshll.u32 s17, $0x7;
	s18 =	sadd.s32 s18, s16  }
0x2a: {  	s19 =	sand.u32 $0x3FFFFF80, s19;
	v0 =	vmov s18  }
0x2b: {  	s19 =	sadd.s32 s19, s15  }
0x2c: {  	p0 =	por $0x1, $0x1;
	v1 =	vmov s19;
	s18 =	simm.s32 $0x0  }
.LBB1_4:
0x2d: {  	s19 =	sshll.u32 s18, $0x7  }
0x2e: {  	s19 =	sand.u32 $0x3FFFFF80, s19  }
0x2f: {  	v2 =	vld.idx.msk [tilespmem:v0+s19+$0x0 ss:$0x1], $0xffff  }
0x30: {  	v3 =	vld.idx.msk [tilespmem:v0+s19+$0x10 ss:$0x1], $0xffff  }
0x31: {  	v4 =	vld.idx.msk [tilespmem:v0+s19+$0x20 ss:$0x1], $0xffff  }
0x32: {  	s31 =	sshll.u32 s18, $0xD;
	v5 =	vld.idx.msk [tilespmem:v0+s19+$0x30 ss:$0x1], $0xffff  }
0x33: {  	s18 =	sand.u32 $0x3FFFE000, s31;
	v6 =	vld.idx.msk [tilespmem:v0+s19+$0x40 ss:$0x1], $0xffff  }
0x34: {  	v63 =	vld.idx.msk [tilespmem:v0+s19+$0x70 ss:$0x1], $0xffff;
	[tilespmem:v1+s18+$0x0 ss:$0x1] =	vst.idx.msk $0xffff, v2  }
0x35: {  	v2 =	vld.idx.msk [tilespmem:v0+s19+$0x50 ss:$0x1], $0xffff;
	[tilespmem:v1+s18+$0x10 ss:$0x1] =	vst.idx.msk $0xffff, v3  }
0x36: {  	p1 =	por p0, p0;
	v3 =	vld.idx.msk [tilespmem:v0+s19+$0x60 ss:$0x1], $0xffff;
	[tilespmem:v1+s18+$0x20 ss:$0x1] =	vst.idx.msk $0xffff, v4  }
.Ltmp3:
0x37: {  	[tilespmem:v1+s18+$0x30 ss:$0x1] =	vst.idx.msk $0xffff, v5;
	(pc) =	sbr.rel @p1 .LBB1_4-.Ltmp3, $4  }
0x38: {  	[tilespmem:v1+s18+$0x40 ss:$0x1] =	vst.idx.msk $0xffff, v6  }
0x39: {  	[tilespmem:v1+s18+$0x70 ss:$0x1] =	vst.idx.msk $0xffff, v63  }
0x3a: {  	[tilespmem:v1+s18+$0x50 ss:$0x1] =	vst.idx.msk $0xffff, v2  }
0x3b: {  	p0 =	por $0x0, $0x0;
	[tilespmem:v1+s18+$0x60 ss:$0x1] =	vst.idx.msk $0xffff, v3;
	s18 =	simm.s32 $0x1  }
0x3c: {  	s17 =	sadd.s32 $0x1, s17  }
0x3d: {  	p0 =	sne.s32 s17, $0x40  }
.Ltmp4:
0x3e: {  	_ = 	snop;
	(pc) =	sbr.rel @p0 .LBB1_3-.Ltmp4, $1  }
0x3f: {  	_ =	sdelay $0x3  }
.Ltmp5:
0x40: {  	s14 =	sshll.u32 s14, $0x4;
	(pc) =	sbr.rel .LBB1_7-.Ltmp5, $4  }
0x41: {  	s14 =	sand.u32 $0xFFF0, s14  }
0x42: {  	s13 =	sshll.u32 s13, $0x10;
	s14 =	sadd.s32 s3, s14  }
0x43: {  	s13 =	sadd.s32 s13, s14  }
0x44: {  	[hbm4b:s13+s8] =	stream.strided.scatter [tilespmem:s15], [sflag:$0x2], $0x4000, s9, s8, $0x38;
	[tilespmem:$0x10000] =	vst v63  }
.LBB1_8:
0x45: {  	_ =	sfence.sel $0x180000  }
0x46: {  	s2 =	simm.s32 $0x1;
	[bflag:$0x0] =	sbarrier.arrive $0xFFFF  }
0x47: {  	s31 =	simm.s32 $0x2;
	[sflag:s2] =	ssyncpa.u1 $0x1  }
0x48: {  	[sflag:s31] =	ssyncpa.u1 $0x1  }
0x49: {  	p0 =	sne.s32 s0, $0x0;
	_ =	strace $0x9000004A  }
0x4a: {  	s0 =	sadd.s32 @!p0 $0x100000, s1;
	[bflag:$0x2] =	sbarrier.arrive $0xFFFF  }
0x4b: {  	[sflag:s0] =	ssyncadd.tile.s32 @!p0 $0x1;
	_ =	shalt  }
.Lfunc_end1:
_tile_overlayer_lowered:
.L_overlay_start_2:
0x4c: {  	(tag) =	ssettag $0x2  }
0x4d: {  	s0 =	rddreg [dreg:$0x0];
	s2 =	stileid.u32  }
0x4e: {  	s1 =	rddreg [dreg:$0x1];
	p0 =	sne.s32 s2, $0x0  }
0x4f: {  	s3 =	rddreg [dreg:$0x2];
	[bflag:$0x3] =	sbarrier.arrive $0xFFFF;
	s2 =	simm.s32 @!p0 $0x1C01  }
0x50: {  	[timem:s3], [sflag:s2] =	dma.local @!p0 [hbm:s0], s1  }
0x51: {  	s0 =	simm.s32 @!p0 $0x1  }
0x52: {  	_ =	swait.ge @!p0 [sflag:s0], s1  }
0x53: {  	s1 =	ssub.s32 @!p0 $0x0, s1;
	[sflag:s0] =	ssyncset.done @!p0 $0x0  }
0x54: {  	[sflag:s0] =	ssyncadd.s32 @!p0 s1  }
0x55: {  	[bflag:$0x3] =	sbarrier.arrive $0xFFFF  }
0x56: {  	_ =	shalt  }

</sc_bundles>
